<compile_context>
chip_gen: v7x
topology: tpu7x:2x2x1
jax: 0.10.2.dev20260603
libtpu: 0.0.44.dev20260713+nightly
codegen_flags: <defaults>
</compile_context>

<pallas_src>
import functools

import jax
import jax.numpy as jnp
from jax import lax
from jax.experimental import pallas as pl
from jax.experimental.pallas import tpu as pltpu
from jax.experimental.pallas import tpu_sc as plsc

_NUM_USER = 1000000
_DIM = 32
_BATCH = 16384

_INFO = plsc.get_sparse_core_info()
_NC = _INFO.num_cores
_NS = _INFO.num_subcores
_NW = _NC * _NS
_K = 1024
_NRANGE = 977
_ROUNDS = 31
_CAP = 64
_NVEC = _BATCH // 16


@functools.partial(
    pl.kernel,
    mesh=plsc.VectorSubcoreMesh(core_axis_name="c", subcore_axis_name="s"),
    out_type=jax.ShapeDtypeStruct((_BATCH, _DIM), jnp.float32),
    scratch_types=[
        pltpu.VMEM((_BATCH,), jnp.int32),
        pltpu.VMEM((_DIM, _K), jnp.float32),
        pltpu.VMEM((_DIM, _K), jnp.float32),
        pltpu.VMEM((_ROUNDS * _CAP,), jnp.int32),
        pltpu.VMEM((_ROUNDS * _CAP,), jnp.int32),
        pltpu.VMEM((32,), jnp.int32),
        pltpu.VMEM((32,), jnp.int32),
        pltpu.VMEM((_CAP, _DIM), jnp.float32),
        pltpu.SemaphoreType.DMA,
        pltpu.SemaphoreType.DMA((2,)),
    ],
    compiler_params=pltpu.CompilerParams(use_tc_tiling_on_sc=True, needs_layout_passes=False),
)
def _sc_gather(tableT_hbm, tail_hbm, idx_hbm, out_hbm,
               idx_v, chunk0, chunk1, bk_u, bk_p, cnts, ovf, stage, wsem,
               csem):
    w = lax.axis_index("s") * _NC + lax.axis_index("c")
    lanes = lax.iota(jnp.int32, 16)
    zeros16 = jnp.zeros((16,), jnp.int32)
    lane0 = lanes == 0

    pltpu.sync_copy(idx_hbm, idx_v)
    cnts[pl.ds(0, 16)] = zeros16
    cnts[pl.ds(16, 16)] = zeros16
    ovf[pl.ds(0, 16)] = zeros16
    ovf[pl.ds(16, 16)] = zeros16

    def scan(g, carry):
        v = idx_v[pl.ds(g * 16, 16)]
        rid = lax.shift_right_logical(v, 10)
        mine = (rid & 31) == w

        def has_hits(st):
            return plsc.all_reduce_population_count(st[0])[0] > 0

        def take_hit(st):
            m, _ = st
            j = plsc.all_reduce_ffs(m)[0]
            jb = zeros16 + j
            ub = jnp.where(lanes == jb, v, 0)
            ub = zeros16 + plsc.cumsum(ub)[15]
            rj = lax.shift_right_logical(ub, 15)
            cv = plsc.load_gather(cnts, [rj])
            ok = cv < _CAP
            okm = lane0 & ok
            ovm = lane0 & jnp.logical_not(ok)
            pos = rj * _CAP + jnp.minimum(cv, _CAP - 1)
            plsc.store_scatter(bk_u, [pos], ub, mask=okm)
            plsc.store_scatter(bk_p, [pos], zeros16 + (g * 16 + j), mask=okm)
            plsc.store_scatter(cnts, [rj], cv + 1, mask=okm)
            plsc.store_scatter(ovf, [rj], zeros16 + 1, mask=ovm)
            return (m & (lanes != jb), 0)

        lax.while_loop(has_hits, take_hit, (mine, 0))
        return carry

    lax.fori_loop(0, 0, scan, 0)

    dlo = lanes
    dhi = lanes + 16

    def extract_hit(chunk, u_scalar, p_scalar, slot):
        ul = zeros16 + (u_scalar & (_K - 1))
        lo = plsc.load_gather(chunk, [dlo, ul])
        hi = plsc.load_gather(chunk, [dhi, ul])
        stage[slot, pl.ds(0, 16)] = lo
        stage[slot, pl.ds(16, 16)] = hi
        pltpu.async_copy(
            stage.at[pl.ds(slot, 1), :],
            out_hbm.at[pl.ds(p_scalar, 1), :],
            wsem,
        )

    def drain_n(n):
        def d(i, c):
            pltpu.make_async_copy(
                stage.at[pl.ds(0, 1), :], out_hbm.at[pl.ds(0, 1), :], wsem
            ).wait()
            return c
        lax.fori_loop(0, n, d, 0)

    def fire(r, chunk, p):
        rid = r * 32 + w

        @pl.when(rid < _NRANGE - 1)
        def _():
            pltpu.async_copy(
                tableT_hbm.at[:, pl.ds(rid * _K, _K)], chunk, csem.at[p]
            )

        @pl.when(rid == _NRANGE - 1)
        def _():
            pltpu.async_copy(
                tableT_hbm.at[:, pl.ds((_NRANGE - 1) * _K, 512)],
                chunk.at[:, pl.ds(0, 512)],
                csem.at[p],
            )
            pltpu.async_copy(tail_hbm, chunk.at[:, pl.ds(512, 128)], csem.at[p])

    def wait_chunk(r, chunk, p):
        rid = r * 32 + w

        @pl.when(rid < _NRANGE - 1)
        def _():
            pltpu.make_async_copy(
                tableT_hbm.at[:, pl.ds(0, _K)], chunk, csem.at[p]
            ).wait()

        @pl.when(rid == _NRANGE - 1)
        def _():
            pltpu.make_async_copy(
                tableT_hbm.at[:, pl.ds(0, 512)],
                chunk.at[:, pl.ds(0, 512)],
                csem.at[p],
            ).wait()
            pltpu.make_async_copy(
                tail_hbm, chunk.at[:, pl.ds(512, 128)], csem.at[p]
            ).wait()

    def serve(r, chunk):
        rid = r * 32 + w
        nv = plsc.load_gather(cnts, [zeros16 + r])
        n = nv[0]
        ov = plsc.load_gather(ovf, [zeros16 + r])[0]

        @pl.when(ov == 0)
        def _():
            def hit(h, hc):
                hb = zeros16 + (r * _CAP + h)
                ub = plsc.load_gather(bk_u, [hb])
                pb = plsc.load_gather(bk_p, [hb])
                extract_hit(chunk, ub[0], pb[0], h)
                return hc
            lax.fori_loop(0, n, hit, 0)

        @pl.when(ov != 0)
        def _():
            def rescan(g, hc):
                v = idx_v[pl.ds(g * 16, 16)]
                hit = lax.shift_right_logical(v, 10) == rid
                np_ = plsc.all_reduce_population_count(hit)[0]

                @pl.when(np_ > 0)
                def _():
                    hit_i = jnp.where(hit, 1, 0)
                    for j in range(16):
                        @pl.when(hit_i[j] > 0)
                        def _():
                            extract_hit(chunk, v[j], g * 16 + j, j)
                    drain_n(np_)
                return hc
            lax.fori_loop(0, _NVEC, rescan, 0)

    def n_eff(r):
        n = plsc.load_gather(cnts, [zeros16 + r])[0]
        ov = plsc.load_gather(ovf, [zeros16 + r])[0]
        return jnp.where(ov == 0, n, 0)

    fire(0, chunk0, 0)

    def rnd2(t, pend):
        a = t * 2
        fire(a + 1, chunk1, 1)
        wait_chunk(a, chunk0, 0)
        drain_n(pend)
        serve(a, chunk0)

        @pl.when(a + 2 < _ROUNDS)
        def _():
            fire(a + 2, chunk0, 0)
        wait_chunk(a + 1, chunk1, 1)
        drain_n(n_eff(a))
        serve(a + 1, chunk1)
        return n_eff(a + 1)

    pend = lax.fori_loop(0, _ROUNDS // 2, rnd2, jnp.int32(0))
    wait_chunk(_ROUNDS - 1, chunk0, 0)
    drain_n(pend)
    serve(_ROUNDS - 1, chunk0)
    drain_n(n_eff(_ROUNDS - 1))



def kernel(user_fea, embedding_userId):
    idx = user_fea[:, 0].astype(jnp.int32)
    tail = jnp.pad(embedding_userId[999936:].T, ((0, 0), (0, 64)))
    return _sc_gather(embedding_userId.T, tail, idx)

# --- scband reference (transcript-rebuilt; emitter-appended) ---
"""Pipeline reference for scband-user-embedding-yp-id-23527830848131 (READ-ONLY COPY).

The authoritative reference and input builder live on the scoring server;
editing this copy changes nothing except your own understanding.
"""

import jax, jax.numpy as jnp
import numpy as np

NUM_USER = 1000000
EMBEDDING_DIM = 32
BATCH = 16384

def setup_inputs(seed: int = 0) -> dict:
    key = jax.random.key(seed)
    k1, k2 = jax.random.split(key)
    user_fea = jax.random.randint(k1, (BATCH, 5), 0, NUM_USER, dtype=jnp.int64)
    # embedding table, default torch.nn.Embedding init is N(0,1)
    embedding_userId = jax.random.normal(k2, (NUM_USER, EMBEDDING_DIM), dtype=jnp.float32)
    return {"user_fea": user_fea, "embedding_userId": embedding_userId}

def reference(user_fea, embedding_userId):
    userId_idx = user_fea[:, 0]
    userId_emb = jnp.take(embedding_userId, userId_idx, axis=0)
    return userId_emb

if __name__ == "__main__":
    import jax
    _d = setup_inputs()
    print(jax.jit(kernel)(*tuple(_d.values())))

</pallas_src>

<mosaic_0001>
#map = affine_map<(d0, d1) -> (0, 0)>
#map1 = affine_map<(d0, d1) -> (0)>
module attributes {stable_mosaic.version = 14 : i64} {
  func.func @_sc_gather(%arg0: i32, %arg1: i32, %arg2: memref<32x1000000xf32, #tpu.memory_space<hbm>>, %arg3: memref<32x128xf32, #tpu.memory_space<hbm>>, %arg4: memref<16384xi32, #tpu.memory_space<hbm>>, %arg5: memref<16384x32xf32, #tpu.memory_space<hbm>>, %arg6: memref<16384xi32, #tpu.memory_space<vmem>>, %arg7: memref<32x1024xf32, #tpu.memory_space<vmem>>, %arg8: memref<32x1024xf32, #tpu.memory_space<vmem>>, %arg9: memref<1984xi32, #tpu.memory_space<vmem>>, %arg10: memref<1984xi32, #tpu.memory_space<vmem>>, %arg11: memref<32xi32, #tpu.memory_space<vmem>>, %arg12: memref<32xi32, #tpu.memory_space<vmem>>, %arg13: memref<64x32xf32, #tpu.memory_space<vmem>>, %arg14: memref<!tpu.dma_semaphore, #tpu.memory_space<semaphore_mem>>, %arg15: memref<2x!tpu.dma_semaphore, #tpu.memory_space<semaphore_mem>>) attributes {dimension_semantics = [#tpu.dimension_semantics<core_parallel>, #tpu.dimension_semantics<subcore_parallel>], iteration_bounds = array<i64: 2, 16>, scalar_prefetch = 0 : i64, scratch_operands = 10 : i64, tpu.core_type = #tpu.core_type<sc_vector_subcore>, window_params = [{transform_indices = #map}, {transform_indices = #map}, {transform_indices = #map1}, {transform_indices = #map}]} {
    %mul3A = arith.constant 2 : i32
    %mul3A_0 = arith.muli %arg1, %mul3A : i32
    %add3A = arith.addi %mul3A_0, %arg0 : i32
    %iota3A = tpu.iota {dimensions = array<i32: 0>} : vector<16xi32>
    %broadcast_in_dim3A = arith.constant 0 : i32
    %broadcast_in_dim3A_1 = vector.broadcast %broadcast_in_dim3A : i32 to vector<16xi32>
    %eq3A = arith.constant 0 : i32
    %eq3A_2 = vector.broadcast %eq3A : i32 to vector<16xi32>
    %eq3A_3 = arith.cmpi eq, %iota3A, %eq3A_2 : vector<16xi32>
    "tpu.region"() ({
      %run_scoped3A = tpu.sem_alloc : memref<!tpu.dma_semaphore, #tpu.memory_space<semaphore_mem>>
      tpu.enqueue_dma source(%arg4 : memref<16384xi32, #tpu.memory_space<hbm>>) target(%arg6 : memref<16384xi32, #tpu.memory_space<vmem>>) target_semaphore(%run_scoped3A : memref<!tpu.dma_semaphore, #tpu.memory_space<semaphore_mem>>)
      tpu.wait_dma2 semaphore(%run_scoped3A : memref<!tpu.dma_semaphore, #tpu.memory_space<semaphore_mem>>) src(%arg4 : memref<16384xi32, #tpu.memory_space<hbm>>) dst(%arg6 : memref<16384xi32, #tpu.memory_space<vmem>>)
      tpu.yield
    }) : () -> ()
    %swap3A = arith.constant 0 : index
    %swap3A_4 = tpu.vector_load %arg11[%swap3A] {strides = array<i32>} : memref<32xi32, #tpu.memory_space<vmem>>, vector<16xi32>,
    tpu.vector_store %arg11[%swap3A], %broadcast_in_dim3A_1 {strides = array<i32>} : memref<32xi32, #tpu.memory_space<vmem>>, vector<16xi32>,
    %swap3A_5 = arith.constant 16 : index
    %swap3A_6 = tpu.vector_load %arg11[%swap3A_5] {strides = array<i32>} : memref<32xi32, #tpu.memory_space<vmem>>, vector<16xi32>,
    tpu.vector_store %arg11[%swap3A_5], %broadcast_in_dim3A_1 {strides = array<i32>} : memref<32xi32, #tpu.memory_space<vmem>>, vector<16xi32>,
    %swap3A_7 = arith.constant 0 : index
    %swap3A_8 = tpu.vector_load %arg12[%swap3A_7] {strides = array<i32>} : memref<32xi32, #tpu.memory_space<vmem>>, vector<16xi32>,
    tpu.vector_store %arg12[%swap3A_7], %broadcast_in_dim3A_1 {strides = array<i32>} : memref<32xi32, #tpu.memory_space<vmem>>, vector<16xi32>,
    %swap3A_9 = arith.constant 16 : index
    %swap3A_10 = tpu.vector_load %arg12[%swap3A_9] {strides = array<i32>} : memref<32xi32, #tpu.memory_space<vmem>>, vector<16xi32>,
    tpu.vector_store %arg12[%swap3A_9], %broadcast_in_dim3A_1 {strides = array<i32>} : memref<32xi32, #tpu.memory_space<vmem>>, vector<16xi32>,
    %scan3A = arith.constant 0 : i32
    %scan3A_11 = arith.constant 0 : i32
    %scan3A_12 = arith.constant 0 : i32
    %scan3A_13 = arith.addi %scan3A_11, %scan3A_12 : i32
    %scan3A_14 = arith.constant 0 : i32
    %add3A_15 = arith.constant 16 : i32
    %add3A_16 = vector.broadcast %add3A_15 : i32 to vector<16xi32>
    %add3A_17 = arith.addi %iota3A, %add3A_16 : vector<16xi32>
    %add3A_18 = arith.constant 0 : i32
    %add3A_19 = arith.addi %add3A_18, %add3A : i32
    %lt3A = arith.constant 976 : i32
    %lt3A_20 = arith.cmpi slt, %add3A_19, %lt3A : i32
    %convert_element_type3A = arith.extui %lt3A_20 : i1 to i32
    %cond3A = arith.constant 0 : i32
    %cond3A_21 = arith.cmpi ne, %convert_element_type3A, %cond3A : i32
    scf.if %cond3A_21 {
      %mul3A_99 = arith.constant 1024 : i32
      %mul3A_100 = arith.muli %add3A_19, %mul3A_99 : i32
      %dma_start3A = arith.constant 0 : i32
      %dma_start3A_101 = arith.constant 0 : i32
      %dma_start3A_102 = tpu.memref_slice %arg2[%dma_start3A_101, %mul3A_100] : memref<32x1000000xf32, #tpu.memory_space<hbm>> -> memref<32x1024xf32, #tpu.memory_space<hbm>>
      %dma_start3A_103 = tpu.memref_slice %arg15[%dma_start3A] : memref<2x!tpu.dma_semaphore, #tpu.memory_space<semaphore_mem>> -> memref<1x!tpu.dma_semaphore, #tpu.memory_space<semaphore_mem>>
      %dma_start3A_104 = tpu.memref_squeeze %dma_start3A_103 : memref<1x!tpu.dma_semaphore, #tpu.memory_space<semaphore_mem>> -> memref<!tpu.dma_semaphore, #tpu.memory_space<semaphore_mem>>
      %dma_start3A_105 = arith.constant 0 : i32
      %dma_start3A_106 = tpu.memref_slice %arg2[%dma_start3A_105, %mul3A_100] : memref<32x1000000xf32, #tpu.memory_space<hbm>> -> memref<32x1024xf32, #tpu.memory_space<hbm>>
      tpu.enqueue_dma source(%dma_start3A_106 : memref<32x1024xf32, #tpu.memory_space<hbm>>) target(%arg7 : memref<32x1024xf32, #tpu.memory_space<vmem>>) target_semaphore(%dma_start3A_104 : memref<!tpu.dma_semaphore, #tpu.memory_space<semaphore_mem>>)
    } else {
    }
    %eq3A_22 = arith.constant 976 : i32
    %eq3A_23 = arith.cmpi eq, %add3A_19, %eq3A_22 : i32
    %convert_element_type3A_24 = arith.extui %eq3A_23 : i1 to i32
    %cond3A_25 = arith.constant 0 : i32
    %cond3A_26 = arith.cmpi ne, %convert_element_type3A_24, %cond3A_25 : i32
    scf.if %cond3A_26 {
      %dma_start3A = arith.constant 0 : i32
      %dma_start3A_99 = arith.constant 0 : i32
      %dma_start3A_100 = arith.constant 0 : i32
      %dma_start3A_101 = tpu.memref_slice %arg7[%dma_start3A_99, %dma_start3A_100] : memref<32x1024xf32, #tpu.memory_space<vmem>> -> memref<32x512xf32, #tpu.memory_space<vmem>>
      %dma_start3A_102 = arith.constant 0 : i32
      %dma_start3A_103 = arith.constant 999424 : i32
      %dma_start3A_104 = tpu.memref_slice %arg2[%dma_start3A_102, %dma_start3A_103] : memref<32x1000000xf32, #tpu.memory_space<hbm>> -> memref<32x512xf32, #tpu.memory_space<hbm>>
      %dma_start3A_105 = tpu.memref_slice %arg15[%dma_start3A] : memref<2x!tpu.dma_semaphore, #tpu.memory_space<semaphore_mem>> -> memref<1x!tpu.dma_semaphore, #tpu.memory_space<semaphore_mem>>
      %dma_start3A_106 = tpu.memref_squeeze %dma_start3A_105 : memref<1x!tpu.dma_semaphore, #tpu.memory_space<semaphore_mem>> -> memref<!tpu.dma_semaphore, #tpu.memory_space<semaphore_mem>>
      %dma_start3A_107 = arith.constant 0 : i32
      %dma_start3A_108 = arith.constant 0 : i32
      %dma_start3A_109 = tpu.memref_slice %arg7[%dma_start3A_107, %dma_start3A_108] : memref<32x1024xf32, #tpu.memory_space<vmem>> -> memref<32x512xf32, #tpu.memory_space<vmem>>
      %dma_start3A_110 = arith.constant 0 : i32
      %dma_start3A_111 = arith.constant 999424 : i32
      %dma_start3A_112 = tpu.memref_slice %arg2[%dma_start3A_110, %dma_start3A_111] : memref<32x1000000xf32, #tpu.memory_space<hbm>> -> memref<32x512xf32, #tpu.memory_space<hbm>>
      tpu.enqueue_dma source(%dma_start3A_112 : memref<32x512xf32, #tpu.memory_space<hbm>>) target(%dma_start3A_109 : memref<32x512xf32, #tpu.memory_space<vmem>>) target_semaphore(%dma_start3A_106 : memref<!tpu.dma_semaphore, #tpu.memory_space<semaphore_mem>>)
      %dma_start3A_113 = arith.constant 0 : i32
      %dma_start3A_114 = arith.constant 0 : i32
      %dma_start3A_115 = arith.constant 512 : i32
      %dma_start3A_116 = tpu.memref_slice %arg7[%dma_start3A_114, %dma_start3A_115] : memref<32x1024xf32, #tpu.memory_space<vmem>> -> memref<32x128xf32, #tpu.memory_space<vmem>>
      %dma_start3A_117 = tpu.memref_slice %arg15[%dma_start3A_113] : memref<2x!tpu.dma_semaphore, #tpu.memory_space<semaphore_mem>> -> memref<1x!tpu.dma_semaphore, #tpu.memory_space<semaphore_mem>>
      %dma_start3A_118 = tpu.memref_squeeze %dma_start3A_117 : memref<1x!tpu.dma_semaphore, #tpu.memory_space<semaphore_mem>> -> memref<!tpu.dma_semaphore, #tpu.memory_space<semaphore_mem>>
      %dma_start3A_119 = arith.constant 0 : i32
      %dma_start3A_120 = arith.constant 512 : i32
      %dma_start3A_121 = tpu.memref_slice %arg7[%dma_start3A_119, %dma_start3A_120] : memref<32x1024xf32, #tpu.memory_space<vmem>> -> memref<32x128xf32, #tpu.memory_space<vmem>>
      tpu.enqueue_dma source(%arg3 : memref<32x128xf32, #tpu.memory_space<hbm>>) target(%dma_start3A_121 : memref<32x128xf32, #tpu.memory_space<vmem>>) target_semaphore(%dma_start3A_118 : memref<!tpu.dma_semaphore, #tpu.memory_space<semaphore_mem>>)
    } else {
    }
    %scan3A_27 = arith.constant 0 : i32
    %scan3A_28 = arith.constant 0 : i32
    %scan3A_29 = arith.constant 15 : i32
    %scan3A_30 = arith.addi %scan3A_28, %scan3A_29 : i32
    %scan3A_31 = arith.constant 1 : i32
    %scan3A_32 = scf.for %scan3A_99 = %scan3A_28 to %scan3A_30 step %scan3A_31 iter_args(%scan3A_100 = %scan3A_27) -> (i32)  : i32 {
      %mul3A_101 = arith.constant 2 : i32
      %mul3A_102 = arith.muli %scan3A_99, %mul3A_101 : i32
      %add3A_103 = arith.constant 1 : i32
      %add3A_104 = arith.addi %mul3A_102, %add3A_103 : i32
      %mul3A_105 = arith.constant 32 : i32
      %mul3A_106 = arith.muli %add3A_104, %mul3A_105 : i32
      %add3A_107 = arith.addi %mul3A_106, %add3A : i32
      %lt3A_108 = arith.constant 976 : i32
      %lt3A_109 = arith.cmpi slt, %add3A_107, %lt3A_108 : i32
      %convert_element_type3A_110 = arith.extui %lt3A_109 : i1 to i32
      %cond3A_111 = arith.constant 0 : i32
      %cond3A_112 = arith.cmpi ne, %convert_element_type3A_110, %cond3A_111 : i32
      scf.if %cond3A_112 {
        %mul3A_251 = arith.constant 1024 : i32
        %mul3A_252 = arith.muli %add3A_107, %mul3A_251 : i32
        %dma_start3A = arith.constant 1 : i32
        %dma_start3A_253 = arith.constant 0 : i32
        %dma_start3A_254 = tpu.memref_slice %arg2[%dma_start3A_253, %mul3A_252] : memref<32x1000000xf32, #tpu.memory_space<hbm>> -> memref<32x1024xf32, #tpu.memory_space<hbm>>
        %dma_start3A_255 = tpu.memref_slice %arg15[%dma_start3A] : memref<2x!tpu.dma_semaphore, #tpu.memory_space<semaphore_mem>> -> memref<1x!tpu.dma_semaphore, #tpu.memory_space<semaphore_mem>>
        %dma_start3A_256 = tpu.memref_squeeze %dma_start3A_255 : memref<1x!tpu.dma_semaphore, #tpu.memory_space<semaphore_mem>> -> memref<!tpu.dma_semaphore, #tpu.memory_space<semaphore_mem>>
        %dma_start3A_257 = arith.constant 0 : i32
        %dma_start3A_258 = tpu.memref_slice %arg2[%dma_start3A_257, %mul3A_252] : memref<32x1000000xf32, #tpu.memory_space<hbm>> -> memref<32x1024xf32, #tpu.memory_space<hbm>>
        tpu.enqueue_dma source(%dma_start3A_258 : memref<32x1024xf32, #tpu.memory_space<hbm>>) target(%arg8 : memref<32x1024xf32, #tpu.memory_space<vmem>>) target_semaphore(%dma_start3A_256 : memref<!tpu.dma_semaphore, #tpu.memory_space<semaphore_mem>>)
      } else {
      }
      %eq3A_113 = arith.constant 976 : i32
      %eq3A_114 = arith.cmpi eq, %add3A_107, %eq3A_113 : i32
      %convert_element_type3A_115 = arith.extui %eq3A_114 : i1 to i32
      %cond3A_116 = arith.constant 0 : i32
      %cond3A_117 = arith.cmpi ne, %convert_element_type3A_115, %cond3A_116 : i32
      scf.if %cond3A_117 {
        %dma_start3A = arith.constant 1 : i32
        %dma_start3A_251 = arith.constant 0 : i32
        %dma_start3A_252 = arith.constant 0 : i32
        %dma_start3A_253 = tpu.memref_slice %arg8[%dma_start3A_251, %dma_start3A_252] : memref<32x1024xf32, #tpu.memory_space<vmem>> -> memref<32x512xf32, #tpu.memory_space<vmem>>
        %dma_start3A_254 = arith.constant 0 : i32
        %dma_start3A_255 = arith.constant 999424 : i32
        %dma_start3A_256 = tpu.memref_slice %arg2[%dma_start3A_254, %dma_start3A_255] : memref<32x1000000xf32, #tpu.memory_space<hbm>> -> memref<32x512xf32, #tpu.memory_space<hbm>>
        %dma_start3A_257 = tpu.memref_slice %arg15[%dma_start3A] : memref<2x!tpu.dma_semaphore, #tpu.memory_space<semaphore_mem>> -> memref<1x!tpu.dma_semaphore, #tpu.memory_space<semaphore_mem>>
        %dma_start3A_258 = tpu.memref_squeeze %dma_start3A_257 : memref<1x!tpu.dma_semaphore, #tpu.memory_space<semaphore_mem>> -> memref<!tpu.dma_semaphore, #tpu.memory_space<semaphore_mem>>
        %dma_start3A_259 = arith.constant 0 : i32
        %dma_start3A_260 = arith.constant 0 : i32
        %dma_start3A_261 = tpu.memref_slice %arg8[%dma_start3A_259, %dma_start3A_260] : memref<32x1024xf32, #tpu.memory_space<vmem>> -> memref<32x512xf32, #tpu.memory_space<vmem>>
        %dma_start3A_262 = arith.constant 0 : i32
        %dma_start3A_263 = arith.constant 999424 : i32
        %dma_start3A_264 = tpu.memref_slice %arg2[%dma_start3A_262, %dma_start3A_263] : memref<32x1000000xf32, #tpu.memory_space<hbm>> -> memref<32x512xf32, #tpu.memory_space<hbm>>
        tpu.enqueue_dma source(%dma_start3A_264 : memref<32x512xf32, #tpu.memory_space<hbm>>) target(%dma_start3A_261 : memref<32x512xf32, #tpu.memory_space<vmem>>) target_semaphore(%dma_start3A_258 : memref<!tpu.dma_semaphore, #tpu.memory_space<semaphore_mem>>)
        %dma_start3A_265 = arith.constant 1 : i32
        %dma_start3A_266 = arith.constant 0 : i32
        %dma_start3A_267 = arith.constant 512 : i32
        %dma_start3A_268 = tpu.memref_slice %arg8[%dma_start3A_266, %dma_start3A_267] : memref<32x1024xf32, #tpu.memory_space<vmem>> -> memref<32x128xf32, #tpu.memory_space<vmem>>
        %dma_start3A_269 = tpu.memref_slice %arg15[%dma_start3A_265] : memref<2x!tpu.dma_semaphore, #tpu.memory_space<semaphore_mem>> -> memref<1x!tpu.dma_semaphore, #tpu.memory_space<semaphore_mem>>
        %dma_start3A_270 = tpu.memref_squeeze %dma_start3A_269 : memref<1x!tpu.dma_semaphore, #tpu.memory_space<semaphore_mem>> -> memref<!tpu.dma_semaphore, #tpu.memory_space<semaphore_mem>>
        %dma_start3A_271 = arith.constant 0 : i32
        %dma_start3A_272 = arith.constant 512 : i32
        %dma_start3A_273 = tpu.memref_slice %arg8[%dma_start3A_271, %dma_start3A_272] : memref<32x1024xf32, #tpu.memory_space<vmem>> -> memref<32x128xf32, #tpu.memory_space<vmem>>
        tpu.enqueue_dma source(%arg3 : memref<32x128xf32, #tpu.memory_space<hbm>>) target(%dma_start3A_273 : memref<32x128xf32, #tpu.memory_space<vmem>>) target_semaphore(%dma_start3A_270 : memref<!tpu.dma_semaphore, #tpu.memory_space<semaphore_mem>>)
      } else {
      }
      %mul3A_118 = arith.constant 32 : i32
      %mul3A_119 = arith.muli %mul3A_102, %mul3A_118 : i32
      %add3A_120 = arith.addi %mul3A_119, %add3A : i32
      %lt3A_121 = arith.constant 976 : i32
      %lt3A_122 = arith.cmpi slt, %add3A_120, %lt3A_121 : i32
      %convert_element_type3A_123 = arith.extui %lt3A_122 : i1 to i32
      %cond3A_124 = arith.constant 0 : i32
      %cond3A_125 = arith.cmpi ne, %convert_element_type3A_123, %cond3A_124 : i32
      scf.if %cond3A_125 {
        %dma_wait3A = arith.constant 0 : i32
        %dma_wait3A_251 = arith.constant 0 : i32
        %dma_wait3A_252 = arith.constant 0 : i32
        %dma_wait3A_253 = tpu.memref_slice %arg2[%dma_wait3A_251, %dma_wait3A_252] : memref<32x1000000xf32, #tpu.memory_space<hbm>> -> memref<32x1024xf32, #tpu.memory_space<hbm>>
        %dma_wait3A_254 = tpu.memref_slice %arg15[%dma_wait3A] : memref<2x!tpu.dma_semaphore, #tpu.memory_space<semaphore_mem>> -> memref<1x!tpu.dma_semaphore, #tpu.memory_space<semaphore_mem>>
        %dma_wait3A_255 = tpu.memref_squeeze %dma_wait3A_254 : memref<1x!tpu.dma_semaphore, #tpu.memory_space<semaphore_mem>> -> memref<!tpu.dma_semaphore, #tpu.memory_space<semaphore_mem>>
        %dma_wait3A_256 = arith.constant 0 : i32
        %dma_wait3A_257 = arith.constant 0 : i32
        %dma_wait3A_258 = tpu.memref_slice %arg2[%dma_wait3A_256, %dma_wait3A_257] : memref<32x1000000xf32, #tpu.memory_space<hbm>> -> memref<32x1024xf32, #tpu.memory_space<hbm>>
        tpu.wait_dma2 semaphore(%dma_wait3A_255 : memref<!tpu.dma_semaphore, #tpu.memory_space<semaphore_mem>>) src(%dma_wait3A_258 : memref<32x1024xf32, #tpu.memory_space<hbm>>) dst(%arg7 : memref<32x1024xf32, #tpu.memory_space<vmem>>)
      } else {
      }
      %eq3A_126 = arith.constant 976 : i32
      %eq3A_127 = arith.cmpi eq, %add3A_120, %eq3A_126 : i32
      %convert_element_type3A_128 = arith.extui %eq3A_127 : i1 to i32
      %cond3A_129 = arith.constant 0 : i32
      %cond3A_130 = arith.cmpi ne, %convert_element_type3A_128, %cond3A_129 : i32
      scf.if %cond3A_130 {
        %dma_wait3A = arith.constant 0 : i32
        %dma_wait3A_251 = arith.constant 0 : i32
        %dma_wait3A_252 = arith.constant 0 : i32
        %dma_wait3A_253 = tpu.memref_slice %arg7[%dma_wait3A_251, %dma_wait3A_252] : memref<32x1024xf32, #tpu.memory_space<vmem>> -> memref<32x512xf32, #tpu.memory_space<vmem>>
        %dma_wait3A_254 = arith.constant 0 : i32
        %dma_wait3A_255 = arith.constant 0 : i32
        %dma_wait3A_256 = tpu.memref_slice %arg2[%dma_wait3A_254, %dma_wait3A_255] : memref<32x1000000xf32, #tpu.memory_space<hbm>> -> memref<32x512xf32, #tpu.memory_space<hbm>>
        %dma_wait3A_257 = tpu.memref_slice %arg15[%dma_wait3A] : memref<2x!tpu.dma_semaphore, #tpu.memory_space<semaphore_mem>> -> memref<1x!tpu.dma_semaphore, #tpu.memory_space<semaphore_mem>>
        %dma_wait3A_258 = tpu.memref_squeeze %dma_wait3A_257 : memref<1x!tpu.dma_semaphore, #tpu.memory_space<semaphore_mem>> -> memref<!tpu.dma_semaphore, #tpu.memory_space<semaphore_mem>>
        %dma_wait3A_259 = arith.constant 0 : i32
        %dma_wait3A_260 = arith.constant 0 : i32
        %dma_wait3A_261 = tpu.memref_slice %arg7[%dma_wait3A_259, %dma_wait3A_260] : memref<32x1024xf32, #tpu.memory_space<vmem>> -> memref<32x512xf32, #tpu.memory_space<vmem>>
        %dma_wait3A_262 = arith.constant 0 : i32
        %dma_wait3A_263 = arith.constant 0 : i32
        %dma_wait3A_264 = tpu.memref_slice %arg2[%dma_wait3A_262, %dma_wait3A_263] : memref<32x1000000xf32, #tpu.memory_space<hbm>> -> memref<32x512xf32, #tpu.memory_space<hbm>>
        tpu.wait_dma2 semaphore(%dma_wait3A_258 : memref<!tpu.dma_semaphore, #tpu.memory_space<semaphore_mem>>) src(%dma_wait3A_264 : memref<32x512xf32, #tpu.memory_space<hbm>>) dst(%dma_wait3A_261 : memref<32x512xf32, #tpu.memory_space<vmem>>)
        %dma_wait3A_265 = arith.constant 0 : i32
        %dma_wait3A_266 = arith.constant 0 : i32
        %dma_wait3A_267 = arith.constant 512 : i32
        %dma_wait3A_268 = tpu.memref_slice %arg7[%dma_wait3A_266, %dma_wait3A_267] : memref<32x1024xf32, #tpu.memory_space<vmem>> -> memref<32x128xf32, #tpu.memory_space<vmem>>
        %dma_wait3A_269 = tpu.memref_slice %arg15[%dma_wait3A_265] : memref<2x!tpu.dma_semaphore, #tpu.memory_space<semaphore_mem>> -> memref<1x!tpu.dma_semaphore, #tpu.memory_space<semaphore_mem>>
        %dma_wait3A_270 = tpu.memref_squeeze %dma_wait3A_269 : memref<1x!tpu.dma_semaphore, #tpu.memory_space<semaphore_mem>> -> memref<!tpu.dma_semaphore, #tpu.memory_space<semaphore_mem>>
        %dma_wait3A_271 = arith.constant 0 : i32
        %dma_wait3A_272 = arith.constant 512 : i32
        %dma_wait3A_273 = tpu.memref_slice %arg7[%dma_wait3A_271, %dma_wait3A_272] : memref<32x1024xf32, #tpu.memory_space<vmem>> -> memref<32x128xf32, #tpu.memory_space<vmem>>
        tpu.wait_dma2 semaphore(%dma_wait3A_270 : memref<!tpu.dma_semaphore, #tpu.memory_space<semaphore_mem>>) src(%arg3 : memref<32x128xf32, #tpu.memory_space<hbm>>) dst(%dma_wait3A_273 : memref<32x128xf32, #tpu.memory_space<vmem>>)
      } else {
      }
      %while3A_131 = arith.constant 0 : i32
      %while3A_132 = arith.constant 0 : i32
      %while3A_133 = arith.subi %scan3A_100, %while3A_132 : i32
      %while3A_134 = arith.addi %while3A_132, %while3A_133 : i32
      %while3A_135 = arith.constant 1 : i32
      %while3A_136 = arith.divsi %while3A_133, %while3A_135 : i32
      %while3A_137 = arith.muli %while3A_136, %while3A_135 : i32
      %while3A_138 = arith.addi %while3A_132, %while3A_137 : i32
      %while3A_139 = arith.constant 1 : i32
      scf.for %while3A_251 = %while3A_132 to %while3A_138 step %while3A_139  : i32 {
        %dma_wait3A = arith.constant 0 : i32
        %dma_wait3A_252 = arith.constant 0 : i32
        %dma_wait3A_253 = tpu.memref_slice %arg13[%dma_wait3A, %dma_wait3A_252] : memref<64x32xf32, #tpu.memory_space<vmem>> -> memref<1x32xf32, #tpu.memory_space<vmem>>
        %dma_wait3A_254 = arith.constant 0 : i32
        %dma_wait3A_255 = arith.constant 0 : i32
        %dma_wait3A_256 = tpu.memref_slice %arg5[%dma_wait3A_254, %dma_wait3A_255] : memref<16384x32xf32, #tpu.memory_space<hbm>> -> memref<1x32xf32, #tpu.memory_space<hbm>>
        %dma_wait3A_257 = arith.constant 0 : i32
        %dma_wait3A_258 = arith.constant 0 : i32
        %dma_wait3A_259 = tpu.memref_slice %arg5[%dma_wait3A_257, %dma_wait3A_258] : memref<16384x32xf32, #tpu.memory_space<hbm>> -> memref<1x32xf32, #tpu.memory_space<hbm>>
        %dma_wait3A_260 = arith.constant 0 : i32
        %dma_wait3A_261 = arith.constant 0 : i32
        %dma_wait3A_262 = tpu.memref_slice %arg13[%dma_wait3A_260, %dma_wait3A_261] : memref<64x32xf32, #tpu.memory_space<vmem>> -> memref<1x32xf32, #tpu.memory_space<vmem>>
        tpu.wait_dma2 semaphore(%arg14 : memref<!tpu.dma_semaphore, #tpu.memory_space<semaphore_mem>>) src(%dma_wait3A_262 : memref<1x32xf32, #tpu.memory_space<vmem>>) dst(%dma_wait3A_259 : memref<1x32xf32, #tpu.memory_space<hbm>>)
      }
      %while3A_140 = arith.constant 1 : i32
      scf.for %while3A_251 = %while3A_138 to %while3A_134 step %while3A_140  : i32 {
        %dma_wait3A = arith.constant 0 : i32
        %dma_wait3A_252 = arith.constant 0 : i32
        %dma_wait3A_253 = tpu.memref_slice %arg13[%dma_wait3A, %dma_wait3A_252] : memref<64x32xf32, #tpu.memory_space<vmem>> -> memref<1x32xf32, #tpu.memory_space<vmem>>
        %dma_wait3A_254 = arith.constant 0 : i32
        %dma_wait3A_255 = arith.constant 0 : i32
        %dma_wait3A_256 = tpu.memref_slice %arg5[%dma_wait3A_254, %dma_wait3A_255] : memref<16384x32xf32, #tpu.memory_space<hbm>> -> memref<1x32xf32, #tpu.memory_space<hbm>>
        %dma_wait3A_257 = arith.constant 0 : i32
        %dma_wait3A_258 = arith.constant 0 : i32
        %dma_wait3A_259 = tpu.memref_slice %arg5[%dma_wait3A_257, %dma_wait3A_258] : memref<16384x32xf32, #tpu.memory_space<hbm>> -> memref<1x32xf32, #tpu.memory_space<hbm>>
        %dma_wait3A_260 = arith.constant 0 : i32
        %dma_wait3A_261 = arith.constant 0 : i32
        %dma_wait3A_262 = tpu.memref_slice %arg13[%dma_wait3A_260, %dma_wait3A_261] : memref<64x32xf32, #tpu.memory_space<vmem>> -> memref<1x32xf32, #tpu.memory_space<vmem>>
        tpu.wait_dma2 semaphore(%arg14 : memref<!tpu.dma_semaphore, #tpu.memory_space<semaphore_mem>>) src(%dma_wait3A_262 : memref<1x32xf32, #tpu.memory_space<vmem>>) dst(%dma_wait3A_259 : memref<1x32xf32, #tpu.memory_space<hbm>>)
      }
      %mul3A_141 = arith.constant 32 : i32
      %mul3A_142 = arith.muli %mul3A_102, %mul3A_141 : i32
      %add3A_143 = arith.addi %mul3A_142, %add3A : i32
      %add3A_144 = vector.broadcast %mul3A_102 : i32 to vector<16xi32>
      %add3A_145 = arith.addi %broadcast_in_dim3A_1, %add3A_144 : vector<16xi32>
      %gather3A_146 = tpu.vector_load_idx %arg11[%add3A_145] : memref<32xi32, #tpu.memory_space<vmem>>[vector<16xi32>], vector<16xi32>,
      %slice3A_147 = vector.extract_strided_slice %gather3A_146 {offsets = [0], sizes = [1], strides = [1]} : vector<16xi32> to vector<1xi32>
      %squeeze3A_148 = vector.extract %slice3A_147[0] : i32 from vector<1xi32>
      %add3A_149 = vector.broadcast %mul3A_102 : i32 to vector<16xi32>
      %add3A_150 = arith.addi %broadcast_in_dim3A_1, %add3A_149 : vector<16xi32>
      %gather3A_151 = tpu.vector_load_idx %arg12[%add3A_150] : memref<32xi32, #tpu.memory_space<vmem>>[vector<16xi32>], vector<16xi32>,
      %slice3A_152 = vector.extract_strided_slice %gather3A_151 {offsets = [0], sizes = [1], strides = [1]} : vector<16xi32> to vector<1xi32>
      %squeeze3A_153 = vector.extract %slice3A_152[0] : i32 from vector<1xi32>
      %eq3A_154 = arith.constant 0 : i32
      %eq3A_155 = arith.cmpi eq, %squeeze3A_153, %eq3A_154 : i32
      %convert_element_type3A_156 = arith.extui %eq3A_155 : i1 to i32
      %cond3A_157 = arith.constant 0 : i32
      %cond3A_158 = arith.cmpi ne, %convert_element_type3A_156, %cond3A_157 : i32
      scf.if %cond3A_158 {
        %while3A_251 = arith.constant 0 : i32
        %while3A_252 = arith.constant 0 : i32
        %while3A_253 = arith.subi %squeeze3A_148, %while3A_252 : i32
        %while3A_254 = arith.addi %while3A_252, %while3A_253 : i32
        %while3A_255 = arith.constant 1 : i32
        %while3A_256 = arith.divsi %while3A_253, %while3A_255 : i32
        %while3A_257 = arith.muli %while3A_256, %while3A_255 : i32
        %while3A_258 = arith.addi %while3A_252, %while3A_257 : i32
        %while3A_259 = arith.constant 1 : i32
        scf.for %while3A_261 = %while3A_252 to %while3A_258 step %while3A_259  : i32 {
          %mul3A_262 = arith.constant 64 : i32
          %mul3A_263 = arith.muli %mul3A_102, %mul3A_262 : i32
          %add3A_264 = arith.addi %mul3A_263, %while3A_261 : i32
          %add3A_265 = vector.broadcast %add3A_264 : i32 to vector<16xi32>
          %add3A_266 = arith.addi %broadcast_in_dim3A_1, %add3A_265 : vector<16xi32>
          %gather3A_267 = tpu.vector_load_idx %arg9[%add3A_266] : memref<1984xi32, #tpu.memory_space<vmem>>[vector<16xi32>], vector<16xi32>,
          %gather3A_268 = tpu.vector_load_idx %arg10[%add3A_266] : memref<1984xi32, #tpu.memory_space<vmem>>[vector<16xi32>], vector<16xi32>,
          %slice3A_269 = vector.extract_strided_slice %gather3A_267 {offsets = [0], sizes = [1], strides = [1]} : vector<16xi32> to vector<1xi32>
          %squeeze3A_270 = vector.extract %slice3A_269[0] : i32 from vector<1xi32>
          %slice3A_271 = vector.extract_strided_slice %gather3A_268 {offsets = [0], sizes = [1], strides = [1]} : vector<16xi32> to vector<1xi32>
          %squeeze3A_272 = vector.extract %slice3A_271[0] : i32 from vector<1xi32>
          %and3A = arith.constant 1023 : i32
          %and3A_273 = arith.andi %squeeze3A_270, %and3A : i32
          %add3A_274 = vector.broadcast %and3A_273 : i32 to vector<16xi32>
          %add3A_275 = arith.addi %broadcast_in_dim3A_1, %add3A_274 : vector<16xi32>
          %gather3A_276 = tpu.vector_load_idx %arg7[%iota3A, %add3A_275] : memref<32x1024xf32, #tpu.memory_space<vmem>>[vector<16xi32>, vector<16xi32>], vector<16xf32>,
          %gather3A_277 = tpu.vector_load_idx %arg7[%add3A_17, %add3A_275] : memref<32x1024xf32, #tpu.memory_space<vmem>>[vector<16xi32>, vector<16xi32>], vector<16xf32>,
          %swap3A_278 = arith.index_cast %while3A_261 : i32 to index
          %swap3A_279 = arith.constant 0 : index
          %swap3A_280 = tpu.vector_load %arg13[%swap3A_278, %swap3A_279] {strides = array<i32>} : memref<64x32xf32, #tpu.memory_space<vmem>>, vector<16xf32>,
          tpu.vector_store %arg13[%swap3A_278, %swap3A_279], %gather3A_276 {strides = array<i32>} : memref<64x32xf32, #tpu.memory_space<vmem>>, vector<16xf32>,
          %swap3A_281 = arith.index_cast %while3A_261 : i32 to index
          %swap3A_282 = arith.constant 16 : index
          %swap3A_283 = tpu.vector_load %arg13[%swap3A_281, %swap3A_282] {strides = array<i32>} : memref<64x32xf32, #tpu.memory_space<vmem>>, vector<16xf32>,
          tpu.vector_store %arg13[%swap3A_281, %swap3A_282], %gather3A_277 {strides = array<i32>} : memref<64x32xf32, #tpu.memory_space<vmem>>, vector<16xf32>,
          %dma_start3A = arith.constant 0 : i32
          %dma_start3A_284 = tpu.memref_slice %arg13[%while3A_261, %dma_start3A] : memref<64x32xf32, #tpu.memory_space<vmem>> -> memref<1x32xf32, #tpu.memory_space<vmem>>
          %dma_start3A_285 = arith.constant 0 : i32
          %dma_start3A_286 = tpu.memref_slice %arg5[%squeeze3A_272, %dma_start3A_285] : memref<16384x32xf32, #tpu.memory_space<hbm>> -> memref<1x32xf32, #tpu.memory_space<hbm>>
          %dma_start3A_287 = arith.constant 0 : i32
          %dma_start3A_288 = tpu.memref_slice %arg5[%squeeze3A_272, %dma_start3A_287] : memref<16384x32xf32, #tpu.memory_space<hbm>> -> memref<1x32xf32, #tpu.memory_space<hbm>>
          %dma_start3A_289 = arith.constant 0 : i32
          %dma_start3A_290 = tpu.memref_slice %arg13[%while3A_261, %dma_start3A_289] : memref<64x32xf32, #tpu.memory_space<vmem>> -> memref<1x32xf32, #tpu.memory_space<vmem>>
          tpu.enqueue_dma source(%dma_start3A_290 : memref<1x32xf32, #tpu.memory_space<vmem>>) target(%dma_start3A_288 : memref<1x32xf32, #tpu.memory_space<hbm>>) target_semaphore(%arg14 : memref<!tpu.dma_semaphore, #tpu.memory_space<semaphore_mem>>)
        }
        %while3A_260 = arith.constant 1 : i32
        scf.for %while3A_261 = %while3A_258 to %while3A_254 step %while3A_260  : i32 {
          %mul3A_262 = arith.constant 64 : i32
          %mul3A_263 = arith.muli %mul3A_102, %mul3A_262 : i32
          %add3A_264 = arith.addi %mul3A_263, %while3A_261 : i32
          %add3A_265 = vector.broadcast %add3A_264 : i32 to vector<16xi32>
          %add3A_266 = arith.addi %broadcast_in_dim3A_1, %add3A_265 : vector<16xi32>
          %gather3A_267 = tpu.vector_load_idx %arg9[%add3A_266] : memref<1984xi32, #tpu.memory_space<vmem>>[vector<16xi32>], vector<16xi32>,
          %gather3A_268 = tpu.vector_load_idx %arg10[%add3A_266] : memref<1984xi32, #tpu.memory_space<vmem>>[vector<16xi32>], vector<16xi32>,
          %slice3A_269 = vector.extract_strided_slice %gather3A_267 {offsets = [0], sizes = [1], strides = [1]} : vector<16xi32> to vector<1xi32>
          %squeeze3A_270 = vector.extract %slice3A_269[0] : i32 from vector<1xi32>
          %slice3A_271 = vector.extract_strided_slice %gather3A_268 {offsets = [0], sizes = [1], strides = [1]} : vector<16xi32> to vector<1xi32>
          %squeeze3A_272 = vector.extract %slice3A_271[0] : i32 from vector<1xi32>
          %and3A = arith.constant 1023 : i32
          %and3A_273 = arith.andi %squeeze3A_270, %and3A : i32
          %add3A_274 = vector.broadcast %and3A_273 : i32 to vector<16xi32>
          %add3A_275 = arith.addi %broadcast_in_dim3A_1, %add3A_274 : vector<16xi32>
          %gather3A_276 = tpu.vector_load_idx %arg7[%iota3A, %add3A_275] : memref<32x1024xf32, #tpu.memory_space<vmem>>[vector<16xi32>, vector<16xi32>], vector<16xf32>,
          %gather3A_277 = tpu.vector_load_idx %arg7[%add3A_17, %add3A_275] : memref<32x1024xf32, #tpu.memory_space<vmem>>[vector<16xi32>, vector<16xi32>], vector<16xf32>,
          %swap3A_278 = arith.index_cast %while3A_261 : i32 to index
          %swap3A_279 = arith.constant 0 : index
          %swap3A_280 = tpu.vector_load %arg13[%swap3A_278, %swap3A_279] {strides = array<i32>} : memref<64x32xf32, #tpu.memory_space<vmem>>, vector<16xf32>,
          tpu.vector_store %arg13[%swap3A_278, %swap3A_279], %gather3A_276 {strides = array<i32>} : memref<64x32xf32, #tpu.memory_space<vmem>>, vector<16xf32>,
          %swap3A_281 = arith.index_cast %while3A_261 : i32 to index
          %swap3A_282 = arith.constant 16 : index
          %swap3A_283 = tpu.vector_load %arg13[%swap3A_281, %swap3A_282] {strides = array<i32>} : memref<64x32xf32, #tpu.memory_space<vmem>>, vector<16xf32>,
          tpu.vector_store %arg13[%swap3A_281, %swap3A_282], %gather3A_277 {strides = array<i32>} : memref<64x32xf32, #tpu.memory_space<vmem>>, vector<16xf32>,
          %dma_start3A = arith.constant 0 : i32
          %dma_start3A_284 = tpu.memref_slice %arg13[%while3A_261, %dma_start3A] : memref<64x32xf32, #tpu.memory_space<vmem>> -> memref<1x32xf32, #tpu.memory_space<vmem>>
          %dma_start3A_285 = arith.constant 0 : i32
          %dma_start3A_286 = tpu.memref_slice %arg5[%squeeze3A_272, %dma_start3A_285] : memref<16384x32xf32, #tpu.memory_space<hbm>> -> memref<1x32xf32, #tpu.memory_space<hbm>>
          %dma_start3A_287 = arith.constant 0 : i32
          %dma_start3A_288 = tpu.memref_slice %arg5[%squeeze3A_272, %dma_start3A_287] : memref<16384x32xf32, #tpu.memory_space<hbm>> -> memref<1x32xf32, #tpu.memory_space<hbm>>
          %dma_start3A_289 = arith.constant 0 : i32
          %dma_start3A_290 = tpu.memref_slice %arg13[%while3A_261, %dma_start3A_289] : memref<64x32xf32, #tpu.memory_space<vmem>> -> memref<1x32xf32, #tpu.memory_space<vmem>>
          tpu.enqueue_dma source(%dma_start3A_290 : memref<1x32xf32, #tpu.memory_space<vmem>>) target(%dma_start3A_288 : memref<1x32xf32, #tpu.memory_space<hbm>>) target_semaphore(%arg14 : memref<!tpu.dma_semaphore, #tpu.memory_space<semaphore_mem>>)
        }
      } else {
      }
      %ne3A_159 = arith.constant 0 : i32
      %ne3A_160 = arith.cmpi ne, %squeeze3A_153, %ne3A_159 : i32
      %convert_element_type3A_161 = arith.extui %ne3A_160 : i1 to i32
      %cond3A_162 = arith.constant 0 : i32
      %cond3A_163 = arith.cmpi ne, %convert_element_type3A_161, %cond3A_162 : i32
      scf.if %cond3A_163 {
        %scan3A_251 = arith.constant 0 : i32
        %scan3A_252 = arith.constant 0 : i32
        %scan3A_253 = arith.constant 1024 : i32
        %scan3A_254 = arith.addi %scan3A_252, %scan3A_253 : i32
        %scan3A_255 = arith.constant 1 : i32
        scf.for %scan3A_257 = %scan3A_252 to %scan3A_254 step %scan3A_255  : i32 {
          %mul3A_258 = arith.constant 16 : i32
          %mul3A_259 = arith.muli %scan3A_257, %mul3A_258 : i32
          %get3A = arith.index_cast %mul3A_259 : i32 to index
          %get3A_260 = tpu.vector_load %arg6[%get3A] {strides = array<i32>} : memref<16384xi32, #tpu.memory_space<vmem>>, vector<16xi32>,
          %shift_right_logical3A = arith.constant 10 : i32
          %shift_right_logical3A_261 = vector.broadcast %shift_right_logical3A : i32 to vector<16xi32>
          %shift_right_logical3A_262 = arith.shrui %get3A_260, %shift_right_logical3A_261 : vector<16xi32>
          %eq3A_263 = vector.broadcast %add3A_143 : i32 to vector<16xi32>
          %eq3A_264 = arith.cmpi eq, %shift_right_logical3A_262, %eq3A_263 : vector<16xi32>
          %all_reduce_population_count3A = tpu.all_reduce %eq3A_264 {dim = 0 : i64, kind = #tpu.reduction_kind<sum>} : vector<16xi1> -> vector<16xi32>
          %slice3A_265 = vector.extract_strided_slice %all_reduce_population_count3A {offsets = [0], sizes = [1], strides = [1]} : vector<16xi32> to vector<1xi32>
          %squeeze3A_266 = vector.extract %slice3A_265[0] : i32 from vector<1xi32>
          %gt3A = arith.constant 0 : i32
          %gt3A_267 = arith.cmpi sgt, %squeeze3A_266, %gt3A : i32
          %convert_element_type3A_268 = arith.extui %gt3A_267 : i1 to i32
          %cond3A_269 = arith.constant 0 : i32
          %cond3A_270 = arith.cmpi ne, %convert_element_type3A_268, %cond3A_269 : i32
          scf.if %cond3A_270 {
            %jit3A_271 = arith.constant 1 : i32
            %jit3A_272 = arith.constant 0 : i32
            %broadcast_in_dim3A_273 = vector.broadcast %jit3A_271 : i32 to vector<16xi32>
            %broadcast_in_dim3A_274 = vector.broadcast %jit3A_272 : i32 to vector<16xi32>
            %select_n3A_275 = arith.select %eq3A_264, %broadcast_in_dim3A_273, %broadcast_in_dim3A_274 : vector<16xi1>, vector<16xi32>
            %slice3A_276 = vector.extract_strided_slice %select_n3A_275 {offsets = [0], sizes = [1], strides = [1]} : vector<16xi32> to vector<1xi32>
            %squeeze3A_277 = vector.extract %slice3A_276[0] : i32 from vector<1xi32>
            %gt3A_278 = arith.constant 0 : i32
            %gt3A_279 = arith.cmpi sgt, %squeeze3A_277, %gt3A_278 : i32
            %convert_element_type3A_280 = arith.extui %gt3A_279 : i1 to i32
            %cond3A_281 = arith.constant 0 : i32
            %cond3A_282 = arith.cmpi ne, %convert_element_type3A_280, %cond3A_281 : i32
            scf.if %cond3A_282 {
              %slice3A_398 = vector.extract_strided_slice %get3A_260 {offsets = [0], sizes = [1], strides = [1]} : vector<16xi32> to vector<1xi32>
              %squeeze3A_399 = vector.extract %slice3A_398[0] : i32 from vector<1xi32>
              %mul3A_400 = arith.constant 16 : i32
              %mul3A_401 = arith.muli %scan3A_257, %mul3A_400 : i32
              %add3A_402 = arith.constant 0 : i32
              %add3A_403 = arith.addi %mul3A_401, %add3A_402 : i32
              %and3A = arith.constant 1023 : i32
              %and3A_404 = arith.andi %squeeze3A_399, %and3A : i32
              %add3A_405 = vector.broadcast %and3A_404 : i32 to vector<16xi32>
              %add3A_406 = arith.addi %broadcast_in_dim3A_1, %add3A_405 : vector<16xi32>
              %gather3A_407 = tpu.vector_load_idx %arg7[%iota3A, %add3A_406] : memref<32x1024xf32, #tpu.memory_space<vmem>>[vector<16xi32>, vector<16xi32>], vector<16xf32>,
              %gather3A_408 = tpu.vector_load_idx %arg7[%add3A_17, %add3A_406] : memref<32x1024xf32, #tpu.memory_space<vmem>>[vector<16xi32>, vector<16xi32>], vector<16xf32>,
              %swap3A_409 = arith.constant 0 : i32
              %swap3A_410 = arith.index_cast %swap3A_409 : i32 to index
              %swap3A_411 = arith.constant 0 : index
              %swap3A_412 = tpu.vector_load %arg13[%swap3A_410, %swap3A_411] {strides = array<i32>} : memref<64x32xf32, #tpu.memory_space<vmem>>, vector<16xf32>,
              tpu.vector_store %arg13[%swap3A_410, %swap3A_411], %gather3A_407 {strides = array<i32>} : memref<64x32xf32, #tpu.memory_space<vmem>>, vector<16xf32>,
              %swap3A_413 = arith.constant 0 : i32
              %swap3A_414 = arith.index_cast %swap3A_413 : i32 to index
              %swap3A_415 = arith.constant 16 : index
              %swap3A_416 = tpu.vector_load %arg13[%swap3A_414, %swap3A_415] {strides = array<i32>} : memref<64x32xf32, #tpu.memory_space<vmem>>, vector<16xf32>,
              tpu.vector_store %arg13[%swap3A_414, %swap3A_415], %gather3A_408 {strides = array<i32>} : memref<64x32xf32, #tpu.memory_space<vmem>>, vector<16xf32>,
              %dma_start3A = arith.constant 0 : i32
              %dma_start3A_417 = arith.constant 0 : i32
              %dma_start3A_418 = tpu.memref_slice %arg13[%dma_start3A, %dma_start3A_417] : memref<64x32xf32, #tpu.memory_space<vmem>> -> memref<1x32xf32, #tpu.memory_space<vmem>>
              %dma_start3A_419 = arith.constant 0 : i32
              %dma_start3A_420 = tpu.memref_slice %arg5[%add3A_403, %dma_start3A_419] : memref<16384x32xf32, #tpu.memory_space<hbm>> -> memref<1x32xf32, #tpu.memory_space<hbm>>
              %dma_start3A_421 = arith.constant 0 : i32
              %dma_start3A_422 = tpu.memref_slice %arg5[%add3A_403, %dma_start3A_421] : memref<16384x32xf32, #tpu.memory_space<hbm>> -> memref<1x32xf32, #tpu.memory_space<hbm>>
              %dma_start3A_423 = arith.constant 0 : i32
              %dma_start3A_424 = arith.constant 0 : i32
              %dma_start3A_425 = tpu.memref_slice %arg13[%dma_start3A_423, %dma_start3A_424] : memref<64x32xf32, #tpu.memory_space<vmem>> -> memref<1x32xf32, #tpu.memory_space<vmem>>
              tpu.enqueue_dma source(%dma_start3A_425 : memref<1x32xf32, #tpu.memory_space<vmem>>) target(%dma_start3A_422 : memref<1x32xf32, #tpu.memory_space<hbm>>) target_semaphore(%arg14 : memref<!tpu.dma_semaphore, #tpu.memory_space<semaphore_mem>>)
            } else {
            }
            %slice3A_283 = vector.extract_strided_slice %select_n3A_275 {offsets = [1], sizes = [1], strides = [1]} : vector<16xi32> to vector<1xi32>
            %squeeze3A_284 = vector.extract %slice3A_283[0] : i32 from vector<1xi32>
            %gt3A_285 = arith.constant 0 : i32
            %gt3A_286 = arith.cmpi sgt, %squeeze3A_284, %gt3A_285 : i32
            %convert_element_type3A_287 = arith.extui %gt3A_286 : i1 to i32
            %cond3A_288 = arith.constant 0 : i32
            %cond3A_289 = arith.cmpi ne, %convert_element_type3A_287, %cond3A_288 : i32
            scf.if %cond3A_289 {
              %slice3A_398 = vector.extract_strided_slice %get3A_260 {offsets = [1], sizes = [1], strides = [1]} : vector<16xi32> to vector<1xi32>
              %squeeze3A_399 = vector.extract %slice3A_398[0] : i32 from vector<1xi32>
              %mul3A_400 = arith.constant 16 : i32
              %mul3A_401 = arith.muli %scan3A_257, %mul3A_400 : i32
              %add3A_402 = arith.constant 1 : i32
              %add3A_403 = arith.addi %mul3A_401, %add3A_402 : i32
              %and3A = arith.constant 1023 : i32
              %and3A_404 = arith.andi %squeeze3A_399, %and3A : i32
              %add3A_405 = vector.broadcast %and3A_404 : i32 to vector<16xi32>
              %add3A_406 = arith.addi %broadcast_in_dim3A_1, %add3A_405 : vector<16xi32>
              %gather3A_407 = tpu.vector_load_idx %arg7[%iota3A, %add3A_406] : memref<32x1024xf32, #tpu.memory_space<vmem>>[vector<16xi32>, vector<16xi32>], vector<16xf32>,
              %gather3A_408 = tpu.vector_load_idx %arg7[%add3A_17, %add3A_406] : memref<32x1024xf32, #tpu.memory_space<vmem>>[vector<16xi32>, vector<16xi32>], vector<16xf32>,
              %swap3A_409 = arith.constant 1 : i32
              %swap3A_410 = arith.index_cast %swap3A_409 : i32 to index
              %swap3A_411 = arith.constant 0 : index
              %swap3A_412 = tpu.vector_load %arg13[%swap3A_410, %swap3A_411] {strides = array<i32>} : memref<64x32xf32, #tpu.memory_space<vmem>>, vector<16xf32>,
              tpu.vector_store %arg13[%swap3A_410, %swap3A_411], %gather3A_407 {strides = array<i32>} : memref<64x32xf32, #tpu.memory_space<vmem>>, vector<16xf32>,
              %swap3A_413 = arith.constant 1 : i32
              %swap3A_414 = arith.index_cast %swap3A_413 : i32 to index
              %swap3A_415 = arith.constant 16 : index
              %swap3A_416 = tpu.vector_load %arg13[%swap3A_414, %swap3A_415] {strides = array<i32>} : memref<64x32xf32, #tpu.memory_space<vmem>>, vector<16xf32>,
              tpu.vector_store %arg13[%swap3A_414, %swap3A_415], %gather3A_408 {strides = array<i32>} : memref<64x32xf32, #tpu.memory_space<vmem>>, vector<16xf32>,
              %dma_start3A = arith.constant 1 : i32
              %dma_start3A_417 = arith.constant 0 : i32
              %dma_start3A_418 = tpu.memref_slice %arg13[%dma_start3A, %dma_start3A_417] : memref<64x32xf32, #tpu.memory_space<vmem>> -> memref<1x32xf32, #tpu.memory_space<vmem>>
              %dma_start3A_419 = arith.constant 0 : i32
              %dma_start3A_420 = tpu.memref_slice %arg5[%add3A_403, %dma_start3A_419] : memref<16384x32xf32, #tpu.memory_space<hbm>> -> memref<1x32xf32, #tpu.memory_space<hbm>>
              %dma_start3A_421 = arith.constant 0 : i32
              %dma_start3A_422 = tpu.memref_slice %arg5[%add3A_403, %dma_start3A_421] : memref<16384x32xf32, #tpu.memory_space<hbm>> -> memref<1x32xf32, #tpu.memory_space<hbm>>
              %dma_start3A_423 = arith.constant 1 : i32
              %dma_start3A_424 = arith.constant 0 : i32
              %dma_start3A_425 = tpu.memref_slice %arg13[%dma_start3A_423, %dma_start3A_424] : memref<64x32xf32, #tpu.memory_space<vmem>> -> memref<1x32xf32, #tpu.memory_space<vmem>>
              tpu.enqueue_dma source(%dma_start3A_425 : memref<1x32xf32, #tpu.memory_space<vmem>>) target(%dma_start3A_422 : memref<1x32xf32, #tpu.memory_space<hbm>>) target_semaphore(%arg14 : memref<!tpu.dma_semaphore, #tpu.memory_space<semaphore_mem>>)
            } else {
            }
            %slice3A_290 = vector.extract_strided_slice %select_n3A_275 {offsets = [2], sizes = [1], strides = [1]} : vector<16xi32> to vector<1xi32>
            %squeeze3A_291 = vector.extract %slice3A_290[0] : i32 from vector<1xi32>
            %gt3A_292 = arith.constant 0 : i32
            %gt3A_293 = arith.cmpi sgt, %squeeze3A_291, %gt3A_292 : i32
            %convert_element_type3A_294 = arith.extui %gt3A_293 : i1 to i32
            %cond3A_295 = arith.constant 0 : i32
            %cond3A_296 = arith.cmpi ne, %convert_element_type3A_294, %cond3A_295 : i32
            scf.if %cond3A_296 {
              %slice3A_398 = vector.extract_strided_slice %get3A_260 {offsets = [2], sizes = [1], strides = [1]} : vector<16xi32> to vector<1xi32>
              %squeeze3A_399 = vector.extract %slice3A_398[0] : i32 from vector<1xi32>
              %mul3A_400 = arith.constant 16 : i32
              %mul3A_401 = arith.muli %scan3A_257, %mul3A_400 : i32
              %add3A_402 = arith.constant 2 : i32
              %add3A_403 = arith.addi %mul3A_401, %add3A_402 : i32
              %and3A = arith.constant 1023 : i32
              %and3A_404 = arith.andi %squeeze3A_399, %and3A : i32
              %add3A_405 = vector.broadcast %and3A_404 : i32 to vector<16xi32>
              %add3A_406 = arith.addi %broadcast_in_dim3A_1, %add3A_405 : vector<16xi32>
              %gather3A_407 = tpu.vector_load_idx %arg7[%iota3A, %add3A_406] : memref<32x1024xf32, #tpu.memory_space<vmem>>[vector<16xi32>, vector<16xi32>], vector<16xf32>,
              %gather3A_408 = tpu.vector_load_idx %arg7[%add3A_17, %add3A_406] : memref<32x1024xf32, #tpu.memory_space<vmem>>[vector<16xi32>, vector<16xi32>], vector<16xf32>,
              %swap3A_409 = arith.constant 2 : i32
              %swap3A_410 = arith.index_cast %swap3A_409 : i32 to index
              %swap3A_411 = arith.constant 0 : index
              %swap3A_412 = tpu.vector_load %arg13[%swap3A_410, %swap3A_411] {strides = array<i32>} : memref<64x32xf32, #tpu.memory_space<vmem>>, vector<16xf32>,
              tpu.vector_store %arg13[%swap3A_410, %swap3A_411], %gather3A_407 {strides = array<i32>} : memref<64x32xf32, #tpu.memory_space<vmem>>, vector<16xf32>,
              %swap3A_413 = arith.constant 2 : i32
              %swap3A_414 = arith.index_cast %swap3A_413 : i32 to index
              %swap3A_415 = arith.constant 16 : index
              %swap3A_416 = tpu.vector_load %arg13[%swap3A_414, %swap3A_415] {strides = array<i32>} : memref<64x32xf32, #tpu.memory_space<vmem>>, vector<16xf32>,
              tpu.vector_store %arg13[%swap3A_414, %swap3A_415], %gather3A_408 {strides = array<i32>} : memref<64x32xf32, #tpu.memory_space<vmem>>, vector<16xf32>,
              %dma_start3A = arith.constant 2 : i32
              %dma_start3A_417 = arith.constant 0 : i32
              %dma_start3A_418 = tpu.memref_slice %arg13[%dma_start3A, %dma_start3A_417] : memref<64x32xf32, #tpu.memory_space<vmem>> -> memref<1x32xf32, #tpu.memory_space<vmem>>
              %dma_start3A_419 = arith.constant 0 : i32
              %dma_start3A_420 = tpu.memref_slice %arg5[%add3A_403, %dma_start3A_419] : memref<16384x32xf32, #tpu.memory_space<hbm>> -> memref<1x32xf32, #tpu.memory_space<hbm>>
              %dma_start3A_421 = arith.constant 0 : i32
              %dma_start3A_422 = tpu.memref_slice %arg5[%add3A_403, %dma_start3A_421] : memref<16384x32xf32, #tpu.memory_space<hbm>> -> memref<1x32xf32, #tpu.memory_space<hbm>>
              %dma_start3A_423 = arith.constant 2 : i32
              %dma_start3A_424 = arith.constant 0 : i32
              %dma_start3A_425 = tpu.memref_slice %arg13[%dma_start3A_423, %dma_start3A_424] : memref<64x32xf32, #tpu.memory_space<vmem>> -> memref<1x32xf32, #tpu.memory_space<vmem>>
              tpu.enqueue_dma source(%dma_start3A_425 : memref<1x32xf32, #tpu.memory_space<vmem>>) target(%dma_start3A_422 : memref<1x32xf32, #tpu.memory_space<hbm>>) target_semaphore(%arg14 : memref<!tpu.dma_semaphore, #tpu.memory_space<semaphore_mem>>)
            } else {
            }
            %slice3A_297 = vector.extract_strided_slice %select_n3A_275 {offsets = [3], sizes = [1], strides = [1]} : vector<16xi32> to vector<1xi32>
            %squeeze3A_298 = vector.extract %slice3A_297[0] : i32 from vector<1xi32>
            %gt3A_299 = arith.constant 0 : i32
            %gt3A_300 = arith.cmpi sgt, %squeeze3A_298, %gt3A_299 : i32
            %convert_element_type3A_301 = arith.extui %gt3A_300 : i1 to i32
            %cond3A_302 = arith.constant 0 : i32
            %cond3A_303 = arith.cmpi ne, %convert_element_type3A_301, %cond3A_302 : i32
            scf.if %cond3A_303 {
              %slice3A_398 = vector.extract_strided_slice %get3A_260 {offsets = [3], sizes = [1], strides = [1]} : vector<16xi32> to vector<1xi32>
              %squeeze3A_399 = vector.extract %slice3A_398[0] : i32 from vector<1xi32>
              %mul3A_400 = arith.constant 16 : i32
              %mul3A_401 = arith.muli %scan3A_257, %mul3A_400 : i32
              %add3A_402 = arith.constant 3 : i32
              %add3A_403 = arith.addi %mul3A_401, %add3A_402 : i32
              %and3A = arith.constant 1023 : i32
              %and3A_404 = arith.andi %squeeze3A_399, %and3A : i32
              %add3A_405 = vector.broadcast %and3A_404 : i32 to vector<16xi32>
              %add3A_406 = arith.addi %broadcast_in_dim3A_1, %add3A_405 : vector<16xi32>
              %gather3A_407 = tpu.vector_load_idx %arg7[%iota3A, %add3A_406] : memref<32x1024xf32, #tpu.memory_space<vmem>>[vector<16xi32>, vector<16xi32>], vector<16xf32>,
              %gather3A_408 = tpu.vector_load_idx %arg7[%add3A_17, %add3A_406] : memref<32x1024xf32, #tpu.memory_space<vmem>>[vector<16xi32>, vector<16xi32>], vector<16xf32>,
              %swap3A_409 = arith.constant 3 : i32
              %swap3A_410 = arith.index_cast %swap3A_409 : i32 to index
              %swap3A_411 = arith.constant 0 : index
              %swap3A_412 = tpu.vector_load %arg13[%swap3A_410, %swap3A_411] {strides = array<i32>} : memref<64x32xf32, #tpu.memory_space<vmem>>, vector<16xf32>,
              tpu.vector_store %arg13[%swap3A_410, %swap3A_411], %gather3A_407 {strides = array<i32>} : memref<64x32xf32, #tpu.memory_space<vmem>>, vector<16xf32>,
              %swap3A_413 = arith.constant 3 : i32
              %swap3A_414 = arith.index_cast %swap3A_413 : i32 to index
              %swap3A_415 = arith.constant 16 : index
              %swap3A_416 = tpu.vector_load %arg13[%swap3A_414, %swap3A_415] {strides = array<i32>} : memref<64x32xf32, #tpu.memory_space<vmem>>, vector<16xf32>,
              tpu.vector_store %arg13[%swap3A_414, %swap3A_415], %gather3A_408 {strides = array<i32>} : memref<64x32xf32, #tpu.memory_space<vmem>>, vector<16xf32>,
              %dma_start3A = arith.constant 3 : i32
              %dma_start3A_417 = arith.constant 0 : i32
              %dma_start3A_418 = tpu.memref_slice %arg13[%dma_start3A, %dma_start3A_417] : memref<64x32xf32, #tpu.memory_space<vmem>> -> memref<1x32xf32, #tpu.memory_space<vmem>>
              %dma_start3A_419 = arith.constant 0 : i32
              %dma_start3A_420 = tpu.memref_slice %arg5[%add3A_403, %dma_start3A_419] : memref<16384x32xf32, #tpu.memory_space<hbm>> -> memref<1x32xf32, #tpu.memory_space<hbm>>
              %dma_start3A_421 = arith.constant 0 : i32
              %dma_start3A_422 = tpu.memref_slice %arg5[%add3A_403, %dma_start3A_421] : memref<16384x32xf32, #tpu.memory_space<hbm>> -> memref<1x32xf32, #tpu.memory_space<hbm>>
              %dma_start3A_423 = arith.constant 3 : i32
              %dma_start3A_424 = arith.constant 0 : i32
              %dma_start3A_425 = tpu.memref_slice %arg13[%dma_start3A_423, %dma_start3A_424] : memref<64x32xf32, #tpu.memory_space<vmem>> -> memref<1x32xf32, #tpu.memory_space<vmem>>
              tpu.enqueue_dma source(%dma_start3A_425 : memref<1x32xf32, #tpu.memory_space<vmem>>) target(%dma_start3A_422 : memref<1x32xf32, #tpu.memory_space<hbm>>) target_semaphore(%arg14 : memref<!tpu.dma_semaphore, #tpu.memory_space<semaphore_mem>>)
            } else {
            }
            %slice3A_304 = vector.extract_strided_slice %select_n3A_275 {offsets = [4], sizes = [1], strides = [1]} : vector<16xi32> to vector<1xi32>
            %squeeze3A_305 = vector.extract %slice3A_304[0] : i32 from vector<1xi32>
            %gt3A_306 = arith.constant 0 : i32
            %gt3A_307 = arith.cmpi sgt, %squeeze3A_305, %gt3A_306 : i32
            %convert_element_type3A_308 = arith.extui %gt3A_307 : i1 to i32
            %cond3A_309 = arith.constant 0 : i32
            %cond3A_310 = arith.cmpi ne, %convert_element_type3A_308, %cond3A_309 : i32
            scf.if %cond3A_310 {
              %slice3A_398 = vector.extract_strided_slice %get3A_260 {offsets = [4], sizes = [1], strides = [1]} : vector<16xi32> to vector<1xi32>
              %squeeze3A_399 = vector.extract %slice3A_398[0] : i32 from vector<1xi32>
              %mul3A_400 = arith.constant 16 : i32
              %mul3A_401 = arith.muli %scan3A_257, %mul3A_400 : i32
              %add3A_402 = arith.constant 4 : i32
              %add3A_403 = arith.addi %mul3A_401, %add3A_402 : i32
              %and3A = arith.constant 1023 : i32
              %and3A_404 = arith.andi %squeeze3A_399, %and3A : i32
              %add3A_405 = vector.broadcast %and3A_404 : i32 to vector<16xi32>
              %add3A_406 = arith.addi %broadcast_in_dim3A_1, %add3A_405 : vector<16xi32>
              %gather3A_407 = tpu.vector_load_idx %arg7[%iota3A, %add3A_406] : memref<32x1024xf32, #tpu.memory_space<vmem>>[vector<16xi32>, vector<16xi32>], vector<16xf32>,
              %gather3A_408 = tpu.vector_load_idx %arg7[%add3A_17, %add3A_406] : memref<32x1024xf32, #tpu.memory_space<vmem>>[vector<16xi32>, vector<16xi32>], vector<16xf32>,
              %swap3A_409 = arith.constant 4 : i32
              %swap3A_410 = arith.index_cast %swap3A_409 : i32 to index
              %swap3A_411 = arith.constant 0 : index
              %swap3A_412 = tpu.vector_load %arg13[%swap3A_410, %swap3A_411] {strides = array<i32>} : memref<64x32xf32, #tpu.memory_space<vmem>>, vector<16xf32>,
              tpu.vector_store %arg13[%swap3A_410, %swap3A_411], %gather3A_407 {strides = array<i32>} : memref<64x32xf32, #tpu.memory_space<vmem>>, vector<16xf32>,
              %swap3A_413 = arith.constant 4 : i32
              %swap3A_414 = arith.index_cast %swap3A_413 : i32 to index
              %swap3A_415 = arith.constant 16 : index
              %swap3A_416 = tpu.vector_load %arg13[%swap3A_414, %swap3A_415] {strides = array<i32>} : memref<64x32xf32, #tpu.memory_space<vmem>>, vector<16xf32>,
              tpu.vector_store %arg13[%swap3A_414, %swap3A_415], %gather3A_408 {strides = array<i32>} : memref<64x32xf32, #tpu.memory_space<vmem>>, vector<16xf32>,
              %dma_start3A = arith.constant 4 : i32
              %dma_start3A_417 = arith.constant 0 : i32
              %dma_start3A_418 = tpu.memref_slice %arg13[%dma_start3A, %dma_start3A_417] : memref<64x32xf32, #tpu.memory_space<vmem>> -> memref<1x32xf32, #tpu.memory_space<vmem>>
              %dma_start3A_419 = arith.constant 0 : i32
              %dma_start3A_420 = tpu.memref_slice %arg5[%add3A_403, %dma_start3A_419] : memref<16384x32xf32, #tpu.memory_space<hbm>> -> memref<1x32xf32, #tpu.memory_space<hbm>>
              %dma_start3A_421 = arith.constant 0 : i32
              %dma_start3A_422 = tpu.memref_slice %arg5[%add3A_403, %dma_start3A_421] : memref<16384x32xf32, #tpu.memory_space<hbm>> -> memref<1x32xf32, #tpu.memory_space<hbm>>
              %dma_start3A_423 = arith.constant 4 : i32
              %dma_start3A_424 = arith.constant 0 : i32
              %dma_start3A_425 = tpu.memref_slice %arg13[%dma_start3A_423, %dma_start3A_424] : memref<64x32xf32, #tpu.memory_space<vmem>> -> memref<1x32xf32, #tpu.memory_space<vmem>>
              tpu.enqueue_dma source(%dma_start3A_425 : memref<1x32xf32, #tpu.memory_space<vmem>>) target(%dma_start3A_422 : memref<1x32xf32, #tpu.memory_space<hbm>>) target_semaphore(%arg14 : memref<!tpu.dma_semaphore, #tpu.memory_space<semaphore_mem>>)
            } else {
            }
            %slice3A_311 = vector.extract_strided_slice %select_n3A_275 {offsets = [5], sizes = [1], strides = [1]} : vector<16xi32> to vector<1xi32>
            %squeeze3A_312 = vector.extract %slice3A_311[0] : i32 from vector<1xi32>
            %gt3A_313 = arith.constant 0 : i32
            %gt3A_314 = arith.cmpi sgt, %squeeze3A_312, %gt3A_313 : i32
            %convert_element_type3A_315 = arith.extui %gt3A_314 : i1 to i32
            %cond3A_316 = arith.constant 0 : i32
            %cond3A_317 = arith.cmpi ne, %convert_element_type3A_315, %cond3A_316 : i32
            scf.if %cond3A_317 {
              %slice3A_398 = vector.extract_strided_slice %get3A_260 {offsets = [5], sizes = [1], strides = [1]} : vector<16xi32> to vector<1xi32>
              %squeeze3A_399 = vector.extract %slice3A_398[0] : i32 from vector<1xi32>
              %mul3A_400 = arith.constant 16 : i32
              %mul3A_401 = arith.muli %scan3A_257, %mul3A_400 : i32
              %add3A_402 = arith.constant 5 : i32
              %add3A_403 = arith.addi %mul3A_401, %add3A_402 : i32
              %and3A = arith.constant 1023 : i32
              %and3A_404 = arith.andi %squeeze3A_399, %and3A : i32
              %add3A_405 = vector.broadcast %and3A_404 : i32 to vector<16xi32>
              %add3A_406 = arith.addi %broadcast_in_dim3A_1, %add3A_405 : vector<16xi32>
              %gather3A_407 = tpu.vector_load_idx %arg7[%iota3A, %add3A_406] : memref<32x1024xf32, #tpu.memory_space<vmem>>[vector<16xi32>, vector<16xi32>], vector<16xf32>,
              %gather3A_408 = tpu.vector_load_idx %arg7[%add3A_17, %add3A_406] : memref<32x1024xf32, #tpu.memory_space<vmem>>[vector<16xi32>, vector<16xi32>], vector<16xf32>,
              %swap3A_409 = arith.constant 5 : i32
              %swap3A_410 = arith.index_cast %swap3A_409 : i32 to index
              %swap3A_411 = arith.constant 0 : index
              %swap3A_412 = tpu.vector_load %arg13[%swap3A_410, %swap3A_411] {strides = array<i32>} : memref<64x32xf32, #tpu.memory_space<vmem>>, vector<16xf32>,
              tpu.vector_store %arg13[%swap3A_410, %swap3A_411], %gather3A_407 {strides = array<i32>} : memref<64x32xf32, #tpu.memory_space<vmem>>, vector<16xf32>,
              %swap3A_413 = arith.constant 5 : i32
              %swap3A_414 = arith.index_cast %swap3A_413 : i32 to index
              %swap3A_415 = arith.constant 16 : index
              %swap3A_416 = tpu.vector_load %arg13[%swap3A_414, %swap3A_415] {strides = array<i32>} : memref<64x32xf32, #tpu.memory_space<vmem>>, vector<16xf32>,
              tpu.vector_store %arg13[%swap3A_414, %swap3A_415], %gather3A_408 {strides = array<i32>} : memref<64x32xf32, #tpu.memory_space<vmem>>, vector<16xf32>,
              %dma_start3A = arith.constant 5 : i32
              %dma_start3A_417 = arith.constant 0 : i32
              %dma_start3A_418 = tpu.memref_slice %arg13[%dma_start3A, %dma_start3A_417] : memref<64x32xf32, #tpu.memory_space<vmem>> -> memref<1x32xf32, #tpu.memory_space<vmem>>
              %dma_start3A_419 = arith.constant 0 : i32
              %dma_start3A_420 = tpu.memref_slice %arg5[%add3A_403, %dma_start3A_419] : memref<16384x32xf32, #tpu.memory_space<hbm>> -> memref<1x32xf32, #tpu.memory_space<hbm>>
              %dma_start3A_421 = arith.constant 0 : i32
              %dma_start3A_422 = tpu.memref_slice %arg5[%add3A_403, %dma_start3A_421] : memref<16384x32xf32, #tpu.memory_space<hbm>> -> memref<1x32xf32, #tpu.memory_space<hbm>>
              %dma_start3A_423 = arith.constant 5 : i32
              %dma_start3A_424 = arith.constant 0 : i32
              %dma_start3A_425 = tpu.memref_slice %arg13[%dma_start3A_423, %dma_start3A_424] : memref<64x32xf32, #tpu.memory_space<vmem>> -> memref<1x32xf32, #tpu.memory_space<vmem>>
              tpu.enqueue_dma source(%dma_start3A_425 : memref<1x32xf32, #tpu.memory_space<vmem>>) target(%dma_start3A_422 : memref<1x32xf32, #tpu.memory_space<hbm>>) target_semaphore(%arg14 : memref<!tpu.dma_semaphore, #tpu.memory_space<semaphore_mem>>)
            } else {
            }
            %slice3A_318 = vector.extract_strided_slice %select_n3A_275 {offsets = [6], sizes = [1], strides = [1]} : vector<16xi32> to vector<1xi32>
            %squeeze3A_319 = vector.extract %slice3A_318[0] : i32 from vector<1xi32>
            %gt3A_320 = arith.constant 0 : i32
            %gt3A_321 = arith.cmpi sgt, %squeeze3A_319, %gt3A_320 : i32
            %convert_element_type3A_322 = arith.extui %gt3A_321 : i1 to i32
            %cond3A_323 = arith.constant 0 : i32
            %cond3A_324 = arith.cmpi ne, %convert_element_type3A_322, %cond3A_323 : i32
            scf.if %cond3A_324 {
              %slice3A_398 = vector.extract_strided_slice %get3A_260 {offsets = [6], sizes = [1], strides = [1]} : vector<16xi32> to vector<1xi32>
              %squeeze3A_399 = vector.extract %slice3A_398[0] : i32 from vector<1xi32>
              %mul3A_400 = arith.constant 16 : i32
              %mul3A_401 = arith.muli %scan3A_257, %mul3A_400 : i32
              %add3A_402 = arith.constant 6 : i32
              %add3A_403 = arith.addi %mul3A_401, %add3A_402 : i32
              %and3A = arith.constant 1023 : i32
              %and3A_404 = arith.andi %squeeze3A_399, %and3A : i32
              %add3A_405 = vector.broadcast %and3A_404 : i32 to vector<16xi32>
              %add3A_406 = arith.addi %broadcast_in_dim3A_1, %add3A_405 : vector<16xi32>
              %gather3A_407 = tpu.vector_load_idx %arg7[%iota3A, %add3A_406] : memref<32x1024xf32, #tpu.memory_space<vmem>>[vector<16xi32>, vector<16xi32>], vector<16xf32>,
              %gather3A_408 = tpu.vector_load_idx %arg7[%add3A_17, %add3A_406] : memref<32x1024xf32, #tpu.memory_space<vmem>>[vector<16xi32>, vector<16xi32>], vector<16xf32>,
              %swap3A_409 = arith.constant 6 : i32
              %swap3A_410 = arith.index_cast %swap3A_409 : i32 to index
              %swap3A_411 = arith.constant 0 : index
              %swap3A_412 = tpu.vector_load %arg13[%swap3A_410, %swap3A_411] {strides = array<i32>} : memref<64x32xf32, #tpu.memory_space<vmem>>, vector<16xf32>,
              tpu.vector_store %arg13[%swap3A_410, %swap3A_411], %gather3A_407 {strides = array<i32>} : memref<64x32xf32, #tpu.memory_space<vmem>>, vector<16xf32>,
              %swap3A_413 = arith.constant 6 : i32
              %swap3A_414 = arith.index_cast %swap3A_413 : i32 to index
              %swap3A_415 = arith.constant 16 : index
              %swap3A_416 = tpu.vector_load %arg13[%swap3A_414, %swap3A_415] {strides = array<i32>} : memref<64x32xf32, #tpu.memory_space<vmem>>, vector<16xf32>,
              tpu.vector_store %arg13[%swap3A_414, %swap3A_415], %gather3A_408 {strides = array<i32>} : memref<64x32xf32, #tpu.memory_space<vmem>>, vector<16xf32>,
              %dma_start3A = arith.constant 6 : i32
              %dma_start3A_417 = arith.constant 0 : i32
              %dma_start3A_418 = tpu.memref_slice %arg13[%dma_start3A, %dma_start3A_417] : memref<64x32xf32, #tpu.memory_space<vmem>> -> memref<1x32xf32, #tpu.memory_space<vmem>>
              %dma_start3A_419 = arith.constant 0 : i32
              %dma_start3A_420 = tpu.memref_slice %arg5[%add3A_403, %dma_start3A_419] : memref<16384x32xf32, #tpu.memory_space<hbm>> -> memref<1x32xf32, #tpu.memory_space<hbm>>
              %dma_start3A_421 = arith.constant 0 : i32
              %dma_start3A_422 = tpu.memref_slice %arg5[%add3A_403, %dma_start3A_421] : memref<16384x32xf32, #tpu.memory_space<hbm>> -> memref<1x32xf32, #tpu.memory_space<hbm>>
              %dma_start3A_423 = arith.constant 6 : i32
              %dma_start3A_424 = arith.constant 0 : i32
              %dma_start3A_425 = tpu.memref_slice %arg13[%dma_start3A_423, %dma_start3A_424] : memref<64x32xf32, #tpu.memory_space<vmem>> -> memref<1x32xf32, #tpu.memory_space<vmem>>
              tpu.enqueue_dma source(%dma_start3A_425 : memref<1x32xf32, #tpu.memory_space<vmem>>) target(%dma_start3A_422 : memref<1x32xf32, #tpu.memory_space<hbm>>) target_semaphore(%arg14 : memref<!tpu.dma_semaphore, #tpu.memory_space<semaphore_mem>>)
            } else {
            }
            %slice3A_325 = vector.extract_strided_slice %select_n3A_275 {offsets = [7], sizes = [1], strides = [1]} : vector<16xi32> to vector<1xi32>
            %squeeze3A_326 = vector.extract %slice3A_325[0] : i32 from vector<1xi32>
            %gt3A_327 = arith.constant 0 : i32
            %gt3A_328 = arith.cmpi sgt, %squeeze3A_326, %gt3A_327 : i32
            %convert_element_type3A_329 = arith.extui %gt3A_328 : i1 to i32
            %cond3A_330 = arith.constant 0 : i32
            %cond3A_331 = arith.cmpi ne, %convert_element_type3A_329, %cond3A_330 : i32
            scf.if %cond3A_331 {
              %slice3A_398 = vector.extract_strided_slice %get3A_260 {offsets = [7], sizes = [1], strides = [1]} : vector<16xi32> to vector<1xi32>
              %squeeze3A_399 = vector.extract %slice3A_398[0] : i32 from vector<1xi32>
              %mul3A_400 = arith.constant 16 : i32
              %mul3A_401 = arith.muli %scan3A_257, %mul3A_400 : i32
              %add3A_402 = arith.constant 7 : i32
              %add3A_403 = arith.addi %mul3A_401, %add3A_402 : i32
              %and3A = arith.constant 1023 : i32
              %and3A_404 = arith.andi %squeeze3A_399, %and3A : i32
              %add3A_405 = vector.broadcast %and3A_404 : i32 to vector<16xi32>
              %add3A_406 = arith.addi %broadcast_in_dim3A_1, %add3A_405 : vector<16xi32>
              %gather3A_407 = tpu.vector_load_idx %arg7[%iota3A, %add3A_406] : memref<32x1024xf32, #tpu.memory_space<vmem>>[vector<16xi32>, vector<16xi32>], vector<16xf32>,
              %gather3A_408 = tpu.vector_load_idx %arg7[%add3A_17, %add3A_406] : memref<32x1024xf32, #tpu.memory_space<vmem>>[vector<16xi32>, vector<16xi32>], vector<16xf32>,
              %swap3A_409 = arith.constant 7 : i32
              %swap3A_410 = arith.index_cast %swap3A_409 : i32 to index
              %swap3A_411 = arith.constant 0 : index
              %swap3A_412 = tpu.vector_load %arg13[%swap3A_410, %swap3A_411] {strides = array<i32>} : memref<64x32xf32, #tpu.memory_space<vmem>>, vector<16xf32>,
              tpu.vector_store %arg13[%swap3A_410, %swap3A_411], %gather3A_407 {strides = array<i32>} : memref<64x32xf32, #tpu.memory_space<vmem>>, vector<16xf32>,
              %swap3A_413 = arith.constant 7 : i32
              %swap3A_414 = arith.index_cast %swap3A_413 : i32 to index
              %swap3A_415 = arith.constant 16 : index
              %swap3A_416 = tpu.vector_load %arg13[%swap3A_414, %swap3A_415] {strides = array<i32>} : memref<64x32xf32, #tpu.memory_space<vmem>>, vector<16xf32>,
              tpu.vector_store %arg13[%swap3A_414, %swap3A_415], %gather3A_408 {strides = array<i32>} : memref<64x32xf32, #tpu.memory_space<vmem>>, vector<16xf32>,
              %dma_start3A = arith.constant 7 : i32
              %dma_start3A_417 = arith.constant 0 : i32
              %dma_start3A_418 = tpu.memref_slice %arg13[%dma_start3A, %dma_start3A_417] : memref<64x32xf32, #tpu.memory_space<vmem>> -> memref<1x32xf32, #tpu.memory_space<vmem>>
              %dma_start3A_419 = arith.constant 0 : i32
              %dma_start3A_420 = tpu.memref_slice %arg5[%add3A_403, %dma_start3A_419] : memref<16384x32xf32, #tpu.memory_space<hbm>> -> memref<1x32xf32, #tpu.memory_space<hbm>>
              %dma_start3A_421 = arith.constant 0 : i32
              %dma_start3A_422 = tpu.memref_slice %arg5[%add3A_403, %dma_start3A_421] : memref<16384x32xf32, #tpu.memory_space<hbm>> -> memref<1x32xf32, #tpu.memory_space<hbm>>
              %dma_start3A_423 = arith.constant 7 : i32
              %dma_start3A_424 = arith.constant 0 : i32
              %dma_start3A_425 = tpu.memref_slice %arg13[%dma_start3A_423, %dma_start3A_424] : memref<64x32xf32, #tpu.memory_space<vmem>> -> memref<1x32xf32, #tpu.memory_space<vmem>>
              tpu.enqueue_dma source(%dma_start3A_425 : memref<1x32xf32, #tpu.memory_space<vmem>>) target(%dma_start3A_422 : memref<1x32xf32, #tpu.memory_space<hbm>>) target_semaphore(%arg14 : memref<!tpu.dma_semaphore, #tpu.memory_space<semaphore_mem>>)
            } else {
            }
            %slice3A_332 = vector.extract_strided_slice %select_n3A_275 {offsets = [8], sizes = [1], strides = [1]} : vector<16xi32> to vector<1xi32>
            %squeeze3A_333 = vector.extract %slice3A_332[0] : i32 from vector<1xi32>
            %gt3A_334 = arith.constant 0 : i32
            %gt3A_335 = arith.cmpi sgt, %squeeze3A_333, %gt3A_334 : i32
            %convert_element_type3A_336 = arith.extui %gt3A_335 : i1 to i32
            %cond3A_337 = arith.constant 0 : i32
            %cond3A_338 = arith.cmpi ne, %convert_element_type3A_336, %cond3A_337 : i32
            scf.if %cond3A_338 {
              %slice3A_398 = vector.extract_strided_slice %get3A_260 {offsets = [8], sizes = [1], strides = [1]} : vector<16xi32> to vector<1xi32>
              %squeeze3A_399 = vector.extract %slice3A_398[0] : i32 from vector<1xi32>
              %mul3A_400 = arith.constant 16 : i32
              %mul3A_401 = arith.muli %scan3A_257, %mul3A_400 : i32
              %add3A_402 = arith.constant 8 : i32
              %add3A_403 = arith.addi %mul3A_401, %add3A_402 : i32
              %and3A = arith.constant 1023 : i32
              %and3A_404 = arith.andi %squeeze3A_399, %and3A : i32
              %add3A_405 = vector.broadcast %and3A_404 : i32 to vector<16xi32>
              %add3A_406 = arith.addi %broadcast_in_dim3A_1, %add3A_405 : vector<16xi32>
              %gather3A_407 = tpu.vector_load_idx %arg7[%iota3A, %add3A_406] : memref<32x1024xf32, #tpu.memory_space<vmem>>[vector<16xi32>, vector<16xi32>], vector<16xf32>,
              %gather3A_408 = tpu.vector_load_idx %arg7[%add3A_17, %add3A_406] : memref<32x1024xf32, #tpu.memory_space<vmem>>[vector<16xi32>, vector<16xi32>], vector<16xf32>,
              %swap3A_409 = arith.constant 8 : i32
              %swap3A_410 = arith.index_cast %swap3A_409 : i32 to index
              %swap3A_411 = arith.constant 0 : index
              %swap3A_412 = tpu.vector_load %arg13[%swap3A_410, %swap3A_411] {strides = array<i32>} : memref<64x32xf32, #tpu.memory_space<vmem>>, vector<16xf32>,
              tpu.vector_store %arg13[%swap3A_410, %swap3A_411], %gather3A_407 {strides = array<i32>} : memref<64x32xf32, #tpu.memory_space<vmem>>, vector<16xf32>,
              %swap3A_413 = arith.constant 8 : i32
              %swap3A_414 = arith.index_cast %swap3A_413 : i32 to index
              %swap3A_415 = arith.constant 16 : index
              %swap3A_416 = tpu.vector_load %arg13[%swap3A_414, %swap3A_415] {strides = array<i32>} : memref<64x32xf32, #tpu.memory_space<vmem>>, vector<16xf32>,
              tpu.vector_store %arg13[%swap3A_414, %swap3A_415], %gather3A_408 {strides = array<i32>} : memref<64x32xf32, #tpu.memory_space<vmem>>, vector<16xf32>,
              %dma_start3A = arith.constant 8 : i32
              %dma_start3A_417 = arith.constant 0 : i32
              %dma_start3A_418 = tpu.memref_slice %arg13[%dma_start3A, %dma_start3A_417] : memref<64x32xf32, #tpu.memory_space<vmem>> -> memref<1x32xf32, #tpu.memory_space<vmem>>
              %dma_start3A_419 = arith.constant 0 : i32
              %dma_start3A_420 = tpu.memref_slice %arg5[%add3A_403, %dma_start3A_419] : memref<16384x32xf32, #tpu.memory_space<hbm>> -> memref<1x32xf32, #tpu.memory_space<hbm>>
              %dma_start3A_421 = arith.constant 0 : i32
              %dma_start3A_422 = tpu.memref_slice %arg5[%add3A_403, %dma_start3A_421] : memref<16384x32xf32, #tpu.memory_space<hbm>> -> memref<1x32xf32, #tpu.memory_space<hbm>>
              %dma_start3A_423 = arith.constant 8 : i32
              %dma_start3A_424 = arith.constant 0 : i32
              %dma_start3A_425 = tpu.memref_slice %arg13[%dma_start3A_423, %dma_start3A_424] : memref<64x32xf32, #tpu.memory_space<vmem>> -> memref<1x32xf32, #tpu.memory_space<vmem>>
              tpu.enqueue_dma source(%dma_start3A_425 : memref<1x32xf32, #tpu.memory_space<vmem>>) target(%dma_start3A_422 : memref<1x32xf32, #tpu.memory_space<hbm>>) target_semaphore(%arg14 : memref<!tpu.dma_semaphore, #tpu.memory_space<semaphore_mem>>)
            } else {
            }
            %slice3A_339 = vector.extract_strided_slice %select_n3A_275 {offsets = [9], sizes = [1], strides = [1]} : vector<16xi32> to vector<1xi32>
            %squeeze3A_340 = vector.extract %slice3A_339[0] : i32 from vector<1xi32>
            %gt3A_341 = arith.constant 0 : i32
            %gt3A_342 = arith.cmpi sgt, %squeeze3A_340, %gt3A_341 : i32
            %convert_element_type3A_343 = arith.extui %gt3A_342 : i1 to i32
            %cond3A_344 = arith.constant 0 : i32
            %cond3A_345 = arith.cmpi ne, %convert_element_type3A_343, %cond3A_344 : i32
            scf.if %cond3A_345 {
              %slice3A_398 = vector.extract_strided_slice %get3A_260 {offsets = [9], sizes = [1], strides = [1]} : vector<16xi32> to vector<1xi32>
              %squeeze3A_399 = vector.extract %slice3A_398[0] : i32 from vector<1xi32>
              %mul3A_400 = arith.constant 16 : i32
              %mul3A_401 = arith.muli %scan3A_257, %mul3A_400 : i32
              %add3A_402 = arith.constant 9 : i32
              %add3A_403 = arith.addi %mul3A_401, %add3A_402 : i32
              %and3A = arith.constant 1023 : i32
              %and3A_404 = arith.andi %squeeze3A_399, %and3A : i32
              %add3A_405 = vector.broadcast %and3A_404 : i32 to vector<16xi32>
              %add3A_406 = arith.addi %broadcast_in_dim3A_1, %add3A_405 : vector<16xi32>
              %gather3A_407 = tpu.vector_load_idx %arg7[%iota3A, %add3A_406] : memref<32x1024xf32, #tpu.memory_space<vmem>>[vector<16xi32>, vector<16xi32>], vector<16xf32>,
              %gather3A_408 = tpu.vector_load_idx %arg7[%add3A_17, %add3A_406] : memref<32x1024xf32, #tpu.memory_space<vmem>>[vector<16xi32>, vector<16xi32>], vector<16xf32>,
              %swap3A_409 = arith.constant 9 : i32
              %swap3A_410 = arith.index_cast %swap3A_409 : i32 to index
              %swap3A_411 = arith.constant 0 : index
              %swap3A_412 = tpu.vector_load %arg13[%swap3A_410, %swap3A_411] {strides = array<i32>} : memref<64x32xf32, #tpu.memory_space<vmem>>, vector<16xf32>,
              tpu.vector_store %arg13[%swap3A_410, %swap3A_411], %gather3A_407 {strides = array<i32>} : memref<64x32xf32, #tpu.memory_space<vmem>>, vector<16xf32>,
              %swap3A_413 = arith.constant 9 : i32
              %swap3A_414 = arith.index_cast %swap3A_413 : i32 to index
              %swap3A_415 = arith.constant 16 : index
              %swap3A_416 = tpu.vector_load %arg13[%swap3A_414, %swap3A_415] {strides = array<i32>} : memref<64x32xf32, #tpu.memory_space<vmem>>, vector<16xf32>,
              tpu.vector_store %arg13[%swap3A_414, %swap3A_415], %gather3A_408 {strides = array<i32>} : memref<64x32xf32, #tpu.memory_space<vmem>>, vector<16xf32>,
              %dma_start3A = arith.constant 9 : i32
              %dma_start3A_417 = arith.constant 0 : i32
              %dma_start3A_418 = tpu.memref_slice %arg13[%dma_start3A, %dma_start3A_417] : memref<64x32xf32, #tpu.memory_space<vmem>> -> memref<1x32xf32, #tpu.memory_space<vmem>>
              %dma_start3A_419 = arith.constant 0 : i32
              %dma_start3A_420 = tpu.memref_slice %arg5[%add3A_403, %dma_start3A_419] : memref<16384x32xf32, #tpu.memory_space<hbm>> -> memref<1x32xf32, #tpu.memory_space<hbm>>
              %dma_start3A_421 = arith.constant 0 : i32
              %dma_start3A_422 = tpu.memref_slice %arg5[%add3A_403, %dma_start3A_421] : memref<16384x32xf32, #tpu.memory_space<hbm>> -> memref<1x32xf32, #tpu.memory_space<hbm>>
              %dma_start3A_423 = arith.constant 9 : i32
              %dma_start3A_424 = arith.constant 0 : i32
              %dma_start3A_425 = tpu.memref_slice %arg13[%dma_start3A_423, %dma_start3A_424] : memref<64x32xf32, #tpu.memory_space<vmem>> -> memref<1x32xf32, #tpu.memory_space<vmem>>
              tpu.enqueue_dma source(%dma_start3A_425 : memref<1x32xf32, #tpu.memory_space<vmem>>) target(%dma_start3A_422 : memref<1x32xf32, #tpu.memory_space<hbm>>) target_semaphore(%arg14 : memref<!tpu.dma_semaphore, #tpu.memory_space<semaphore_mem>>)
            } else {
            }
            %slice3A_346 = vector.extract_strided_slice %select_n3A_275 {offsets = [10], sizes = [1], strides = [1]} : vector<16xi32> to vector<1xi32>
            %squeeze3A_347 = vector.extract %slice3A_346[0] : i32 from vector<1xi32>
            %gt3A_348 = arith.constant 0 : i32
            %gt3A_349 = arith.cmpi sgt, %squeeze3A_347, %gt3A_348 : i32
            %convert_element_type3A_350 = arith.extui %gt3A_349 : i1 to i32
            %cond3A_351 = arith.constant 0 : i32
            %cond3A_352 = arith.cmpi ne, %convert_element_type3A_350, %cond3A_351 : i32
            scf.if %cond3A_352 {
              %slice3A_398 = vector.extract_strided_slice %get3A_260 {offsets = [10], sizes = [1], strides = [1]} : vector<16xi32> to vector<1xi32>
              %squeeze3A_399 = vector.extract %slice3A_398[0] : i32 from vector<1xi32>
              %mul3A_400 = arith.constant 16 : i32
              %mul3A_401 = arith.muli %scan3A_257, %mul3A_400 : i32
              %add3A_402 = arith.constant 10 : i32
              %add3A_403 = arith.addi %mul3A_401, %add3A_402 : i32
              %and3A = arith.constant 1023 : i32
              %and3A_404 = arith.andi %squeeze3A_399, %and3A : i32
              %add3A_405 = vector.broadcast %and3A_404 : i32 to vector<16xi32>
              %add3A_406 = arith.addi %broadcast_in_dim3A_1, %add3A_405 : vector<16xi32>
              %gather3A_407 = tpu.vector_load_idx %arg7[%iota3A, %add3A_406] : memref<32x1024xf32, #tpu.memory_space<vmem>>[vector<16xi32>, vector<16xi32>], vector<16xf32>,
              %gather3A_408 = tpu.vector_load_idx %arg7[%add3A_17, %add3A_406] : memref<32x1024xf32, #tpu.memory_space<vmem>>[vector<16xi32>, vector<16xi32>], vector<16xf32>,
              %swap3A_409 = arith.constant 10 : i32
              %swap3A_410 = arith.index_cast %swap3A_409 : i32 to index
              %swap3A_411 = arith.constant 0 : index
              %swap3A_412 = tpu.vector_load %arg13[%swap3A_410, %swap3A_411] {strides = array<i32>} : memref<64x32xf32, #tpu.memory_space<vmem>>, vector<16xf32>,
              tpu.vector_store %arg13[%swap3A_410, %swap3A_411], %gather3A_407 {strides = array<i32>} : memref<64x32xf32, #tpu.memory_space<vmem>>, vector<16xf32>,
              %swap3A_413 = arith.constant 10 : i32
              %swap3A_414 = arith.index_cast %swap3A_413 : i32 to index
              %swap3A_415 = arith.constant 16 : index
              %swap3A_416 = tpu.vector_load %arg13[%swap3A_414, %swap3A_415] {strides = array<i32>} : memref<64x32xf32, #tpu.memory_space<vmem>>, vector<16xf32>,
              tpu.vector_store %arg13[%swap3A_414, %swap3A_415], %gather3A_408 {strides = array<i32>} : memref<64x32xf32, #tpu.memory_space<vmem>>, vector<16xf32>,
              %dma_start3A = arith.constant 10 : i32
              %dma_start3A_417 = arith.constant 0 : i32
              %dma_start3A_418 = tpu.memref_slice %arg13[%dma_start3A, %dma_start3A_417] : memref<64x32xf32, #tpu.memory_space<vmem>> -> memref<1x32xf32, #tpu.memory_space<vmem>>
              %dma_start3A_419 = arith.constant 0 : i32
              %dma_start3A_420 = tpu.memref_slice %arg5[%add3A_403, %dma_start3A_419] : memref<16384x32xf32, #tpu.memory_space<hbm>> -> memref<1x32xf32, #tpu.memory_space<hbm>>
              %dma_start3A_421 = arith.constant 0 : i32
              %dma_start3A_422 = tpu.memref_slice %arg5[%add3A_403, %dma_start3A_421] : memref<16384x32xf32, #tpu.memory_space<hbm>> -> memref<1x32xf32, #tpu.memory_space<hbm>>
              %dma_start3A_423 = arith.constant 10 : i32
              %dma_start3A_424 = arith.constant 0 : i32
              %dma_start3A_425 = tpu.memref_slice %arg13[%dma_start3A_423, %dma_start3A_424] : memref<64x32xf32, #tpu.memory_space<vmem>> -> memref<1x32xf32, #tpu.memory_space<vmem>>
              tpu.enqueue_dma source(%dma_start3A_425 : memref<1x32xf32, #tpu.memory_space<vmem>>) target(%dma_start3A_422 : memref<1x32xf32, #tpu.memory_space<hbm>>) target_semaphore(%arg14 : memref<!tpu.dma_semaphore, #tpu.memory_space<semaphore_mem>>)
            } else {
            }
            %slice3A_353 = vector.extract_strided_slice %select_n3A_275 {offsets = [11], sizes = [1], strides = [1]} : vector<16xi32> to vector<1xi32>
            %squeeze3A_354 = vector.extract %slice3A_353[0] : i32 from vector<1xi32>
            %gt3A_355 = arith.constant 0 : i32
            %gt3A_356 = arith.cmpi sgt, %squeeze3A_354, %gt3A_355 : i32
            %convert_element_type3A_357 = arith.extui %gt3A_356 : i1 to i32
            %cond3A_358 = arith.constant 0 : i32
            %cond3A_359 = arith.cmpi ne, %convert_element_type3A_357, %cond3A_358 : i32
            scf.if %cond3A_359 {
              %slice3A_398 = vector.extract_strided_slice %get3A_260 {offsets = [11], sizes = [1], strides = [1]} : vector<16xi32> to vector<1xi32>
              %squeeze3A_399 = vector.extract %slice3A_398[0] : i32 from vector<1xi32>
              %mul3A_400 = arith.constant 16 : i32
              %mul3A_401 = arith.muli %scan3A_257, %mul3A_400 : i32
              %add3A_402 = arith.constant 11 : i32
              %add3A_403 = arith.addi %mul3A_401, %add3A_402 : i32
              %and3A = arith.constant 1023 : i32
              %and3A_404 = arith.andi %squeeze3A_399, %and3A : i32
              %add3A_405 = vector.broadcast %and3A_404 : i32 to vector<16xi32>
              %add3A_406 = arith.addi %broadcast_in_dim3A_1, %add3A_405 : vector<16xi32>
              %gather3A_407 = tpu.vector_load_idx %arg7[%iota3A, %add3A_406] : memref<32x1024xf32, #tpu.memory_space<vmem>>[vector<16xi32>, vector<16xi32>], vector<16xf32>,
              %gather3A_408 = tpu.vector_load_idx %arg7[%add3A_17, %add3A_406] : memref<32x1024xf32, #tpu.memory_space<vmem>>[vector<16xi32>, vector<16xi32>], vector<16xf32>,
              %swap3A_409 = arith.constant 11 : i32
              %swap3A_410 = arith.index_cast %swap3A_409 : i32 to index
              %swap3A_411 = arith.constant 0 : index
              %swap3A_412 = tpu.vector_load %arg13[%swap3A_410, %swap3A_411] {strides = array<i32>} : memref<64x32xf32, #tpu.memory_space<vmem>>, vector<16xf32>,
              tpu.vector_store %arg13[%swap3A_410, %swap3A_411], %gather3A_407 {strides = array<i32>} : memref<64x32xf32, #tpu.memory_space<vmem>>, vector<16xf32>,
              %swap3A_413 = arith.constant 11 : i32
              %swap3A_414 = arith.index_cast %swap3A_413 : i32 to index
              %swap3A_415 = arith.constant 16 : index
              %swap3A_416 = tpu.vector_load %arg13[%swap3A_414, %swap3A_415] {strides = array<i32>} : memref<64x32xf32, #tpu.memory_space<vmem>>, vector<16xf32>,
              tpu.vector_store %arg13[%swap3A_414, %swap3A_415], %gather3A_408 {strides = array<i32>} : memref<64x32xf32, #tpu.memory_space<vmem>>, vector<16xf32>,
              %dma_start3A = arith.constant 11 : i32
              %dma_start3A_417 = arith.constant 0 : i32
              %dma_start3A_418 = tpu.memref_slice %arg13[%dma_start3A, %dma_start3A_417] : memref<64x32xf32, #tpu.memory_space<vmem>> -> memref<1x32xf32, #tpu.memory_space<vmem>>
              %dma_start3A_419 = arith.constant 0 : i32
              %dma_start3A_420 = tpu.memref_slice %arg5[%add3A_403, %dma_start3A_419] : memref<16384x32xf32, #tpu.memory_space<hbm>> -> memref<1x32xf32, #tpu.memory_space<hbm>>
              %dma_start3A_421 = arith.constant 0 : i32
              %dma_start3A_422 = tpu.memref_slice %arg5[%add3A_403, %dma_start3A_421] : memref<16384x32xf32, #tpu.memory_space<hbm>> -> memref<1x32xf32, #tpu.memory_space<hbm>>
              %dma_start3A_423 = arith.constant 11 : i32
              %dma_start3A_424 = arith.constant 0 : i32
              %dma_start3A_425 = tpu.memref_slice %arg13[%dma_start3A_423, %dma_start3A_424] : memref<64x32xf32, #tpu.memory_space<vmem>> -> memref<1x32xf32, #tpu.memory_space<vmem>>
              tpu.enqueue_dma source(%dma_start3A_425 : memref<1x32xf32, #tpu.memory_space<vmem>>) target(%dma_start3A_422 : memref<1x32xf32, #tpu.memory_space<hbm>>) target_semaphore(%arg14 : memref<!tpu.dma_semaphore, #tpu.memory_space<semaphore_mem>>)
            } else {
            }
            %slice3A_360 = vector.extract_strided_slice %select_n3A_275 {offsets = [12], sizes = [1], strides = [1]} : vector<16xi32> to vector<1xi32>
            %squeeze3A_361 = vector.extract %slice3A_360[0] : i32 from vector<1xi32>
            %gt3A_362 = arith.constant 0 : i32
            %gt3A_363 = arith.cmpi sgt, %squeeze3A_361, %gt3A_362 : i32
            %convert_element_type3A_364 = arith.extui %gt3A_363 : i1 to i32
            %cond3A_365 = arith.constant 0 : i32
            %cond3A_366 = arith.cmpi ne, %convert_element_type3A_364, %cond3A_365 : i32
            scf.if %cond3A_366 {
              %slice3A_398 = vector.extract_strided_slice %get3A_260 {offsets = [12], sizes = [1], strides = [1]} : vector<16xi32> to vector<1xi32>
              %squeeze3A_399 = vector.extract %slice3A_398[0] : i32 from vector<1xi32>
              %mul3A_400 = arith.constant 16 : i32
              %mul3A_401 = arith.muli %scan3A_257, %mul3A_400 : i32
              %add3A_402 = arith.constant 12 : i32
              %add3A_403 = arith.addi %mul3A_401, %add3A_402 : i32
              %and3A = arith.constant 1023 : i32
              %and3A_404 = arith.andi %squeeze3A_399, %and3A : i32
              %add3A_405 = vector.broadcast %and3A_404 : i32 to vector<16xi32>
              %add3A_406 = arith.addi %broadcast_in_dim3A_1, %add3A_405 : vector<16xi32>
              %gather3A_407 = tpu.vector_load_idx %arg7[%iota3A, %add3A_406] : memref<32x1024xf32, #tpu.memory_space<vmem>>[vector<16xi32>, vector<16xi32>], vector<16xf32>,
              %gather3A_408 = tpu.vector_load_idx %arg7[%add3A_17, %add3A_406] : memref<32x1024xf32, #tpu.memory_space<vmem>>[vector<16xi32>, vector<16xi32>], vector<16xf32>,
              %swap3A_409 = arith.constant 12 : i32
              %swap3A_410 = arith.index_cast %swap3A_409 : i32 to index
              %swap3A_411 = arith.constant 0 : index
              %swap3A_412 = tpu.vector_load %arg13[%swap3A_410, %swap3A_411] {strides = array<i32>} : memref<64x32xf32, #tpu.memory_space<vmem>>, vector<16xf32>,
              tpu.vector_store %arg13[%swap3A_410, %swap3A_411], %gather3A_407 {strides = array<i32>} : memref<64x32xf32, #tpu.memory_space<vmem>>, vector<16xf32>,
              %swap3A_413 = arith.constant 12 : i32
              %swap3A_414 = arith.index_cast %swap3A_413 : i32 to index
              %swap3A_415 = arith.constant 16 : index
              %swap3A_416 = tpu.vector_load %arg13[%swap3A_414, %swap3A_415] {strides = array<i32>} : memref<64x32xf32, #tpu.memory_space<vmem>>, vector<16xf32>,
              tpu.vector_store %arg13[%swap3A_414, %swap3A_415], %gather3A_408 {strides = array<i32>} : memref<64x32xf32, #tpu.memory_space<vmem>>, vector<16xf32>,
              %dma_start3A = arith.constant 12 : i32
              %dma_start3A_417 = arith.constant 0 : i32
              %dma_start3A_418 = tpu.memref_slice %arg13[%dma_start3A, %dma_start3A_417] : memref<64x32xf32, #tpu.memory_space<vmem>> -> memref<1x32xf32, #tpu.memory_space<vmem>>
              %dma_start3A_419 = arith.constant 0 : i32
              %dma_start3A_420 = tpu.memref_slice %arg5[%add3A_403, %dma_start3A_419] : memref<16384x32xf32, #tpu.memory_space<hbm>> -> memref<1x32xf32, #tpu.memory_space<hbm>>
              %dma_start3A_421 = arith.constant 0 : i32
              %dma_start3A_422 = tpu.memref_slice %arg5[%add3A_403, %dma_start3A_421] : memref<16384x32xf32, #tpu.memory_space<hbm>> -> memref<1x32xf32, #tpu.memory_space<hbm>>
              %dma_start3A_423 = arith.constant 12 : i32
              %dma_start3A_424 = arith.constant 0 : i32
              %dma_start3A_425 = tpu.memref_slice %arg13[%dma_start3A_423, %dma_start3A_424] : memref<64x32xf32, #tpu.memory_space<vmem>> -> memref<1x32xf32, #tpu.memory_space<vmem>>
              tpu.enqueue_dma source(%dma_start3A_425 : memref<1x32xf32, #tpu.memory_space<vmem>>) target(%dma_start3A_422 : memref<1x32xf32, #tpu.memory_space<hbm>>) target_semaphore(%arg14 : memref<!tpu.dma_semaphore, #tpu.memory_space<semaphore_mem>>)
            } else {
            }
            %slice3A_367 = vector.extract_strided_slice %select_n3A_275 {offsets = [13], sizes = [1], strides = [1]} : vector<16xi32> to vector<1xi32>
            %squeeze3A_368 = vector.extract %slice3A_367[0] : i32 from vector<1xi32>
            %gt3A_369 = arith.constant 0 : i32
            %gt3A_370 = arith.cmpi sgt, %squeeze3A_368, %gt3A_369 : i32
            %convert_element_type3A_371 = arith.extui %gt3A_370 : i1 to i32
            %cond3A_372 = arith.constant 0 : i32
            %cond3A_373 = arith.cmpi ne, %convert_element_type3A_371, %cond3A_372 : i32
            scf.if %cond3A_373 {
              %slice3A_398 = vector.extract_strided_slice %get3A_260 {offsets = [13], sizes = [1], strides = [1]} : vector<16xi32> to vector<1xi32>
              %squeeze3A_399 = vector.extract %slice3A_398[0] : i32 from vector<1xi32>
              %mul3A_400 = arith.constant 16 : i32
              %mul3A_401 = arith.muli %scan3A_257, %mul3A_400 : i32
              %add3A_402 = arith.constant 13 : i32
              %add3A_403 = arith.addi %mul3A_401, %add3A_402 : i32
              %and3A = arith.constant 1023 : i32
              %and3A_404 = arith.andi %squeeze3A_399, %and3A : i32
              %add3A_405 = vector.broadcast %and3A_404 : i32 to vector<16xi32>
              %add3A_406 = arith.addi %broadcast_in_dim3A_1, %add3A_405 : vector<16xi32>
              %gather3A_407 = tpu.vector_load_idx %arg7[%iota3A, %add3A_406] : memref<32x1024xf32, #tpu.memory_space<vmem>>[vector<16xi32>, vector<16xi32>], vector<16xf32>,
              %gather3A_408 = tpu.vector_load_idx %arg7[%add3A_17, %add3A_406] : memref<32x1024xf32, #tpu.memory_space<vmem>>[vector<16xi32>, vector<16xi32>], vector<16xf32>,
              %swap3A_409 = arith.constant 13 : i32
              %swap3A_410 = arith.index_cast %swap3A_409 : i32 to index
              %swap3A_411 = arith.constant 0 : index
              %swap3A_412 = tpu.vector_load %arg13[%swap3A_410, %swap3A_411] {strides = array<i32>} : memref<64x32xf32, #tpu.memory_space<vmem>>, vector<16xf32>,
              tpu.vector_store %arg13[%swap3A_410, %swap3A_411], %gather3A_407 {strides = array<i32>} : memref<64x32xf32, #tpu.memory_space<vmem>>, vector<16xf32>,
              %swap3A_413 = arith.constant 13 : i32
              %swap3A_414 = arith.index_cast %swap3A_413 : i32 to index
              %swap3A_415 = arith.constant 16 : index
              %swap3A_416 = tpu.vector_load %arg13[%swap3A_414, %swap3A_415] {strides = array<i32>} : memref<64x32xf32, #tpu.memory_space<vmem>>, vector<16xf32>,
              tpu.vector_store %arg13[%swap3A_414, %swap3A_415], %gather3A_408 {strides = array<i32>} : memref<64x32xf32, #tpu.memory_space<vmem>>, vector<16xf32>,
              %dma_start3A = arith.constant 13 : i32
              %dma_start3A_417 = arith.constant 0 : i32
              %dma_start3A_418 = tpu.memref_slice %arg13[%dma_start3A, %dma_start3A_417] : memref<64x32xf32, #tpu.memory_space<vmem>> -> memref<1x32xf32, #tpu.memory_space<vmem>>
              %dma_start3A_419 = arith.constant 0 : i32
              %dma_start3A_420 = tpu.memref_slice %arg5[%add3A_403, %dma_start3A_419] : memref<16384x32xf32, #tpu.memory_space<hbm>> -> memref<1x32xf32, #tpu.memory_space<hbm>>
              %dma_start3A_421 = arith.constant 0 : i32
              %dma_start3A_422 = tpu.memref_slice %arg5[%add3A_403, %dma_start3A_421] : memref<16384x32xf32, #tpu.memory_space<hbm>> -> memref<1x32xf32, #tpu.memory_space<hbm>>
              %dma_start3A_423 = arith.constant 13 : i32
              %dma_start3A_424 = arith.constant 0 : i32
              %dma_start3A_425 = tpu.memref_slice %arg13[%dma_start3A_423, %dma_start3A_424] : memref<64x32xf32, #tpu.memory_space<vmem>> -> memref<1x32xf32, #tpu.memory_space<vmem>>
              tpu.enqueue_dma source(%dma_start3A_425 : memref<1x32xf32, #tpu.memory_space<vmem>>) target(%dma_start3A_422 : memref<1x32xf32, #tpu.memory_space<hbm>>) target_semaphore(%arg14 : memref<!tpu.dma_semaphore, #tpu.memory_space<semaphore_mem>>)
            } else {
            }
            %slice3A_374 = vector.extract_strided_slice %select_n3A_275 {offsets = [14], sizes = [1], strides = [1]} : vector<16xi32> to vector<1xi32>
            %squeeze3A_375 = vector.extract %slice3A_374[0] : i32 from vector<1xi32>
            %gt3A_376 = arith.constant 0 : i32
            %gt3A_377 = arith.cmpi sgt, %squeeze3A_375, %gt3A_376 : i32
            %convert_element_type3A_378 = arith.extui %gt3A_377 : i1 to i32
            %cond3A_379 = arith.constant 0 : i32
            %cond3A_380 = arith.cmpi ne, %convert_element_type3A_378, %cond3A_379 : i32
            scf.if %cond3A_380 {
              %slice3A_398 = vector.extract_strided_slice %get3A_260 {offsets = [14], sizes = [1], strides = [1]} : vector<16xi32> to vector<1xi32>
              %squeeze3A_399 = vector.extract %slice3A_398[0] : i32 from vector<1xi32>
              %mul3A_400 = arith.constant 16 : i32
              %mul3A_401 = arith.muli %scan3A_257, %mul3A_400 : i32
              %add3A_402 = arith.constant 14 : i32
              %add3A_403 = arith.addi %mul3A_401, %add3A_402 : i32
              %and3A = arith.constant 1023 : i32
              %and3A_404 = arith.andi %squeeze3A_399, %and3A : i32
              %add3A_405 = vector.broadcast %and3A_404 : i32 to vector<16xi32>
              %add3A_406 = arith.addi %broadcast_in_dim3A_1, %add3A_405 : vector<16xi32>
              %gather3A_407 = tpu.vector_load_idx %arg7[%iota3A, %add3A_406] : memref<32x1024xf32, #tpu.memory_space<vmem>>[vector<16xi32>, vector<16xi32>], vector<16xf32>,
              %gather3A_408 = tpu.vector_load_idx %arg7[%add3A_17, %add3A_406] : memref<32x1024xf32, #tpu.memory_space<vmem>>[vector<16xi32>, vector<16xi32>], vector<16xf32>,
              %swap3A_409 = arith.constant 14 : i32
              %swap3A_410 = arith.index_cast %swap3A_409 : i32 to index
              %swap3A_411 = arith.constant 0 : index
              %swap3A_412 = tpu.vector_load %arg13[%swap3A_410, %swap3A_411] {strides = array<i32>} : memref<64x32xf32, #tpu.memory_space<vmem>>, vector<16xf32>,
              tpu.vector_store %arg13[%swap3A_410, %swap3A_411], %gather3A_407 {strides = array<i32>} : memref<64x32xf32, #tpu.memory_space<vmem>>, vector<16xf32>,
              %swap3A_413 = arith.constant 14 : i32
              %swap3A_414 = arith.index_cast %swap3A_413 : i32 to index
              %swap3A_415 = arith.constant 16 : index
              %swap3A_416 = tpu.vector_load %arg13[%swap3A_414, %swap3A_415] {strides = array<i32>} : memref<64x32xf32, #tpu.memory_space<vmem>>, vector<16xf32>,
              tpu.vector_store %arg13[%swap3A_414, %swap3A_415], %gather3A_408 {strides = array<i32>} : memref<64x32xf32, #tpu.memory_space<vmem>>, vector<16xf32>,
              %dma_start3A = arith.constant 14 : i32
              %dma_start3A_417 = arith.constant 0 : i32
              %dma_start3A_418 = tpu.memref_slice %arg13[%dma_start3A, %dma_start3A_417] : memref<64x32xf32, #tpu.memory_space<vmem>> -> memref<1x32xf32, #tpu.memory_space<vmem>>
              %dma_start3A_419 = arith.constant 0 : i32
              %dma_start3A_420 = tpu.memref_slice %arg5[%add3A_403, %dma_start3A_419] : memref<16384x32xf32, #tpu.memory_space<hbm>> -> memref<1x32xf32, #tpu.memory_space<hbm>>
              %dma_start3A_421 = arith.constant 0 : i32
              %dma_start3A_422 = tpu.memref_slice %arg5[%add3A_403, %dma_start3A_421] : memref<16384x32xf32, #tpu.memory_space<hbm>> -> memref<1x32xf32, #tpu.memory_space<hbm>>
              %dma_start3A_423 = arith.constant 14 : i32
              %dma_start3A_424 = arith.constant 0 : i32
              %dma_start3A_425 = tpu.memref_slice %arg13[%dma_start3A_423, %dma_start3A_424] : memref<64x32xf32, #tpu.memory_space<vmem>> -> memref<1x32xf32, #tpu.memory_space<vmem>>
              tpu.enqueue_dma source(%dma_start3A_425 : memref<1x32xf32, #tpu.memory_space<vmem>>) target(%dma_start3A_422 : memref<1x32xf32, #tpu.memory_space<hbm>>) target_semaphore(%arg14 : memref<!tpu.dma_semaphore, #tpu.memory_space<semaphore_mem>>)
            } else {
            }
            %slice3A_381 = vector.extract_strided_slice %select_n3A_275 {offsets = [15], sizes = [1], strides = [1]} : vector<16xi32> to vector<1xi32>
            %squeeze3A_382 = vector.extract %slice3A_381[0] : i32 from vector<1xi32>
            %gt3A_383 = arith.constant 0 : i32
            %gt3A_384 = arith.cmpi sgt, %squeeze3A_382, %gt3A_383 : i32
            %convert_element_type3A_385 = arith.extui %gt3A_384 : i1 to i32
            %cond3A_386 = arith.constant 0 : i32
            %cond3A_387 = arith.cmpi ne, %convert_element_type3A_385, %cond3A_386 : i32
            scf.if %cond3A_387 {
              %slice3A_398 = vector.extract_strided_slice %get3A_260 {offsets = [15], sizes = [1], strides = [1]} : vector<16xi32> to vector<1xi32>
              %squeeze3A_399 = vector.extract %slice3A_398[0] : i32 from vector<1xi32>
              %mul3A_400 = arith.constant 16 : i32
              %mul3A_401 = arith.muli %scan3A_257, %mul3A_400 : i32
              %add3A_402 = arith.constant 15 : i32
              %add3A_403 = arith.addi %mul3A_401, %add3A_402 : i32
              %and3A = arith.constant 1023 : i32
              %and3A_404 = arith.andi %squeeze3A_399, %and3A : i32
              %add3A_405 = vector.broadcast %and3A_404 : i32 to vector<16xi32>
              %add3A_406 = arith.addi %broadcast_in_dim3A_1, %add3A_405 : vector<16xi32>
              %gather3A_407 = tpu.vector_load_idx %arg7[%iota3A, %add3A_406] : memref<32x1024xf32, #tpu.memory_space<vmem>>[vector<16xi32>, vector<16xi32>], vector<16xf32>,
              %gather3A_408 = tpu.vector_load_idx %arg7[%add3A_17, %add3A_406] : memref<32x1024xf32, #tpu.memory_space<vmem>>[vector<16xi32>, vector<16xi32>], vector<16xf32>,
              %swap3A_409 = arith.constant 15 : i32
              %swap3A_410 = arith.index_cast %swap3A_409 : i32 to index
              %swap3A_411 = arith.constant 0 : index
              %swap3A_412 = tpu.vector_load %arg13[%swap3A_410, %swap3A_411] {strides = array<i32>} : memref<64x32xf32, #tpu.memory_space<vmem>>, vector<16xf32>,
              tpu.vector_store %arg13[%swap3A_410, %swap3A_411], %gather3A_407 {strides = array<i32>} : memref<64x32xf32, #tpu.memory_space<vmem>>, vector<16xf32>,
              %swap3A_413 = arith.constant 15 : i32
              %swap3A_414 = arith.index_cast %swap3A_413 : i32 to index
              %swap3A_415 = arith.constant 16 : index
              %swap3A_416 = tpu.vector_load %arg13[%swap3A_414, %swap3A_415] {strides = array<i32>} : memref<64x32xf32, #tpu.memory_space<vmem>>, vector<16xf32>,
              tpu.vector_store %arg13[%swap3A_414, %swap3A_415], %gather3A_408 {strides = array<i32>} : memref<64x32xf32, #tpu.memory_space<vmem>>, vector<16xf32>,
              %dma_start3A = arith.constant 15 : i32
              %dma_start3A_417 = arith.constant 0 : i32
              %dma_start3A_418 = tpu.memref_slice %arg13[%dma_start3A, %dma_start3A_417] : memref<64x32xf32, #tpu.memory_space<vmem>> -> memref<1x32xf32, #tpu.memory_space<vmem>>
              %dma_start3A_419 = arith.constant 0 : i32
              %dma_start3A_420 = tpu.memref_slice %arg5[%add3A_403, %dma_start3A_419] : memref<16384x32xf32, #tpu.memory_space<hbm>> -> memref<1x32xf32, #tpu.memory_space<hbm>>
              %dma_start3A_421 = arith.constant 0 : i32
              %dma_start3A_422 = tpu.memref_slice %arg5[%add3A_403, %dma_start3A_421] : memref<16384x32xf32, #tpu.memory_space<hbm>> -> memref<1x32xf32, #tpu.memory_space<hbm>>
              %dma_start3A_423 = arith.constant 15 : i32
              %dma_start3A_424 = arith.constant 0 : i32
              %dma_start3A_425 = tpu.memref_slice %arg13[%dma_start3A_423, %dma_start3A_424] : memref<64x32xf32, #tpu.memory_space<vmem>> -> memref<1x32xf32, #tpu.memory_space<vmem>>
              tpu.enqueue_dma source(%dma_start3A_425 : memref<1x32xf32, #tpu.memory_space<vmem>>) target(%dma_start3A_422 : memref<1x32xf32, #tpu.memory_space<hbm>>) target_semaphore(%arg14 : memref<!tpu.dma_semaphore, #tpu.memory_space<semaphore_mem>>)
            } else {
            }
            %while3A_388 = arith.constant 0 : i32
            %while3A_389 = arith.constant 0 : i32
            %while3A_390 = arith.subi %squeeze3A_266, %while3A_389 : i32
            %while3A_391 = arith.addi %while3A_389, %while3A_390 : i32
            %while3A_392 = arith.constant 1 : i32
            %while3A_393 = arith.divsi %while3A_390, %while3A_392 : i32
            %while3A_394 = arith.muli %while3A_393, %while3A_392 : i32
            %while3A_395 = arith.addi %while3A_389, %while3A_394 : i32
            %while3A_396 = arith.constant 1 : i32
            scf.for %while3A_398 = %while3A_389 to %while3A_395 step %while3A_396  : i32 {
              %dma_wait3A = arith.constant 0 : i32
              %dma_wait3A_399 = arith.constant 0 : i32
              %dma_wait3A_400 = tpu.memref_slice %arg13[%dma_wait3A, %dma_wait3A_399] : memref<64x32xf32, #tpu.memory_space<vmem>> -> memref<1x32xf32, #tpu.memory_space<vmem>>
              %dma_wait3A_401 = arith.constant 0 : i32
              %dma_wait3A_402 = arith.constant 0 : i32
              %dma_wait3A_403 = tpu.memref_slice %arg5[%dma_wait3A_401, %dma_wait3A_402] : memref<16384x32xf32, #tpu.memory_space<hbm>> -> memref<1x32xf32, #tpu.memory_space<hbm>>
              %dma_wait3A_404 = arith.constant 0 : i32
              %dma_wait3A_405 = arith.constant 0 : i32
              %dma_wait3A_406 = tpu.memref_slice %arg5[%dma_wait3A_404, %dma_wait3A_405] : memref<16384x32xf32, #tpu.memory_space<hbm>> -> memref<1x32xf32, #tpu.memory_space<hbm>>
              %dma_wait3A_407 = arith.constant 0 : i32
              %dma_wait3A_408 = arith.constant 0 : i32
              %dma_wait3A_409 = tpu.memref_slice %arg13[%dma_wait3A_407, %dma_wait3A_408] : memref<64x32xf32, #tpu.memory_space<vmem>> -> memref<1x32xf32, #tpu.memory_space<vmem>>
              tpu.wait_dma2 semaphore(%arg14 : memref<!tpu.dma_semaphore, #tpu.memory_space<semaphore_mem>>) src(%dma_wait3A_409 : memref<1x32xf32, #tpu.memory_space<vmem>>) dst(%dma_wait3A_406 : memref<1x32xf32, #tpu.memory_space<hbm>>)
            }
            %while3A_397 = arith.constant 1 : i32
            scf.for %while3A_398 = %while3A_395 to %while3A_391 step %while3A_397  : i32 {
              %dma_wait3A = arith.constant 0 : i32
              %dma_wait3A_399 = arith.constant 0 : i32
              %dma_wait3A_400 = tpu.memref_slice %arg13[%dma_wait3A, %dma_wait3A_399] : memref<64x32xf32, #tpu.memory_space<vmem>> -> memref<1x32xf32, #tpu.memory_space<vmem>>
              %dma_wait3A_401 = arith.constant 0 : i32
              %dma_wait3A_402 = arith.constant 0 : i32
              %dma_wait3A_403 = tpu.memref_slice %arg5[%dma_wait3A_401, %dma_wait3A_402] : memref<16384x32xf32, #tpu.memory_space<hbm>> -> memref<1x32xf32, #tpu.memory_space<hbm>>
              %dma_wait3A_404 = arith.constant 0 : i32
              %dma_wait3A_405 = arith.constant 0 : i32
              %dma_wait3A_406 = tpu.memref_slice %arg5[%dma_wait3A_404, %dma_wait3A_405] : memref<16384x32xf32, #tpu.memory_space<hbm>> -> memref<1x32xf32, #tpu.memory_space<hbm>>
              %dma_wait3A_407 = arith.constant 0 : i32
              %dma_wait3A_408 = arith.constant 0 : i32
              %dma_wait3A_409 = tpu.memref_slice %arg13[%dma_wait3A_407, %dma_wait3A_408] : memref<64x32xf32, #tpu.memory_space<vmem>> -> memref<1x32xf32, #tpu.memory_space<vmem>>
              tpu.wait_dma2 semaphore(%arg14 : memref<!tpu.dma_semaphore, #tpu.memory_space<semaphore_mem>>) src(%dma_wait3A_409 : memref<1x32xf32, #tpu.memory_space<vmem>>) dst(%dma_wait3A_406 : memref<1x32xf32, #tpu.memory_space<hbm>>)
            }
          } else {
          }
        }
        %scan3A_256 = arith.constant 1024 : i32
      } else {
      }
      %add3A_164 = arith.constant 2 : i32
      %add3A_165 = arith.addi %mul3A_102, %add3A_164 : i32
      %lt3A_166 = arith.constant 31 : i32
      %lt3A_167 = arith.cmpi slt, %add3A_165, %lt3A_166 : i32
      %convert_element_type3A_168 = arith.extui %lt3A_167 : i1 to i32
      %cond3A_169 = arith.constant 0 : i32
      %cond3A_170 = arith.cmpi ne, %convert_element_type3A_168, %cond3A_169 : i32
      scf.if %cond3A_170 {
        %add3A_251 = arith.constant 2 : i32
        %add3A_252 = arith.addi %mul3A_102, %add3A_251 : i32
        %mul3A_253 = arith.constant 32 : i32
        %mul3A_254 = arith.muli %add3A_252, %mul3A_253 : i32
        %add3A_255 = arith.addi %mul3A_254, %add3A : i32
        %lt3A_256 = arith.constant 976 : i32
        %lt3A_257 = arith.cmpi slt, %add3A_255, %lt3A_256 : i32
        %convert_element_type3A_258 = arith.extui %lt3A_257 : i1 to i32
        %cond3A_259 = arith.constant 0 : i32
        %cond3A_260 = arith.cmpi ne, %convert_element_type3A_258, %cond3A_259 : i32
        scf.if %cond3A_260 {
          %mul3A_266 = arith.constant 1024 : i32
          %mul3A_267 = arith.muli %add3A_255, %mul3A_266 : i32
          %dma_start3A = arith.constant 0 : i32
          %dma_start3A_268 = arith.constant 0 : i32
          %dma_start3A_269 = tpu.memref_slice %arg2[%dma_start3A_268, %mul3A_267] : memref<32x1000000xf32, #tpu.memory_space<hbm>> -> memref<32x1024xf32, #tpu.memory_space<hbm>>
          %dma_start3A_270 = tpu.memref_slice %arg15[%dma_start3A] : memref<2x!tpu.dma_semaphore, #tpu.memory_space<semaphore_mem>> -> memref<1x!tpu.dma_semaphore, #tpu.memory_space<semaphore_mem>>
          %dma_start3A_271 = tpu.memref_squeeze %dma_start3A_270 : memref<1x!tpu.dma_semaphore, #tpu.memory_space<semaphore_mem>> -> memref<!tpu.dma_semaphore, #tpu.memory_space<semaphore_mem>>
          %dma_start3A_272 = arith.constant 0 : i32
          %dma_start3A_273 = tpu.memref_slice %arg2[%dma_start3A_272, %mul3A_267] : memref<32x1000000xf32, #tpu.memory_space<hbm>> -> memref<32x1024xf32, #tpu.memory_space<hbm>>
          tpu.enqueue_dma source(%dma_start3A_273 : memref<32x1024xf32, #tpu.memory_space<hbm>>) target(%arg7 : memref<32x1024xf32, #tpu.memory_space<vmem>>) target_semaphore(%dma_start3A_271 : memref<!tpu.dma_semaphore, #tpu.memory_space<semaphore_mem>>)
        } else {
        }
        %eq3A_261 = arith.constant 976 : i32
        %eq3A_262 = arith.cmpi eq, %add3A_255, %eq3A_261 : i32
        %convert_element_type3A_263 = arith.extui %eq3A_262 : i1 to i32
        %cond3A_264 = arith.constant 0 : i32
        %cond3A_265 = arith.cmpi ne, %convert_element_type3A_263, %cond3A_264 : i32
        scf.if %cond3A_265 {
          %dma_start3A = arith.constant 0 : i32
          %dma_start3A_266 = arith.constant 0 : i32
          %dma_start3A_267 = arith.constant 0 : i32
          %dma_start3A_268 = tpu.memref_slice %arg7[%dma_start3A_266, %dma_start3A_267] : memref<32x1024xf32, #tpu.memory_space<vmem>> -> memref<32x512xf32, #tpu.memory_space<vmem>>
          %dma_start3A_269 = arith.constant 0 : i32
          %dma_start3A_270 = arith.constant 999424 : i32
          %dma_start3A_271 = tpu.memref_slice %arg2[%dma_start3A_269, %dma_start3A_270] : memref<32x1000000xf32, #tpu.memory_space<hbm>> -> memref<32x512xf32, #tpu.memory_space<hbm>>
          %dma_start3A_272 = tpu.memref_slice %arg15[%dma_start3A] : memref<2x!tpu.dma_semaphore, #tpu.memory_space<semaphore_mem>> -> memref<1x!tpu.dma_semaphore, #tpu.memory_space<semaphore_mem>>
          %dma_start3A_273 = tpu.memref_squeeze %dma_start3A_272 : memref<1x!tpu.dma_semaphore, #tpu.memory_space<semaphore_mem>> -> memref<!tpu.dma_semaphore, #tpu.memory_space<semaphore_mem>>
          %dma_start3A_274 = arith.constant 0 : i32
          %dma_start3A_275 = arith.constant 0 : i32
          %dma_start3A_276 = tpu.memref_slice %arg7[%dma_start3A_274, %dma_start3A_275] : memref<32x1024xf32, #tpu.memory_space<vmem>> -> memref<32x512xf32, #tpu.memory_space<vmem>>
          %dma_start3A_277 = arith.constant 0 : i32
          %dma_start3A_278 = arith.constant 999424 : i32
          %dma_start3A_279 = tpu.memref_slice %arg2[%dma_start3A_277, %dma_start3A_278] : memref<32x1000000xf32, #tpu.memory_space<hbm>> -> memref<32x512xf32, #tpu.memory_space<hbm>>
          tpu.enqueue_dma source(%dma_start3A_279 : memref<32x512xf32, #tpu.memory_space<hbm>>) target(%dma_start3A_276 : memref<32x512xf32, #tpu.memory_space<vmem>>) target_semaphore(%dma_start3A_273 : memref<!tpu.dma_semaphore, #tpu.memory_space<semaphore_mem>>)
          %dma_start3A_280 = arith.constant 0 : i32
          %dma_start3A_281 = arith.constant 0 : i32
          %dma_start3A_282 = arith.constant 512 : i32
          %dma_start3A_283 = tpu.memref_slice %arg7[%dma_start3A_281, %dma_start3A_282] : memref<32x1024xf32, #tpu.memory_space<vmem>> -> memref<32x128xf32, #tpu.memory_space<vmem>>
          %dma_start3A_284 = tpu.memref_slice %arg15[%dma_start3A_280] : memref<2x!tpu.dma_semaphore, #tpu.memory_space<semaphore_mem>> -> memref<1x!tpu.dma_semaphore, #tpu.memory_space<semaphore_mem>>
          %dma_start3A_285 = tpu.memref_squeeze %dma_start3A_284 : memref<1x!tpu.dma_semaphore, #tpu.memory_space<semaphore_mem>> -> memref<!tpu.dma_semaphore, #tpu.memory_space<semaphore_mem>>
          %dma_start3A_286 = arith.constant 0 : i32
          %dma_start3A_287 = arith.constant 512 : i32
          %dma_start3A_288 = tpu.memref_slice %arg7[%dma_start3A_286, %dma_start3A_287] : memref<32x1024xf32, #tpu.memory_space<vmem>> -> memref<32x128xf32, #tpu.memory_space<vmem>>
          tpu.enqueue_dma source(%arg3 : memref<32x128xf32, #tpu.memory_space<hbm>>) target(%dma_start3A_288 : memref<32x128xf32, #tpu.memory_space<vmem>>) target_semaphore(%dma_start3A_285 : memref<!tpu.dma_semaphore, #tpu.memory_space<semaphore_mem>>)
        } else {
        }
      } else {
      }
      %add3A_171 = arith.constant 1 : i32
      %add3A_172 = arith.addi %mul3A_102, %add3A_171 : i32
      %mul3A_173 = arith.constant 32 : i32
      %mul3A_174 = arith.muli %add3A_172, %mul3A_173 : i32
      %add3A_175 = arith.addi %mul3A_174, %add3A : i32
      %lt3A_176 = arith.constant 976 : i32
      %lt3A_177 = arith.cmpi slt, %add3A_175, %lt3A_176 : i32
      %convert_element_type3A_178 = arith.extui %lt3A_177 : i1 to i32
      %cond3A_179 = arith.constant 0 : i32
      %cond3A_180 = arith.cmpi ne, %convert_element_type3A_178, %cond3A_179 : i32
      scf.if %cond3A_180 {
        %dma_wait3A = arith.constant 1 : i32
        %dma_wait3A_251 = arith.constant 0 : i32
        %dma_wait3A_252 = arith.constant 0 : i32
        %dma_wait3A_253 = tpu.memref_slice %arg2[%dma_wait3A_251, %dma_wait3A_252] : memref<32x1000000xf32, #tpu.memory_space<hbm>> -> memref<32x1024xf32, #tpu.memory_space<hbm>>
        %dma_wait3A_254 = tpu.memref_slice %arg15[%dma_wait3A] : memref<2x!tpu.dma_semaphore, #tpu.memory_space<semaphore_mem>> -> memref<1x!tpu.dma_semaphore, #tpu.memory_space<semaphore_mem>>
        %dma_wait3A_255 = tpu.memref_squeeze %dma_wait3A_254 : memref<1x!tpu.dma_semaphore, #tpu.memory_space<semaphore_mem>> -> memref<!tpu.dma_semaphore, #tpu.memory_space<semaphore_mem>>
        %dma_wait3A_256 = arith.constant 0 : i32
        %dma_wait3A_257 = arith.constant 0 : i32
        %dma_wait3A_258 = tpu.memref_slice %arg2[%dma_wait3A_256, %dma_wait3A_257] : memref<32x1000000xf32, #tpu.memory_space<hbm>> -> memref<32x1024xf32, #tpu.memory_space<hbm>>
        tpu.wait_dma2 semaphore(%dma_wait3A_255 : memref<!tpu.dma_semaphore, #tpu.memory_space<semaphore_mem>>) src(%dma_wait3A_258 : memref<32x1024xf32, #tpu.memory_space<hbm>>) dst(%arg8 : memref<32x1024xf32, #tpu.memory_space<vmem>>)
      } else {
      }
      %eq3A_181 = arith.constant 976 : i32
      %eq3A_182 = arith.cmpi eq, %add3A_175, %eq3A_181 : i32
      %convert_element_type3A_183 = arith.extui %eq3A_182 : i1 to i32
      %cond3A_184 = arith.constant 0 : i32
      %cond3A_185 = arith.cmpi ne, %convert_element_type3A_183, %cond3A_184 : i32
      scf.if %cond3A_185 {
        %dma_wait3A = arith.constant 1 : i32
        %dma_wait3A_251 = arith.constant 0 : i32
        %dma_wait3A_252 = arith.constant 0 : i32
        %dma_wait3A_253 = tpu.memref_slice %arg8[%dma_wait3A_251, %dma_wait3A_252] : memref<32x1024xf32, #tpu.memory_space<vmem>> -> memref<32x512xf32, #tpu.memory_space<vmem>>
        %dma_wait3A_254 = arith.constant 0 : i32
        %dma_wait3A_255 = arith.constant 0 : i32
        %dma_wait3A_256 = tpu.memref_slice %arg2[%dma_wait3A_254, %dma_wait3A_255] : memref<32x1000000xf32, #tpu.memory_space<hbm>> -> memref<32x512xf32, #tpu.memory_space<hbm>>
        %dma_wait3A_257 = tpu.memref_slice %arg15[%dma_wait3A] : memref<2x!tpu.dma_semaphore, #tpu.memory_space<semaphore_mem>> -> memref<1x!tpu.dma_semaphore, #tpu.memory_space<semaphore_mem>>
        %dma_wait3A_258 = tpu.memref_squeeze %dma_wait3A_257 : memref<1x!tpu.dma_semaphore, #tpu.memory_space<semaphore_mem>> -> memref<!tpu.dma_semaphore, #tpu.memory_space<semaphore_mem>>
        %dma_wait3A_259 = arith.constant 0 : i32
        %dma_wait3A_260 = arith.constant 0 : i32
        %dma_wait3A_261 = tpu.memref_slice %arg8[%dma_wait3A_259, %dma_wait3A_260] : memref<32x1024xf32, #tpu.memory_space<vmem>> -> memref<32x512xf32, #tpu.memory_space<vmem>>
        %dma_wait3A_262 = arith.constant 0 : i32
        %dma_wait3A_263 = arith.constant 0 : i32
        %dma_wait3A_264 = tpu.memref_slice %arg2[%dma_wait3A_262, %dma_wait3A_263] : memref<32x1000000xf32, #tpu.memory_space<hbm>> -> memref<32x512xf32, #tpu.memory_space<hbm>>
        tpu.wait_dma2 semaphore(%dma_wait3A_258 : memref<!tpu.dma_semaphore, #tpu.memory_space<semaphore_mem>>) src(%dma_wait3A_264 : memref<32x512xf32, #tpu.memory_space<hbm>>) dst(%dma_wait3A_261 : memref<32x512xf32, #tpu.memory_space<vmem>>)
        %dma_wait3A_265 = arith.constant 1 : i32
        %dma_wait3A_266 = arith.constant 0 : i32
        %dma_wait3A_267 = arith.constant 512 : i32
        %dma_wait3A_268 = tpu.memref_slice %arg8[%dma_wait3A_266, %dma_wait3A_267] : memref<32x1024xf32, #tpu.memory_space<vmem>> -> memref<32x128xf32, #tpu.memory_space<vmem>>
        %dma_wait3A_269 = tpu.memref_slice %arg15[%dma_wait3A_265] : memref<2x!tpu.dma_semaphore, #tpu.memory_space<semaphore_mem>> -> memref<1x!tpu.dma_semaphore, #tpu.memory_space<semaphore_mem>>
        %dma_wait3A_270 = tpu.memref_squeeze %dma_wait3A_269 : memref<1x!tpu.dma_semaphore, #tpu.memory_space<semaphore_mem>> -> memref<!tpu.dma_semaphore, #tpu.memory_space<semaphore_mem>>
        %dma_wait3A_271 = arith.constant 0 : i32
        %dma_wait3A_272 = arith.constant 512 : i32
        %dma_wait3A_273 = tpu.memref_slice %arg8[%dma_wait3A_271, %dma_wait3A_272] : memref<32x1024xf32, #tpu.memory_space<vmem>> -> memref<32x128xf32, #tpu.memory_space<vmem>>
        tpu.wait_dma2 semaphore(%dma_wait3A_270 : memref<!tpu.dma_semaphore, #tpu.memory_space<semaphore_mem>>) src(%arg3 : memref<32x128xf32, #tpu.memory_space<hbm>>) dst(%dma_wait3A_273 : memref<32x128xf32, #tpu.memory_space<vmem>>)
      } else {
      }
      %add3A_186 = vector.broadcast %mul3A_102 : i32 to vector<16xi32>
      %add3A_187 = arith.addi %broadcast_in_dim3A_1, %add3A_186 : vector<16xi32>
      %gather3A_188 = tpu.vector_load_idx %arg11[%add3A_187] : memref<32xi32, #tpu.memory_space<vmem>>[vector<16xi32>], vector<16xi32>,
      %slice3A_189 = vector.extract_strided_slice %gather3A_188 {offsets = [0], sizes = [1], strides = [1]} : vector<16xi32> to vector<1xi32>
      %squeeze3A_190 = vector.extract %slice3A_189[0] : i32 from vector<1xi32>
      %add3A_191 = vector.broadcast %mul3A_102 : i32 to vector<16xi32>
      %add3A_192 = arith.addi %broadcast_in_dim3A_1, %add3A_191 : vector<16xi32>
      %gather3A_193 = tpu.vector_load_idx %arg12[%add3A_192] : memref<32xi32, #tpu.memory_space<vmem>>[vector<16xi32>], vector<16xi32>,
      %slice3A_194 = vector.extract_strided_slice %gather3A_193 {offsets = [0], sizes = [1], strides = [1]} : vector<16xi32> to vector<1xi32>
      %squeeze3A_195 = vector.extract %slice3A_194[0] : i32 from vector<1xi32>
      %eq3A_196 = arith.constant 0 : i32
      %eq3A_197 = arith.cmpi eq, %squeeze3A_195, %eq3A_196 : i32
      %jit3A_198 = arith.constant 0 : i32
      %select_n3A_199 = arith.select %eq3A_197, %squeeze3A_190, %jit3A_198 : i32
      %while3A_200 = arith.constant 0 : i32
      %while3A_201 = arith.constant 0 : i32
      %while3A_202 = arith.subi %select_n3A_199, %while3A_201 : i32
      %while3A_203 = arith.addi %while3A_201, %while3A_202 : i32
      %while3A_204 = arith.constant 1 : i32
      %while3A_205 = arith.divsi %while3A_202, %while3A_204 : i32
      %while3A_206 = arith.muli %while3A_205, %while3A_204 : i32
      %while3A_207 = arith.addi %while3A_201, %while3A_206 : i32
      %while3A_208 = arith.constant 1 : i32
      scf.for %while3A_251 = %while3A_201 to %while3A_207 step %while3A_208  : i32 {
        %dma_wait3A = arith.constant 0 : i32
        %dma_wait3A_252 = arith.constant 0 : i32
        %dma_wait3A_253 = tpu.memref_slice %arg13[%dma_wait3A, %dma_wait3A_252] : memref<64x32xf32, #tpu.memory_space<vmem>> -> memref<1x32xf32, #tpu.memory_space<vmem>>
        %dma_wait3A_254 = arith.constant 0 : i32
        %dma_wait3A_255 = arith.constant 0 : i32
        %dma_wait3A_256 = tpu.memref_slice %arg5[%dma_wait3A_254, %dma_wait3A_255] : memref<16384x32xf32, #tpu.memory_space<hbm>> -> memref<1x32xf32, #tpu.memory_space<hbm>>
        %dma_wait3A_257 = arith.constant 0 : i32
        %dma_wait3A_258 = arith.constant 0 : i32
        %dma_wait3A_259 = tpu.memref_slice %arg5[%dma_wait3A_257, %dma_wait3A_258] : memref<16384x32xf32, #tpu.memory_space<hbm>> -> memref<1x32xf32, #tpu.memory_space<hbm>>
        %dma_wait3A_260 = arith.constant 0 : i32
        %dma_wait3A_261 = arith.constant 0 : i32
        %dma_wait3A_262 = tpu.memref_slice %arg13[%dma_wait3A_260, %dma_wait3A_261] : memref<64x32xf32, #tpu.memory_space<vmem>> -> memref<1x32xf32, #tpu.memory_space<vmem>>
        tpu.wait_dma2 semaphore(%arg14 : memref<!tpu.dma_semaphore, #tpu.memory_space<semaphore_mem>>) src(%dma_wait3A_262 : memref<1x32xf32, #tpu.memory_space<vmem>>) dst(%dma_wait3A_259 : memref<1x32xf32, #tpu.memory_space<hbm>>)
      }
      %while3A_209 = arith.constant 1 : i32
      scf.for %while3A_251 = %while3A_207 to %while3A_203 step %while3A_209  : i32 {
        %dma_wait3A = arith.constant 0 : i32
        %dma_wait3A_252 = arith.constant 0 : i32
        %dma_wait3A_253 = tpu.memref_slice %arg13[%dma_wait3A, %dma_wait3A_252] : memref<64x32xf32, #tpu.memory_space<vmem>> -> memref<1x32xf32, #tpu.memory_space<vmem>>
        %dma_wait3A_254 = arith.constant 0 : i32
        %dma_wait3A_255 = arith.constant 0 : i32
        %dma_wait3A_256 = tpu.memref_slice %arg5[%dma_wait3A_254, %dma_wait3A_255] : memref<16384x32xf32, #tpu.memory_space<hbm>> -> memref<1x32xf32, #tpu.memory_space<hbm>>
        %dma_wait3A_257 = arith.constant 0 : i32
        %dma_wait3A_258 = arith.constant 0 : i32
        %dma_wait3A_259 = tpu.memref_slice %arg5[%dma_wait3A_257, %dma_wait3A_258] : memref<16384x32xf32, #tpu.memory_space<hbm>> -> memref<1x32xf32, #tpu.memory_space<hbm>>
        %dma_wait3A_260 = arith.constant 0 : i32
        %dma_wait3A_261 = arith.constant 0 : i32
        %dma_wait3A_262 = tpu.memref_slice %arg13[%dma_wait3A_260, %dma_wait3A_261] : memref<64x32xf32, #tpu.memory_space<vmem>> -> memref<1x32xf32, #tpu.memory_space<vmem>>
        tpu.wait_dma2 semaphore(%arg14 : memref<!tpu.dma_semaphore, #tpu.memory_space<semaphore_mem>>) src(%dma_wait3A_262 : memref<1x32xf32, #tpu.memory_space<vmem>>) dst(%dma_wait3A_259 : memref<1x32xf32, #tpu.memory_space<hbm>>)
      }
      %add3A_210 = arith.constant 1 : i32
      %add3A_211 = arith.addi %mul3A_102, %add3A_210 : i32
      %mul3A_212 = arith.constant 32 : i32
      %mul3A_213 = arith.muli %add3A_211, %mul3A_212 : i32
      %add3A_214 = arith.addi %mul3A_213, %add3A : i32
      %add3A_215 = vector.broadcast %add3A_211 : i32 to vector<16xi32>
      %add3A_216 = arith.addi %broadcast_in_dim3A_1, %add3A_215 : vector<16xi32>
      %gather3A_217 = tpu.vector_load_idx %arg11[%add3A_216] : memref<32xi32, #tpu.memory_space<vmem>>[vector<16xi32>], vector<16xi32>,
      %slice3A_218 = vector.extract_strided_slice %gather3A_217 {offsets = [0], sizes = [1], strides = [1]} : vector<16xi32> to vector<1xi32>
      %squeeze3A_219 = vector.extract %slice3A_218[0] : i32 from vector<1xi32>
      %add3A_220 = vector.broadcast %add3A_211 : i32 to vector<16xi32>
      %add3A_221 = arith.addi %broadcast_in_dim3A_1, %add3A_220 : vector<16xi32>
      %gather3A_222 = tpu.vector_load_idx %arg12[%add3A_221] : memref<32xi32, #tpu.memory_space<vmem>>[vector<16xi32>], vector<16xi32>,
      %slice3A_223 = vector.extract_strided_slice %gather3A_222 {offsets = [0], sizes = [1], strides = [1]} : vector<16xi32> to vector<1xi32>
      %squeeze3A_224 = vector.extract %slice3A_223[0] : i32 from vector<1xi32>
      %eq3A_225 = arith.constant 0 : i32
      %eq3A_226 = arith.cmpi eq, %squeeze3A_224, %eq3A_225 : i32
      %convert_element_type3A_227 = arith.extui %eq3A_226 : i1 to i32
      %cond3A_228 = arith.constant 0 : i32
      %cond3A_229 = arith.cmpi ne, %convert_element_type3A_227, %cond3A_228 : i32
      scf.if %cond3A_229 {
        %while3A_251 = arith.constant 0 : i32
        %while3A_252 = arith.constant 0 : i32
        %while3A_253 = arith.subi %squeeze3A_219, %while3A_252 : i32
        %while3A_254 = arith.addi %while3A_252, %while3A_253 : i32
        %while3A_255 = arith.constant 1 : i32
        %while3A_256 = arith.divsi %while3A_253, %while3A_255 : i32
        %while3A_257 = arith.muli %while3A_256, %while3A_255 : i32
        %while3A_258 = arith.addi %while3A_252, %while3A_257 : i32
        %while3A_259 = arith.constant 1 : i32
        scf.for %while3A_261 = %while3A_252 to %while3A_258 step %while3A_259  : i32 {
          %mul3A_262 = arith.constant 64 : i32
          %mul3A_263 = arith.muli %add3A_211, %mul3A_262 : i32
          %add3A_264 = arith.addi %mul3A_263, %while3A_261 : i32
          %add3A_265 = vector.broadcast %add3A_264 : i32 to vector<16xi32>
          %add3A_266 = arith.addi %broadcast_in_dim3A_1, %add3A_265 : vector<16xi32>
          %gather3A_267 = tpu.vector_load_idx %arg9[%add3A_266] : memref<1984xi32, #tpu.memory_space<vmem>>[vector<16xi32>], vector<16xi32>,
          %gather3A_268 = tpu.vector_load_idx %arg10[%add3A_266] : memref<1984xi32, #tpu.memory_space<vmem>>[vector<16xi32>], vector<16xi32>,
          %slice3A_269 = vector.extract_strided_slice %gather3A_267 {offsets = [0], sizes = [1], strides = [1]} : vector<16xi32> to vector<1xi32>
          %squeeze3A_270 = vector.extract %slice3A_269[0] : i32 from vector<1xi32>
          %slice3A_271 = vector.extract_strided_slice %gather3A_268 {offsets = [0], sizes = [1], strides = [1]} : vector<16xi32> to vector<1xi32>
          %squeeze3A_272 = vector.extract %slice3A_271[0] : i32 from vector<1xi32>
          %and3A = arith.constant 1023 : i32
          %and3A_273 = arith.andi %squeeze3A_270, %and3A : i32
          %add3A_274 = vector.broadcast %and3A_273 : i32 to vector<16xi32>
          %add3A_275 = arith.addi %broadcast_in_dim3A_1, %add3A_274 : vector<16xi32>
          %gather3A_276 = tpu.vector_load_idx %arg8[%iota3A, %add3A_275] : memref<32x1024xf32, #tpu.memory_space<vmem>>[vector<16xi32>, vector<16xi32>], vector<16xf32>,
          %gather3A_277 = tpu.vector_load_idx %arg8[%add3A_17, %add3A_275] : memref<32x1024xf32, #tpu.memory_space<vmem>>[vector<16xi32>, vector<16xi32>], vector<16xf32>,
          %swap3A_278 = arith.index_cast %while3A_261 : i32 to index
          %swap3A_279 = arith.constant 0 : index
          %swap3A_280 = tpu.vector_load %arg13[%swap3A_278, %swap3A_279] {strides = array<i32>} : memref<64x32xf32, #tpu.memory_space<vmem>>, vector<16xf32>,
          tpu.vector_store %arg13[%swap3A_278, %swap3A_279], %gather3A_276 {strides = array<i32>} : memref<64x32xf32, #tpu.memory_space<vmem>>, vector<16xf32>,
          %swap3A_281 = arith.index_cast %while3A_261 : i32 to index
          %swap3A_282 = arith.constant 16 : index
          %swap3A_283 = tpu.vector_load %arg13[%swap3A_281, %swap3A_282] {strides = array<i32>} : memref<64x32xf32, #tpu.memory_space<vmem>>, vector<16xf32>,
          tpu.vector_store %arg13[%swap3A_281, %swap3A_282], %gather3A_277 {strides = array<i32>} : memref<64x32xf32, #tpu.memory_space<vmem>>, vector<16xf32>,
          %dma_start3A = arith.constant 0 : i32
          %dma_start3A_284 = tpu.memref_slice %arg13[%while3A_261, %dma_start3A] : memref<64x32xf32, #tpu.memory_space<vmem>> -> memref<1x32xf32, #tpu.memory_space<vmem>>
          %dma_start3A_285 = arith.constant 0 : i32
          %dma_start3A_286 = tpu.memref_slice %arg5[%squeeze3A_272, %dma_start3A_285] : memref<16384x32xf32, #tpu.memory_space<hbm>> -> memref<1x32xf32, #tpu.memory_space<hbm>>
          %dma_start3A_287 = arith.constant 0 : i32
          %dma_start3A_288 = tpu.memref_slice %arg5[%squeeze3A_272, %dma_start3A_287] : memref<16384x32xf32, #tpu.memory_space<hbm>> -> memref<1x32xf32, #tpu.memory_space<hbm>>
          %dma_start3A_289 = arith.constant 0 : i32
          %dma_start3A_290 = tpu.memref_slice %arg13[%while3A_261, %dma_start3A_289] : memref<64x32xf32, #tpu.memory_space<vmem>> -> memref<1x32xf32, #tpu.memory_space<vmem>>
          tpu.enqueue_dma source(%dma_start3A_290 : memref<1x32xf32, #tpu.memory_space<vmem>>) target(%dma_start3A_288 : memref<1x32xf32, #tpu.memory_space<hbm>>) target_semaphore(%arg14 : memref<!tpu.dma_semaphore, #tpu.memory_space<semaphore_mem>>)
        }
        %while3A_260 = arith.constant 1 : i32
        scf.for %while3A_261 = %while3A_258 to %while3A_254 step %while3A_260  : i32 {
          %mul3A_262 = arith.constant 64 : i32
          %mul3A_263 = arith.muli %add3A_211, %mul3A_262 : i32
          %add3A_264 = arith.addi %mul3A_263, %while3A_261 : i32
          %add3A_265 = vector.broadcast %add3A_264 : i32 to vector<16xi32>
          %add3A_266 = arith.addi %broadcast_in_dim3A_1, %add3A_265 : vector<16xi32>
          %gather3A_267 = tpu.vector_load_idx %arg9[%add3A_266] : memref<1984xi32, #tpu.memory_space<vmem>>[vector<16xi32>], vector<16xi32>,
          %gather3A_268 = tpu.vector_load_idx %arg10[%add3A_266] : memref<1984xi32, #tpu.memory_space<vmem>>[vector<16xi32>], vector<16xi32>,
          %slice3A_269 = vector.extract_strided_slice %gather3A_267 {offsets = [0], sizes = [1], strides = [1]} : vector<16xi32> to vector<1xi32>
          %squeeze3A_270 = vector.extract %slice3A_269[0] : i32 from vector<1xi32>
          %slice3A_271 = vector.extract_strided_slice %gather3A_268 {offsets = [0], sizes = [1], strides = [1]} : vector<16xi32> to vector<1xi32>
          %squeeze3A_272 = vector.extract %slice3A_271[0] : i32 from vector<1xi32>
          %and3A = arith.constant 1023 : i32
          %and3A_273 = arith.andi %squeeze3A_270, %and3A : i32
          %add3A_274 = vector.broadcast %and3A_273 : i32 to vector<16xi32>
          %add3A_275 = arith.addi %broadcast_in_dim3A_1, %add3A_274 : vector<16xi32>
          %gather3A_276 = tpu.vector_load_idx %arg8[%iota3A, %add3A_275] : memref<32x1024xf32, #tpu.memory_space<vmem>>[vector<16xi32>, vector<16xi32>], vector<16xf32>,
          %gather3A_277 = tpu.vector_load_idx %arg8[%add3A_17, %add3A_275] : memref<32x1024xf32, #tpu.memory_space<vmem>>[vector<16xi32>, vector<16xi32>], vector<16xf32>,
          %swap3A_278 = arith.index_cast %while3A_261 : i32 to index
          %swap3A_279 = arith.constant 0 : index
          %swap3A_280 = tpu.vector_load %arg13[%swap3A_278, %swap3A_279] {strides = array<i32>} : memref<64x32xf32, #tpu.memory_space<vmem>>, vector<16xf32>,
          tpu.vector_store %arg13[%swap3A_278, %swap3A_279], %gather3A_276 {strides = array<i32>} : memref<64x32xf32, #tpu.memory_space<vmem>>, vector<16xf32>,
          %swap3A_281 = arith.index_cast %while3A_261 : i32 to index
          %swap3A_282 = arith.constant 16 : index
          %swap3A_283 = tpu.vector_load %arg13[%swap3A_281, %swap3A_282] {strides = array<i32>} : memref<64x32xf32, #tpu.memory_space<vmem>>, vector<16xf32>,
          tpu.vector_store %arg13[%swap3A_281, %swap3A_282], %gather3A_277 {strides = array<i32>} : memref<64x32xf32, #tpu.memory_space<vmem>>, vector<16xf32>,
          %dma_start3A = arith.constant 0 : i32
          %dma_start3A_284 = tpu.memref_slice %arg13[%while3A_261, %dma_start3A] : memref<64x32xf32, #tpu.memory_space<vmem>> -> memref<1x32xf32, #tpu.memory_space<vmem>>
          %dma_start3A_285 = arith.constant 0 : i32
          %dma_start3A_286 = tpu.memref_slice %arg5[%squeeze3A_272, %dma_start3A_285] : memref<16384x32xf32, #tpu.memory_space<hbm>> -> memref<1x32xf32, #tpu.memory_space<hbm>>
          %dma_start3A_287 = arith.constant 0 : i32
          %dma_start3A_288 = tpu.memref_slice %arg5[%squeeze3A_272, %dma_start3A_287] : memref<16384x32xf32, #tpu.memory_space<hbm>> -> memref<1x32xf32, #tpu.memory_space<hbm>>
          %dma_start3A_289 = arith.constant 0 : i32
          %dma_start3A_290 = tpu.memref_slice %arg13[%while3A_261, %dma_start3A_289] : memref<64x32xf32, #tpu.memory_space<vmem>> -> memref<1x32xf32, #tpu.memory_space<vmem>>
          tpu.enqueue_dma source(%dma_start3A_290 : memref<1x32xf32, #tpu.memory_space<vmem>>) target(%dma_start3A_288 : memref<1x32xf32, #tpu.memory_space<hbm>>) target_semaphore(%arg14 : memref<!tpu.dma_semaphore, #tpu.memory_space<semaphore_mem>>)
        }
      } else {
      }
      %ne3A_230 = arith.constant 0 : i32
      %ne3A_231 = arith.cmpi ne, %squeeze3A_224, %ne3A_230 : i32
      %convert_element_type3A_232 = arith.extui %ne3A_231 : i1 to i32
      %cond3A_233 = arith.constant 0 : i32
      %cond3A_234 = arith.cmpi ne, %convert_element_type3A_232, %cond3A_233 : i32
      scf.if %cond3A_234 {
        %scan3A_251 = arith.constant 0 : i32
        %scan3A_252 = arith.constant 0 : i32
        %scan3A_253 = arith.constant 1024 : i32
        %scan3A_254 = arith.addi %scan3A_252, %scan3A_253 : i32
        %scan3A_255 = arith.constant 1 : i32
        scf.for %scan3A_257 = %scan3A_252 to %scan3A_254 step %scan3A_255  : i32 {
          %mul3A_258 = arith.constant 16 : i32
          %mul3A_259 = arith.muli %scan3A_257, %mul3A_258 : i32
          %get3A = arith.index_cast %mul3A_259 : i32 to index
          %get3A_260 = tpu.vector_load %arg6[%get3A] {strides = array<i32>} : memref<16384xi32, #tpu.memory_space<vmem>>, vector<16xi32>,
          %shift_right_logical3A = arith.constant 10 : i32
          %shift_right_logical3A_261 = vector.broadcast %shift_right_logical3A : i32 to vector<16xi32>
          %shift_right_logical3A_262 = arith.shrui %get3A_260, %shift_right_logical3A_261 : vector<16xi32>
          %eq3A_263 = vector.broadcast %add3A_214 : i32 to vector<16xi32>
          %eq3A_264 = arith.cmpi eq, %shift_right_logical3A_262, %eq3A_263 : vector<16xi32>
          %all_reduce_population_count3A = tpu.all_reduce %eq3A_264 {dim = 0 : i64, kind = #tpu.reduction_kind<sum>} : vector<16xi1> -> vector<16xi32>
          %slice3A_265 = vector.extract_strided_slice %all_reduce_population_count3A {offsets = [0], sizes = [1], strides = [1]} : vector<16xi32> to vector<1xi32>
          %squeeze3A_266 = vector.extract %slice3A_265[0] : i32 from vector<1xi32>
          %gt3A = arith.constant 0 : i32
          %gt3A_267 = arith.cmpi sgt, %squeeze3A_266, %gt3A : i32
          %convert_element_type3A_268 = arith.extui %gt3A_267 : i1 to i32
          %cond3A_269 = arith.constant 0 : i32
          %cond3A_270 = arith.cmpi ne, %convert_element_type3A_268, %cond3A_269 : i32
          scf.if %cond3A_270 {
            %jit3A_271 = arith.constant 1 : i32
            %jit3A_272 = arith.constant 0 : i32
            %broadcast_in_dim3A_273 = vector.broadcast %jit3A_271 : i32 to vector<16xi32>
            %broadcast_in_dim3A_274 = vector.broadcast %jit3A_272 : i32 to vector<16xi32>
            %select_n3A_275 = arith.select %eq3A_264, %broadcast_in_dim3A_273, %broadcast_in_dim3A_274 : vector<16xi1>, vector<16xi32>
            %slice3A_276 = vector.extract_strided_slice %select_n3A_275 {offsets = [0], sizes = [1], strides = [1]} : vector<16xi32> to vector<1xi32>
            %squeeze3A_277 = vector.extract %slice3A_276[0] : i32 from vector<1xi32>
            %gt3A_278 = arith.constant 0 : i32
            %gt3A_279 = arith.cmpi sgt, %squeeze3A_277, %gt3A_278 : i32
            %convert_element_type3A_280 = arith.extui %gt3A_279 : i1 to i32
            %cond3A_281 = arith.constant 0 : i32
            %cond3A_282 = arith.cmpi ne, %convert_element_type3A_280, %cond3A_281 : i32
            scf.if %cond3A_282 {
              %slice3A_398 = vector.extract_strided_slice %get3A_260 {offsets = [0], sizes = [1], strides = [1]} : vector<16xi32> to vector<1xi32>
              %squeeze3A_399 = vector.extract %slice3A_398[0] : i32 from vector<1xi32>
              %mul3A_400 = arith.constant 16 : i32
              %mul3A_401 = arith.muli %scan3A_257, %mul3A_400 : i32
              %add3A_402 = arith.constant 0 : i32
              %add3A_403 = arith.addi %mul3A_401, %add3A_402 : i32
              %and3A = arith.constant 1023 : i32
              %and3A_404 = arith.andi %squeeze3A_399, %and3A : i32
              %add3A_405 = vector.broadcast %and3A_404 : i32 to vector<16xi32>
              %add3A_406 = arith.addi %broadcast_in_dim3A_1, %add3A_405 : vector<16xi32>
              %gather3A_407 = tpu.vector_load_idx %arg8[%iota3A, %add3A_406] : memref<32x1024xf32, #tpu.memory_space<vmem>>[vector<16xi32>, vector<16xi32>], vector<16xf32>,
              %gather3A_408 = tpu.vector_load_idx %arg8[%add3A_17, %add3A_406] : memref<32x1024xf32, #tpu.memory_space<vmem>>[vector<16xi32>, vector<16xi32>], vector<16xf32>,
              %swap3A_409 = arith.constant 0 : i32
              %swap3A_410 = arith.index_cast %swap3A_409 : i32 to index
              %swap3A_411 = arith.constant 0 : index
              %swap3A_412 = tpu.vector_load %arg13[%swap3A_410, %swap3A_411] {strides = array<i32>} : memref<64x32xf32, #tpu.memory_space<vmem>>, vector<16xf32>,
              tpu.vector_store %arg13[%swap3A_410, %swap3A_411], %gather3A_407 {strides = array<i32>} : memref<64x32xf32, #tpu.memory_space<vmem>>, vector<16xf32>,
              %swap3A_413 = arith.constant 0 : i32
              %swap3A_414 = arith.index_cast %swap3A_413 : i32 to index
              %swap3A_415 = arith.constant 16 : index
              %swap3A_416 = tpu.vector_load %arg13[%swap3A_414, %swap3A_415] {strides = array<i32>} : memref<64x32xf32, #tpu.memory_space<vmem>>, vector<16xf32>,
              tpu.vector_store %arg13[%swap3A_414, %swap3A_415], %gather3A_408 {strides = array<i32>} : memref<64x32xf32, #tpu.memory_space<vmem>>, vector<16xf32>,
              %dma_start3A = arith.constant 0 : i32
              %dma_start3A_417 = arith.constant 0 : i32
              %dma_start3A_418 = tpu.memref_slice %arg13[%dma_start3A, %dma_start3A_417] : memref<64x32xf32, #tpu.memory_space<vmem>> -> memref<1x32xf32, #tpu.memory_space<vmem>>
              %dma_start3A_419 = arith.constant 0 : i32
              %dma_start3A_420 = tpu.memref_slice %arg5[%add3A_403, %dma_start3A_419] : memref<16384x32xf32, #tpu.memory_space<hbm>> -> memref<1x32xf32, #tpu.memory_space<hbm>>
              %dma_start3A_421 = arith.constant 0 : i32
              %dma_start3A_422 = tpu.memref_slice %arg5[%add3A_403, %dma_start3A_421] : memref<16384x32xf32, #tpu.memory_space<hbm>> -> memref<1x32xf32, #tpu.memory_space<hbm>>
              %dma_start3A_423 = arith.constant 0 : i32
              %dma_start3A_424 = arith.constant 0 : i32
              %dma_start3A_425 = tpu.memref_slice %arg13[%dma_start3A_423, %dma_start3A_424] : memref<64x32xf32, #tpu.memory_space<vmem>> -> memref<1x32xf32, #tpu.memory_space<vmem>>
              tpu.enqueue_dma source(%dma_start3A_425 : memref<1x32xf32, #tpu.memory_space<vmem>>) target(%dma_start3A_422 : memref<1x32xf32, #tpu.memory_space<hbm>>) target_semaphore(%arg14 : memref<!tpu.dma_semaphore, #tpu.memory_space<semaphore_mem>>)
            } else {
            }
            %slice3A_283 = vector.extract_strided_slice %select_n3A_275 {offsets = [1], sizes = [1], strides = [1]} : vector<16xi32> to vector<1xi32>
            %squeeze3A_284 = vector.extract %slice3A_283[0] : i32 from vector<1xi32>
            %gt3A_285 = arith.constant 0 : i32
            %gt3A_286 = arith.cmpi sgt, %squeeze3A_284, %gt3A_285 : i32
            %convert_element_type3A_287 = arith.extui %gt3A_286 : i1 to i32
            %cond3A_288 = arith.constant 0 : i32
            %cond3A_289 = arith.cmpi ne, %convert_element_type3A_287, %cond3A_288 : i32
            scf.if %cond3A_289 {
              %slice3A_398 = vector.extract_strided_slice %get3A_260 {offsets = [1], sizes = [1], strides = [1]} : vector<16xi32> to vector<1xi32>
              %squeeze3A_399 = vector.extract %slice3A_398[0] : i32 from vector<1xi32>
              %mul3A_400 = arith.constant 16 : i32
              %mul3A_401 = arith.muli %scan3A_257, %mul3A_400 : i32
              %add3A_402 = arith.constant 1 : i32
              %add3A_403 = arith.addi %mul3A_401, %add3A_402 : i32
              %and3A = arith.constant 1023 : i32
              %and3A_404 = arith.andi %squeeze3A_399, %and3A : i32
              %add3A_405 = vector.broadcast %and3A_404 : i32 to vector<16xi32>
              %add3A_406 = arith.addi %broadcast_in_dim3A_1, %add3A_405 : vector<16xi32>
              %gather3A_407 = tpu.vector_load_idx %arg8[%iota3A, %add3A_406] : memref<32x1024xf32, #tpu.memory_space<vmem>>[vector<16xi32>, vector<16xi32>], vector<16xf32>,
              %gather3A_408 = tpu.vector_load_idx %arg8[%add3A_17, %add3A_406] : memref<32x1024xf32, #tpu.memory_space<vmem>>[vector<16xi32>, vector<16xi32>], vector<16xf32>,
              %swap3A_409 = arith.constant 1 : i32
              %swap3A_410 = arith.index_cast %swap3A_409 : i32 to index
              %swap3A_411 = arith.constant 0 : index
              %swap3A_412 = tpu.vector_load %arg13[%swap3A_410, %swap3A_411] {strides = array<i32>} : memref<64x32xf32, #tpu.memory_space<vmem>>, vector<16xf32>,
              tpu.vector_store %arg13[%swap3A_410, %swap3A_411], %gather3A_407 {strides = array<i32>} : memref<64x32xf32, #tpu.memory_space<vmem>>, vector<16xf32>,
              %swap3A_413 = arith.constant 1 : i32
              %swap3A_414 = arith.index_cast %swap3A_413 : i32 to index
              %swap3A_415 = arith.constant 16 : index
              %swap3A_416 = tpu.vector_load %arg13[%swap3A_414, %swap3A_415] {strides = array<i32>} : memref<64x32xf32, #tpu.memory_space<vmem>>, vector<16xf32>,
              tpu.vector_store %arg13[%swap3A_414, %swap3A_415], %gather3A_408 {strides = array<i32>} : memref<64x32xf32, #tpu.memory_space<vmem>>, vector<16xf32>,
              %dma_start3A = arith.constant 1 : i32
              %dma_start3A_417 = arith.constant 0 : i32
              %dma_start3A_418 = tpu.memref_slice %arg13[%dma_start3A, %dma_start3A_417] : memref<64x32xf32, #tpu.memory_space<vmem>> -> memref<1x32xf32, #tpu.memory_space<vmem>>
              %dma_start3A_419 = arith.constant 0 : i32
              %dma_start3A_420 = tpu.memref_slice %arg5[%add3A_403, %dma_start3A_419] : memref<16384x32xf32, #tpu.memory_space<hbm>> -> memref<1x32xf32, #tpu.memory_space<hbm>>
              %dma_start3A_421 = arith.constant 0 : i32
              %dma_start3A_422 = tpu.memref_slice %arg5[%add3A_403, %dma_start3A_421] : memref<16384x32xf32, #tpu.memory_space<hbm>> -> memref<1x32xf32, #tpu.memory_space<hbm>>
              %dma_start3A_423 = arith.constant 1 : i32
              %dma_start3A_424 = arith.constant 0 : i32
              %dma_start3A_425 = tpu.memref_slice %arg13[%dma_start3A_423, %dma_start3A_424] : memref<64x32xf32, #tpu.memory_space<vmem>> -> memref<1x32xf32, #tpu.memory_space<vmem>>
              tpu.enqueue_dma source(%dma_start3A_425 : memref<1x32xf32, #tpu.memory_space<vmem>>) target(%dma_start3A_422 : memref<1x32xf32, #tpu.memory_space<hbm>>) target_semaphore(%arg14 : memref<!tpu.dma_semaphore, #tpu.memory_space<semaphore_mem>>)
            } else {
            }
            %slice3A_290 = vector.extract_strided_slice %select_n3A_275 {offsets = [2], sizes = [1], strides = [1]} : vector<16xi32> to vector<1xi32>
            %squeeze3A_291 = vector.extract %slice3A_290[0] : i32 from vector<1xi32>
            %gt3A_292 = arith.constant 0 : i32
            %gt3A_293 = arith.cmpi sgt, %squeeze3A_291, %gt3A_292 : i32
            %convert_element_type3A_294 = arith.extui %gt3A_293 : i1 to i32
            %cond3A_295 = arith.constant 0 : i32
            %cond3A_296 = arith.cmpi ne, %convert_element_type3A_294, %cond3A_295 : i32
            scf.if %cond3A_296 {
              %slice3A_398 = vector.extract_strided_slice %get3A_260 {offsets = [2], sizes = [1], strides = [1]} : vector<16xi32> to vector<1xi32>
              %squeeze3A_399 = vector.extract %slice3A_398[0] : i32 from vector<1xi32>
              %mul3A_400 = arith.constant 16 : i32
              %mul3A_401 = arith.muli %scan3A_257, %mul3A_400 : i32
              %add3A_402 = arith.constant 2 : i32
              %add3A_403 = arith.addi %mul3A_401, %add3A_402 : i32
              %and3A = arith.constant 1023 : i32
              %and3A_404 = arith.andi %squeeze3A_399, %and3A : i32
              %add3A_405 = vector.broadcast %and3A_404 : i32 to vector<16xi32>
              %add3A_406 = arith.addi %broadcast_in_dim3A_1, %add3A_405 : vector<16xi32>
              %gather3A_407 = tpu.vector_load_idx %arg8[%iota3A, %add3A_406] : memref<32x1024xf32, #tpu.memory_space<vmem>>[vector<16xi32>, vector<16xi32>], vector<16xf32>,
              %gather3A_408 = tpu.vector_load_idx %arg8[%add3A_17, %add3A_406] : memref<32x1024xf32, #tpu.memory_space<vmem>>[vector<16xi32>, vector<16xi32>], vector<16xf32>,
              %swap3A_409 = arith.constant 2 : i32
              %swap3A_410 = arith.index_cast %swap3A_409 : i32 to index
              %swap3A_411 = arith.constant 0 : index
              %swap3A_412 = tpu.vector_load %arg13[%swap3A_410, %swap3A_411] {strides = array<i32>} : memref<64x32xf32, #tpu.memory_space<vmem>>, vector<16xf32>,
              tpu.vector_store %arg13[%swap3A_410, %swap3A_411], %gather3A_407 {strides = array<i32>} : memref<64x32xf32, #tpu.memory_space<vmem>>, vector<16xf32>,
              %swap3A_413 = arith.constant 2 : i32
              %swap3A_414 = arith.index_cast %swap3A_413 : i32 to index
              %swap3A_415 = arith.constant 16 : index
              %swap3A_416 = tpu.vector_load %arg13[%swap3A_414, %swap3A_415] {strides = array<i32>} : memref<64x32xf32, #tpu.memory_space<vmem>>, vector<16xf32>,
              tpu.vector_store %arg13[%swap3A_414, %swap3A_415], %gather3A_408 {strides = array<i32>} : memref<64x32xf32, #tpu.memory_space<vmem>>, vector<16xf32>,
              %dma_start3A = arith.constant 2 : i32
              %dma_start3A_417 = arith.constant 0 : i32
              %dma_start3A_418 = tpu.memref_slice %arg13[%dma_start3A, %dma_start3A_417] : memref<64x32xf32, #tpu.memory_space<vmem>> -> memref<1x32xf32, #tpu.memory_space<vmem>>
              %dma_start3A_419 = arith.constant 0 : i32
              %dma_start3A_420 = tpu.memref_slice %arg5[%add3A_403, %dma_start3A_419] : memref<16384x32xf32, #tpu.memory_space<hbm>> -> memref<1x32xf32, #tpu.memory_space<hbm>>
              %dma_start3A_421 = arith.constant 0 : i32
              %dma_start3A_422 = tpu.memref_slice %arg5[%add3A_403, %dma_start3A_421] : memref<16384x32xf32, #tpu.memory_space<hbm>> -> memref<1x32xf32, #tpu.memory_space<hbm>>
              %dma_start3A_423 = arith.constant 2 : i32
              %dma_start3A_424 = arith.constant 0 : i32
              %dma_start3A_425 = tpu.memref_slice %arg13[%dma_start3A_423, %dma_start3A_424] : memref<64x32xf32, #tpu.memory_space<vmem>> -> memref<1x32xf32, #tpu.memory_space<vmem>>
              tpu.enqueue_dma source(%dma_start3A_425 : memref<1x32xf32, #tpu.memory_space<vmem>>) target(%dma_start3A_422 : memref<1x32xf32, #tpu.memory_space<hbm>>) target_semaphore(%arg14 : memref<!tpu.dma_semaphore, #tpu.memory_space<semaphore_mem>>)
            } else {
            }
            %slice3A_297 = vector.extract_strided_slice %select_n3A_275 {offsets = [3], sizes = [1], strides = [1]} : vector<16xi32> to vector<1xi32>
            %squeeze3A_298 = vector.extract %slice3A_297[0] : i32 from vector<1xi32>
            %gt3A_299 = arith.constant 0 : i32
            %gt3A_300 = arith.cmpi sgt, %squeeze3A_298, %gt3A_299 : i32
            %convert_element_type3A_301 = arith.extui %gt3A_300 : i1 to i32
            %cond3A_302 = arith.constant 0 : i32
            %cond3A_303 = arith.cmpi ne, %convert_element_type3A_301, %cond3A_302 : i32
            scf.if %cond3A_303 {
              %slice3A_398 = vector.extract_strided_slice %get3A_260 {offsets = [3], sizes = [1], strides = [1]} : vector<16xi32> to vector<1xi32>
              %squeeze3A_399 = vector.extract %slice3A_398[0] : i32 from vector<1xi32>
              %mul3A_400 = arith.constant 16 : i32
              %mul3A_401 = arith.muli %scan3A_257, %mul3A_400 : i32
              %add3A_402 = arith.constant 3 : i32
              %add3A_403 = arith.addi %mul3A_401, %add3A_402 : i32
              %and3A = arith.constant 1023 : i32
              %and3A_404 = arith.andi %squeeze3A_399, %and3A : i32
              %add3A_405 = vector.broadcast %and3A_404 : i32 to vector<16xi32>
              %add3A_406 = arith.addi %broadcast_in_dim3A_1, %add3A_405 : vector<16xi32>
              %gather3A_407 = tpu.vector_load_idx %arg8[%iota3A, %add3A_406] : memref<32x1024xf32, #tpu.memory_space<vmem>>[vector<16xi32>, vector<16xi32>], vector<16xf32>,
              %gather3A_408 = tpu.vector_load_idx %arg8[%add3A_17, %add3A_406] : memref<32x1024xf32, #tpu.memory_space<vmem>>[vector<16xi32>, vector<16xi32>], vector<16xf32>,
              %swap3A_409 = arith.constant 3 : i32
              %swap3A_410 = arith.index_cast %swap3A_409 : i32 to index
              %swap3A_411 = arith.constant 0 : index
              %swap3A_412 = tpu.vector_load %arg13[%swap3A_410, %swap3A_411] {strides = array<i32>} : memref<64x32xf32, #tpu.memory_space<vmem>>, vector<16xf32>,
              tpu.vector_store %arg13[%swap3A_410, %swap3A_411], %gather3A_407 {strides = array<i32>} : memref<64x32xf32, #tpu.memory_space<vmem>>, vector<16xf32>,
              %swap3A_413 = arith.constant 3 : i32
              %swap3A_414 = arith.index_cast %swap3A_413 : i32 to index
              %swap3A_415 = arith.constant 16 : index
              %swap3A_416 = tpu.vector_load %arg13[%swap3A_414, %swap3A_415] {strides = array<i32>} : memref<64x32xf32, #tpu.memory_space<vmem>>, vector<16xf32>,
              tpu.vector_store %arg13[%swap3A_414, %swap3A_415], %gather3A_408 {strides = array<i32>} : memref<64x32xf32, #tpu.memory_space<vmem>>, vector<16xf32>,
              %dma_start3A = arith.constant 3 : i32
              %dma_start3A_417 = arith.constant 0 : i32
              %dma_start3A_418 = tpu.memref_slice %arg13[%dma_start3A, %dma_start3A_417] : memref<64x32xf32, #tpu.memory_space<vmem>> -> memref<1x32xf32, #tpu.memory_space<vmem>>
              %dma_start3A_419 = arith.constant 0 : i32
              %dma_start3A_420 = tpu.memref_slice %arg5[%add3A_403, %dma_start3A_419] : memref<16384x32xf32, #tpu.memory_space<hbm>> -> memref<1x32xf32, #tpu.memory_space<hbm>>
              %dma_start3A_421 = arith.constant 0 : i32
              %dma_start3A_422 = tpu.memref_slice %arg5[%add3A_403, %dma_start3A_421] : memref<16384x32xf32, #tpu.memory_space<hbm>> -> memref<1x32xf32, #tpu.memory_space<hbm>>
              %dma_start3A_423 = arith.constant 3 : i32
              %dma_start3A_424 = arith.constant 0 : i32
              %dma_start3A_425 = tpu.memref_slice %arg13[%dma_start3A_423, %dma_start3A_424] : memref<64x32xf32, #tpu.memory_space<vmem>> -> memref<1x32xf32, #tpu.memory_space<vmem>>
              tpu.enqueue_dma source(%dma_start3A_425 : memref<1x32xf32, #tpu.memory_space<vmem>>) target(%dma_start3A_422 : memref<1x32xf32, #tpu.memory_space<hbm>>) target_semaphore(%arg14 : memref<!tpu.dma_semaphore, #tpu.memory_space<semaphore_mem>>)
            } else {
            }
            %slice3A_304 = vector.extract_strided_slice %select_n3A_275 {offsets = [4], sizes = [1], strides = [1]} : vector<16xi32> to vector<1xi32>
            %squeeze3A_305 = vector.extract %slice3A_304[0] : i32 from vector<1xi32>
            %gt3A_306 = arith.constant 0 : i32
            %gt3A_307 = arith.cmpi sgt, %squeeze3A_305, %gt3A_306 : i32
            %convert_element_type3A_308 = arith.extui %gt3A_307 : i1 to i32
            %cond3A_309 = arith.constant 0 : i32
            %cond3A_310 = arith.cmpi ne, %convert_element_type3A_308, %cond3A_309 : i32
            scf.if %cond3A_310 {
              %slice3A_398 = vector.extract_strided_slice %get3A_260 {offsets = [4], sizes = [1], strides = [1]} : vector<16xi32> to vector<1xi32>
              %squeeze3A_399 = vector.extract %slice3A_398[0] : i32 from vector<1xi32>
              %mul3A_400 = arith.constant 16 : i32
              %mul3A_401 = arith.muli %scan3A_257, %mul3A_400 : i32
              %add3A_402 = arith.constant 4 : i32
              %add3A_403 = arith.addi %mul3A_401, %add3A_402 : i32
              %and3A = arith.constant 1023 : i32
              %and3A_404 = arith.andi %squeeze3A_399, %and3A : i32
              %add3A_405 = vector.broadcast %and3A_404 : i32 to vector<16xi32>
              %add3A_406 = arith.addi %broadcast_in_dim3A_1, %add3A_405 : vector<16xi32>
              %gather3A_407 = tpu.vector_load_idx %arg8[%iota3A, %add3A_406] : memref<32x1024xf32, #tpu.memory_space<vmem>>[vector<16xi32>, vector<16xi32>], vector<16xf32>,
              %gather3A_408 = tpu.vector_load_idx %arg8[%add3A_17, %add3A_406] : memref<32x1024xf32, #tpu.memory_space<vmem>>[vector<16xi32>, vector<16xi32>], vector<16xf32>,
              %swap3A_409 = arith.constant 4 : i32
              %swap3A_410 = arith.index_cast %swap3A_409 : i32 to index
              %swap3A_411 = arith.constant 0 : index
              %swap3A_412 = tpu.vector_load %arg13[%swap3A_410, %swap3A_411] {strides = array<i32>} : memref<64x32xf32, #tpu.memory_space<vmem>>, vector<16xf32>,
              tpu.vector_store %arg13[%swap3A_410, %swap3A_411], %gather3A_407 {strides = array<i32>} : memref<64x32xf32, #tpu.memory_space<vmem>>, vector<16xf32>,
              %swap3A_413 = arith.constant 4 : i32
              %swap3A_414 = arith.index_cast %swap3A_413 : i32 to index
              %swap3A_415 = arith.constant 16 : index
              %swap3A_416 = tpu.vector_load %arg13[%swap3A_414, %swap3A_415] {strides = array<i32>} : memref<64x32xf32, #tpu.memory_space<vmem>>, vector<16xf32>,
              tpu.vector_store %arg13[%swap3A_414, %swap3A_415], %gather3A_408 {strides = array<i32>} : memref<64x32xf32, #tpu.memory_space<vmem>>, vector<16xf32>,
              %dma_start3A = arith.constant 4 : i32
              %dma_start3A_417 = arith.constant 0 : i32
              %dma_start3A_418 = tpu.memref_slice %arg13[%dma_start3A, %dma_start3A_417] : memref<64x32xf32, #tpu.memory_space<vmem>> -> memref<1x32xf32, #tpu.memory_space<vmem>>
              %dma_start3A_419 = arith.constant 0 : i32
              %dma_start3A_420 = tpu.memref_slice %arg5[%add3A_403, %dma_start3A_419] : memref<16384x32xf32, #tpu.memory_space<hbm>> -> memref<1x32xf32, #tpu.memory_space<hbm>>
              %dma_start3A_421 = arith.constant 0 : i32
              %dma_start3A_422 = tpu.memref_slice %arg5[%add3A_403, %dma_start3A_421] : memref<16384x32xf32, #tpu.memory_space<hbm>> -> memref<1x32xf32, #tpu.memory_space<hbm>>
              %dma_start3A_423 = arith.constant 4 : i32
              %dma_start3A_424 = arith.constant 0 : i32
              %dma_start3A_425 = tpu.memref_slice %arg13[%dma_start3A_423, %dma_start3A_424] : memref<64x32xf32, #tpu.memory_space<vmem>> -> memref<1x32xf32, #tpu.memory_space<vmem>>
              tpu.enqueue_dma source(%dma_start3A_425 : memref<1x32xf32, #tpu.memory_space<vmem>>) target(%dma_start3A_422 : memref<1x32xf32, #tpu.memory_space<hbm>>) target_semaphore(%arg14 : memref<!tpu.dma_semaphore, #tpu.memory_space<semaphore_mem>>)
            } else {
            }
            %slice3A_311 = vector.extract_strided_slice %select_n3A_275 {offsets = [5], sizes = [1], strides = [1]} : vector<16xi32> to vector<1xi32>
            %squeeze3A_312 = vector.extract %slice3A_311[0] : i32 from vector<1xi32>
            %gt3A_313 = arith.constant 0 : i32
            %gt3A_314 = arith.cmpi sgt, %squeeze3A_312, %gt3A_313 : i32
            %convert_element_type3A_315 = arith.extui %gt3A_314 : i1 to i32
            %cond3A_316 = arith.constant 0 : i32
            %cond3A_317 = arith.cmpi ne, %convert_element_type3A_315, %cond3A_316 : i32
            scf.if %cond3A_317 {
              %slice3A_398 = vector.extract_strided_slice %get3A_260 {offsets = [5], sizes = [1], strides = [1]} : vector<16xi32> to vector<1xi32>
              %squeeze3A_399 = vector.extract %slice3A_398[0] : i32 from vector<1xi32>
              %mul3A_400 = arith.constant 16 : i32
              %mul3A_401 = arith.muli %scan3A_257, %mul3A_400 : i32
              %add3A_402 = arith.constant 5 : i32
              %add3A_403 = arith.addi %mul3A_401, %add3A_402 : i32
              %and3A = arith.constant 1023 : i32
              %and3A_404 = arith.andi %squeeze3A_399, %and3A : i32
              %add3A_405 = vector.broadcast %and3A_404 : i32 to vector<16xi32>
              %add3A_406 = arith.addi %broadcast_in_dim3A_1, %add3A_405 : vector<16xi32>
              %gather3A_407 = tpu.vector_load_idx %arg8[%iota3A, %add3A_406] : memref<32x1024xf32, #tpu.memory_space<vmem>>[vector<16xi32>, vector<16xi32>], vector<16xf32>,
              %gather3A_408 = tpu.vector_load_idx %arg8[%add3A_17, %add3A_406] : memref<32x1024xf32, #tpu.memory_space<vmem>>[vector<16xi32>, vector<16xi32>], vector<16xf32>,
              %swap3A_409 = arith.constant 5 : i32
              %swap3A_410 = arith.index_cast %swap3A_409 : i32 to index
              %swap3A_411 = arith.constant 0 : index
              %swap3A_412 = tpu.vector_load %arg13[%swap3A_410, %swap3A_411] {strides = array<i32>} : memref<64x32xf32, #tpu.memory_space<vmem>>, vector<16xf32>,
              tpu.vector_store %arg13[%swap3A_410, %swap3A_411], %gather3A_407 {strides = array<i32>} : memref<64x32xf32, #tpu.memory_space<vmem>>, vector<16xf32>,
              %swap3A_413 = arith.constant 5 : i32
              %swap3A_414 = arith.index_cast %swap3A_413 : i32 to index
              %swap3A_415 = arith.constant 16 : index
              %swap3A_416 = tpu.vector_load %arg13[%swap3A_414, %swap3A_415] {strides = array<i32>} : memref<64x32xf32, #tpu.memory_space<vmem>>, vector<16xf32>,
              tpu.vector_store %arg13[%swap3A_414, %swap3A_415], %gather3A_408 {strides = array<i32>} : memref<64x32xf32, #tpu.memory_space<vmem>>, vector<16xf32>,
              %dma_start3A = arith.constant 5 : i32
              %dma_start3A_417 = arith.constant 0 : i32
              %dma_start3A_418 = tpu.memref_slice %arg13[%dma_start3A, %dma_start3A_417] : memref<64x32xf32, #tpu.memory_space<vmem>> -> memref<1x32xf32, #tpu.memory_space<vmem>>
              %dma_start3A_419 = arith.constant 0 : i32
              %dma_start3A_420 = tpu.memref_slice %arg5[%add3A_403, %dma_start3A_419] : memref<16384x32xf32, #tpu.memory_space<hbm>> -> memref<1x32xf32, #tpu.memory_space<hbm>>
              %dma_start3A_421 = arith.constant 0 : i32
              %dma_start3A_422 = tpu.memref_slice %arg5[%add3A_403, %dma_start3A_421] : memref<16384x32xf32, #tpu.memory_space<hbm>> -> memref<1x32xf32, #tpu.memory_space<hbm>>
              %dma_start3A_423 = arith.constant 5 : i32
              %dma_start3A_424 = arith.constant 0 : i32
              %dma_start3A_425 = tpu.memref_slice %arg13[%dma_start3A_423, %dma_start3A_424] : memref<64x32xf32, #tpu.memory_space<vmem>> -> memref<1x32xf32, #tpu.memory_space<vmem>>
              tpu.enqueue_dma source(%dma_start3A_425 : memref<1x32xf32, #tpu.memory_space<vmem>>) target(%dma_start3A_422 : memref<1x32xf32, #tpu.memory_space<hbm>>) target_semaphore(%arg14 : memref<!tpu.dma_semaphore, #tpu.memory_space<semaphore_mem>>)
            } else {
            }
            %slice3A_318 = vector.extract_strided_slice %select_n3A_275 {offsets = [6], sizes = [1], strides = [1]} : vector<16xi32> to vector<1xi32>
            %squeeze3A_319 = vector.extract %slice3A_318[0] : i32 from vector<1xi32>
            %gt3A_320 = arith.constant 0 : i32
            %gt3A_321 = arith.cmpi sgt, %squeeze3A_319, %gt3A_320 : i32
            %convert_element_type3A_322 = arith.extui %gt3A_321 : i1 to i32
            %cond3A_323 = arith.constant 0 : i32
            %cond3A_324 = arith.cmpi ne, %convert_element_type3A_322, %cond3A_323 : i32
            scf.if %cond3A_324 {
              %slice3A_398 = vector.extract_strided_slice %get3A_260 {offsets = [6], sizes = [1], strides = [1]} : vector<16xi32> to vector<1xi32>
              %squeeze3A_399 = vector.extract %slice3A_398[0] : i32 from vector<1xi32>
              %mul3A_400 = arith.constant 16 : i32
              %mul3A_401 = arith.muli %scan3A_257, %mul3A_400 : i32
              %add3A_402 = arith.constant 6 : i32
              %add3A_403 = arith.addi %mul3A_401, %add3A_402 : i32
              %and3A = arith.constant 1023 : i32
              %and3A_404 = arith.andi %squeeze3A_399, %and3A : i32
              %add3A_405 = vector.broadcast %and3A_404 : i32 to vector<16xi32>
              %add3A_406 = arith.addi %broadcast_in_dim3A_1, %add3A_405 : vector<16xi32>
              %gather3A_407 = tpu.vector_load_idx %arg8[%iota3A, %add3A_406] : memref<32x1024xf32, #tpu.memory_space<vmem>>[vector<16xi32>, vector<16xi32>], vector<16xf32>,
              %gather3A_408 = tpu.vector_load_idx %arg8[%add3A_17, %add3A_406] : memref<32x1024xf32, #tpu.memory_space<vmem>>[vector<16xi32>, vector<16xi32>], vector<16xf32>,
              %swap3A_409 = arith.constant 6 : i32
              %swap3A_410 = arith.index_cast %swap3A_409 : i32 to index
              %swap3A_411 = arith.constant 0 : index
              %swap3A_412 = tpu.vector_load %arg13[%swap3A_410, %swap3A_411] {strides = array<i32>} : memref<64x32xf32, #tpu.memory_space<vmem>>, vector<16xf32>,
              tpu.vector_store %arg13[%swap3A_410, %swap3A_411], %gather3A_407 {strides = array<i32>} : memref<64x32xf32, #tpu.memory_space<vmem>>, vector<16xf32>,
              %swap3A_413 = arith.constant 6 : i32
              %swap3A_414 = arith.index_cast %swap3A_413 : i32 to index
              %swap3A_415 = arith.constant 16 : index
              %swap3A_416 = tpu.vector_load %arg13[%swap3A_414, %swap3A_415] {strides = array<i32>} : memref<64x32xf32, #tpu.memory_space<vmem>>, vector<16xf32>,
              tpu.vector_store %arg13[%swap3A_414, %swap3A_415], %gather3A_408 {strides = array<i32>} : memref<64x32xf32, #tpu.memory_space<vmem>>, vector<16xf32>,
              %dma_start3A = arith.constant 6 : i32
              %dma_start3A_417 = arith.constant 0 : i32
              %dma_start3A_418 = tpu.memref_slice %arg13[%dma_start3A, %dma_start3A_417] : memref<64x32xf32, #tpu.memory_space<vmem>> -> memref<1x32xf32, #tpu.memory_space<vmem>>
              %dma_start3A_419 = arith.constant 0 : i32
              %dma_start3A_420 = tpu.memref_slice %arg5[%add3A_403, %dma_start3A_419] : memref<16384x32xf32, #tpu.memory_space<hbm>> -> memref<1x32xf32, #tpu.memory_space<hbm>>
              %dma_start3A_421 = arith.constant 0 : i32
              %dma_start3A_422 = tpu.memref_slice %arg5[%add3A_403, %dma_start3A_421] : memref<16384x32xf32, #tpu.memory_space<hbm>> -> memref<1x32xf32, #tpu.memory_space<hbm>>
              %dma_start3A_423 = arith.constant 6 : i32
              %dma_start3A_424 = arith.constant 0 : i32
              %dma_start3A_425 = tpu.memref_slice %arg13[%dma_start3A_423, %dma_start3A_424] : memref<64x32xf32, #tpu.memory_space<vmem>> -> memref<1x32xf32, #tpu.memory_space<vmem>>
              tpu.enqueue_dma source(%dma_start3A_425 : memref<1x32xf32, #tpu.memory_space<vmem>>) target(%dma_start3A_422 : memref<1x32xf32, #tpu.memory_space<hbm>>) target_semaphore(%arg14 : memref<!tpu.dma_semaphore, #tpu.memory_space<semaphore_mem>>)
            } else {
            }
            %slice3A_325 = vector.extract_strided_slice %select_n3A_275 {offsets = [7], sizes = [1], strides = [1]} : vector<16xi32> to vector<1xi32>
            %squeeze3A_326 = vector.extract %slice3A_325[0] : i32 from vector<1xi32>
            %gt3A_327 = arith.constant 0 : i32
            %gt3A_328 = arith.cmpi sgt, %squeeze3A_326, %gt3A_327 : i32
            %convert_element_type3A_329 = arith.extui %gt3A_328 : i1 to i32
            %cond3A_330 = arith.constant 0 : i32
            %cond3A_331 = arith.cmpi ne, %convert_element_type3A_329, %cond3A_330 : i32
            scf.if %cond3A_331 {
              %slice3A_398 = vector.extract_strided_slice %get3A_260 {offsets = [7], sizes = [1], strides = [1]} : vector<16xi32> to vector<1xi32>
              %squeeze3A_399 = vector.extract %slice3A_398[0] : i32 from vector<1xi32>
              %mul3A_400 = arith.constant 16 : i32
              %mul3A_401 = arith.muli %scan3A_257, %mul3A_400 : i32
              %add3A_402 = arith.constant 7 : i32
              %add3A_403 = arith.addi %mul3A_401, %add3A_402 : i32
              %and3A = arith.constant 1023 : i32
              %and3A_404 = arith.andi %squeeze3A_399, %and3A : i32
              %add3A_405 = vector.broadcast %and3A_404 : i32 to vector<16xi32>
              %add3A_406 = arith.addi %broadcast_in_dim3A_1, %add3A_405 : vector<16xi32>
              %gather3A_407 = tpu.vector_load_idx %arg8[%iota3A, %add3A_406] : memref<32x1024xf32, #tpu.memory_space<vmem>>[vector<16xi32>, vector<16xi32>], vector<16xf32>,
              %gather3A_408 = tpu.vector_load_idx %arg8[%add3A_17, %add3A_406] : memref<32x1024xf32, #tpu.memory_space<vmem>>[vector<16xi32>, vector<16xi32>], vector<16xf32>,
              %swap3A_409 = arith.constant 7 : i32
              %swap3A_410 = arith.index_cast %swap3A_409 : i32 to index
              %swap3A_411 = arith.constant 0 : index
              %swap3A_412 = tpu.vector_load %arg13[%swap3A_410, %swap3A_411] {strides = array<i32>} : memref<64x32xf32, #tpu.memory_space<vmem>>, vector<16xf32>,
              tpu.vector_store %arg13[%swap3A_410, %swap3A_411], %gather3A_407 {strides = array<i32>} : memref<64x32xf32, #tpu.memory_space<vmem>>, vector<16xf32>,
              %swap3A_413 = arith.constant 7 : i32
              %swap3A_414 = arith.index_cast %swap3A_413 : i32 to index
              %swap3A_415 = arith.constant 16 : index
              %swap3A_416 = tpu.vector_load %arg13[%swap3A_414, %swap3A_415] {strides = array<i32>} : memref<64x32xf32, #tpu.memory_space<vmem>>, vector<16xf32>,
              tpu.vector_store %arg13[%swap3A_414, %swap3A_415], %gather3A_408 {strides = array<i32>} : memref<64x32xf32, #tpu.memory_space<vmem>>, vector<16xf32>,
              %dma_start3A = arith.constant 7 : i32
              %dma_start3A_417 = arith.constant 0 : i32
              %dma_start3A_418 = tpu.memref_slice %arg13[%dma_start3A, %dma_start3A_417] : memref<64x32xf32, #tpu.memory_space<vmem>> -> memref<1x32xf32, #tpu.memory_space<vmem>>
              %dma_start3A_419 = arith.constant 0 : i32
              %dma_start3A_420 = tpu.memref_slice %arg5[%add3A_403, %dma_start3A_419] : memref<16384x32xf32, #tpu.memory_space<hbm>> -> memref<1x32xf32, #tpu.memory_space<hbm>>
              %dma_start3A_421 = arith.constant 0 : i32
              %dma_start3A_422 = tpu.memref_slice %arg5[%add3A_403, %dma_start3A_421] : memref<16384x32xf32, #tpu.memory_space<hbm>> -> memref<1x32xf32, #tpu.memory_space<hbm>>
              %dma_start3A_423 = arith.constant 7 : i32
              %dma_start3A_424 = arith.constant 0 : i32
              %dma_start3A_425 = tpu.memref_slice %arg13[%dma_start3A_423, %dma_start3A_424] : memref<64x32xf32, #tpu.memory_space<vmem>> -> memref<1x32xf32, #tpu.memory_space<vmem>>
              tpu.enqueue_dma source(%dma_start3A_425 : memref<1x32xf32, #tpu.memory_space<vmem>>) target(%dma_start3A_422 : memref<1x32xf32, #tpu.memory_space<hbm>>) target_semaphore(%arg14 : memref<!tpu.dma_semaphore, #tpu.memory_space<semaphore_mem>>)
            } else {
            }
            %slice3A_332 = vector.extract_strided_slice %select_n3A_275 {offsets = [8], sizes = [1], strides = [1]} : vector<16xi32> to vector<1xi32>
            %squeeze3A_333 = vector.extract %slice3A_332[0] : i32 from vector<1xi32>
            %gt3A_334 = arith.constant 0 : i32
            %gt3A_335 = arith.cmpi sgt, %squeeze3A_333, %gt3A_334 : i32
            %convert_element_type3A_336 = arith.extui %gt3A_335 : i1 to i32
            %cond3A_337 = arith.constant 0 : i32
            %cond3A_338 = arith.cmpi ne, %convert_element_type3A_336, %cond3A_337 : i32
            scf.if %cond3A_338 {
              %slice3A_398 = vector.extract_strided_slice %get3A_260 {offsets = [8], sizes = [1], strides = [1]} : vector<16xi32> to vector<1xi32>
              %squeeze3A_399 = vector.extract %slice3A_398[0] : i32 from vector<1xi32>
              %mul3A_400 = arith.constant 16 : i32
              %mul3A_401 = arith.muli %scan3A_257, %mul3A_400 : i32
              %add3A_402 = arith.constant 8 : i32
              %add3A_403 = arith.addi %mul3A_401, %add3A_402 : i32
              %and3A = arith.constant 1023 : i32
              %and3A_404 = arith.andi %squeeze3A_399, %and3A : i32
              %add3A_405 = vector.broadcast %and3A_404 : i32 to vector<16xi32>
              %add3A_406 = arith.addi %broadcast_in_dim3A_1, %add3A_405 : vector<16xi32>
              %gather3A_407 = tpu.vector_load_idx %arg8[%iota3A, %add3A_406] : memref<32x1024xf32, #tpu.memory_space<vmem>>[vector<16xi32>, vector<16xi32>], vector<16xf32>,
              %gather3A_408 = tpu.vector_load_idx %arg8[%add3A_17, %add3A_406] : memref<32x1024xf32, #tpu.memory_space<vmem>>[vector<16xi32>, vector<16xi32>], vector<16xf32>,
              %swap3A_409 = arith.constant 8 : i32
              %swap3A_410 = arith.index_cast %swap3A_409 : i32 to index
              %swap3A_411 = arith.constant 0 : index
              %swap3A_412 = tpu.vector_load %arg13[%swap3A_410, %swap3A_411] {strides = array<i32>} : memref<64x32xf32, #tpu.memory_space<vmem>>, vector<16xf32>,
              tpu.vector_store %arg13[%swap3A_410, %swap3A_411], %gather3A_407 {strides = array<i32>} : memref<64x32xf32, #tpu.memory_space<vmem>>, vector<16xf32>,
              %swap3A_413 = arith.constant 8 : i32
              %swap3A_414 = arith.index_cast %swap3A_413 : i32 to index
              %swap3A_415 = arith.constant 16 : index
              %swap3A_416 = tpu.vector_load %arg13[%swap3A_414, %swap3A_415] {strides = array<i32>} : memref<64x32xf32, #tpu.memory_space<vmem>>, vector<16xf32>,
              tpu.vector_store %arg13[%swap3A_414, %swap3A_415], %gather3A_408 {strides = array<i32>} : memref<64x32xf32, #tpu.memory_space<vmem>>, vector<16xf32>,
              %dma_start3A = arith.constant 8 : i32
              %dma_start3A_417 = arith.constant 0 : i32
              %dma_start3A_418 = tpu.memref_slice %arg13[%dma_start3A, %dma_start3A_417] : memref<64x32xf32, #tpu.memory_space<vmem>> -> memref<1x32xf32, #tpu.memory_space<vmem>>
              %dma_start3A_419 = arith.constant 0 : i32
              %dma_start3A_420 = tpu.memref_slice %arg5[%add3A_403, %dma_start3A_419] : memref<16384x32xf32, #tpu.memory_space<hbm>> -> memref<1x32xf32, #tpu.memory_space<hbm>>
              %dma_start3A_421 = arith.constant 0 : i32
              %dma_start3A_422 = tpu.memref_slice %arg5[%add3A_403, %dma_start3A_421] : memref<16384x32xf32, #tpu.memory_space<hbm>> -> memref<1x32xf32, #tpu.memory_space<hbm>>
              %dma_start3A_423 = arith.constant 8 : i32
              %dma_start3A_424 = arith.constant 0 : i32
              %dma_start3A_425 = tpu.memref_slice %arg13[%dma_start3A_423, %dma_start3A_424] : memref<64x32xf32, #tpu.memory_space<vmem>> -> memref<1x32xf32, #tpu.memory_space<vmem>>
              tpu.enqueue_dma source(%dma_start3A_425 : memref<1x32xf32, #tpu.memory_space<vmem>>) target(%dma_start3A_422 : memref<1x32xf32, #tpu.memory_space<hbm>>) target_semaphore(%arg14 : memref<!tpu.dma_semaphore, #tpu.memory_space<semaphore_mem>>)
            } else {
            }
            %slice3A_339 = vector.extract_strided_slice %select_n3A_275 {offsets = [9], sizes = [1], strides = [1]} : vector<16xi32> to vector<1xi32>
            %squeeze3A_340 = vector.extract %slice3A_339[0] : i32 from vector<1xi32>
            %gt3A_341 = arith.constant 0 : i32
            %gt3A_342 = arith.cmpi sgt, %squeeze3A_340, %gt3A_341 : i32
            %convert_element_type3A_343 = arith.extui %gt3A_342 : i1 to i32
            %cond3A_344 = arith.constant 0 : i32
            %cond3A_345 = arith.cmpi ne, %convert_element_type3A_343, %cond3A_344 : i32
            scf.if %cond3A_345 {
              %slice3A_398 = vector.extract_strided_slice %get3A_260 {offsets = [9], sizes = [1], strides = [1]} : vector<16xi32> to vector<1xi32>
              %squeeze3A_399 = vector.extract %slice3A_398[0] : i32 from vector<1xi32>
              %mul3A_400 = arith.constant 16 : i32
              %mul3A_401 = arith.muli %scan3A_257, %mul3A_400 : i32
              %add3A_402 = arith.constant 9 : i32
              %add3A_403 = arith.addi %mul3A_401, %add3A_402 : i32
              %and3A = arith.constant 1023 : i32
              %and3A_404 = arith.andi %squeeze3A_399, %and3A : i32
              %add3A_405 = vector.broadcast %and3A_404 : i32 to vector<16xi32>
              %add3A_406 = arith.addi %broadcast_in_dim3A_1, %add3A_405 : vector<16xi32>
              %gather3A_407 = tpu.vector_load_idx %arg8[%iota3A, %add3A_406] : memref<32x1024xf32, #tpu.memory_space<vmem>>[vector<16xi32>, vector<16xi32>], vector<16xf32>,
              %gather3A_408 = tpu.vector_load_idx %arg8[%add3A_17, %add3A_406] : memref<32x1024xf32, #tpu.memory_space<vmem>>[vector<16xi32>, vector<16xi32>], vector<16xf32>,
              %swap3A_409 = arith.constant 9 : i32
              %swap3A_410 = arith.index_cast %swap3A_409 : i32 to index
              %swap3A_411 = arith.constant 0 : index
              %swap3A_412 = tpu.vector_load %arg13[%swap3A_410, %swap3A_411] {strides = array<i32>} : memref<64x32xf32, #tpu.memory_space<vmem>>, vector<16xf32>,
              tpu.vector_store %arg13[%swap3A_410, %swap3A_411], %gather3A_407 {strides = array<i32>} : memref<64x32xf32, #tpu.memory_space<vmem>>, vector<16xf32>,
              %swap3A_413 = arith.constant 9 : i32
              %swap3A_414 = arith.index_cast %swap3A_413 : i32 to index
              %swap3A_415 = arith.constant 16 : index
              %swap3A_416 = tpu.vector_load %arg13[%swap3A_414, %swap3A_415] {strides = array<i32>} : memref<64x32xf32, #tpu.memory_space<vmem>>, vector<16xf32>,
              tpu.vector_store %arg13[%swap3A_414, %swap3A_415], %gather3A_408 {strides = array<i32>} : memref<64x32xf32, #tpu.memory_space<vmem>>, vector<16xf32>,
              %dma_start3A = arith.constant 9 : i32
              %dma_start3A_417 = arith.constant 0 : i32
              %dma_start3A_418 = tpu.memref_slice %arg13[%dma_start3A, %dma_start3A_417] : memref<64x32xf32, #tpu.memory_space<vmem>> -> memref<1x32xf32, #tpu.memory_space<vmem>>
              %dma_start3A_419 = arith.constant 0 : i32
              %dma_start3A_420 = tpu.memref_slice %arg5[%add3A_403, %dma_start3A_419] : memref<16384x32xf32, #tpu.memory_space<hbm>> -> memref<1x32xf32, #tpu.memory_space<hbm>>
              %dma_start3A_421 = arith.constant 0 : i32
              %dma_start3A_422 = tpu.memref_slice %arg5[%add3A_403, %dma_start3A_421] : memref<16384x32xf32, #tpu.memory_space<hbm>> -> memref<1x32xf32, #tpu.memory_space<hbm>>
              %dma_start3A_423 = arith.constant 9 : i32
              %dma_start3A_424 = arith.constant 0 : i32
              %dma_start3A_425 = tpu.memref_slice %arg13[%dma_start3A_423, %dma_start3A_424] : memref<64x32xf32, #tpu.memory_space<vmem>> -> memref<1x32xf32, #tpu.memory_space<vmem>>
              tpu.enqueue_dma source(%dma_start3A_425 : memref<1x32xf32, #tpu.memory_space<vmem>>) target(%dma_start3A_422 : memref<1x32xf32, #tpu.memory_space<hbm>>) target_semaphore(%arg14 : memref<!tpu.dma_semaphore, #tpu.memory_space<semaphore_mem>>)
            } else {
            }
            %slice3A_346 = vector.extract_strided_slice %select_n3A_275 {offsets = [10], sizes = [1], strides = [1]} : vector<16xi32> to vector<1xi32>
            %squeeze3A_347 = vector.extract %slice3A_346[0] : i32 from vector<1xi32>
            %gt3A_348 = arith.constant 0 : i32
            %gt3A_349 = arith.cmpi sgt, %squeeze3A_347, %gt3A_348 : i32
            %convert_element_type3A_350 = arith.extui %gt3A_349 : i1 to i32
            %cond3A_351 = arith.constant 0 : i32
            %cond3A_352 = arith.cmpi ne, %convert_element_type3A_350, %cond3A_351 : i32
            scf.if %cond3A_352 {
              %slice3A_398 = vector.extract_strided_slice %get3A_260 {offsets = [10], sizes = [1], strides = [1]} : vector<16xi32> to vector<1xi32>
              %squeeze3A_399 = vector.extract %slice3A_398[0] : i32 from vector<1xi32>
              %mul3A_400 = arith.constant 16 : i32
              %mul3A_401 = arith.muli %scan3A_257, %mul3A_400 : i32
              %add3A_402 = arith.constant 10 : i32
              %add3A_403 = arith.addi %mul3A_401, %add3A_402 : i32
              %and3A = arith.constant 1023 : i32
              %and3A_404 = arith.andi %squeeze3A_399, %and3A : i32
              %add3A_405 = vector.broadcast %and3A_404 : i32 to vector<16xi32>
              %add3A_406 = arith.addi %broadcast_in_dim3A_1, %add3A_405 : vector<16xi32>
              %gather3A_407 = tpu.vector_load_idx %arg8[%iota3A, %add3A_406] : memref<32x1024xf32, #tpu.memory_space<vmem>>[vector<16xi32>, vector<16xi32>], vector<16xf32>,
              %gather3A_408 = tpu.vector_load_idx %arg8[%add3A_17, %add3A_406] : memref<32x1024xf32, #tpu.memory_space<vmem>>[vector<16xi32>, vector<16xi32>], vector<16xf32>,
              %swap3A_409 = arith.constant 10 : i32
              %swap3A_410 = arith.index_cast %swap3A_409 : i32 to index
              %swap3A_411 = arith.constant 0 : index
              %swap3A_412 = tpu.vector_load %arg13[%swap3A_410, %swap3A_411] {strides = array<i32>} : memref<64x32xf32, #tpu.memory_space<vmem>>, vector<16xf32>,
              tpu.vector_store %arg13[%swap3A_410, %swap3A_411], %gather3A_407 {strides = array<i32>} : memref<64x32xf32, #tpu.memory_space<vmem>>, vector<16xf32>,
              %swap3A_413 = arith.constant 10 : i32
              %swap3A_414 = arith.index_cast %swap3A_413 : i32 to index
              %swap3A_415 = arith.constant 16 : index
              %swap3A_416 = tpu.vector_load %arg13[%swap3A_414, %swap3A_415] {strides = array<i32>} : memref<64x32xf32, #tpu.memory_space<vmem>>, vector<16xf32>,
              tpu.vector_store %arg13[%swap3A_414, %swap3A_415], %gather3A_408 {strides = array<i32>} : memref<64x32xf32, #tpu.memory_space<vmem>>, vector<16xf32>,
              %dma_start3A = arith.constant 10 : i32
              %dma_start3A_417 = arith.constant 0 : i32
              %dma_start3A_418 = tpu.memref_slice %arg13[%dma_start3A, %dma_start3A_417] : memref<64x32xf32, #tpu.memory_space<vmem>> -> memref<1x32xf32, #tpu.memory_space<vmem>>
              %dma_start3A_419 = arith.constant 0 : i32
              %dma_start3A_420 = tpu.memref_slice %arg5[%add3A_403, %dma_start3A_419] : memref<16384x32xf32, #tpu.memory_space<hbm>> -> memref<1x32xf32, #tpu.memory_space<hbm>>
              %dma_start3A_421 = arith.constant 0 : i32
              %dma_start3A_422 = tpu.memref_slice %arg5[%add3A_403, %dma_start3A_421] : memref<16384x32xf32, #tpu.memory_space<hbm>> -> memref<1x32xf32, #tpu.memory_space<hbm>>
              %dma_start3A_423 = arith.constant 10 : i32
              %dma_start3A_424 = arith.constant 0 : i32
              %dma_start3A_425 = tpu.memref_slice %arg13[%dma_start3A_423, %dma_start3A_424] : memref<64x32xf32, #tpu.memory_space<vmem>> -> memref<1x32xf32, #tpu.memory_space<vmem>>
              tpu.enqueue_dma source(%dma_start3A_425 : memref<1x32xf32, #tpu.memory_space<vmem>>) target(%dma_start3A_422 : memref<1x32xf32, #tpu.memory_space<hbm>>) target_semaphore(%arg14 : memref<!tpu.dma_semaphore, #tpu.memory_space<semaphore_mem>>)
            } else {
            }
            %slice3A_353 = vector.extract_strided_slice %select_n3A_275 {offsets = [11], sizes = [1], strides = [1]} : vector<16xi32> to vector<1xi32>
            %squeeze3A_354 = vector.extract %slice3A_353[0] : i32 from vector<1xi32>
            %gt3A_355 = arith.constant 0 : i32
            %gt3A_356 = arith.cmpi sgt, %squeeze3A_354, %gt3A_355 : i32
            %convert_element_type3A_357 = arith.extui %gt3A_356 : i1 to i32
            %cond3A_358 = arith.constant 0 : i32
            %cond3A_359 = arith.cmpi ne, %convert_element_type3A_357, %cond3A_358 : i32
            scf.if %cond3A_359 {
              %slice3A_398 = vector.extract_strided_slice %get3A_260 {offsets = [11], sizes = [1], strides = [1]} : vector<16xi32> to vector<1xi32>
              %squeeze3A_399 = vector.extract %slice3A_398[0] : i32 from vector<1xi32>
              %mul3A_400 = arith.constant 16 : i32
              %mul3A_401 = arith.muli %scan3A_257, %mul3A_400 : i32
              %add3A_402 = arith.constant 11 : i32
              %add3A_403 = arith.addi %mul3A_401, %add3A_402 : i32
              %and3A = arith.constant 1023 : i32
              %and3A_404 = arith.andi %squeeze3A_399, %and3A : i32
              %add3A_405 = vector.broadcast %and3A_404 : i32 to vector<16xi32>
              %add3A_406 = arith.addi %broadcast_in_dim3A_1, %add3A_405 : vector<16xi32>
              %gather3A_407 = tpu.vector_load_idx %arg8[%iota3A, %add3A_406] : memref<32x1024xf32, #tpu.memory_space<vmem>>[vector<16xi32>, vector<16xi32>], vector<16xf32>,
              %gather3A_408 = tpu.vector_load_idx %arg8[%add3A_17, %add3A_406] : memref<32x1024xf32, #tpu.memory_space<vmem>>[vector<16xi32>, vector<16xi32>], vector<16xf32>,
              %swap3A_409 = arith.constant 11 : i32
              %swap3A_410 = arith.index_cast %swap3A_409 : i32 to index
              %swap3A_411 = arith.constant 0 : index
              %swap3A_412 = tpu.vector_load %arg13[%swap3A_410, %swap3A_411] {strides = array<i32>} : memref<64x32xf32, #tpu.memory_space<vmem>>, vector<16xf32>,
              tpu.vector_store %arg13[%swap3A_410, %swap3A_411], %gather3A_407 {strides = array<i32>} : memref<64x32xf32, #tpu.memory_space<vmem>>, vector<16xf32>,
              %swap3A_413 = arith.constant 11 : i32
              %swap3A_414 = arith.index_cast %swap3A_413 : i32 to index
              %swap3A_415 = arith.constant 16 : index
              %swap3A_416 = tpu.vector_load %arg13[%swap3A_414, %swap3A_415] {strides = array<i32>} : memref<64x32xf32, #tpu.memory_space<vmem>>, vector<16xf32>,
              tpu.vector_store %arg13[%swap3A_414, %swap3A_415], %gather3A_408 {strides = array<i32>} : memref<64x32xf32, #tpu.memory_space<vmem>>, vector<16xf32>,
              %dma_start3A = arith.constant 11 : i32
              %dma_start3A_417 = arith.constant 0 : i32
              %dma_start3A_418 = tpu.memref_slice %arg13[%dma_start3A, %dma_start3A_417] : memref<64x32xf32, #tpu.memory_space<vmem>> -> memref<1x32xf32, #tpu.memory_space<vmem>>
              %dma_start3A_419 = arith.constant 0 : i32
              %dma_start3A_420 = tpu.memref_slice %arg5[%add3A_403, %dma_start3A_419] : memref<16384x32xf32, #tpu.memory_space<hbm>> -> memref<1x32xf32, #tpu.memory_space<hbm>>
              %dma_start3A_421 = arith.constant 0 : i32
              %dma_start3A_422 = tpu.memref_slice %arg5[%add3A_403, %dma_start3A_421] : memref<16384x32xf32, #tpu.memory_space<hbm>> -> memref<1x32xf32, #tpu.memory_space<hbm>>
              %dma_start3A_423 = arith.constant 11 : i32
              %dma_start3A_424 = arith.constant 0 : i32
              %dma_start3A_425 = tpu.memref_slice %arg13[%dma_start3A_423, %dma_start3A_424] : memref<64x32xf32, #tpu.memory_space<vmem>> -> memref<1x32xf32, #tpu.memory_space<vmem>>
              tpu.enqueue_dma source(%dma_start3A_425 : memref<1x32xf32, #tpu.memory_space<vmem>>) target(%dma_start3A_422 : memref<1x32xf32, #tpu.memory_space<hbm>>) target_semaphore(%arg14 : memref<!tpu.dma_semaphore, #tpu.memory_space<semaphore_mem>>)
            } else {
            }
            %slice3A_360 = vector.extract_strided_slice %select_n3A_275 {offsets = [12], sizes = [1], strides = [1]} : vector<16xi32> to vector<1xi32>
            %squeeze3A_361 = vector.extract %slice3A_360[0] : i32 from vector<1xi32>
            %gt3A_362 = arith.constant 0 : i32
            %gt3A_363 = arith.cmpi sgt, %squeeze3A_361, %gt3A_362 : i32
            %convert_element_type3A_364 = arith.extui %gt3A_363 : i1 to i32
            %cond3A_365 = arith.constant 0 : i32
            %cond3A_366 = arith.cmpi ne, %convert_element_type3A_364, %cond3A_365 : i32
            scf.if %cond3A_366 {
              %slice3A_398 = vector.extract_strided_slice %get3A_260 {offsets = [12], sizes = [1], strides = [1]} : vector<16xi32> to vector<1xi32>
              %squeeze3A_399 = vector.extract %slice3A_398[0] : i32 from vector<1xi32>
              %mul3A_400 = arith.constant 16 : i32
              %mul3A_401 = arith.muli %scan3A_257, %mul3A_400 : i32
              %add3A_402 = arith.constant 12 : i32
              %add3A_403 = arith.addi %mul3A_401, %add3A_402 : i32
              %and3A = arith.constant 1023 : i32
              %and3A_404 = arith.andi %squeeze3A_399, %and3A : i32
              %add3A_405 = vector.broadcast %and3A_404 : i32 to vector<16xi32>
              %add3A_406 = arith.addi %broadcast_in_dim3A_1, %add3A_405 : vector<16xi32>
              %gather3A_407 = tpu.vector_load_idx %arg8[%iota3A, %add3A_406] : memref<32x1024xf32, #tpu.memory_space<vmem>>[vector<16xi32>, vector<16xi32>], vector<16xf32>,
              %gather3A_408 = tpu.vector_load_idx %arg8[%add3A_17, %add3A_406] : memref<32x1024xf32, #tpu.memory_space<vmem>>[vector<16xi32>, vector<16xi32>], vector<16xf32>,
              %swap3A_409 = arith.constant 12 : i32
              %swap3A_410 = arith.index_cast %swap3A_409 : i32 to index
              %swap3A_411 = arith.constant 0 : index
              %swap3A_412 = tpu.vector_load %arg13[%swap3A_410, %swap3A_411] {strides = array<i32>} : memref<64x32xf32, #tpu.memory_space<vmem>>, vector<16xf32>,
              tpu.vector_store %arg13[%swap3A_410, %swap3A_411], %gather3A_407 {strides = array<i32>} : memref<64x32xf32, #tpu.memory_space<vmem>>, vector<16xf32>,
              %swap3A_413 = arith.constant 12 : i32
              %swap3A_414 = arith.index_cast %swap3A_413 : i32 to index
              %swap3A_415 = arith.constant 16 : index
              %swap3A_416 = tpu.vector_load %arg13[%swap3A_414, %swap3A_415] {strides = array<i32>} : memref<64x32xf32, #tpu.memory_space<vmem>>, vector<16xf32>,
              tpu.vector_store %arg13[%swap3A_414, %swap3A_415], %gather3A_408 {strides = array<i32>} : memref<64x32xf32, #tpu.memory_space<vmem>>, vector<16xf32>,
              %dma_start3A = arith.constant 12 : i32
              %dma_start3A_417 = arith.constant 0 : i32
              %dma_start3A_418 = tpu.memref_slice %arg13[%dma_start3A, %dma_start3A_417] : memref<64x32xf32, #tpu.memory_space<vmem>> -> memref<1x32xf32, #tpu.memory_space<vmem>>
              %dma_start3A_419 = arith.constant 0 : i32
              %dma_start3A_420 = tpu.memref_slice %arg5[%add3A_403, %dma_start3A_419] : memref<16384x32xf32, #tpu.memory_space<hbm>> -> memref<1x32xf32, #tpu.memory_space<hbm>>
              %dma_start3A_421 = arith.constant 0 : i32
              %dma_start3A_422 = tpu.memref_slice %arg5[%add3A_403, %dma_start3A_421] : memref<16384x32xf32, #tpu.memory_space<hbm>> -> memref<1x32xf32, #tpu.memory_space<hbm>>
              %dma_start3A_423 = arith.constant 12 : i32
              %dma_start3A_424 = arith.constant 0 : i32
              %dma_start3A_425 = tpu.memref_slice %arg13[%dma_start3A_423, %dma_start3A_424] : memref<64x32xf32, #tpu.memory_space<vmem>> -> memref<1x32xf32, #tpu.memory_space<vmem>>
              tpu.enqueue_dma source(%dma_start3A_425 : memref<1x32xf32, #tpu.memory_space<vmem>>) target(%dma_start3A_422 : memref<1x32xf32, #tpu.memory_space<hbm>>) target_semaphore(%arg14 : memref<!tpu.dma_semaphore, #tpu.memory_space<semaphore_mem>>)
            } else {
            }
            %slice3A_367 = vector.extract_strided_slice %select_n3A_275 {offsets = [13], sizes = [1], strides = [1]} : vector<16xi32> to vector<1xi32>
            %squeeze3A_368 = vector.extract %slice3A_367[0] : i32 from vector<1xi32>
            %gt3A_369 = arith.constant 0 : i32
            %gt3A_370 = arith.cmpi sgt, %squeeze3A_368, %gt3A_369 : i32
            %convert_element_type3A_371 = arith.extui %gt3A_370 : i1 to i32
            %cond3A_372 = arith.constant 0 : i32
            %cond3A_373 = arith.cmpi ne, %convert_element_type3A_371, %cond3A_372 : i32
            scf.if %cond3A_373 {
              %slice3A_398 = vector.extract_strided_slice %get3A_260 {offsets = [13], sizes = [1], strides = [1]} : vector<16xi32> to vector<1xi32>
              %squeeze3A_399 = vector.extract %slice3A_398[0] : i32 from vector<1xi32>
              %mul3A_400 = arith.constant 16 : i32
              %mul3A_401 = arith.muli %scan3A_257, %mul3A_400 : i32
              %add3A_402 = arith.constant 13 : i32
              %add3A_403 = arith.addi %mul3A_401, %add3A_402 : i32
              %and3A = arith.constant 1023 : i32
              %and3A_404 = arith.andi %squeeze3A_399, %and3A : i32
              %add3A_405 = vector.broadcast %and3A_404 : i32 to vector<16xi32>
              %add3A_406 = arith.addi %broadcast_in_dim3A_1, %add3A_405 : vector<16xi32>
              %gather3A_407 = tpu.vector_load_idx %arg8[%iota3A, %add3A_406] : memref<32x1024xf32, #tpu.memory_space<vmem>>[vector<16xi32>, vector<16xi32>], vector<16xf32>,
              %gather3A_408 = tpu.vector_load_idx %arg8[%add3A_17, %add3A_406] : memref<32x1024xf32, #tpu.memory_space<vmem>>[vector<16xi32>, vector<16xi32>], vector<16xf32>,
              %swap3A_409 = arith.constant 13 : i32
              %swap3A_410 = arith.index_cast %swap3A_409 : i32 to index
              %swap3A_411 = arith.constant 0 : index
              %swap3A_412 = tpu.vector_load %arg13[%swap3A_410, %swap3A_411] {strides = array<i32>} : memref<64x32xf32, #tpu.memory_space<vmem>>, vector<16xf32>,
              tpu.vector_store %arg13[%swap3A_410, %swap3A_411], %gather3A_407 {strides = array<i32>} : memref<64x32xf32, #tpu.memory_space<vmem>>, vector<16xf32>,
              %swap3A_413 = arith.constant 13 : i32
              %swap3A_414 = arith.index_cast %swap3A_413 : i32 to index
              %swap3A_415 = arith.constant 16 : index
              %swap3A_416 = tpu.vector_load %arg13[%swap3A_414, %swap3A_415] {strides = array<i32>} : memref<64x32xf32, #tpu.memory_space<vmem>>, vector<16xf32>,
              tpu.vector_store %arg13[%swap3A_414, %swap3A_415], %gather3A_408 {strides = array<i32>} : memref<64x32xf32, #tpu.memory_space<vmem>>, vector<16xf32>,
              %dma_start3A = arith.constant 13 : i32
              %dma_start3A_417 = arith.constant 0 : i32
              %dma_start3A_418 = tpu.memref_slice %arg13[%dma_start3A, %dma_start3A_417] : memref<64x32xf32, #tpu.memory_space<vmem>> -> memref<1x32xf32, #tpu.memory_space<vmem>>
              %dma_start3A_419 = arith.constant 0 : i32
              %dma_start3A_420 = tpu.memref_slice %arg5[%add3A_403, %dma_start3A_419] : memref<16384x32xf32, #tpu.memory_space<hbm>> -> memref<1x32xf32, #tpu.memory_space<hbm>>
              %dma_start3A_421 = arith.constant 0 : i32
              %dma_start3A_422 = tpu.memref_slice %arg5[%add3A_403, %dma_start3A_421] : memref<16384x32xf32, #tpu.memory_space<hbm>> -> memref<1x32xf32, #tpu.memory_space<hbm>>
              %dma_start3A_423 = arith.constant 13 : i32
              %dma_start3A_424 = arith.constant 0 : i32
              %dma_start3A_425 = tpu.memref_slice %arg13[%dma_start3A_423, %dma_start3A_424] : memref<64x32xf32, #tpu.memory_space<vmem>> -> memref<1x32xf32, #tpu.memory_space<vmem>>
              tpu.enqueue_dma source(%dma_start3A_425 : memref<1x32xf32, #tpu.memory_space<vmem>>) target(%dma_start3A_422 : memref<1x32xf32, #tpu.memory_space<hbm>>) target_semaphore(%arg14 : memref<!tpu.dma_semaphore, #tpu.memory_space<semaphore_mem>>)
            } else {
            }
            %slice3A_374 = vector.extract_strided_slice %select_n3A_275 {offsets = [14], sizes = [1], strides = [1]} : vector<16xi32> to vector<1xi32>
            %squeeze3A_375 = vector.extract %slice3A_374[0] : i32 from vector<1xi32>
            %gt3A_376 = arith.constant 0 : i32
            %gt3A_377 = arith.cmpi sgt, %squeeze3A_375, %gt3A_376 : i32
            %convert_element_type3A_378 = arith.extui %gt3A_377 : i1 to i32
            %cond3A_379 = arith.constant 0 : i32
            %cond3A_380 = arith.cmpi ne, %convert_element_type3A_378, %cond3A_379 : i32
            scf.if %cond3A_380 {
              %slice3A_398 = vector.extract_strided_slice %get3A_260 {offsets = [14], sizes = [1], strides = [1]} : vector<16xi32> to vector<1xi32>
              %squeeze3A_399 = vector.extract %slice3A_398[0] : i32 from vector<1xi32>
              %mul3A_400 = arith.constant 16 : i32
              %mul3A_401 = arith.muli %scan3A_257, %mul3A_400 : i32
              %add3A_402 = arith.constant 14 : i32
              %add3A_403 = arith.addi %mul3A_401, %add3A_402 : i32
              %and3A = arith.constant 1023 : i32
              %and3A_404 = arith.andi %squeeze3A_399, %and3A : i32
              %add3A_405 = vector.broadcast %and3A_404 : i32 to vector<16xi32>
              %add3A_406 = arith.addi %broadcast_in_dim3A_1, %add3A_405 : vector<16xi32>
              %gather3A_407 = tpu.vector_load_idx %arg8[%iota3A, %add3A_406] : memref<32x1024xf32, #tpu.memory_space<vmem>>[vector<16xi32>, vector<16xi32>], vector<16xf32>,
              %gather3A_408 = tpu.vector_load_idx %arg8[%add3A_17, %add3A_406] : memref<32x1024xf32, #tpu.memory_space<vmem>>[vector<16xi32>, vector<16xi32>], vector<16xf32>,
              %swap3A_409 = arith.constant 14 : i32
              %swap3A_410 = arith.index_cast %swap3A_409 : i32 to index
              %swap3A_411 = arith.constant 0 : index
              %swap3A_412 = tpu.vector_load %arg13[%swap3A_410, %swap3A_411] {strides = array<i32>} : memref<64x32xf32, #tpu.memory_space<vmem>>, vector<16xf32>,
              tpu.vector_store %arg13[%swap3A_410, %swap3A_411], %gather3A_407 {strides = array<i32>} : memref<64x32xf32, #tpu.memory_space<vmem>>, vector<16xf32>,
              %swap3A_413 = arith.constant 14 : i32
              %swap3A_414 = arith.index_cast %swap3A_413 : i32 to index
              %swap3A_415 = arith.constant 16 : index
              %swap3A_416 = tpu.vector_load %arg13[%swap3A_414, %swap3A_415] {strides = array<i32>} : memref<64x32xf32, #tpu.memory_space<vmem>>, vector<16xf32>,
              tpu.vector_store %arg13[%swap3A_414, %swap3A_415], %gather3A_408 {strides = array<i32>} : memref<64x32xf32, #tpu.memory_space<vmem>>, vector<16xf32>,
              %dma_start3A = arith.constant 14 : i32
              %dma_start3A_417 = arith.constant 0 : i32
              %dma_start3A_418 = tpu.memref_slice %arg13[%dma_start3A, %dma_start3A_417] : memref<64x32xf32, #tpu.memory_space<vmem>> -> memref<1x32xf32, #tpu.memory_space<vmem>>
              %dma_start3A_419 = arith.constant 0 : i32
              %dma_start3A_420 = tpu.memref_slice %arg5[%add3A_403, %dma_start3A_419] : memref<16384x32xf32, #tpu.memory_space<hbm>> -> memref<1x32xf32, #tpu.memory_space<hbm>>
              %dma_start3A_421 = arith.constant 0 : i32
              %dma_start3A_422 = tpu.memref_slice %arg5[%add3A_403, %dma_start3A_421] : memref<16384x32xf32, #tpu.memory_space<hbm>> -> memref<1x32xf32, #tpu.memory_space<hbm>>
              %dma_start3A_423 = arith.constant 14 : i32
              %dma_start3A_424 = arith.constant 0 : i32
              %dma_start3A_425 = tpu.memref_slice %arg13[%dma_start3A_423, %dma_start3A_424] : memref<64x32xf32, #tpu.memory_space<vmem>> -> memref<1x32xf32, #tpu.memory_space<vmem>>
              tpu.enqueue_dma source(%dma_start3A_425 : memref<1x32xf32, #tpu.memory_space<vmem>>) target(%dma_start3A_422 : memref<1x32xf32, #tpu.memory_space<hbm>>) target_semaphore(%arg14 : memref<!tpu.dma_semaphore, #tpu.memory_space<semaphore_mem>>)
            } else {
            }
            %slice3A_381 = vector.extract_strided_slice %select_n3A_275 {offsets = [15], sizes = [1], strides = [1]} : vector<16xi32> to vector<1xi32>
            %squeeze3A_382 = vector.extract %slice3A_381[0] : i32 from vector<1xi32>
            %gt3A_383 = arith.constant 0 : i32
            %gt3A_384 = arith.cmpi sgt, %squeeze3A_382, %gt3A_383 : i32
            %convert_element_type3A_385 = arith.extui %gt3A_384 : i1 to i32
            %cond3A_386 = arith.constant 0 : i32
            %cond3A_387 = arith.cmpi ne, %convert_element_type3A_385, %cond3A_386 : i32
            scf.if %cond3A_387 {
              %slice3A_398 = vector.extract_strided_slice %get3A_260 {offsets = [15], sizes = [1], strides = [1]} : vector<16xi32> to vector<1xi32>
              %squeeze3A_399 = vector.extract %slice3A_398[0] : i32 from vector<1xi32>
              %mul3A_400 = arith.constant 16 : i32
              %mul3A_401 = arith.muli %scan3A_257, %mul3A_400 : i32
              %add3A_402 = arith.constant 15 : i32
              %add3A_403 = arith.addi %mul3A_401, %add3A_402 : i32
              %and3A = arith.constant 1023 : i32
              %and3A_404 = arith.andi %squeeze3A_399, %and3A : i32
              %add3A_405 = vector.broadcast %and3A_404 : i32 to vector<16xi32>
              %add3A_406 = arith.addi %broadcast_in_dim3A_1, %add3A_405 : vector<16xi32>
              %gather3A_407 = tpu.vector_load_idx %arg8[%iota3A, %add3A_406] : memref<32x1024xf32, #tpu.memory_space<vmem>>[vector<16xi32>, vector<16xi32>], vector<16xf32>,
              %gather3A_408 = tpu.vector_load_idx %arg8[%add3A_17, %add3A_406] : memref<32x1024xf32, #tpu.memory_space<vmem>>[vector<16xi32>, vector<16xi32>], vector<16xf32>,
              %swap3A_409 = arith.constant 15 : i32
              %swap3A_410 = arith.index_cast %swap3A_409 : i32 to index
              %swap3A_411 = arith.constant 0 : index
              %swap3A_412 = tpu.vector_load %arg13[%swap3A_410, %swap3A_411] {strides = array<i32>} : memref<64x32xf32, #tpu.memory_space<vmem>>, vector<16xf32>,
              tpu.vector_store %arg13[%swap3A_410, %swap3A_411], %gather3A_407 {strides = array<i32>} : memref<64x32xf32, #tpu.memory_space<vmem>>, vector<16xf32>,
              %swap3A_413 = arith.constant 15 : i32
              %swap3A_414 = arith.index_cast %swap3A_413 : i32 to index
              %swap3A_415 = arith.constant 16 : index
              %swap3A_416 = tpu.vector_load %arg13[%swap3A_414, %swap3A_415] {strides = array<i32>} : memref<64x32xf32, #tpu.memory_space<vmem>>, vector<16xf32>,
              tpu.vector_store %arg13[%swap3A_414, %swap3A_415], %gather3A_408 {strides = array<i32>} : memref<64x32xf32, #tpu.memory_space<vmem>>, vector<16xf32>,
              %dma_start3A = arith.constant 15 : i32
              %dma_start3A_417 = arith.constant 0 : i32
              %dma_start3A_418 = tpu.memref_slice %arg13[%dma_start3A, %dma_start3A_417] : memref<64x32xf32, #tpu.memory_space<vmem>> -> memref<1x32xf32, #tpu.memory_space<vmem>>
              %dma_start3A_419 = arith.constant 0 : i32
              %dma_start3A_420 = tpu.memref_slice %arg5[%add3A_403, %dma_start3A_419] : memref<16384x32xf32, #tpu.memory_space<hbm>> -> memref<1x32xf32, #tpu.memory_space<hbm>>
              %dma_start3A_421 = arith.constant 0 : i32
              %dma_start3A_422 = tpu.memref_slice %arg5[%add3A_403, %dma_start3A_421] : memref<16384x32xf32, #tpu.memory_space<hbm>> -> memref<1x32xf32, #tpu.memory_space<hbm>>
              %dma_start3A_423 = arith.constant 15 : i32
              %dma_start3A_424 = arith.constant 0 : i32
              %dma_start3A_425 = tpu.memref_slice %arg13[%dma_start3A_423, %dma_start3A_424] : memref<64x32xf32, #tpu.memory_space<vmem>> -> memref<1x32xf32, #tpu.memory_space<vmem>>
              tpu.enqueue_dma source(%dma_start3A_425 : memref<1x32xf32, #tpu.memory_space<vmem>>) target(%dma_start3A_422 : memref<1x32xf32, #tpu.memory_space<hbm>>) target_semaphore(%arg14 : memref<!tpu.dma_semaphore, #tpu.memory_space<semaphore_mem>>)
            } else {
            }
            %while3A_388 = arith.constant 0 : i32
            %while3A_389 = arith.constant 0 : i32
            %while3A_390 = arith.subi %squeeze3A_266, %while3A_389 : i32
            %while3A_391 = arith.addi %while3A_389, %while3A_390 : i32
            %while3A_392 = arith.constant 1 : i32
            %while3A_393 = arith.divsi %while3A_390, %while3A_392 : i32
            %while3A_394 = arith.muli %while3A_393, %while3A_392 : i32
            %while3A_395 = arith.addi %while3A_389, %while3A_394 : i32
            %while3A_396 = arith.constant 1 : i32
            scf.for %while3A_398 = %while3A_389 to %while3A_395 step %while3A_396  : i32 {
              %dma_wait3A = arith.constant 0 : i32
              %dma_wait3A_399 = arith.constant 0 : i32
              %dma_wait3A_400 = tpu.memref_slice %arg13[%dma_wait3A, %dma_wait3A_399] : memref<64x32xf32, #tpu.memory_space<vmem>> -> memref<1x32xf32, #tpu.memory_space<vmem>>
              %dma_wait3A_401 = arith.constant 0 : i32
              %dma_wait3A_402 = arith.constant 0 : i32
              %dma_wait3A_403 = tpu.memref_slice %arg5[%dma_wait3A_401, %dma_wait3A_402] : memref<16384x32xf32, #tpu.memory_space<hbm>> -> memref<1x32xf32, #tpu.memory_space<hbm>>
              %dma_wait3A_404 = arith.constant 0 : i32
              %dma_wait3A_405 = arith.constant 0 : i32
              %dma_wait3A_406 = tpu.memref_slice %arg5[%dma_wait3A_404, %dma_wait3A_405] : memref<16384x32xf32, #tpu.memory_space<hbm>> -> memref<1x32xf32, #tpu.memory_space<hbm>>
              %dma_wait3A_407 = arith.constant 0 : i32
              %dma_wait3A_408 = arith.constant 0 : i32
              %dma_wait3A_409 = tpu.memref_slice %arg13[%dma_wait3A_407, %dma_wait3A_408] : memref<64x32xf32, #tpu.memory_space<vmem>> -> memref<1x32xf32, #tpu.memory_space<vmem>>
              tpu.wait_dma2 semaphore(%arg14 : memref<!tpu.dma_semaphore, #tpu.memory_space<semaphore_mem>>) src(%dma_wait3A_409 : memref<1x32xf32, #tpu.memory_space<vmem>>) dst(%dma_wait3A_406 : memref<1x32xf32, #tpu.memory_space<hbm>>)
            }
            %while3A_397 = arith.constant 1 : i32
            scf.for %while3A_398 = %while3A_395 to %while3A_391 step %while3A_397  : i32 {
              %dma_wait3A = arith.constant 0 : i32
              %dma_wait3A_399 = arith.constant 0 : i32
              %dma_wait3A_400 = tpu.memref_slice %arg13[%dma_wait3A, %dma_wait3A_399] : memref<64x32xf32, #tpu.memory_space<vmem>> -> memref<1x32xf32, #tpu.memory_space<vmem>>
              %dma_wait3A_401 = arith.constant 0 : i32
              %dma_wait3A_402 = arith.constant 0 : i32
              %dma_wait3A_403 = tpu.memref_slice %arg5[%dma_wait3A_401, %dma_wait3A_402] : memref<16384x32xf32, #tpu.memory_space<hbm>> -> memref<1x32xf32, #tpu.memory_space<hbm>>
              %dma_wait3A_404 = arith.constant 0 : i32
              %dma_wait3A_405 = arith.constant 0 : i32
              %dma_wait3A_406 = tpu.memref_slice %arg5[%dma_wait3A_404, %dma_wait3A_405] : memref<16384x32xf32, #tpu.memory_space<hbm>> -> memref<1x32xf32, #tpu.memory_space<hbm>>
              %dma_wait3A_407 = arith.constant 0 : i32
              %dma_wait3A_408 = arith.constant 0 : i32
              %dma_wait3A_409 = tpu.memref_slice %arg13[%dma_wait3A_407, %dma_wait3A_408] : memref<64x32xf32, #tpu.memory_space<vmem>> -> memref<1x32xf32, #tpu.memory_space<vmem>>
              tpu.wait_dma2 semaphore(%arg14 : memref<!tpu.dma_semaphore, #tpu.memory_space<semaphore_mem>>) src(%dma_wait3A_409 : memref<1x32xf32, #tpu.memory_space<vmem>>) dst(%dma_wait3A_406 : memref<1x32xf32, #tpu.memory_space<hbm>>)
            }
          } else {
          }
        }
        %scan3A_256 = arith.constant 1024 : i32
      } else {
      }
      %add3A_235 = arith.constant 1 : i32
      %add3A_236 = arith.addi %mul3A_102, %add3A_235 : i32
      %add3A_237 = vector.broadcast %add3A_236 : i32 to vector<16xi32>
      %add3A_238 = arith.addi %broadcast_in_dim3A_1, %add3A_237 : vector<16xi32>
      %gather3A_239 = tpu.vector_load_idx %arg11[%add3A_238] : memref<32xi32, #tpu.memory_space<vmem>>[vector<16xi32>], vector<16xi32>,
      %slice3A_240 = vector.extract_strided_slice %gather3A_239 {offsets = [0], sizes = [1], strides = [1]} : vector<16xi32> to vector<1xi32>
      %squeeze3A_241 = vector.extract %slice3A_240[0] : i32 from vector<1xi32>
      %add3A_242 = vector.broadcast %add3A_236 : i32 to vector<16xi32>
      %add3A_243 = arith.addi %broadcast_in_dim3A_1, %add3A_242 : vector<16xi32>
      %gather3A_244 = tpu.vector_load_idx %arg12[%add3A_243] : memref<32xi32, #tpu.memory_space<vmem>>[vector<16xi32>], vector<16xi32>,
      %slice3A_245 = vector.extract_strided_slice %gather3A_244 {offsets = [0], sizes = [1], strides = [1]} : vector<16xi32> to vector<1xi32>
      %squeeze3A_246 = vector.extract %slice3A_245[0] : i32 from vector<1xi32>
      %eq3A_247 = arith.constant 0 : i32
      %eq3A_248 = arith.cmpi eq, %squeeze3A_246, %eq3A_247 : i32
      %jit3A_249 = arith.constant 0 : i32
      %select_n3A_250 = arith.select %eq3A_248, %squeeze3A_241, %jit3A_249 : i32
      scf.yield %select_n3A_250 : i32
    }
    %scan3A_33 = arith.constant 15 : i32
    %add3A_34 = arith.constant 960 : i32
    %add3A_35 = arith.addi %add3A_34, %add3A : i32
    %lt3A_36 = arith.constant 976 : i32
    %lt3A_37 = arith.cmpi slt, %add3A_35, %lt3A_36 : i32
    %convert_element_type3A_38 = arith.extui %lt3A_37 : i1 to i32
    %cond3A_39 = arith.constant 0 : i32
    %cond3A_40 = arith.cmpi ne, %convert_element_type3A_38, %cond3A_39 : i32
    scf.if %cond3A_40 {
      %dma_wait3A = arith.constant 0 : i32
      %dma_wait3A_99 = arith.constant 0 : i32
      %dma_wait3A_100 = arith.constant 0 : i32
      %dma_wait3A_101 = tpu.memref_slice %arg2[%dma_wait3A_99, %dma_wait3A_100] : memref<32x1000000xf32, #tpu.memory_space<hbm>> -> memref<32x1024xf32, #tpu.memory_space<hbm>>
      %dma_wait3A_102 = tpu.memref_slice %arg15[%dma_wait3A] : memref<2x!tpu.dma_semaphore, #tpu.memory_space<semaphore_mem>> -> memref<1x!tpu.dma_semaphore, #tpu.memory_space<semaphore_mem>>
      %dma_wait3A_103 = tpu.memref_squeeze %dma_wait3A_102 : memref<1x!tpu.dma_semaphore, #tpu.memory_space<semaphore_mem>> -> memref<!tpu.dma_semaphore, #tpu.memory_space<semaphore_mem>>
      %dma_wait3A_104 = arith.constant 0 : i32
      %dma_wait3A_105 = arith.constant 0 : i32
      %dma_wait3A_106 = tpu.memref_slice %arg2[%dma_wait3A_104, %dma_wait3A_105] : memref<32x1000000xf32, #tpu.memory_space<hbm>> -> memref<32x1024xf32, #tpu.memory_space<hbm>>
      tpu.wait_dma2 semaphore(%dma_wait3A_103 : memref<!tpu.dma_semaphore, #tpu.memory_space<semaphore_mem>>) src(%dma_wait3A_106 : memref<32x1024xf32, #tpu.memory_space<hbm>>) dst(%arg7 : memref<32x1024xf32, #tpu.memory_space<vmem>>)
    } else {
    }
    %eq3A_41 = arith.constant 976 : i32
    %eq3A_42 = arith.cmpi eq, %add3A_35, %eq3A_41 : i32
    %convert_element_type3A_43 = arith.extui %eq3A_42 : i1 to i32
    %cond3A_44 = arith.constant 0 : i32
    %cond3A_45 = arith.cmpi ne, %convert_element_type3A_43, %cond3A_44 : i32
    scf.if %cond3A_45 {
      %dma_wait3A = arith.constant 0 : i32
      %dma_wait3A_99 = arith.constant 0 : i32
      %dma_wait3A_100 = arith.constant 0 : i32
      %dma_wait3A_101 = tpu.memref_slice %arg7[%dma_wait3A_99, %dma_wait3A_100] : memref<32x1024xf32, #tpu.memory_space<vmem>> -> memref<32x512xf32, #tpu.memory_space<vmem>>
      %dma_wait3A_102 = arith.constant 0 : i32
      %dma_wait3A_103 = arith.constant 0 : i32
      %dma_wait3A_104 = tpu.memref_slice %arg2[%dma_wait3A_102, %dma_wait3A_103] : memref<32x1000000xf32, #tpu.memory_space<hbm>> -> memref<32x512xf32, #tpu.memory_space<hbm>>
      %dma_wait3A_105 = tpu.memref_slice %arg15[%dma_wait3A] : memref<2x!tpu.dma_semaphore, #tpu.memory_space<semaphore_mem>> -> memref<1x!tpu.dma_semaphore, #tpu.memory_space<semaphore_mem>>
      %dma_wait3A_106 = tpu.memref_squeeze %dma_wait3A_105 : memref<1x!tpu.dma_semaphore, #tpu.memory_space<semaphore_mem>> -> memref<!tpu.dma_semaphore, #tpu.memory_space<semaphore_mem>>
      %dma_wait3A_107 = arith.constant 0 : i32
      %dma_wait3A_108 = arith.constant 0 : i32
      %dma_wait3A_109 = tpu.memref_slice %arg7[%dma_wait3A_107, %dma_wait3A_108] : memref<32x1024xf32, #tpu.memory_space<vmem>> -> memref<32x512xf32, #tpu.memory_space<vmem>>
      %dma_wait3A_110 = arith.constant 0 : i32
      %dma_wait3A_111 = arith.constant 0 : i32
      %dma_wait3A_112 = tpu.memref_slice %arg2[%dma_wait3A_110, %dma_wait3A_111] : memref<32x1000000xf32, #tpu.memory_space<hbm>> -> memref<32x512xf32, #tpu.memory_space<hbm>>
      tpu.wait_dma2 semaphore(%dma_wait3A_106 : memref<!tpu.dma_semaphore, #tpu.memory_space<semaphore_mem>>) src(%dma_wait3A_112 : memref<32x512xf32, #tpu.memory_space<hbm>>) dst(%dma_wait3A_109 : memref<32x512xf32, #tpu.memory_space<vmem>>)
      %dma_wait3A_113 = arith.constant 0 : i32
      %dma_wait3A_114 = arith.constant 0 : i32
      %dma_wait3A_115 = arith.constant 512 : i32
      %dma_wait3A_116 = tpu.memref_slice %arg7[%dma_wait3A_114, %dma_wait3A_115] : memref<32x1024xf32, #tpu.memory_space<vmem>> -> memref<32x128xf32, #tpu.memory_space<vmem>>
      %dma_wait3A_117 = tpu.memref_slice %arg15[%dma_wait3A_113] : memref<2x!tpu.dma_semaphore, #tpu.memory_space<semaphore_mem>> -> memref<1x!tpu.dma_semaphore, #tpu.memory_space<semaphore_mem>>
      %dma_wait3A_118 = tpu.memref_squeeze %dma_wait3A_117 : memref<1x!tpu.dma_semaphore, #tpu.memory_space<semaphore_mem>> -> memref<!tpu.dma_semaphore, #tpu.memory_space<semaphore_mem>>
      %dma_wait3A_119 = arith.constant 0 : i32
      %dma_wait3A_120 = arith.constant 512 : i32
      %dma_wait3A_121 = tpu.memref_slice %arg7[%dma_wait3A_119, %dma_wait3A_120] : memref<32x1024xf32, #tpu.memory_space<vmem>> -> memref<32x128xf32, #tpu.memory_space<vmem>>
      tpu.wait_dma2 semaphore(%dma_wait3A_118 : memref<!tpu.dma_semaphore, #tpu.memory_space<semaphore_mem>>) src(%arg3 : memref<32x128xf32, #tpu.memory_space<hbm>>) dst(%dma_wait3A_121 : memref<32x128xf32, #tpu.memory_space<vmem>>)
    } else {
    }
    %while3A = arith.constant 0 : i32
    %while3A_46 = arith.constant 0 : i32
    %while3A_47 = arith.subi %scan3A_32, %while3A_46 : i32
    %while3A_48 = arith.addi %while3A_46, %while3A_47 : i32
    %while3A_49 = arith.constant 1 : i32
    %while3A_50 = arith.divsi %while3A_47, %while3A_49 : i32
    %while3A_51 = arith.muli %while3A_50, %while3A_49 : i32
    %while3A_52 = arith.addi %while3A_46, %while3A_51 : i32
    %while3A_53 = arith.constant 1 : i32
    scf.for %while3A_99 = %while3A_46 to %while3A_52 step %while3A_53  : i32 {
      %dma_wait3A = arith.constant 0 : i32
      %dma_wait3A_100 = arith.constant 0 : i32
      %dma_wait3A_101 = tpu.memref_slice %arg13[%dma_wait3A, %dma_wait3A_100] : memref<64x32xf32, #tpu.memory_space<vmem>> -> memref<1x32xf32, #tpu.memory_space<vmem>>
      %dma_wait3A_102 = arith.constant 0 : i32
      %dma_wait3A_103 = arith.constant 0 : i32
      %dma_wait3A_104 = tpu.memref_slice %arg5[%dma_wait3A_102, %dma_wait3A_103] : memref<16384x32xf32, #tpu.memory_space<hbm>> -> memref<1x32xf32, #tpu.memory_space<hbm>>
      %dma_wait3A_105 = arith.constant 0 : i32
      %dma_wait3A_106 = arith.constant 0 : i32
      %dma_wait3A_107 = tpu.memref_slice %arg5[%dma_wait3A_105, %dma_wait3A_106] : memref<16384x32xf32, #tpu.memory_space<hbm>> -> memref<1x32xf32, #tpu.memory_space<hbm>>
      %dma_wait3A_108 = arith.constant 0 : i32
      %dma_wait3A_109 = arith.constant 0 : i32
      %dma_wait3A_110 = tpu.memref_slice %arg13[%dma_wait3A_108, %dma_wait3A_109] : memref<64x32xf32, #tpu.memory_space<vmem>> -> memref<1x32xf32, #tpu.memory_space<vmem>>
      tpu.wait_dma2 semaphore(%arg14 : memref<!tpu.dma_semaphore, #tpu.memory_space<semaphore_mem>>) src(%dma_wait3A_110 : memref<1x32xf32, #tpu.memory_space<vmem>>) dst(%dma_wait3A_107 : memref<1x32xf32, #tpu.memory_space<hbm>>)
    }
    %while3A_54 = arith.constant 1 : i32
    scf.for %while3A_99 = %while3A_52 to %while3A_48 step %while3A_54  : i32 {
      %dma_wait3A = arith.constant 0 : i32
      %dma_wait3A_100 = arith.constant 0 : i32
      %dma_wait3A_101 = tpu.memref_slice %arg13[%dma_wait3A, %dma_wait3A_100] : memref<64x32xf32, #tpu.memory_space<vmem>> -> memref<1x32xf32, #tpu.memory_space<vmem>>
      %dma_wait3A_102 = arith.constant 0 : i32
      %dma_wait3A_103 = arith.constant 0 : i32
      %dma_wait3A_104 = tpu.memref_slice %arg5[%dma_wait3A_102, %dma_wait3A_103] : memref<16384x32xf32, #tpu.memory_space<hbm>> -> memref<1x32xf32, #tpu.memory_space<hbm>>
      %dma_wait3A_105 = arith.constant 0 : i32
      %dma_wait3A_106 = arith.constant 0 : i32
      %dma_wait3A_107 = tpu.memref_slice %arg5[%dma_wait3A_105, %dma_wait3A_106] : memref<16384x32xf32, #tpu.memory_space<hbm>> -> memref<1x32xf32, #tpu.memory_space<hbm>>
      %dma_wait3A_108 = arith.constant 0 : i32
      %dma_wait3A_109 = arith.constant 0 : i32
      %dma_wait3A_110 = tpu.memref_slice %arg13[%dma_wait3A_108, %dma_wait3A_109] : memref<64x32xf32, #tpu.memory_space<vmem>> -> memref<1x32xf32, #tpu.memory_space<vmem>>
      tpu.wait_dma2 semaphore(%arg14 : memref<!tpu.dma_semaphore, #tpu.memory_space<semaphore_mem>>) src(%dma_wait3A_110 : memref<1x32xf32, #tpu.memory_space<vmem>>) dst(%dma_wait3A_107 : memref<1x32xf32, #tpu.memory_space<hbm>>)
    }
    %add3A_55 = arith.constant 960 : i32
    %add3A_56 = arith.addi %add3A_55, %add3A : i32
    %add3A_57 = arith.constant 30 : i32
    %add3A_58 = vector.broadcast %add3A_57 : i32 to vector<16xi32>
    %add3A_59 = arith.addi %broadcast_in_dim3A_1, %add3A_58 : vector<16xi32>
    %gather3A = tpu.vector_load_idx %arg11[%add3A_59] : memref<32xi32, #tpu.memory_space<vmem>>[vector<16xi32>], vector<16xi32>,
    %slice3A = vector.extract_strided_slice %gather3A {offsets = [0], sizes = [1], strides = [1]} : vector<16xi32> to vector<1xi32>
    %squeeze3A = vector.extract %slice3A[0] : i32 from vector<1xi32>
    %add3A_60 = arith.constant 30 : i32
    %add3A_61 = vector.broadcast %add3A_60 : i32 to vector<16xi32>
    %add3A_62 = arith.addi %broadcast_in_dim3A_1, %add3A_61 : vector<16xi32>
    %gather3A_63 = tpu.vector_load_idx %arg12[%add3A_62] : memref<32xi32, #tpu.memory_space<vmem>>[vector<16xi32>], vector<16xi32>,
    %slice3A_64 = vector.extract_strided_slice %gather3A_63 {offsets = [0], sizes = [1], strides = [1]} : vector<16xi32> to vector<1xi32>
    %squeeze3A_65 = vector.extract %slice3A_64[0] : i32 from vector<1xi32>
    %eq3A_66 = arith.constant 0 : i32
    %eq3A_67 = arith.cmpi eq, %squeeze3A_65, %eq3A_66 : i32
    %convert_element_type3A_68 = arith.extui %eq3A_67 : i1 to i32
    %cond3A_69 = arith.constant 0 : i32
    %cond3A_70 = arith.cmpi ne, %convert_element_type3A_68, %cond3A_69 : i32
    scf.if %cond3A_70 {
      %while3A_99 = arith.constant 0 : i32
      %while3A_100 = arith.constant 0 : i32
      %while3A_101 = arith.subi %squeeze3A, %while3A_100 : i32
      %while3A_102 = arith.addi %while3A_100, %while3A_101 : i32
      %while3A_103 = arith.constant 1 : i32
      %while3A_104 = arith.divsi %while3A_101, %while3A_103 : i32
      %while3A_105 = arith.muli %while3A_104, %while3A_103 : i32
      %while3A_106 = arith.addi %while3A_100, %while3A_105 : i32
      %while3A_107 = arith.constant 1 : i32
      scf.for %while3A_109 = %while3A_100 to %while3A_106 step %while3A_107  : i32 {
        %add3A_110 = arith.constant 1920 : i32
        %add3A_111 = arith.addi %add3A_110, %while3A_109 : i32
        %add3A_112 = vector.broadcast %add3A_111 : i32 to vector<16xi32>
        %add3A_113 = arith.addi %broadcast_in_dim3A_1, %add3A_112 : vector<16xi32>
        %gather3A_114 = tpu.vector_load_idx %arg9[%add3A_113] : memref<1984xi32, #tpu.memory_space<vmem>>[vector<16xi32>], vector<16xi32>,
        %gather3A_115 = tpu.vector_load_idx %arg10[%add3A_113] : memref<1984xi32, #tpu.memory_space<vmem>>[vector<16xi32>], vector<16xi32>,
        %slice3A_116 = vector.extract_strided_slice %gather3A_114 {offsets = [0], sizes = [1], strides = [1]} : vector<16xi32> to vector<1xi32>
        %squeeze3A_117 = vector.extract %slice3A_116[0] : i32 from vector<1xi32>
        %slice3A_118 = vector.extract_strided_slice %gather3A_115 {offsets = [0], sizes = [1], strides = [1]} : vector<16xi32> to vector<1xi32>
        %squeeze3A_119 = vector.extract %slice3A_118[0] : i32 from vector<1xi32>
        %and3A = arith.constant 1023 : i32
        %and3A_120 = arith.andi %squeeze3A_117, %and3A : i32
        %add3A_121 = vector.broadcast %and3A_120 : i32 to vector<16xi32>
        %add3A_122 = arith.addi %broadcast_in_dim3A_1, %add3A_121 : vector<16xi32>
        %gather3A_123 = tpu.vector_load_idx %arg7[%iota3A, %add3A_122] : memref<32x1024xf32, #tpu.memory_space<vmem>>[vector<16xi32>, vector<16xi32>], vector<16xf32>,
        %gather3A_124 = tpu.vector_load_idx %arg7[%add3A_17, %add3A_122] : memref<32x1024xf32, #tpu.memory_space<vmem>>[vector<16xi32>, vector<16xi32>], vector<16xf32>,
        %swap3A_125 = arith.index_cast %while3A_109 : i32 to index
        %swap3A_126 = arith.constant 0 : index
        %swap3A_127 = tpu.vector_load %arg13[%swap3A_125, %swap3A_126] {strides = array<i32>} : memref<64x32xf32, #tpu.memory_space<vmem>>, vector<16xf32>,
        tpu.vector_store %arg13[%swap3A_125, %swap3A_126], %gather3A_123 {strides = array<i32>} : memref<64x32xf32, #tpu.memory_space<vmem>>, vector<16xf32>,
        %swap3A_128 = arith.index_cast %while3A_109 : i32 to index
        %swap3A_129 = arith.constant 16 : index
        %swap3A_130 = tpu.vector_load %arg13[%swap3A_128, %swap3A_129] {strides = array<i32>} : memref<64x32xf32, #tpu.memory_space<vmem>>, vector<16xf32>,
        tpu.vector_store %arg13[%swap3A_128, %swap3A_129], %gather3A_124 {strides = array<i32>} : memref<64x32xf32, #tpu.memory_space<vmem>>, vector<16xf32>,
        %dma_start3A = arith.constant 0 : i32
        %dma_start3A_131 = tpu.memref_slice %arg13[%while3A_109, %dma_start3A] : memref<64x32xf32, #tpu.memory_space<vmem>> -> memref<1x32xf32, #tpu.memory_space<vmem>>
        %dma_start3A_132 = arith.constant 0 : i32
        %dma_start3A_133 = tpu.memref_slice %arg5[%squeeze3A_119, %dma_start3A_132] : memref<16384x32xf32, #tpu.memory_space<hbm>> -> memref<1x32xf32, #tpu.memory_space<hbm>>
        %dma_start3A_134 = arith.constant 0 : i32
        %dma_start3A_135 = tpu.memref_slice %arg5[%squeeze3A_119, %dma_start3A_134] : memref<16384x32xf32, #tpu.memory_space<hbm>> -> memref<1x32xf32, #tpu.memory_space<hbm>>
        %dma_start3A_136 = arith.constant 0 : i32
        %dma_start3A_137 = tpu.memref_slice %arg13[%while3A_109, %dma_start3A_136] : memref<64x32xf32, #tpu.memory_space<vmem>> -> memref<1x32xf32, #tpu.memory_space<vmem>>
        tpu.enqueue_dma source(%dma_start3A_137 : memref<1x32xf32, #tpu.memory_space<vmem>>) target(%dma_start3A_135 : memref<1x32xf32, #tpu.memory_space<hbm>>) target_semaphore(%arg14 : memref<!tpu.dma_semaphore, #tpu.memory_space<semaphore_mem>>)
      }
      %while3A_108 = arith.constant 1 : i32
      scf.for %while3A_109 = %while3A_106 to %while3A_102 step %while3A_108  : i32 {
        %add3A_110 = arith.constant 1920 : i32
        %add3A_111 = arith.addi %add3A_110, %while3A_109 : i32
        %add3A_112 = vector.broadcast %add3A_111 : i32 to vector<16xi32>
        %add3A_113 = arith.addi %broadcast_in_dim3A_1, %add3A_112 : vector<16xi32>
        %gather3A_114 = tpu.vector_load_idx %arg9[%add3A_113] : memref<1984xi32, #tpu.memory_space<vmem>>[vector<16xi32>], vector<16xi32>,
        %gather3A_115 = tpu.vector_load_idx %arg10[%add3A_113] : memref<1984xi32, #tpu.memory_space<vmem>>[vector<16xi32>], vector<16xi32>,
        %slice3A_116 = vector.extract_strided_slice %gather3A_114 {offsets = [0], sizes = [1], strides = [1]} : vector<16xi32> to vector<1xi32>
        %squeeze3A_117 = vector.extract %slice3A_116[0] : i32 from vector<1xi32>
        %slice3A_118 = vector.extract_strided_slice %gather3A_115 {offsets = [0], sizes = [1], strides = [1]} : vector<16xi32> to vector<1xi32>
        %squeeze3A_119 = vector.extract %slice3A_118[0] : i32 from vector<1xi32>
        %and3A = arith.constant 1023 : i32
        %and3A_120 = arith.andi %squeeze3A_117, %and3A : i32
        %add3A_121 = vector.broadcast %and3A_120 : i32 to vector<16xi32>
        %add3A_122 = arith.addi %broadcast_in_dim3A_1, %add3A_121 : vector<16xi32>
        %gather3A_123 = tpu.vector_load_idx %arg7[%iota3A, %add3A_122] : memref<32x1024xf32, #tpu.memory_space<vmem>>[vector<16xi32>, vector<16xi32>], vector<16xf32>,
        %gather3A_124 = tpu.vector_load_idx %arg7[%add3A_17, %add3A_122] : memref<32x1024xf32, #tpu.memory_space<vmem>>[vector<16xi32>, vector<16xi32>], vector<16xf32>,
        %swap3A_125 = arith.index_cast %while3A_109 : i32 to index
        %swap3A_126 = arith.constant 0 : index
        %swap3A_127 = tpu.vector_load %arg13[%swap3A_125, %swap3A_126] {strides = array<i32>} : memref<64x32xf32, #tpu.memory_space<vmem>>, vector<16xf32>,
        tpu.vector_store %arg13[%swap3A_125, %swap3A_126], %gather3A_123 {strides = array<i32>} : memref<64x32xf32, #tpu.memory_space<vmem>>, vector<16xf32>,
        %swap3A_128 = arith.index_cast %while3A_109 : i32 to index
        %swap3A_129 = arith.constant 16 : index
        %swap3A_130 = tpu.vector_load %arg13[%swap3A_128, %swap3A_129] {strides = array<i32>} : memref<64x32xf32, #tpu.memory_space<vmem>>, vector<16xf32>,
        tpu.vector_store %arg13[%swap3A_128, %swap3A_129], %gather3A_124 {strides = array<i32>} : memref<64x32xf32, #tpu.memory_space<vmem>>, vector<16xf32>,
        %dma_start3A = arith.constant 0 : i32
        %dma_start3A_131 = tpu.memref_slice %arg13[%while3A_109, %dma_start3A] : memref<64x32xf32, #tpu.memory_space<vmem>> -> memref<1x32xf32, #tpu.memory_space<vmem>>
        %dma_start3A_132 = arith.constant 0 : i32
        %dma_start3A_133 = tpu.memref_slice %arg5[%squeeze3A_119, %dma_start3A_132] : memref<16384x32xf32, #tpu.memory_space<hbm>> -> memref<1x32xf32, #tpu.memory_space<hbm>>
        %dma_start3A_134 = arith.constant 0 : i32
        %dma_start3A_135 = tpu.memref_slice %arg5[%squeeze3A_119, %dma_start3A_134] : memref<16384x32xf32, #tpu.memory_space<hbm>> -> memref<1x32xf32, #tpu.memory_space<hbm>>
        %dma_start3A_136 = arith.constant 0 : i32
        %dma_start3A_137 = tpu.memref_slice %arg13[%while3A_109, %dma_start3A_136] : memref<64x32xf32, #tpu.memory_space<vmem>> -> memref<1x32xf32, #tpu.memory_space<vmem>>
        tpu.enqueue_dma source(%dma_start3A_137 : memref<1x32xf32, #tpu.memory_space<vmem>>) target(%dma_start3A_135 : memref<1x32xf32, #tpu.memory_space<hbm>>) target_semaphore(%arg14 : memref<!tpu.dma_semaphore, #tpu.memory_space<semaphore_mem>>)
      }
    } else {
    }
    %ne3A = arith.constant 0 : i32
    %ne3A_71 = arith.cmpi ne, %squeeze3A_65, %ne3A : i32
    %convert_element_type3A_72 = arith.extui %ne3A_71 : i1 to i32
    %cond3A_73 = arith.constant 0 : i32
    %cond3A_74 = arith.cmpi ne, %convert_element_type3A_72, %cond3A_73 : i32
    scf.if %cond3A_74 {
      %scan3A_99 = arith.constant 0 : i32
      %scan3A_100 = arith.constant 0 : i32
      %scan3A_101 = arith.constant 1024 : i32
      %scan3A_102 = arith.addi %scan3A_100, %scan3A_101 : i32
      %scan3A_103 = arith.constant 1 : i32
      scf.for %scan3A_105 = %scan3A_100 to %scan3A_102 step %scan3A_103  : i32 {
        %mul3A_106 = arith.constant 16 : i32
        %mul3A_107 = arith.muli %scan3A_105, %mul3A_106 : i32
        %get3A = arith.index_cast %mul3A_107 : i32 to index
        %get3A_108 = tpu.vector_load %arg6[%get3A] {strides = array<i32>} : memref<16384xi32, #tpu.memory_space<vmem>>, vector<16xi32>,
        %shift_right_logical3A = arith.constant 10 : i32
        %shift_right_logical3A_109 = vector.broadcast %shift_right_logical3A : i32 to vector<16xi32>
        %shift_right_logical3A_110 = arith.shrui %get3A_108, %shift_right_logical3A_109 : vector<16xi32>
        %eq3A_111 = vector.broadcast %add3A_56 : i32 to vector<16xi32>
        %eq3A_112 = arith.cmpi eq, %shift_right_logical3A_110, %eq3A_111 : vector<16xi32>
        %all_reduce_population_count3A = tpu.all_reduce %eq3A_112 {dim = 0 : i64, kind = #tpu.reduction_kind<sum>} : vector<16xi1> -> vector<16xi32>
        %slice3A_113 = vector.extract_strided_slice %all_reduce_population_count3A {offsets = [0], sizes = [1], strides = [1]} : vector<16xi32> to vector<1xi32>
        %squeeze3A_114 = vector.extract %slice3A_113[0] : i32 from vector<1xi32>
        %gt3A = arith.constant 0 : i32
        %gt3A_115 = arith.cmpi sgt, %squeeze3A_114, %gt3A : i32
        %convert_element_type3A_116 = arith.extui %gt3A_115 : i1 to i32
        %cond3A_117 = arith.constant 0 : i32
        %cond3A_118 = arith.cmpi ne, %convert_element_type3A_116, %cond3A_117 : i32
        scf.if %cond3A_118 {
          %jit3A_119 = arith.constant 1 : i32
          %jit3A_120 = arith.constant 0 : i32
          %broadcast_in_dim3A_121 = vector.broadcast %jit3A_119 : i32 to vector<16xi32>
          %broadcast_in_dim3A_122 = vector.broadcast %jit3A_120 : i32 to vector<16xi32>
          %select_n3A_123 = arith.select %eq3A_112, %broadcast_in_dim3A_121, %broadcast_in_dim3A_122 : vector<16xi1>, vector<16xi32>
          %slice3A_124 = vector.extract_strided_slice %select_n3A_123 {offsets = [0], sizes = [1], strides = [1]} : vector<16xi32> to vector<1xi32>
          %squeeze3A_125 = vector.extract %slice3A_124[0] : i32 from vector<1xi32>
          %gt3A_126 = arith.constant 0 : i32
          %gt3A_127 = arith.cmpi sgt, %squeeze3A_125, %gt3A_126 : i32
          %convert_element_type3A_128 = arith.extui %gt3A_127 : i1 to i32
          %cond3A_129 = arith.constant 0 : i32
          %cond3A_130 = arith.cmpi ne, %convert_element_type3A_128, %cond3A_129 : i32
          scf.if %cond3A_130 {
            %slice3A_246 = vector.extract_strided_slice %get3A_108 {offsets = [0], sizes = [1], strides = [1]} : vector<16xi32> to vector<1xi32>
            %squeeze3A_247 = vector.extract %slice3A_246[0] : i32 from vector<1xi32>
            %mul3A_248 = arith.constant 16 : i32
            %mul3A_249 = arith.muli %scan3A_105, %mul3A_248 : i32
            %add3A_250 = arith.constant 0 : i32
            %add3A_251 = arith.addi %mul3A_249, %add3A_250 : i32
            %and3A = arith.constant 1023 : i32
            %and3A_252 = arith.andi %squeeze3A_247, %and3A : i32
            %add3A_253 = vector.broadcast %and3A_252 : i32 to vector<16xi32>
            %add3A_254 = arith.addi %broadcast_in_dim3A_1, %add3A_253 : vector<16xi32>
            %gather3A_255 = tpu.vector_load_idx %arg7[%iota3A, %add3A_254] : memref<32x1024xf32, #tpu.memory_space<vmem>>[vector<16xi32>, vector<16xi32>], vector<16xf32>,
            %gather3A_256 = tpu.vector_load_idx %arg7[%add3A_17, %add3A_254] : memref<32x1024xf32, #tpu.memory_space<vmem>>[vector<16xi32>, vector<16xi32>], vector<16xf32>,
            %swap3A_257 = arith.constant 0 : i32
            %swap3A_258 = arith.index_cast %swap3A_257 : i32 to index
            %swap3A_259 = arith.constant 0 : index
            %swap3A_260 = tpu.vector_load %arg13[%swap3A_258, %swap3A_259] {strides = array<i32>} : memref<64x32xf32, #tpu.memory_space<vmem>>, vector<16xf32>,
            tpu.vector_store %arg13[%swap3A_258, %swap3A_259], %gather3A_255 {strides = array<i32>} : memref<64x32xf32, #tpu.memory_space<vmem>>, vector<16xf32>,
            %swap3A_261 = arith.constant 0 : i32
            %swap3A_262 = arith.index_cast %swap3A_261 : i32 to index
            %swap3A_263 = arith.constant 16 : index
            %swap3A_264 = tpu.vector_load %arg13[%swap3A_262, %swap3A_263] {strides = array<i32>} : memref<64x32xf32, #tpu.memory_space<vmem>>, vector<16xf32>,
            tpu.vector_store %arg13[%swap3A_262, %swap3A_263], %gather3A_256 {strides = array<i32>} : memref<64x32xf32, #tpu.memory_space<vmem>>, vector<16xf32>,
            %dma_start3A = arith.constant 0 : i32
            %dma_start3A_265 = arith.constant 0 : i32
            %dma_start3A_266 = tpu.memref_slice %arg13[%dma_start3A, %dma_start3A_265] : memref<64x32xf32, #tpu.memory_space<vmem>> -> memref<1x32xf32, #tpu.memory_space<vmem>>
            %dma_start3A_267 = arith.constant 0 : i32
            %dma_start3A_268 = tpu.memref_slice %arg5[%add3A_251, %dma_start3A_267] : memref<16384x32xf32, #tpu.memory_space<hbm>> -> memref<1x32xf32, #tpu.memory_space<hbm>>
            %dma_start3A_269 = arith.constant 0 : i32
            %dma_start3A_270 = tpu.memref_slice %arg5[%add3A_251, %dma_start3A_269] : memref<16384x32xf32, #tpu.memory_space<hbm>> -> memref<1x32xf32, #tpu.memory_space<hbm>>
            %dma_start3A_271 = arith.constant 0 : i32
            %dma_start3A_272 = arith.constant 0 : i32
            %dma_start3A_273 = tpu.memref_slice %arg13[%dma_start3A_271, %dma_start3A_272] : memref<64x32xf32, #tpu.memory_space<vmem>> -> memref<1x32xf32, #tpu.memory_space<vmem>>
            tpu.enqueue_dma source(%dma_start3A_273 : memref<1x32xf32, #tpu.memory_space<vmem>>) target(%dma_start3A_270 : memref<1x32xf32, #tpu.memory_space<hbm>>) target_semaphore(%arg14 : memref<!tpu.dma_semaphore, #tpu.memory_space<semaphore_mem>>)
          } else {
          }
          %slice3A_131 = vector.extract_strided_slice %select_n3A_123 {offsets = [1], sizes = [1], strides = [1]} : vector<16xi32> to vector<1xi32>
          %squeeze3A_132 = vector.extract %slice3A_131[0] : i32 from vector<1xi32>
          %gt3A_133 = arith.constant 0 : i32
          %gt3A_134 = arith.cmpi sgt, %squeeze3A_132, %gt3A_133 : i32
          %convert_element_type3A_135 = arith.extui %gt3A_134 : i1 to i32
          %cond3A_136 = arith.constant 0 : i32
          %cond3A_137 = arith.cmpi ne, %convert_element_type3A_135, %cond3A_136 : i32
          scf.if %cond3A_137 {
            %slice3A_246 = vector.extract_strided_slice %get3A_108 {offsets = [1], sizes = [1], strides = [1]} : vector<16xi32> to vector<1xi32>
            %squeeze3A_247 = vector.extract %slice3A_246[0] : i32 from vector<1xi32>
            %mul3A_248 = arith.constant 16 : i32
            %mul3A_249 = arith.muli %scan3A_105, %mul3A_248 : i32
            %add3A_250 = arith.constant 1 : i32
            %add3A_251 = arith.addi %mul3A_249, %add3A_250 : i32
            %and3A = arith.constant 1023 : i32
            %and3A_252 = arith.andi %squeeze3A_247, %and3A : i32
            %add3A_253 = vector.broadcast %and3A_252 : i32 to vector<16xi32>
            %add3A_254 = arith.addi %broadcast_in_dim3A_1, %add3A_253 : vector<16xi32>
            %gather3A_255 = tpu.vector_load_idx %arg7[%iota3A, %add3A_254] : memref<32x1024xf32, #tpu.memory_space<vmem>>[vector<16xi32>, vector<16xi32>], vector<16xf32>,
            %gather3A_256 = tpu.vector_load_idx %arg7[%add3A_17, %add3A_254] : memref<32x1024xf32, #tpu.memory_space<vmem>>[vector<16xi32>, vector<16xi32>], vector<16xf32>,
            %swap3A_257 = arith.constant 1 : i32
            %swap3A_258 = arith.index_cast %swap3A_257 : i32 to index
            %swap3A_259 = arith.constant 0 : index
            %swap3A_260 = tpu.vector_load %arg13[%swap3A_258, %swap3A_259] {strides = array<i32>} : memref<64x32xf32, #tpu.memory_space<vmem>>, vector<16xf32>,
            tpu.vector_store %arg13[%swap3A_258, %swap3A_259], %gather3A_255 {strides = array<i32>} : memref<64x32xf32, #tpu.memory_space<vmem>>, vector<16xf32>,
            %swap3A_261 = arith.constant 1 : i32
            %swap3A_262 = arith.index_cast %swap3A_261 : i32 to index
            %swap3A_263 = arith.constant 16 : index
            %swap3A_264 = tpu.vector_load %arg13[%swap3A_262, %swap3A_263] {strides = array<i32>} : memref<64x32xf32, #tpu.memory_space<vmem>>, vector<16xf32>,
            tpu.vector_store %arg13[%swap3A_262, %swap3A_263], %gather3A_256 {strides = array<i32>} : memref<64x32xf32, #tpu.memory_space<vmem>>, vector<16xf32>,
            %dma_start3A = arith.constant 1 : i32
            %dma_start3A_265 = arith.constant 0 : i32
            %dma_start3A_266 = tpu.memref_slice %arg13[%dma_start3A, %dma_start3A_265] : memref<64x32xf32, #tpu.memory_space<vmem>> -> memref<1x32xf32, #tpu.memory_space<vmem>>
            %dma_start3A_267 = arith.constant 0 : i32
            %dma_start3A_268 = tpu.memref_slice %arg5[%add3A_251, %dma_start3A_267] : memref<16384x32xf32, #tpu.memory_space<hbm>> -> memref<1x32xf32, #tpu.memory_space<hbm>>
            %dma_start3A_269 = arith.constant 0 : i32
            %dma_start3A_270 = tpu.memref_slice %arg5[%add3A_251, %dma_start3A_269] : memref<16384x32xf32, #tpu.memory_space<hbm>> -> memref<1x32xf32, #tpu.memory_space<hbm>>
            %dma_start3A_271 = arith.constant 1 : i32
            %dma_start3A_272 = arith.constant 0 : i32
            %dma_start3A_273 = tpu.memref_slice %arg13[%dma_start3A_271, %dma_start3A_272] : memref<64x32xf32, #tpu.memory_space<vmem>> -> memref<1x32xf32, #tpu.memory_space<vmem>>
            tpu.enqueue_dma source(%dma_start3A_273 : memref<1x32xf32, #tpu.memory_space<vmem>>) target(%dma_start3A_270 : memref<1x32xf32, #tpu.memory_space<hbm>>) target_semaphore(%arg14 : memref<!tpu.dma_semaphore, #tpu.memory_space<semaphore_mem>>)
          } else {
          }
          %slice3A_138 = vector.extract_strided_slice %select_n3A_123 {offsets = [2], sizes = [1], strides = [1]} : vector<16xi32> to vector<1xi32>
          %squeeze3A_139 = vector.extract %slice3A_138[0] : i32 from vector<1xi32>
          %gt3A_140 = arith.constant 0 : i32
          %gt3A_141 = arith.cmpi sgt, %squeeze3A_139, %gt3A_140 : i32
          %convert_element_type3A_142 = arith.extui %gt3A_141 : i1 to i32
          %cond3A_143 = arith.constant 0 : i32
          %cond3A_144 = arith.cmpi ne, %convert_element_type3A_142, %cond3A_143 : i32
          scf.if %cond3A_144 {
            %slice3A_246 = vector.extract_strided_slice %get3A_108 {offsets = [2], sizes = [1], strides = [1]} : vector<16xi32> to vector<1xi32>
            %squeeze3A_247 = vector.extract %slice3A_246[0] : i32 from vector<1xi32>
            %mul3A_248 = arith.constant 16 : i32
            %mul3A_249 = arith.muli %scan3A_105, %mul3A_248 : i32
            %add3A_250 = arith.constant 2 : i32
            %add3A_251 = arith.addi %mul3A_249, %add3A_250 : i32
            %and3A = arith.constant 1023 : i32
            %and3A_252 = arith.andi %squeeze3A_247, %and3A : i32
            %add3A_253 = vector.broadcast %and3A_252 : i32 to vector<16xi32>
            %add3A_254 = arith.addi %broadcast_in_dim3A_1, %add3A_253 : vector<16xi32>
            %gather3A_255 = tpu.vector_load_idx %arg7[%iota3A, %add3A_254] : memref<32x1024xf32, #tpu.memory_space<vmem>>[vector<16xi32>, vector<16xi32>], vector<16xf32>,
            %gather3A_256 = tpu.vector_load_idx %arg7[%add3A_17, %add3A_254] : memref<32x1024xf32, #tpu.memory_space<vmem>>[vector<16xi32>, vector<16xi32>], vector<16xf32>,
            %swap3A_257 = arith.constant 2 : i32
            %swap3A_258 = arith.index_cast %swap3A_257 : i32 to index
            %swap3A_259 = arith.constant 0 : index
            %swap3A_260 = tpu.vector_load %arg13[%swap3A_258, %swap3A_259] {strides = array<i32>} : memref<64x32xf32, #tpu.memory_space<vmem>>, vector<16xf32>,
            tpu.vector_store %arg13[%swap3A_258, %swap3A_259], %gather3A_255 {strides = array<i32>} : memref<64x32xf32, #tpu.memory_space<vmem>>, vector<16xf32>,
            %swap3A_261 = arith.constant 2 : i32
            %swap3A_262 = arith.index_cast %swap3A_261 : i32 to index
            %swap3A_263 = arith.constant 16 : index
            %swap3A_264 = tpu.vector_load %arg13[%swap3A_262, %swap3A_263] {strides = array<i32>} : memref<64x32xf32, #tpu.memory_space<vmem>>, vector<16xf32>,
            tpu.vector_store %arg13[%swap3A_262, %swap3A_263], %gather3A_256 {strides = array<i32>} : memref<64x32xf32, #tpu.memory_space<vmem>>, vector<16xf32>,
            %dma_start3A = arith.constant 2 : i32
            %dma_start3A_265 = arith.constant 0 : i32
            %dma_start3A_266 = tpu.memref_slice %arg13[%dma_start3A, %dma_start3A_265] : memref<64x32xf32, #tpu.memory_space<vmem>> -> memref<1x32xf32, #tpu.memory_space<vmem>>
            %dma_start3A_267 = arith.constant 0 : i32
            %dma_start3A_268 = tpu.memref_slice %arg5[%add3A_251, %dma_start3A_267] : memref<16384x32xf32, #tpu.memory_space<hbm>> -> memref<1x32xf32, #tpu.memory_space<hbm>>
            %dma_start3A_269 = arith.constant 0 : i32
            %dma_start3A_270 = tpu.memref_slice %arg5[%add3A_251, %dma_start3A_269] : memref<16384x32xf32, #tpu.memory_space<hbm>> -> memref<1x32xf32, #tpu.memory_space<hbm>>
            %dma_start3A_271 = arith.constant 2 : i32
            %dma_start3A_272 = arith.constant 0 : i32
            %dma_start3A_273 = tpu.memref_slice %arg13[%dma_start3A_271, %dma_start3A_272] : memref<64x32xf32, #tpu.memory_space<vmem>> -> memref<1x32xf32, #tpu.memory_space<vmem>>
            tpu.enqueue_dma source(%dma_start3A_273 : memref<1x32xf32, #tpu.memory_space<vmem>>) target(%dma_start3A_270 : memref<1x32xf32, #tpu.memory_space<hbm>>) target_semaphore(%arg14 : memref<!tpu.dma_semaphore, #tpu.memory_space<semaphore_mem>>)
          } else {
          }
          %slice3A_145 = vector.extract_strided_slice %select_n3A_123 {offsets = [3], sizes = [1], strides = [1]} : vector<16xi32> to vector<1xi32>
          %squeeze3A_146 = vector.extract %slice3A_145[0] : i32 from vector<1xi32>
          %gt3A_147 = arith.constant 0 : i32
          %gt3A_148 = arith.cmpi sgt, %squeeze3A_146, %gt3A_147 : i32
          %convert_element_type3A_149 = arith.extui %gt3A_148 : i1 to i32
          %cond3A_150 = arith.constant 0 : i32
          %cond3A_151 = arith.cmpi ne, %convert_element_type3A_149, %cond3A_150 : i32
          scf.if %cond3A_151 {
            %slice3A_246 = vector.extract_strided_slice %get3A_108 {offsets = [3], sizes = [1], strides = [1]} : vector<16xi32> to vector<1xi32>
            %squeeze3A_247 = vector.extract %slice3A_246[0] : i32 from vector<1xi32>
            %mul3A_248 = arith.constant 16 : i32
            %mul3A_249 = arith.muli %scan3A_105, %mul3A_248 : i32
            %add3A_250 = arith.constant 3 : i32
            %add3A_251 = arith.addi %mul3A_249, %add3A_250 : i32
            %and3A = arith.constant 1023 : i32
            %and3A_252 = arith.andi %squeeze3A_247, %and3A : i32
            %add3A_253 = vector.broadcast %and3A_252 : i32 to vector<16xi32>
            %add3A_254 = arith.addi %broadcast_in_dim3A_1, %add3A_253 : vector<16xi32>
            %gather3A_255 = tpu.vector_load_idx %arg7[%iota3A, %add3A_254] : memref<32x1024xf32, #tpu.memory_space<vmem>>[vector<16xi32>, vector<16xi32>], vector<16xf32>,
            %gather3A_256 = tpu.vector_load_idx %arg7[%add3A_17, %add3A_254] : memref<32x1024xf32, #tpu.memory_space<vmem>>[vector<16xi32>, vector<16xi32>], vector<16xf32>,
            %swap3A_257 = arith.constant 3 : i32
            %swap3A_258 = arith.index_cast %swap3A_257 : i32 to index
            %swap3A_259 = arith.constant 0 : index
            %swap3A_260 = tpu.vector_load %arg13[%swap3A_258, %swap3A_259] {strides = array<i32>} : memref<64x32xf32, #tpu.memory_space<vmem>>, vector<16xf32>,
            tpu.vector_store %arg13[%swap3A_258, %swap3A_259], %gather3A_255 {strides = array<i32>} : memref<64x32xf32, #tpu.memory_space<vmem>>, vector<16xf32>,
            %swap3A_261 = arith.constant 3 : i32
            %swap3A_262 = arith.index_cast %swap3A_261 : i32 to index
            %swap3A_263 = arith.constant 16 : index
            %swap3A_264 = tpu.vector_load %arg13[%swap3A_262, %swap3A_263] {strides = array<i32>} : memref<64x32xf32, #tpu.memory_space<vmem>>, vector<16xf32>,
            tpu.vector_store %arg13[%swap3A_262, %swap3A_263], %gather3A_256 {strides = array<i32>} : memref<64x32xf32, #tpu.memory_space<vmem>>, vector<16xf32>,
            %dma_start3A = arith.constant 3 : i32
            %dma_start3A_265 = arith.constant 0 : i32
            %dma_start3A_266 = tpu.memref_slice %arg13[%dma_start3A, %dma_start3A_265] : memref<64x32xf32, #tpu.memory_space<vmem>> -> memref<1x32xf32, #tpu.memory_space<vmem>>
            %dma_start3A_267 = arith.constant 0 : i32
            %dma_start3A_268 = tpu.memref_slice %arg5[%add3A_251, %dma_start3A_267] : memref<16384x32xf32, #tpu.memory_space<hbm>> -> memref<1x32xf32, #tpu.memory_space<hbm>>
            %dma_start3A_269 = arith.constant 0 : i32
            %dma_start3A_270 = tpu.memref_slice %arg5[%add3A_251, %dma_start3A_269] : memref<16384x32xf32, #tpu.memory_space<hbm>> -> memref<1x32xf32, #tpu.memory_space<hbm>>
            %dma_start3A_271 = arith.constant 3 : i32
            %dma_start3A_272 = arith.constant 0 : i32
            %dma_start3A_273 = tpu.memref_slice %arg13[%dma_start3A_271, %dma_start3A_272] : memref<64x32xf32, #tpu.memory_space<vmem>> -> memref<1x32xf32, #tpu.memory_space<vmem>>
            tpu.enqueue_dma source(%dma_start3A_273 : memref<1x32xf32, #tpu.memory_space<vmem>>) target(%dma_start3A_270 : memref<1x32xf32, #tpu.memory_space<hbm>>) target_semaphore(%arg14 : memref<!tpu.dma_semaphore, #tpu.memory_space<semaphore_mem>>)
          } else {
          }
          %slice3A_152 = vector.extract_strided_slice %select_n3A_123 {offsets = [4], sizes = [1], strides = [1]} : vector<16xi32> to vector<1xi32>
          %squeeze3A_153 = vector.extract %slice3A_152[0] : i32 from vector<1xi32>
          %gt3A_154 = arith.constant 0 : i32
          %gt3A_155 = arith.cmpi sgt, %squeeze3A_153, %gt3A_154 : i32
          %convert_element_type3A_156 = arith.extui %gt3A_155 : i1 to i32
          %cond3A_157 = arith.constant 0 : i32
          %cond3A_158 = arith.cmpi ne, %convert_element_type3A_156, %cond3A_157 : i32
          scf.if %cond3A_158 {
            %slice3A_246 = vector.extract_strided_slice %get3A_108 {offsets = [4], sizes = [1], strides = [1]} : vector<16xi32> to vector<1xi32>
            %squeeze3A_247 = vector.extract %slice3A_246[0] : i32 from vector<1xi32>
            %mul3A_248 = arith.constant 16 : i32
            %mul3A_249 = arith.muli %scan3A_105, %mul3A_248 : i32
            %add3A_250 = arith.constant 4 : i32
            %add3A_251 = arith.addi %mul3A_249, %add3A_250 : i32
            %and3A = arith.constant 1023 : i32
            %and3A_252 = arith.andi %squeeze3A_247, %and3A : i32
            %add3A_253 = vector.broadcast %and3A_252 : i32 to vector<16xi32>
            %add3A_254 = arith.addi %broadcast_in_dim3A_1, %add3A_253 : vector<16xi32>
            %gather3A_255 = tpu.vector_load_idx %arg7[%iota3A, %add3A_254] : memref<32x1024xf32, #tpu.memory_space<vmem>>[vector<16xi32>, vector<16xi32>], vector<16xf32>,
            %gather3A_256 = tpu.vector_load_idx %arg7[%add3A_17, %add3A_254] : memref<32x1024xf32, #tpu.memory_space<vmem>>[vector<16xi32>, vector<16xi32>], vector<16xf32>,
            %swap3A_257 = arith.constant 4 : i32
            %swap3A_258 = arith.index_cast %swap3A_257 : i32 to index
            %swap3A_259 = arith.constant 0 : index
            %swap3A_260 = tpu.vector_load %arg13[%swap3A_258, %swap3A_259] {strides = array<i32>} : memref<64x32xf32, #tpu.memory_space<vmem>>, vector<16xf32>,
            tpu.vector_store %arg13[%swap3A_258, %swap3A_259], %gather3A_255 {strides = array<i32>} : memref<64x32xf32, #tpu.memory_space<vmem>>, vector<16xf32>,
            %swap3A_261 = arith.constant 4 : i32
            %swap3A_262 = arith.index_cast %swap3A_261 : i32 to index
            %swap3A_263 = arith.constant 16 : index
            %swap3A_264 = tpu.vector_load %arg13[%swap3A_262, %swap3A_263] {strides = array<i32>} : memref<64x32xf32, #tpu.memory_space<vmem>>, vector<16xf32>,
            tpu.vector_store %arg13[%swap3A_262, %swap3A_263], %gather3A_256 {strides = array<i32>} : memref<64x32xf32, #tpu.memory_space<vmem>>, vector<16xf32>,
            %dma_start3A = arith.constant 4 : i32
            %dma_start3A_265 = arith.constant 0 : i32
            %dma_start3A_266 = tpu.memref_slice %arg13[%dma_start3A, %dma_start3A_265] : memref<64x32xf32, #tpu.memory_space<vmem>> -> memref<1x32xf32, #tpu.memory_space<vmem>>
            %dma_start3A_267 = arith.constant 0 : i32
            %dma_start3A_268 = tpu.memref_slice %arg5[%add3A_251, %dma_start3A_267] : memref<16384x32xf32, #tpu.memory_space<hbm>> -> memref<1x32xf32, #tpu.memory_space<hbm>>
            %dma_start3A_269 = arith.constant 0 : i32
            %dma_start3A_270 = tpu.memref_slice %arg5[%add3A_251, %dma_start3A_269] : memref<16384x32xf32, #tpu.memory_space<hbm>> -> memref<1x32xf32, #tpu.memory_space<hbm>>
            %dma_start3A_271 = arith.constant 4 : i32
            %dma_start3A_272 = arith.constant 0 : i32
            %dma_start3A_273 = tpu.memref_slice %arg13[%dma_start3A_271, %dma_start3A_272] : memref<64x32xf32, #tpu.memory_space<vmem>> -> memref<1x32xf32, #tpu.memory_space<vmem>>
            tpu.enqueue_dma source(%dma_start3A_273 : memref<1x32xf32, #tpu.memory_space<vmem>>) target(%dma_start3A_270 : memref<1x32xf32, #tpu.memory_space<hbm>>) target_semaphore(%arg14 : memref<!tpu.dma_semaphore, #tpu.memory_space<semaphore_mem>>)
          } else {
          }
          %slice3A_159 = vector.extract_strided_slice %select_n3A_123 {offsets = [5], sizes = [1], strides = [1]} : vector<16xi32> to vector<1xi32>
          %squeeze3A_160 = vector.extract %slice3A_159[0] : i32 from vector<1xi32>
          %gt3A_161 = arith.constant 0 : i32
          %gt3A_162 = arith.cmpi sgt, %squeeze3A_160, %gt3A_161 : i32
          %convert_element_type3A_163 = arith.extui %gt3A_162 : i1 to i32
          %cond3A_164 = arith.constant 0 : i32
          %cond3A_165 = arith.cmpi ne, %convert_element_type3A_163, %cond3A_164 : i32
          scf.if %cond3A_165 {
            %slice3A_246 = vector.extract_strided_slice %get3A_108 {offsets = [5], sizes = [1], strides = [1]} : vector<16xi32> to vector<1xi32>
            %squeeze3A_247 = vector.extract %slice3A_246[0] : i32 from vector<1xi32>
            %mul3A_248 = arith.constant 16 : i32
            %mul3A_249 = arith.muli %scan3A_105, %mul3A_248 : i32
            %add3A_250 = arith.constant 5 : i32
            %add3A_251 = arith.addi %mul3A_249, %add3A_250 : i32
            %and3A = arith.constant 1023 : i32
            %and3A_252 = arith.andi %squeeze3A_247, %and3A : i32
            %add3A_253 = vector.broadcast %and3A_252 : i32 to vector<16xi32>
            %add3A_254 = arith.addi %broadcast_in_dim3A_1, %add3A_253 : vector<16xi32>
            %gather3A_255 = tpu.vector_load_idx %arg7[%iota3A, %add3A_254] : memref<32x1024xf32, #tpu.memory_space<vmem>>[vector<16xi32>, vector<16xi32>], vector<16xf32>,
            %gather3A_256 = tpu.vector_load_idx %arg7[%add3A_17, %add3A_254] : memref<32x1024xf32, #tpu.memory_space<vmem>>[vector<16xi32>, vector<16xi32>], vector<16xf32>,
            %swap3A_257 = arith.constant 5 : i32
            %swap3A_258 = arith.index_cast %swap3A_257 : i32 to index
            %swap3A_259 = arith.constant 0 : index
            %swap3A_260 = tpu.vector_load %arg13[%swap3A_258, %swap3A_259] {strides = array<i32>} : memref<64x32xf32, #tpu.memory_space<vmem>>, vector<16xf32>,
            tpu.vector_store %arg13[%swap3A_258, %swap3A_259], %gather3A_255 {strides = array<i32>} : memref<64x32xf32, #tpu.memory_space<vmem>>, vector<16xf32>,
            %swap3A_261 = arith.constant 5 : i32
            %swap3A_262 = arith.index_cast %swap3A_261 : i32 to index
            %swap3A_263 = arith.constant 16 : index
            %swap3A_264 = tpu.vector_load %arg13[%swap3A_262, %swap3A_263] {strides = array<i32>} : memref<64x32xf32, #tpu.memory_space<vmem>>, vector<16xf32>,
            tpu.vector_store %arg13[%swap3A_262, %swap3A_263], %gather3A_256 {strides = array<i32>} : memref<64x32xf32, #tpu.memory_space<vmem>>, vector<16xf32>,
            %dma_start3A = arith.constant 5 : i32
            %dma_start3A_265 = arith.constant 0 : i32
            %dma_start3A_266 = tpu.memref_slice %arg13[%dma_start3A, %dma_start3A_265] : memref<64x32xf32, #tpu.memory_space<vmem>> -> memref<1x32xf32, #tpu.memory_space<vmem>>
            %dma_start3A_267 = arith.constant 0 : i32
            %dma_start3A_268 = tpu.memref_slice %arg5[%add3A_251, %dma_start3A_267] : memref<16384x32xf32, #tpu.memory_space<hbm>> -> memref<1x32xf32, #tpu.memory_space<hbm>>
            %dma_start3A_269 = arith.constant 0 : i32
            %dma_start3A_270 = tpu.memref_slice %arg5[%add3A_251, %dma_start3A_269] : memref<16384x32xf32, #tpu.memory_space<hbm>> -> memref<1x32xf32, #tpu.memory_space<hbm>>
            %dma_start3A_271 = arith.constant 5 : i32
            %dma_start3A_272 = arith.constant 0 : i32
            %dma_start3A_273 = tpu.memref_slice %arg13[%dma_start3A_271, %dma_start3A_272] : memref<64x32xf32, #tpu.memory_space<vmem>> -> memref<1x32xf32, #tpu.memory_space<vmem>>
            tpu.enqueue_dma source(%dma_start3A_273 : memref<1x32xf32, #tpu.memory_space<vmem>>) target(%dma_start3A_270 : memref<1x32xf32, #tpu.memory_space<hbm>>) target_semaphore(%arg14 : memref<!tpu.dma_semaphore, #tpu.memory_space<semaphore_mem>>)
          } else {
          }
          %slice3A_166 = vector.extract_strided_slice %select_n3A_123 {offsets = [6], sizes = [1], strides = [1]} : vector<16xi32> to vector<1xi32>
          %squeeze3A_167 = vector.extract %slice3A_166[0] : i32 from vector<1xi32>
          %gt3A_168 = arith.constant 0 : i32
          %gt3A_169 = arith.cmpi sgt, %squeeze3A_167, %gt3A_168 : i32
          %convert_element_type3A_170 = arith.extui %gt3A_169 : i1 to i32
          %cond3A_171 = arith.constant 0 : i32
          %cond3A_172 = arith.cmpi ne, %convert_element_type3A_170, %cond3A_171 : i32
          scf.if %cond3A_172 {
            %slice3A_246 = vector.extract_strided_slice %get3A_108 {offsets = [6], sizes = [1], strides = [1]} : vector<16xi32> to vector<1xi32>
            %squeeze3A_247 = vector.extract %slice3A_246[0] : i32 from vector<1xi32>
            %mul3A_248 = arith.constant 16 : i32
            %mul3A_249 = arith.muli %scan3A_105, %mul3A_248 : i32
            %add3A_250 = arith.constant 6 : i32
            %add3A_251 = arith.addi %mul3A_249, %add3A_250 : i32
            %and3A = arith.constant 1023 : i32
            %and3A_252 = arith.andi %squeeze3A_247, %and3A : i32
            %add3A_253 = vector.broadcast %and3A_252 : i32 to vector<16xi32>
            %add3A_254 = arith.addi %broadcast_in_dim3A_1, %add3A_253 : vector<16xi32>
            %gather3A_255 = tpu.vector_load_idx %arg7[%iota3A, %add3A_254] : memref<32x1024xf32, #tpu.memory_space<vmem>>[vector<16xi32>, vector<16xi32>], vector<16xf32>,
            %gather3A_256 = tpu.vector_load_idx %arg7[%add3A_17, %add3A_254] : memref<32x1024xf32, #tpu.memory_space<vmem>>[vector<16xi32>, vector<16xi32>], vector<16xf32>,
            %swap3A_257 = arith.constant 6 : i32
            %swap3A_258 = arith.index_cast %swap3A_257 : i32 to index
            %swap3A_259 = arith.constant 0 : index
            %swap3A_260 = tpu.vector_load %arg13[%swap3A_258, %swap3A_259] {strides = array<i32>} : memref<64x32xf32, #tpu.memory_space<vmem>>, vector<16xf32>,
            tpu.vector_store %arg13[%swap3A_258, %swap3A_259], %gather3A_255 {strides = array<i32>} : memref<64x32xf32, #tpu.memory_space<vmem>>, vector<16xf32>,
            %swap3A_261 = arith.constant 6 : i32
            %swap3A_262 = arith.index_cast %swap3A_261 : i32 to index
            %swap3A_263 = arith.constant 16 : index
            %swap3A_264 = tpu.vector_load %arg13[%swap3A_262, %swap3A_263] {strides = array<i32>} : memref<64x32xf32, #tpu.memory_space<vmem>>, vector<16xf32>,
            tpu.vector_store %arg13[%swap3A_262, %swap3A_263], %gather3A_256 {strides = array<i32>} : memref<64x32xf32, #tpu.memory_space<vmem>>, vector<16xf32>,
            %dma_start3A = arith.constant 6 : i32
            %dma_start3A_265 = arith.constant 0 : i32
            %dma_start3A_266 = tpu.memref_slice %arg13[%dma_start3A, %dma_start3A_265] : memref<64x32xf32, #tpu.memory_space<vmem>> -> memref<1x32xf32, #tpu.memory_space<vmem>>
            %dma_start3A_267 = arith.constant 0 : i32
            %dma_start3A_268 = tpu.memref_slice %arg5[%add3A_251, %dma_start3A_267] : memref<16384x32xf32, #tpu.memory_space<hbm>> -> memref<1x32xf32, #tpu.memory_space<hbm>>
            %dma_start3A_269 = arith.constant 0 : i32
            %dma_start3A_270 = tpu.memref_slice %arg5[%add3A_251, %dma_start3A_269] : memref<16384x32xf32, #tpu.memory_space<hbm>> -> memref<1x32xf32, #tpu.memory_space<hbm>>
            %dma_start3A_271 = arith.constant 6 : i32
            %dma_start3A_272 = arith.constant 0 : i32
            %dma_start3A_273 = tpu.memref_slice %arg13[%dma_start3A_271, %dma_start3A_272] : memref<64x32xf32, #tpu.memory_space<vmem>> -> memref<1x32xf32, #tpu.memory_space<vmem>>
            tpu.enqueue_dma source(%dma_start3A_273 : memref<1x32xf32, #tpu.memory_space<vmem>>) target(%dma_start3A_270 : memref<1x32xf32, #tpu.memory_space<hbm>>) target_semaphore(%arg14 : memref<!tpu.dma_semaphore, #tpu.memory_space<semaphore_mem>>)
          } else {
          }
          %slice3A_173 = vector.extract_strided_slice %select_n3A_123 {offsets = [7], sizes = [1], strides = [1]} : vector<16xi32> to vector<1xi32>
          %squeeze3A_174 = vector.extract %slice3A_173[0] : i32 from vector<1xi32>
          %gt3A_175 = arith.constant 0 : i32
          %gt3A_176 = arith.cmpi sgt, %squeeze3A_174, %gt3A_175 : i32
          %convert_element_type3A_177 = arith.extui %gt3A_176 : i1 to i32
          %cond3A_178 = arith.constant 0 : i32
          %cond3A_179 = arith.cmpi ne, %convert_element_type3A_177, %cond3A_178 : i32
          scf.if %cond3A_179 {
            %slice3A_246 = vector.extract_strided_slice %get3A_108 {offsets = [7], sizes = [1], strides = [1]} : vector<16xi32> to vector<1xi32>
            %squeeze3A_247 = vector.extract %slice3A_246[0] : i32 from vector<1xi32>
            %mul3A_248 = arith.constant 16 : i32
            %mul3A_249 = arith.muli %scan3A_105, %mul3A_248 : i32
            %add3A_250 = arith.constant 7 : i32
            %add3A_251 = arith.addi %mul3A_249, %add3A_250 : i32
            %and3A = arith.constant 1023 : i32
            %and3A_252 = arith.andi %squeeze3A_247, %and3A : i32
            %add3A_253 = vector.broadcast %and3A_252 : i32 to vector<16xi32>
            %add3A_254 = arith.addi %broadcast_in_dim3A_1, %add3A_253 : vector<16xi32>
            %gather3A_255 = tpu.vector_load_idx %arg7[%iota3A, %add3A_254] : memref<32x1024xf32, #tpu.memory_space<vmem>>[vector<16xi32>, vector<16xi32>], vector<16xf32>,
            %gather3A_256 = tpu.vector_load_idx %arg7[%add3A_17, %add3A_254] : memref<32x1024xf32, #tpu.memory_space<vmem>>[vector<16xi32>, vector<16xi32>], vector<16xf32>,
            %swap3A_257 = arith.constant 7 : i32
            %swap3A_258 = arith.index_cast %swap3A_257 : i32 to index
            %swap3A_259 = arith.constant 0 : index
            %swap3A_260 = tpu.vector_load %arg13[%swap3A_258, %swap3A_259] {strides = array<i32>} : memref<64x32xf32, #tpu.memory_space<vmem>>, vector<16xf32>,
            tpu.vector_store %arg13[%swap3A_258, %swap3A_259], %gather3A_255 {strides = array<i32>} : memref<64x32xf32, #tpu.memory_space<vmem>>, vector<16xf32>,
            %swap3A_261 = arith.constant 7 : i32
            %swap3A_262 = arith.index_cast %swap3A_261 : i32 to index
            %swap3A_263 = arith.constant 16 : index
            %swap3A_264 = tpu.vector_load %arg13[%swap3A_262, %swap3A_263] {strides = array<i32>} : memref<64x32xf32, #tpu.memory_space<vmem>>, vector<16xf32>,
            tpu.vector_store %arg13[%swap3A_262, %swap3A_263], %gather3A_256 {strides = array<i32>} : memref<64x32xf32, #tpu.memory_space<vmem>>, vector<16xf32>,
            %dma_start3A = arith.constant 7 : i32
            %dma_start3A_265 = arith.constant 0 : i32
            %dma_start3A_266 = tpu.memref_slice %arg13[%dma_start3A, %dma_start3A_265] : memref<64x32xf32, #tpu.memory_space<vmem>> -> memref<1x32xf32, #tpu.memory_space<vmem>>
            %dma_start3A_267 = arith.constant 0 : i32
            %dma_start3A_268 = tpu.memref_slice %arg5[%add3A_251, %dma_start3A_267] : memref<16384x32xf32, #tpu.memory_space<hbm>> -> memref<1x32xf32, #tpu.memory_space<hbm>>
            %dma_start3A_269 = arith.constant 0 : i32
            %dma_start3A_270 = tpu.memref_slice %arg5[%add3A_251, %dma_start3A_269] : memref<16384x32xf32, #tpu.memory_space<hbm>> -> memref<1x32xf32, #tpu.memory_space<hbm>>
            %dma_start3A_271 = arith.constant 7 : i32
            %dma_start3A_272 = arith.constant 0 : i32
            %dma_start3A_273 = tpu.memref_slice %arg13[%dma_start3A_271, %dma_start3A_272] : memref<64x32xf32, #tpu.memory_space<vmem>> -> memref<1x32xf32, #tpu.memory_space<vmem>>
            tpu.enqueue_dma source(%dma_start3A_273 : memref<1x32xf32, #tpu.memory_space<vmem>>) target(%dma_start3A_270 : memref<1x32xf32, #tpu.memory_space<hbm>>) target_semaphore(%arg14 : memref<!tpu.dma_semaphore, #tpu.memory_space<semaphore_mem>>)
          } else {
          }
          %slice3A_180 = vector.extract_strided_slice %select_n3A_123 {offsets = [8], sizes = [1], strides = [1]} : vector<16xi32> to vector<1xi32>
          %squeeze3A_181 = vector.extract %slice3A_180[0] : i32 from vector<1xi32>
          %gt3A_182 = arith.constant 0 : i32
          %gt3A_183 = arith.cmpi sgt, %squeeze3A_181, %gt3A_182 : i32
          %convert_element_type3A_184 = arith.extui %gt3A_183 : i1 to i32
          %cond3A_185 = arith.constant 0 : i32
          %cond3A_186 = arith.cmpi ne, %convert_element_type3A_184, %cond3A_185 : i32
          scf.if %cond3A_186 {
            %slice3A_246 = vector.extract_strided_slice %get3A_108 {offsets = [8], sizes = [1], strides = [1]} : vector<16xi32> to vector<1xi32>
            %squeeze3A_247 = vector.extract %slice3A_246[0] : i32 from vector<1xi32>
            %mul3A_248 = arith.constant 16 : i32
            %mul3A_249 = arith.muli %scan3A_105, %mul3A_248 : i32
            %add3A_250 = arith.constant 8 : i32
            %add3A_251 = arith.addi %mul3A_249, %add3A_250 : i32
            %and3A = arith.constant 1023 : i32
            %and3A_252 = arith.andi %squeeze3A_247, %and3A : i32
            %add3A_253 = vector.broadcast %and3A_252 : i32 to vector<16xi32>
            %add3A_254 = arith.addi %broadcast_in_dim3A_1, %add3A_253 : vector<16xi32>
            %gather3A_255 = tpu.vector_load_idx %arg7[%iota3A, %add3A_254] : memref<32x1024xf32, #tpu.memory_space<vmem>>[vector<16xi32>, vector<16xi32>], vector<16xf32>,
            %gather3A_256 = tpu.vector_load_idx %arg7[%add3A_17, %add3A_254] : memref<32x1024xf32, #tpu.memory_space<vmem>>[vector<16xi32>, vector<16xi32>], vector<16xf32>,
            %swap3A_257 = arith.constant 8 : i32
            %swap3A_258 = arith.index_cast %swap3A_257 : i32 to index
            %swap3A_259 = arith.constant 0 : index
            %swap3A_260 = tpu.vector_load %arg13[%swap3A_258, %swap3A_259] {strides = array<i32>} : memref<64x32xf32, #tpu.memory_space<vmem>>, vector<16xf32>,
            tpu.vector_store %arg13[%swap3A_258, %swap3A_259], %gather3A_255 {strides = array<i32>} : memref<64x32xf32, #tpu.memory_space<vmem>>, vector<16xf32>,
            %swap3A_261 = arith.constant 8 : i32
            %swap3A_262 = arith.index_cast %swap3A_261 : i32 to index
            %swap3A_263 = arith.constant 16 : index
            %swap3A_264 = tpu.vector_load %arg13[%swap3A_262, %swap3A_263] {strides = array<i32>} : memref<64x32xf32, #tpu.memory_space<vmem>>, vector<16xf32>,
            tpu.vector_store %arg13[%swap3A_262, %swap3A_263], %gather3A_256 {strides = array<i32>} : memref<64x32xf32, #tpu.memory_space<vmem>>, vector<16xf32>,
            %dma_start3A = arith.constant 8 : i32
            %dma_start3A_265 = arith.constant 0 : i32
            %dma_start3A_266 = tpu.memref_slice %arg13[%dma_start3A, %dma_start3A_265] : memref<64x32xf32, #tpu.memory_space<vmem>> -> memref<1x32xf32, #tpu.memory_space<vmem>>
            %dma_start3A_267 = arith.constant 0 : i32
            %dma_start3A_268 = tpu.memref_slice %arg5[%add3A_251, %dma_start3A_267] : memref<16384x32xf32, #tpu.memory_space<hbm>> -> memref<1x32xf32, #tpu.memory_space<hbm>>
            %dma_start3A_269 = arith.constant 0 : i32
            %dma_start3A_270 = tpu.memref_slice %arg5[%add3A_251, %dma_start3A_269] : memref<16384x32xf32, #tpu.memory_space<hbm>> -> memref<1x32xf32, #tpu.memory_space<hbm>>
            %dma_start3A_271 = arith.constant 8 : i32
            %dma_start3A_272 = arith.constant 0 : i32
            %dma_start3A_273 = tpu.memref_slice %arg13[%dma_start3A_271, %dma_start3A_272] : memref<64x32xf32, #tpu.memory_space<vmem>> -> memref<1x32xf32, #tpu.memory_space<vmem>>
            tpu.enqueue_dma source(%dma_start3A_273 : memref<1x32xf32, #tpu.memory_space<vmem>>) target(%dma_start3A_270 : memref<1x32xf32, #tpu.memory_space<hbm>>) target_semaphore(%arg14 : memref<!tpu.dma_semaphore, #tpu.memory_space<semaphore_mem>>)
          } else {
          }
          %slice3A_187 = vector.extract_strided_slice %select_n3A_123 {offsets = [9], sizes = [1], strides = [1]} : vector<16xi32> to vector<1xi32>
          %squeeze3A_188 = vector.extract %slice3A_187[0] : i32 from vector<1xi32>
          %gt3A_189 = arith.constant 0 : i32
          %gt3A_190 = arith.cmpi sgt, %squeeze3A_188, %gt3A_189 : i32
          %convert_element_type3A_191 = arith.extui %gt3A_190 : i1 to i32
          %cond3A_192 = arith.constant 0 : i32
          %cond3A_193 = arith.cmpi ne, %convert_element_type3A_191, %cond3A_192 : i32
          scf.if %cond3A_193 {
            %slice3A_246 = vector.extract_strided_slice %get3A_108 {offsets = [9], sizes = [1], strides = [1]} : vector<16xi32> to vector<1xi32>
            %squeeze3A_247 = vector.extract %slice3A_246[0] : i32 from vector<1xi32>
            %mul3A_248 = arith.constant 16 : i32
            %mul3A_249 = arith.muli %scan3A_105, %mul3A_248 : i32
            %add3A_250 = arith.constant 9 : i32
            %add3A_251 = arith.addi %mul3A_249, %add3A_250 : i32
            %and3A = arith.constant 1023 : i32
            %and3A_252 = arith.andi %squeeze3A_247, %and3A : i32
            %add3A_253 = vector.broadcast %and3A_252 : i32 to vector<16xi32>
            %add3A_254 = arith.addi %broadcast_in_dim3A_1, %add3A_253 : vector<16xi32>
            %gather3A_255 = tpu.vector_load_idx %arg7[%iota3A, %add3A_254] : memref<32x1024xf32, #tpu.memory_space<vmem>>[vector<16xi32>, vector<16xi32>], vector<16xf32>,
            %gather3A_256 = tpu.vector_load_idx %arg7[%add3A_17, %add3A_254] : memref<32x1024xf32, #tpu.memory_space<vmem>>[vector<16xi32>, vector<16xi32>], vector<16xf32>,
            %swap3A_257 = arith.constant 9 : i32
            %swap3A_258 = arith.index_cast %swap3A_257 : i32 to index
            %swap3A_259 = arith.constant 0 : index
            %swap3A_260 = tpu.vector_load %arg13[%swap3A_258, %swap3A_259] {strides = array<i32>} : memref<64x32xf32, #tpu.memory_space<vmem>>, vector<16xf32>,
            tpu.vector_store %arg13[%swap3A_258, %swap3A_259], %gather3A_255 {strides = array<i32>} : memref<64x32xf32, #tpu.memory_space<vmem>>, vector<16xf32>,
            %swap3A_261 = arith.constant 9 : i32
            %swap3A_262 = arith.index_cast %swap3A_261 : i32 to index
            %swap3A_263 = arith.constant 16 : index
            %swap3A_264 = tpu.vector_load %arg13[%swap3A_262, %swap3A_263] {strides = array<i32>} : memref<64x32xf32, #tpu.memory_space<vmem>>, vector<16xf32>,
            tpu.vector_store %arg13[%swap3A_262, %swap3A_263], %gather3A_256 {strides = array<i32>} : memref<64x32xf32, #tpu.memory_space<vmem>>, vector<16xf32>,
            %dma_start3A = arith.constant 9 : i32
            %dma_start3A_265 = arith.constant 0 : i32
            %dma_start3A_266 = tpu.memref_slice %arg13[%dma_start3A, %dma_start3A_265] : memref<64x32xf32, #tpu.memory_space<vmem>> -> memref<1x32xf32, #tpu.memory_space<vmem>>
            %dma_start3A_267 = arith.constant 0 : i32
            %dma_start3A_268 = tpu.memref_slice %arg5[%add3A_251, %dma_start3A_267] : memref<16384x32xf32, #tpu.memory_space<hbm>> -> memref<1x32xf32, #tpu.memory_space<hbm>>
            %dma_start3A_269 = arith.constant 0 : i32
            %dma_start3A_270 = tpu.memref_slice %arg5[%add3A_251, %dma_start3A_269] : memref<16384x32xf32, #tpu.memory_space<hbm>> -> memref<1x32xf32, #tpu.memory_space<hbm>>
            %dma_start3A_271 = arith.constant 9 : i32
            %dma_start3A_272 = arith.constant 0 : i32
            %dma_start3A_273 = tpu.memref_slice %arg13[%dma_start3A_271, %dma_start3A_272] : memref<64x32xf32, #tpu.memory_space<vmem>> -> memref<1x32xf32, #tpu.memory_space<vmem>>
            tpu.enqueue_dma source(%dma_start3A_273 : memref<1x32xf32, #tpu.memory_space<vmem>>) target(%dma_start3A_270 : memref<1x32xf32, #tpu.memory_space<hbm>>) target_semaphore(%arg14 : memref<!tpu.dma_semaphore, #tpu.memory_space<semaphore_mem>>)
          } else {
          }
          %slice3A_194 = vector.extract_strided_slice %select_n3A_123 {offsets = [10], sizes = [1], strides = [1]} : vector<16xi32> to vector<1xi32>
          %squeeze3A_195 = vector.extract %slice3A_194[0] : i32 from vector<1xi32>
          %gt3A_196 = arith.constant 0 : i32
          %gt3A_197 = arith.cmpi sgt, %squeeze3A_195, %gt3A_196 : i32
          %convert_element_type3A_198 = arith.extui %gt3A_197 : i1 to i32
          %cond3A_199 = arith.constant 0 : i32
          %cond3A_200 = arith.cmpi ne, %convert_element_type3A_198, %cond3A_199 : i32
          scf.if %cond3A_200 {
            %slice3A_246 = vector.extract_strided_slice %get3A_108 {offsets = [10], sizes = [1], strides = [1]} : vector<16xi32> to vector<1xi32>
            %squeeze3A_247 = vector.extract %slice3A_246[0] : i32 from vector<1xi32>
            %mul3A_248 = arith.constant 16 : i32
            %mul3A_249 = arith.muli %scan3A_105, %mul3A_248 : i32
            %add3A_250 = arith.constant 10 : i32
            %add3A_251 = arith.addi %mul3A_249, %add3A_250 : i32
            %and3A = arith.constant 1023 : i32
            %and3A_252 = arith.andi %squeeze3A_247, %and3A : i32
            %add3A_253 = vector.broadcast %and3A_252 : i32 to vector<16xi32>
            %add3A_254 = arith.addi %broadcast_in_dim3A_1, %add3A_253 : vector<16xi32>
            %gather3A_255 = tpu.vector_load_idx %arg7[%iota3A, %add3A_254] : memref<32x1024xf32, #tpu.memory_space<vmem>>[vector<16xi32>, vector<16xi32>], vector<16xf32>,
            %gather3A_256 = tpu.vector_load_idx %arg7[%add3A_17, %add3A_254] : memref<32x1024xf32, #tpu.memory_space<vmem>>[vector<16xi32>, vector<16xi32>], vector<16xf32>,
            %swap3A_257 = arith.constant 10 : i32
            %swap3A_258 = arith.index_cast %swap3A_257 : i32 to index
            %swap3A_259 = arith.constant 0 : index
            %swap3A_260 = tpu.vector_load %arg13[%swap3A_258, %swap3A_259] {strides = array<i32>} : memref<64x32xf32, #tpu.memory_space<vmem>>, vector<16xf32>,
            tpu.vector_store %arg13[%swap3A_258, %swap3A_259], %gather3A_255 {strides = array<i32>} : memref<64x32xf32, #tpu.memory_space<vmem>>, vector<16xf32>,
            %swap3A_261 = arith.constant 10 : i32
            %swap3A_262 = arith.index_cast %swap3A_261 : i32 to index
            %swap3A_263 = arith.constant 16 : index
            %swap3A_264 = tpu.vector_load %arg13[%swap3A_262, %swap3A_263] {strides = array<i32>} : memref<64x32xf32, #tpu.memory_space<vmem>>, vector<16xf32>,
            tpu.vector_store %arg13[%swap3A_262, %swap3A_263], %gather3A_256 {strides = array<i32>} : memref<64x32xf32, #tpu.memory_space<vmem>>, vector<16xf32>,
            %dma_start3A = arith.constant 10 : i32
            %dma_start3A_265 = arith.constant 0 : i32
            %dma_start3A_266 = tpu.memref_slice %arg13[%dma_start3A, %dma_start3A_265] : memref<64x32xf32, #tpu.memory_space<vmem>> -> memref<1x32xf32, #tpu.memory_space<vmem>>
            %dma_start3A_267 = arith.constant 0 : i32
            %dma_start3A_268 = tpu.memref_slice %arg5[%add3A_251, %dma_start3A_267] : memref<16384x32xf32, #tpu.memory_space<hbm>> -> memref<1x32xf32, #tpu.memory_space<hbm>>
            %dma_start3A_269 = arith.constant 0 : i32
            %dma_start3A_270 = tpu.memref_slice %arg5[%add3A_251, %dma_start3A_269] : memref<16384x32xf32, #tpu.memory_space<hbm>> -> memref<1x32xf32, #tpu.memory_space<hbm>>
            %dma_start3A_271 = arith.constant 10 : i32
            %dma_start3A_272 = arith.constant 0 : i32
            %dma_start3A_273 = tpu.memref_slice %arg13[%dma_start3A_271, %dma_start3A_272] : memref<64x32xf32, #tpu.memory_space<vmem>> -> memref<1x32xf32, #tpu.memory_space<vmem>>
            tpu.enqueue_dma source(%dma_start3A_273 : memref<1x32xf32, #tpu.memory_space<vmem>>) target(%dma_start3A_270 : memref<1x32xf32, #tpu.memory_space<hbm>>) target_semaphore(%arg14 : memref<!tpu.dma_semaphore, #tpu.memory_space<semaphore_mem>>)
          } else {
          }
          %slice3A_201 = vector.extract_strided_slice %select_n3A_123 {offsets = [11], sizes = [1], strides = [1]} : vector<16xi32> to vector<1xi32>
          %squeeze3A_202 = vector.extract %slice3A_201[0] : i32 from vector<1xi32>
          %gt3A_203 = arith.constant 0 : i32
          %gt3A_204 = arith.cmpi sgt, %squeeze3A_202, %gt3A_203 : i32
          %convert_element_type3A_205 = arith.extui %gt3A_204 : i1 to i32
          %cond3A_206 = arith.constant 0 : i32
          %cond3A_207 = arith.cmpi ne, %convert_element_type3A_205, %cond3A_206 : i32
          scf.if %cond3A_207 {
            %slice3A_246 = vector.extract_strided_slice %get3A_108 {offsets = [11], sizes = [1], strides = [1]} : vector<16xi32> to vector<1xi32>
            %squeeze3A_247 = vector.extract %slice3A_246[0] : i32 from vector<1xi32>
            %mul3A_248 = arith.constant 16 : i32
            %mul3A_249 = arith.muli %scan3A_105, %mul3A_248 : i32
            %add3A_250 = arith.constant 11 : i32
            %add3A_251 = arith.addi %mul3A_249, %add3A_250 : i32
            %and3A = arith.constant 1023 : i32
            %and3A_252 = arith.andi %squeeze3A_247, %and3A : i32
            %add3A_253 = vector.broadcast %and3A_252 : i32 to vector<16xi32>
            %add3A_254 = arith.addi %broadcast_in_dim3A_1, %add3A_253 : vector<16xi32>
            %gather3A_255 = tpu.vector_load_idx %arg7[%iota3A, %add3A_254] : memref<32x1024xf32, #tpu.memory_space<vmem>>[vector<16xi32>, vector<16xi32>], vector<16xf32>,
            %gather3A_256 = tpu.vector_load_idx %arg7[%add3A_17, %add3A_254] : memref<32x1024xf32, #tpu.memory_space<vmem>>[vector<16xi32>, vector<16xi32>], vector<16xf32>,
            %swap3A_257 = arith.constant 11 : i32
            %swap3A_258 = arith.index_cast %swap3A_257 : i32 to index
            %swap3A_259 = arith.constant 0 : index
            %swap3A_260 = tpu.vector_load %arg13[%swap3A_258, %swap3A_259] {strides = array<i32>} : memref<64x32xf32, #tpu.memory_space<vmem>>, vector<16xf32>,
            tpu.vector_store %arg13[%swap3A_258, %swap3A_259], %gather3A_255 {strides = array<i32>} : memref<64x32xf32, #tpu.memory_space<vmem>>, vector<16xf32>,
            %swap3A_261 = arith.constant 11 : i32
            %swap3A_262 = arith.index_cast %swap3A_261 : i32 to index
            %swap3A_263 = arith.constant 16 : index
            %swap3A_264 = tpu.vector_load %arg13[%swap3A_262, %swap3A_263] {strides = array<i32>} : memref<64x32xf32, #tpu.memory_space<vmem>>, vector<16xf32>,
            tpu.vector_store %arg13[%swap3A_262, %swap3A_263], %gather3A_256 {strides = array<i32>} : memref<64x32xf32, #tpu.memory_space<vmem>>, vector<16xf32>,
            %dma_start3A = arith.constant 11 : i32
            %dma_start3A_265 = arith.constant 0 : i32
            %dma_start3A_266 = tpu.memref_slice %arg13[%dma_start3A, %dma_start3A_265] : memref<64x32xf32, #tpu.memory_space<vmem>> -> memref<1x32xf32, #tpu.memory_space<vmem>>
            %dma_start3A_267 = arith.constant 0 : i32
            %dma_start3A_268 = tpu.memref_slice %arg5[%add3A_251, %dma_start3A_267] : memref<16384x32xf32, #tpu.memory_space<hbm>> -> memref<1x32xf32, #tpu.memory_space<hbm>>
            %dma_start3A_269 = arith.constant 0 : i32
            %dma_start3A_270 = tpu.memref_slice %arg5[%add3A_251, %dma_start3A_269] : memref<16384x32xf32, #tpu.memory_space<hbm>> -> memref<1x32xf32, #tpu.memory_space<hbm>>
            %dma_start3A_271 = arith.constant 11 : i32
            %dma_start3A_272 = arith.constant 0 : i32
            %dma_start3A_273 = tpu.memref_slice %arg13[%dma_start3A_271, %dma_start3A_272] : memref<64x32xf32, #tpu.memory_space<vmem>> -> memref<1x32xf32, #tpu.memory_space<vmem>>
            tpu.enqueue_dma source(%dma_start3A_273 : memref<1x32xf32, #tpu.memory_space<vmem>>) target(%dma_start3A_270 : memref<1x32xf32, #tpu.memory_space<hbm>>) target_semaphore(%arg14 : memref<!tpu.dma_semaphore, #tpu.memory_space<semaphore_mem>>)
          } else {
          }
          %slice3A_208 = vector.extract_strided_slice %select_n3A_123 {offsets = [12], sizes = [1], strides = [1]} : vector<16xi32> to vector<1xi32>
          %squeeze3A_209 = vector.extract %slice3A_208[0] : i32 from vector<1xi32>
          %gt3A_210 = arith.constant 0 : i32
          %gt3A_211 = arith.cmpi sgt, %squeeze3A_209, %gt3A_210 : i32
          %convert_element_type3A_212 = arith.extui %gt3A_211 : i1 to i32
          %cond3A_213 = arith.constant 0 : i32
          %cond3A_214 = arith.cmpi ne, %convert_element_type3A_212, %cond3A_213 : i32
          scf.if %cond3A_214 {
            %slice3A_246 = vector.extract_strided_slice %get3A_108 {offsets = [12], sizes = [1], strides = [1]} : vector<16xi32> to vector<1xi32>
            %squeeze3A_247 = vector.extract %slice3A_246[0] : i32 from vector<1xi32>
            %mul3A_248 = arith.constant 16 : i32
            %mul3A_249 = arith.muli %scan3A_105, %mul3A_248 : i32
            %add3A_250 = arith.constant 12 : i32
            %add3A_251 = arith.addi %mul3A_249, %add3A_250 : i32
            %and3A = arith.constant 1023 : i32
            %and3A_252 = arith.andi %squeeze3A_247, %and3A : i32
            %add3A_253 = vector.broadcast %and3A_252 : i32 to vector<16xi32>
            %add3A_254 = arith.addi %broadcast_in_dim3A_1, %add3A_253 : vector<16xi32>
            %gather3A_255 = tpu.vector_load_idx %arg7[%iota3A, %add3A_254] : memref<32x1024xf32, #tpu.memory_space<vmem>>[vector<16xi32>, vector<16xi32>], vector<16xf32>,
            %gather3A_256 = tpu.vector_load_idx %arg7[%add3A_17, %add3A_254] : memref<32x1024xf32, #tpu.memory_space<vmem>>[vector<16xi32>, vector<16xi32>], vector<16xf32>,
            %swap3A_257 = arith.constant 12 : i32
            %swap3A_258 = arith.index_cast %swap3A_257 : i32 to index
            %swap3A_259 = arith.constant 0 : index
            %swap3A_260 = tpu.vector_load %arg13[%swap3A_258, %swap3A_259] {strides = array<i32>} : memref<64x32xf32, #tpu.memory_space<vmem>>, vector<16xf32>,
            tpu.vector_store %arg13[%swap3A_258, %swap3A_259], %gather3A_255 {strides = array<i32>} : memref<64x32xf32, #tpu.memory_space<vmem>>, vector<16xf32>,
            %swap3A_261 = arith.constant 12 : i32
            %swap3A_262 = arith.index_cast %swap3A_261 : i32 to index
            %swap3A_263 = arith.constant 16 : index
            %swap3A_264 = tpu.vector_load %arg13[%swap3A_262, %swap3A_263] {strides = array<i32>} : memref<64x32xf32, #tpu.memory_space<vmem>>, vector<16xf32>,
            tpu.vector_store %arg13[%swap3A_262, %swap3A_263], %gather3A_256 {strides = array<i32>} : memref<64x32xf32, #tpu.memory_space<vmem>>, vector<16xf32>,
            %dma_start3A = arith.constant 12 : i32
            %dma_start3A_265 = arith.constant 0 : i32
            %dma_start3A_266 = tpu.memref_slice %arg13[%dma_start3A, %dma_start3A_265] : memref<64x32xf32, #tpu.memory_space<vmem>> -> memref<1x32xf32, #tpu.memory_space<vmem>>
            %dma_start3A_267 = arith.constant 0 : i32
            %dma_start3A_268 = tpu.memref_slice %arg5[%add3A_251, %dma_start3A_267] : memref<16384x32xf32, #tpu.memory_space<hbm>> -> memref<1x32xf32, #tpu.memory_space<hbm>>
            %dma_start3A_269 = arith.constant 0 : i32
            %dma_start3A_270 = tpu.memref_slice %arg5[%add3A_251, %dma_start3A_269] : memref<16384x32xf32, #tpu.memory_space<hbm>> -> memref<1x32xf32, #tpu.memory_space<hbm>>
            %dma_start3A_271 = arith.constant 12 : i32
            %dma_start3A_272 = arith.constant 0 : i32
            %dma_start3A_273 = tpu.memref_slice %arg13[%dma_start3A_271, %dma_start3A_272] : memref<64x32xf32, #tpu.memory_space<vmem>> -> memref<1x32xf32, #tpu.memory_space<vmem>>
            tpu.enqueue_dma source(%dma_start3A_273 : memref<1x32xf32, #tpu.memory_space<vmem>>) target(%dma_start3A_270 : memref<1x32xf32, #tpu.memory_space<hbm>>) target_semaphore(%arg14 : memref<!tpu.dma_semaphore, #tpu.memory_space<semaphore_mem>>)
          } else {
          }
          %slice3A_215 = vector.extract_strided_slice %select_n3A_123 {offsets = [13], sizes = [1], strides = [1]} : vector<16xi32> to vector<1xi32>
          %squeeze3A_216 = vector.extract %slice3A_215[0] : i32 from vector<1xi32>
          %gt3A_217 = arith.constant 0 : i32
          %gt3A_218 = arith.cmpi sgt, %squeeze3A_216, %gt3A_217 : i32
          %convert_element_type3A_219 = arith.extui %gt3A_218 : i1 to i32
          %cond3A_220 = arith.constant 0 : i32
          %cond3A_221 = arith.cmpi ne, %convert_element_type3A_219, %cond3A_220 : i32
          scf.if %cond3A_221 {
            %slice3A_246 = vector.extract_strided_slice %get3A_108 {offsets = [13], sizes = [1], strides = [1]} : vector<16xi32> to vector<1xi32>
            %squeeze3A_247 = vector.extract %slice3A_246[0] : i32 from vector<1xi32>
            %mul3A_248 = arith.constant 16 : i32
            %mul3A_249 = arith.muli %scan3A_105, %mul3A_248 : i32
            %add3A_250 = arith.constant 13 : i32
            %add3A_251 = arith.addi %mul3A_249, %add3A_250 : i32
            %and3A = arith.constant 1023 : i32
            %and3A_252 = arith.andi %squeeze3A_247, %and3A : i32
            %add3A_253 = vector.broadcast %and3A_252 : i32 to vector<16xi32>
            %add3A_254 = arith.addi %broadcast_in_dim3A_1, %add3A_253 : vector<16xi32>
            %gather3A_255 = tpu.vector_load_idx %arg7[%iota3A, %add3A_254] : memref<32x1024xf32, #tpu.memory_space<vmem>>[vector<16xi32>, vector<16xi32>], vector<16xf32>,
            %gather3A_256 = tpu.vector_load_idx %arg7[%add3A_17, %add3A_254] : memref<32x1024xf32, #tpu.memory_space<vmem>>[vector<16xi32>, vector<16xi32>], vector<16xf32>,
            %swap3A_257 = arith.constant 13 : i32
            %swap3A_258 = arith.index_cast %swap3A_257 : i32 to index
            %swap3A_259 = arith.constant 0 : index
            %swap3A_260 = tpu.vector_load %arg13[%swap3A_258, %swap3A_259] {strides = array<i32>} : memref<64x32xf32, #tpu.memory_space<vmem>>, vector<16xf32>,
            tpu.vector_store %arg13[%swap3A_258, %swap3A_259], %gather3A_255 {strides = array<i32>} : memref<64x32xf32, #tpu.memory_space<vmem>>, vector<16xf32>,
            %swap3A_261 = arith.constant 13 : i32
            %swap3A_262 = arith.index_cast %swap3A_261 : i32 to index
            %swap3A_263 = arith.constant 16 : index
            %swap3A_264 = tpu.vector_load %arg13[%swap3A_262, %swap3A_263] {strides = array<i32>} : memref<64x32xf32, #tpu.memory_space<vmem>>, vector<16xf32>,
            tpu.vector_store %arg13[%swap3A_262, %swap3A_263], %gather3A_256 {strides = array<i32>} : memref<64x32xf32, #tpu.memory_space<vmem>>, vector<16xf32>,
            %dma_start3A = arith.constant 13 : i32
            %dma_start3A_265 = arith.constant 0 : i32
            %dma_start3A_266 = tpu.memref_slice %arg13[%dma_start3A, %dma_start3A_265] : memref<64x32xf32, #tpu.memory_space<vmem>> -> memref<1x32xf32, #tpu.memory_space<vmem>>
            %dma_start3A_267 = arith.constant 0 : i32
            %dma_start3A_268 = tpu.memref_slice %arg5[%add3A_251, %dma_start3A_267] : memref<16384x32xf32, #tpu.memory_space<hbm>> -> memref<1x32xf32, #tpu.memory_space<hbm>>
            %dma_start3A_269 = arith.constant 0 : i32
            %dma_start3A_270 = tpu.memref_slice %arg5[%add3A_251, %dma_start3A_269] : memref<16384x32xf32, #tpu.memory_space<hbm>> -> memref<1x32xf32, #tpu.memory_space<hbm>>
            %dma_start3A_271 = arith.constant 13 : i32
            %dma_start3A_272 = arith.constant 0 : i32
            %dma_start3A_273 = tpu.memref_slice %arg13[%dma_start3A_271, %dma_start3A_272] : memref<64x32xf32, #tpu.memory_space<vmem>> -> memref<1x32xf32, #tpu.memory_space<vmem>>
            tpu.enqueue_dma source(%dma_start3A_273 : memref<1x32xf32, #tpu.memory_space<vmem>>) target(%dma_start3A_270 : memref<1x32xf32, #tpu.memory_space<hbm>>) target_semaphore(%arg14 : memref<!tpu.dma_semaphore, #tpu.memory_space<semaphore_mem>>)
          } else {
          }
          %slice3A_222 = vector.extract_strided_slice %select_n3A_123 {offsets = [14], sizes = [1], strides = [1]} : vector<16xi32> to vector<1xi32>
          %squeeze3A_223 = vector.extract %slice3A_222[0] : i32 from vector<1xi32>
          %gt3A_224 = arith.constant 0 : i32
          %gt3A_225 = arith.cmpi sgt, %squeeze3A_223, %gt3A_224 : i32
          %convert_element_type3A_226 = arith.extui %gt3A_225 : i1 to i32
          %cond3A_227 = arith.constant 0 : i32
          %cond3A_228 = arith.cmpi ne, %convert_element_type3A_226, %cond3A_227 : i32
          scf.if %cond3A_228 {
            %slice3A_246 = vector.extract_strided_slice %get3A_108 {offsets = [14], sizes = [1], strides = [1]} : vector<16xi32> to vector<1xi32>
            %squeeze3A_247 = vector.extract %slice3A_246[0] : i32 from vector<1xi32>
            %mul3A_248 = arith.constant 16 : i32
            %mul3A_249 = arith.muli %scan3A_105, %mul3A_248 : i32
            %add3A_250 = arith.constant 14 : i32
            %add3A_251 = arith.addi %mul3A_249, %add3A_250 : i32
            %and3A = arith.constant 1023 : i32
            %and3A_252 = arith.andi %squeeze3A_247, %and3A : i32
            %add3A_253 = vector.broadcast %and3A_252 : i32 to vector<16xi32>
            %add3A_254 = arith.addi %broadcast_in_dim3A_1, %add3A_253 : vector<16xi32>
            %gather3A_255 = tpu.vector_load_idx %arg7[%iota3A, %add3A_254] : memref<32x1024xf32, #tpu.memory_space<vmem>>[vector<16xi32>, vector<16xi32>], vector<16xf32>,
            %gather3A_256 = tpu.vector_load_idx %arg7[%add3A_17, %add3A_254] : memref<32x1024xf32, #tpu.memory_space<vmem>>[vector<16xi32>, vector<16xi32>], vector<16xf32>,
            %swap3A_257 = arith.constant 14 : i32
            %swap3A_258 = arith.index_cast %swap3A_257 : i32 to index
            %swap3A_259 = arith.constant 0 : index
            %swap3A_260 = tpu.vector_load %arg13[%swap3A_258, %swap3A_259] {strides = array<i32>} : memref<64x32xf32, #tpu.memory_space<vmem>>, vector<16xf32>,
            tpu.vector_store %arg13[%swap3A_258, %swap3A_259], %gather3A_255 {strides = array<i32>} : memref<64x32xf32, #tpu.memory_space<vmem>>, vector<16xf32>,
            %swap3A_261 = arith.constant 14 : i32
            %swap3A_262 = arith.index_cast %swap3A_261 : i32 to index
            %swap3A_263 = arith.constant 16 : index
            %swap3A_264 = tpu.vector_load %arg13[%swap3A_262, %swap3A_263] {strides = array<i32>} : memref<64x32xf32, #tpu.memory_space<vmem>>, vector<16xf32>,
            tpu.vector_store %arg13[%swap3A_262, %swap3A_263], %gather3A_256 {strides = array<i32>} : memref<64x32xf32, #tpu.memory_space<vmem>>, vector<16xf32>,
            %dma_start3A = arith.constant 14 : i32
            %dma_start3A_265 = arith.constant 0 : i32
            %dma_start3A_266 = tpu.memref_slice %arg13[%dma_start3A, %dma_start3A_265] : memref<64x32xf32, #tpu.memory_space<vmem>> -> memref<1x32xf32, #tpu.memory_space<vmem>>
            %dma_start3A_267 = arith.constant 0 : i32
            %dma_start3A_268 = tpu.memref_slice %arg5[%add3A_251, %dma_start3A_267] : memref<16384x32xf32, #tpu.memory_space<hbm>> -> memref<1x32xf32, #tpu.memory_space<hbm>>
            %dma_start3A_269 = arith.constant 0 : i32
            %dma_start3A_270 = tpu.memref_slice %arg5[%add3A_251, %dma_start3A_269] : memref<16384x32xf32, #tpu.memory_space<hbm>> -> memref<1x32xf32, #tpu.memory_space<hbm>>
            %dma_start3A_271 = arith.constant 14 : i32
            %dma_start3A_272 = arith.constant 0 : i32
            %dma_start3A_273 = tpu.memref_slice %arg13[%dma_start3A_271, %dma_start3A_272] : memref<64x32xf32, #tpu.memory_space<vmem>> -> memref<1x32xf32, #tpu.memory_space<vmem>>
            tpu.enqueue_dma source(%dma_start3A_273 : memref<1x32xf32, #tpu.memory_space<vmem>>) target(%dma_start3A_270 : memref<1x32xf32, #tpu.memory_space<hbm>>) target_semaphore(%arg14 : memref<!tpu.dma_semaphore, #tpu.memory_space<semaphore_mem>>)
          } else {
          }
          %slice3A_229 = vector.extract_strided_slice %select_n3A_123 {offsets = [15], sizes = [1], strides = [1]} : vector<16xi32> to vector<1xi32>
          %squeeze3A_230 = vector.extract %slice3A_229[0] : i32 from vector<1xi32>
          %gt3A_231 = arith.constant 0 : i32
          %gt3A_232 = arith.cmpi sgt, %squeeze3A_230, %gt3A_231 : i32
          %convert_element_type3A_233 = arith.extui %gt3A_232 : i1 to i32
          %cond3A_234 = arith.constant 0 : i32
          %cond3A_235 = arith.cmpi ne, %convert_element_type3A_233, %cond3A_234 : i32
          scf.if %cond3A_235 {
            %slice3A_246 = vector.extract_strided_slice %get3A_108 {offsets = [15], sizes = [1], strides = [1]} : vector<16xi32> to vector<1xi32>
            %squeeze3A_247 = vector.extract %slice3A_246[0] : i32 from vector<1xi32>
            %mul3A_248 = arith.constant 16 : i32
            %mul3A_249 = arith.muli %scan3A_105, %mul3A_248 : i32
            %add3A_250 = arith.constant 15 : i32
            %add3A_251 = arith.addi %mul3A_249, %add3A_250 : i32
            %and3A = arith.constant 1023 : i32
            %and3A_252 = arith.andi %squeeze3A_247, %and3A : i32
            %add3A_253 = vector.broadcast %and3A_252 : i32 to vector<16xi32>
            %add3A_254 = arith.addi %broadcast_in_dim3A_1, %add3A_253 : vector<16xi32>
            %gather3A_255 = tpu.vector_load_idx %arg7[%iota3A, %add3A_254] : memref<32x1024xf32, #tpu.memory_space<vmem>>[vector<16xi32>, vector<16xi32>], vector<16xf32>,
            %gather3A_256 = tpu.vector_load_idx %arg7[%add3A_17, %add3A_254] : memref<32x1024xf32, #tpu.memory_space<vmem>>[vector<16xi32>, vector<16xi32>], vector<16xf32>,
            %swap3A_257 = arith.constant 15 : i32
            %swap3A_258 = arith.index_cast %swap3A_257 : i32 to index
            %swap3A_259 = arith.constant 0 : index
            %swap3A_260 = tpu.vector_load %arg13[%swap3A_258, %swap3A_259] {strides = array<i32>} : memref<64x32xf32, #tpu.memory_space<vmem>>, vector<16xf32>,
            tpu.vector_store %arg13[%swap3A_258, %swap3A_259], %gather3A_255 {strides = array<i32>} : memref<64x32xf32, #tpu.memory_space<vmem>>, vector<16xf32>,
            %swap3A_261 = arith.constant 15 : i32
            %swap3A_262 = arith.index_cast %swap3A_261 : i32 to index
            %swap3A_263 = arith.constant 16 : index
            %swap3A_264 = tpu.vector_load %arg13[%swap3A_262, %swap3A_263] {strides = array<i32>} : memref<64x32xf32, #tpu.memory_space<vmem>>, vector<16xf32>,
            tpu.vector_store %arg13[%swap3A_262, %swap3A_263], %gather3A_256 {strides = array<i32>} : memref<64x32xf32, #tpu.memory_space<vmem>>, vector<16xf32>,
            %dma_start3A = arith.constant 15 : i32
            %dma_start3A_265 = arith.constant 0 : i32
            %dma_start3A_266 = tpu.memref_slice %arg13[%dma_start3A, %dma_start3A_265] : memref<64x32xf32, #tpu.memory_space<vmem>> -> memref<1x32xf32, #tpu.memory_space<vmem>>
            %dma_start3A_267 = arith.constant 0 : i32
            %dma_start3A_268 = tpu.memref_slice %arg5[%add3A_251, %dma_start3A_267] : memref<16384x32xf32, #tpu.memory_space<hbm>> -> memref<1x32xf32, #tpu.memory_space<hbm>>
            %dma_start3A_269 = arith.constant 0 : i32
            %dma_start3A_270 = tpu.memref_slice %arg5[%add3A_251, %dma_start3A_269] : memref<16384x32xf32, #tpu.memory_space<hbm>> -> memref<1x32xf32, #tpu.memory_space<hbm>>
            %dma_start3A_271 = arith.constant 15 : i32
            %dma_start3A_272 = arith.constant 0 : i32
            %dma_start3A_273 = tpu.memref_slice %arg13[%dma_start3A_271, %dma_start3A_272] : memref<64x32xf32, #tpu.memory_space<vmem>> -> memref<1x32xf32, #tpu.memory_space<vmem>>
            tpu.enqueue_dma source(%dma_start3A_273 : memref<1x32xf32, #tpu.memory_space<vmem>>) target(%dma_start3A_270 : memref<1x32xf32, #tpu.memory_space<hbm>>) target_semaphore(%arg14 : memref<!tpu.dma_semaphore, #tpu.memory_space<semaphore_mem>>)
          } else {
          }
          %while3A_236 = arith.constant 0 : i32
          %while3A_237 = arith.constant 0 : i32
          %while3A_238 = arith.subi %squeeze3A_114, %while3A_237 : i32
          %while3A_239 = arith.addi %while3A_237, %while3A_238 : i32
          %while3A_240 = arith.constant 1 : i32
          %while3A_241 = arith.divsi %while3A_238, %while3A_240 : i32
          %while3A_242 = arith.muli %while3A_241, %while3A_240 : i32
          %while3A_243 = arith.addi %while3A_237, %while3A_242 : i32
          %while3A_244 = arith.constant 1 : i32
          scf.for %while3A_246 = %while3A_237 to %while3A_243 step %while3A_244  : i32 {
            %dma_wait3A = arith.constant 0 : i32
            %dma_wait3A_247 = arith.constant 0 : i32
            %dma_wait3A_248 = tpu.memref_slice %arg13[%dma_wait3A, %dma_wait3A_247] : memref<64x32xf32, #tpu.memory_space<vmem>> -> memref<1x32xf32, #tpu.memory_space<vmem>>
            %dma_wait3A_249 = arith.constant 0 : i32
            %dma_wait3A_250 = arith.constant 0 : i32
            %dma_wait3A_251 = tpu.memref_slice %arg5[%dma_wait3A_249, %dma_wait3A_250] : memref<16384x32xf32, #tpu.memory_space<hbm>> -> memref<1x32xf32, #tpu.memory_space<hbm>>
            %dma_wait3A_252 = arith.constant 0 : i32
            %dma_wait3A_253 = arith.constant 0 : i32
            %dma_wait3A_254 = tpu.memref_slice %arg5[%dma_wait3A_252, %dma_wait3A_253] : memref<16384x32xf32, #tpu.memory_space<hbm>> -> memref<1x32xf32, #tpu.memory_space<hbm>>
            %dma_wait3A_255 = arith.constant 0 : i32
            %dma_wait3A_256 = arith.constant 0 : i32
            %dma_wait3A_257 = tpu.memref_slice %arg13[%dma_wait3A_255, %dma_wait3A_256] : memref<64x32xf32, #tpu.memory_space<vmem>> -> memref<1x32xf32, #tpu.memory_space<vmem>>
            tpu.wait_dma2 semaphore(%arg14 : memref<!tpu.dma_semaphore, #tpu.memory_space<semaphore_mem>>) src(%dma_wait3A_257 : memref<1x32xf32, #tpu.memory_space<vmem>>) dst(%dma_wait3A_254 : memref<1x32xf32, #tpu.memory_space<hbm>>)
          }
          %while3A_245 = arith.constant 1 : i32
          scf.for %while3A_246 = %while3A_243 to %while3A_239 step %while3A_245  : i32 {
            %dma_wait3A = arith.constant 0 : i32
            %dma_wait3A_247 = arith.constant 0 : i32
            %dma_wait3A_248 = tpu.memref_slice %arg13[%dma_wait3A, %dma_wait3A_247] : memref<64x32xf32, #tpu.memory_space<vmem>> -> memref<1x32xf32, #tpu.memory_space<vmem>>
            %dma_wait3A_249 = arith.constant 0 : i32
            %dma_wait3A_250 = arith.constant 0 : i32
            %dma_wait3A_251 = tpu.memref_slice %arg5[%dma_wait3A_249, %dma_wait3A_250] : memref<16384x32xf32, #tpu.memory_space<hbm>> -> memref<1x32xf32, #tpu.memory_space<hbm>>
            %dma_wait3A_252 = arith.constant 0 : i32
            %dma_wait3A_253 = arith.constant 0 : i32
            %dma_wait3A_254 = tpu.memref_slice %arg5[%dma_wait3A_252, %dma_wait3A_253] : memref<16384x32xf32, #tpu.memory_space<hbm>> -> memref<1x32xf32, #tpu.memory_space<hbm>>
            %dma_wait3A_255 = arith.constant 0 : i32
            %dma_wait3A_256 = arith.constant 0 : i32
            %dma_wait3A_257 = tpu.memref_slice %arg13[%dma_wait3A_255, %dma_wait3A_256] : memref<64x32xf32, #tpu.memory_space<vmem>> -> memref<1x32xf32, #tpu.memory_space<vmem>>
            tpu.wait_dma2 semaphore(%arg14 : memref<!tpu.dma_semaphore, #tpu.memory_space<semaphore_mem>>) src(%dma_wait3A_257 : memref<1x32xf32, #tpu.memory_space<vmem>>) dst(%dma_wait3A_254 : memref<1x32xf32, #tpu.memory_space<hbm>>)
          }
        } else {
        }
      }
      %scan3A_104 = arith.constant 1024 : i32
    } else {
    }
    %add3A_75 = arith.constant 30 : i32
    %add3A_76 = vector.broadcast %add3A_75 : i32 to vector<16xi32>
    %add3A_77 = arith.addi %broadcast_in_dim3A_1, %add3A_76 : vector<16xi32>
    %gather3A_78 = tpu.vector_load_idx %arg11[%add3A_77] : memref<32xi32, #tpu.memory_space<vmem>>[vector<16xi32>], vector<16xi32>,
    %slice3A_79 = vector.extract_strided_slice %gather3A_78 {offsets = [0], sizes = [1], strides = [1]} : vector<16xi32> to vector<1xi32>
    %squeeze3A_80 = vector.extract %slice3A_79[0] : i32 from vector<1xi32>
    %add3A_81 = arith.constant 30 : i32
    %add3A_82 = vector.broadcast %add3A_81 : i32 to vector<16xi32>
    %add3A_83 = arith.addi %broadcast_in_dim3A_1, %add3A_82 : vector<16xi32>
    %gather3A_84 = tpu.vector_load_idx %arg12[%add3A_83] : memref<32xi32, #tpu.memory_space<vmem>>[vector<16xi32>], vector<16xi32>,
    %slice3A_85 = vector.extract_strided_slice %gather3A_84 {offsets = [0], sizes = [1], strides = [1]} : vector<16xi32> to vector<1xi32>
    %squeeze3A_86 = vector.extract %slice3A_85[0] : i32 from vector<1xi32>
    %eq3A_87 = arith.constant 0 : i32
    %eq3A_88 = arith.cmpi eq, %squeeze3A_86, %eq3A_87 : i32
    %jit3A = arith.constant 0 : i32
    %select_n3A = arith.select %eq3A_88, %squeeze3A_80, %jit3A : i32
    %while3A_89 = arith.constant 0 : i32
    %while3A_90 = arith.constant 0 : i32
    %while3A_91 = arith.subi %select_n3A, %while3A_90 : i32
    %while3A_92 = arith.addi %while3A_90, %while3A_91 : i32
    %while3A_93 = arith.constant 1 : i32
    %while3A_94 = arith.divsi %while3A_91, %while3A_93 : i32
    %while3A_95 = arith.muli %while3A_94, %while3A_93 : i32
    %while3A_96 = arith.addi %while3A_90, %while3A_95 : i32
    %while3A_97 = arith.constant 1 : i32
    scf.for %while3A_99 = %while3A_90 to %while3A_96 step %while3A_97  : i32 {
      %dma_wait3A = arith.constant 0 : i32
      %dma_wait3A_100 = arith.constant 0 : i32
      %dma_wait3A_101 = tpu.memref_slice %arg13[%dma_wait3A, %dma_wait3A_100] : memref<64x32xf32, #tpu.memory_space<vmem>> -> memref<1x32xf32, #tpu.memory_space<vmem>>
      %dma_wait3A_102 = arith.constant 0 : i32
      %dma_wait3A_103 = arith.constant 0 : i32
      %dma_wait3A_104 = tpu.memref_slice %arg5[%dma_wait3A_102, %dma_wait3A_103] : memref<16384x32xf32, #tpu.memory_space<hbm>> -> memref<1x32xf32, #tpu.memory_space<hbm>>
      %dma_wait3A_105 = arith.constant 0 : i32
      %dma_wait3A_106 = arith.constant 0 : i32
      %dma_wait3A_107 = tpu.memref_slice %arg5[%dma_wait3A_105, %dma_wait3A_106] : memref<16384x32xf32, #tpu.memory_space<hbm>> -> memref<1x32xf32, #tpu.memory_space<hbm>>
      %dma_wait3A_108 = arith.constant 0 : i32
      %dma_wait3A_109 = arith.constant 0 : i32
      %dma_wait3A_110 = tpu.memref_slice %arg13[%dma_wait3A_108, %dma_wait3A_109] : memref<64x32xf32, #tpu.memory_space<vmem>> -> memref<1x32xf32, #tpu.memory_space<vmem>>
      tpu.wait_dma2 semaphore(%arg14 : memref<!tpu.dma_semaphore, #tpu.memory_space<semaphore_mem>>) src(%dma_wait3A_110 : memref<1x32xf32, #tpu.memory_space<vmem>>) dst(%dma_wait3A_107 : memref<1x32xf32, #tpu.memory_space<hbm>>)
    }
    %while3A_98 = arith.constant 1 : i32
    scf.for %while3A_99 = %while3A_96 to %while3A_92 step %while3A_98  : i32 {
      %dma_wait3A = arith.constant 0 : i32
      %dma_wait3A_100 = arith.constant 0 : i32
      %dma_wait3A_101 = tpu.memref_slice %arg13[%dma_wait3A, %dma_wait3A_100] : memref<64x32xf32, #tpu.memory_space<vmem>> -> memref<1x32xf32, #tpu.memory_space<vmem>>
      %dma_wait3A_102 = arith.constant 0 : i32
      %dma_wait3A_103 = arith.constant 0 : i32
      %dma_wait3A_104 = tpu.memref_slice %arg5[%dma_wait3A_102, %dma_wait3A_103] : memref<16384x32xf32, #tpu.memory_space<hbm>> -> memref<1x32xf32, #tpu.memory_space<hbm>>
      %dma_wait3A_105 = arith.constant 0 : i32
      %dma_wait3A_106 = arith.constant 0 : i32
      %dma_wait3A_107 = tpu.memref_slice %arg5[%dma_wait3A_105, %dma_wait3A_106] : memref<16384x32xf32, #tpu.memory_space<hbm>> -> memref<1x32xf32, #tpu.memory_space<hbm>>
      %dma_wait3A_108 = arith.constant 0 : i32
      %dma_wait3A_109 = arith.constant 0 : i32
      %dma_wait3A_110 = tpu.memref_slice %arg13[%dma_wait3A_108, %dma_wait3A_109] : memref<64x32xf32, #tpu.memory_space<vmem>> -> memref<1x32xf32, #tpu.memory_space<vmem>>
      tpu.wait_dma2 semaphore(%arg14 : memref<!tpu.dma_semaphore, #tpu.memory_space<semaphore_mem>>) src(%dma_wait3A_110 : memref<1x32xf32, #tpu.memory_space<vmem>>) dst(%dma_wait3A_107 : memref<1x32xf32, #tpu.memory_space<hbm>>)
    }
    return
  }
}

</mosaic_0001>

<sc_bundles>
// kernel: kernel.3.cloned.1.call-start
scs
__scs_entry_jumppad:
0x0: {  	(pc) =	sbr.rel $0x88, $3  }
0x1: {  	(tag) =	ssettag $0x0;
	lr =	simm.s32 $0x1  }
0x2: {  	[smem:$0x3F9F] =	sst lr;
	_ =	strace $0xD0000000  }
0x3: {  	_ = 	snop  }
0x4: {  	_ = 	snop  }
0x5: {  	_ = 	snop  }
0x6: {  	_ = 	snop  }
0x7: {  	_ = 	snop  }
__scs_overlays_trampoline_lowered:
0x8: {  	[smem:$0x3FAE] =	sst s0  }
0x9: {  	[smem:$0x3FAF] =	sst s1  }
0xa: {  	[smem:$0x3FB0] =	sst s2  }
0xb: {  	[smem:$0x3FB1] =	sst s3  }
0xc: {  	[smem:$0x3FB2] =	sst s4  }
0xd: {  	[smem:$0x3FB3] =	sst s5  }
0xe: {  	[smem:$0x3FB4] =	sst s6  }
0xf: {  	[smem:$0x3FB5] =	sst s7  }
0x10: {  	[smem:$0x3FB6] =	sst s8  }
0x11: {  	[smem:$0x3FB7] =	sst s9;
	s0 =	simm.s32 @!p0 $0x0  }
0x12: {  	s1 =	sld [smem:$0x3F9D];
	s0 =	simm.s32 @p0 $0x1  }
0x13: {  	[smem:$0x3FB8] =	sst s0;
	s0 =	simm.s32 @!p1 $0x0  }
0x14: {  	s2 =	sld [smem:$0x3F9C];
	s0 =	simm.s32 @p1 $0x1  }
0x15: {  	[smem:$0x3FB9] =	sst s0;
	s0 =	simm.s32 @!p2 $0x0  }
0x16: {  	s3 =	sld [smem:$0x3FDB];
	s0 =	simm.s32 @p2 $0x1  }
0x17: {  	s4 =	simm.s32 $0x1BF5;
	[smem:$0x3FBB] =	sst s0  }
0x18: {  	s0 =	sld [smem:$0x3F9E];
	_ =	swait.ge [sflag:s4], $0x0  }
0x19: {  	s7 =	sld [smem:$0x3F9F]  }
0x1a: {  	s8 =	sadd.s32 $0xFFFFE003, lr  }
0x1b: {  	s9 =	sadd.s32 $0xFFFFFEF7, lr;
	s5 =	simm.s32 $0xFFFFFFFF;
	p2 =	slt.u32 s8, $0xFFFFF086  }
0x1c: {  	p1 =	slt.u32 s9, $0xF7A;
	s5 =	simm.s32 @!p2 $0x0  }
0x1d: {  	s5 =	simm.s32 @p1 $0x1;
	p0 =	seq.s32 s7, s2  }
0x1e: {  	s7 =	smul.u32 @!p0 $0xF7A, s2;
	p2 =	seq.s32 @!p0 s5, $0x0  }
0x1f: {  	s9 =	smul.u32 $0xF7A, s1;
	s8 =	simm.s32 @!p0 $0x1BF5;
	p2 =	por !p2, p0  }
0x20: {  	[sflag:s8] =	ssyncset.s32 @!p0 $0xFFFFF086;
	s6 =	sadd.s32 @!p0 s3, s7;
	s7 =	simm.s32 @!p0 $0x108  }
0x21: {  	s3 =	sadd.s32 s3, s9;
	s6 =	sadd.s32 @!p0 $0x88, s6;
	s7 =	simm.s32 @p2 $0x1082  }
0x22: {  	[simem:s7], [sflag:s8] =	dma.local @!p0 [hbm:s6], $0xF7A  }
0x23: {  	s9 =	sor.u32 $0xD0000000, s2;
	s6 =	simm.s32 $0x108;
	_ =	swait.ge @!p0 [sflag:s8], $0x0  }
0x24: {  	s3 =	sadd.s32 $0x88, s3;
	s6 =	simm.s32 @!p1 $0x1082;
	[sflag:s4] =	ssyncset.s32 $0xFFFFF086  }
0x25: {  	[simem:s6], [sflag:s4] =	dma.local [hbm:s3], $0xF7A  }
0x26: {  	[smem:$0x3F9F] =	sst s1;
	(tag) =	ssettag s2;
	_ =	strace s9  }
0x27: {  	s1 =	sld [smem:$0x3FAF]  }
0x28: {  	s2 =	sld [smem:$0x3FB0]  }
0x29: {  	s4 =	sld [smem:$0x3FB2]  }
0x2a: {  	p0 =	seq.s32 s5, $0x0;
	s5 =	sld [smem:$0x3FB3]  }
0x2b: {  	s6 =	sld [smem:$0x3FB4]  }
0x2c: {  	s7 =	sld [smem:$0x3FB5]  }
0x2d: {  	s3 =	simm.s32 $0x108;
	s8 =	sld [smem:$0x3FB6]  }
0x2e: {  	s3 =	simm.s32 @!p0 $0x1082;
	s9 =	sld [smem:$0x3FB7]  }
0x2f: {  	lr =	sadd.s32 s0, s3;
	s0 =	sld [smem:$0x3FAE]  }
0x30: {  	s3 =	sld [smem:$0x3FB1]  }
0x31: {  	[smem:$0x3FBA] =	sst s10  }
0x32: {  	s10 =	sld [smem:$0x3FB8];
	_ =	sdelay $0x3  }
0x33: {  	p0 =	seq.s32 s10, $0x1;
	s10 =	sld [smem:$0x3FBA];
	_ =	sdelay $0x3  }
0x34: {  	[smem:$0x3FBA] =	sst s10  }
0x35: {  	s10 =	sld [smem:$0x3FB9];
	_ =	sdelay $0x3  }
0x36: {  	p1 =	seq.s32 s10, $0x1;
	s10 =	sld [smem:$0x3FBA];
	_ =	sdelay $0x3  }
0x37: {  	[smem:$0x3FBA] =	sst s10  }
0x38: {  	s10 =	sld [smem:$0x3FBB]  }
0x39: {  	_ = 	snop;
	(pc) =	sbr.ind lr, $3  }
0x3a: {  	_ = 	snop  }
0x3b: {  	_ = 	snop  }
0x3c: {  	p2 =	seq.s32 s10, $0x1;
	s10 =	sld [smem:$0x3FBA]  }
0x3d: {  	_ =	shalt  }
0x3e: {  	_ =	shalt  }
0x3f: {  	_ =	shalt  }
0x40: {  	_ =	shalt  }
0x41: {  	_ =	shalt  }
0x42: {  	_ =	shalt  }
0x43: {  	_ =	shalt  }
0x44: {  	_ =	shalt  }
0x45: {  	_ =	shalt  }
0x46: {  	_ =	shalt  }
0x47: {  	_ =	shalt  }
0x48: {  	_ =	shalt  }
0x49: {  	_ =	shalt  }
0x4a: {  	_ =	shalt  }
0x4b: {  	_ =	shalt  }
0x4c: {  	_ =	shalt  }
0x4d: {  	_ =	shalt  }
0x4e: {  	_ =	shalt  }
0x4f: {  	_ =	shalt  }
0x50: {  	_ =	shalt  }
0x51: {  	_ =	shalt  }
0x52: {  	_ =	shalt  }
0x53: {  	_ =	shalt  }
0x54: {  	_ =	shalt  }
0x55: {  	_ =	shalt  }
0x56: {  	_ =	shalt  }
0x57: {  	_ =	shalt  }
0x58: {  	_ =	shalt  }
0x59: {  	_ =	shalt  }
0x5a: {  	_ =	shalt  }
0x5b: {  	_ =	shalt  }
0x5c: {  	_ =	shalt  }
0x5d: {  	_ =	shalt  }
0x5e: {  	_ =	shalt  }
0x5f: {  	_ =	shalt  }
0x60: {  	_ =	shalt  }
0x61: {  	_ =	shalt  }
0x62: {  	_ =	shalt  }
0x63: {  	_ =	shalt  }
0x64: {  	_ =	shalt  }
0x65: {  	_ =	shalt  }
0x66: {  	_ =	shalt  }
0x67: {  	_ =	shalt  }
0x68: {  	_ =	shalt  }
0x69: {  	_ =	shalt  }
0x6a: {  	_ =	shalt  }
0x6b: {  	_ =	shalt  }
0x6c: {  	_ =	shalt  }
0x6d: {  	_ =	shalt  }
0x6e: {  	_ =	shalt  }
0x6f: {  	_ =	shalt  }
0x70: {  	_ =	shalt  }
0x71: {  	_ =	shalt  }
0x72: {  	_ =	shalt  }
0x73: {  	_ =	shalt  }
0x74: {  	_ =	shalt  }
0x75: {  	_ =	shalt  }
0x76: {  	_ =	shalt  }
0x77: {  	_ =	shalt  }
0x78: {  	_ =	shalt  }
0x79: {  	_ =	shalt  }
0x7a: {  	_ =	shalt  }
0x7b: {  	_ =	shalt  }
0x7c: {  	_ =	shalt  }
0x7d: {  	_ =	shalt  }
0x7e: {  	_ =	shalt  }
0x7f: {  	_ =	shalt  }
0x80: {  	_ =	shalt  }
0x81: {  	_ =	shalt  }
0x82: {  	_ =	shalt  }
0x83: {  	_ =	shalt  }
0x84: {  	_ =	shalt  }
0x85: {  	_ =	shalt  }
0x86: {  	_ =	shalt  }
0x87: {  	_ =	shalt  }
.Lfunc_end0:
.L_simem_size_0:
called_computation_lowered:
.L_overlay_start_0:
0x88: {  	s2 =	sld [smem:$0x3FD9]  }
0x89: {  	s3 =	sld [smem:$0x3FFE];
	_ =	sdelay $0x1  }
0x8a: {  	s1 =	srdreg.scid  }
0x8b: {  	s0 =	sand.u32 $0x1, s1  }
0x8c: {  	s17 =	sshll.u32 s0, $0xA;
	s2 =	sadd.s32 s3, s2  }
0x8d: {  	s2 =	sadd.s32 s2, s17  }
0x8e: {  	[smem:$0x3FC6] =	sst s2  }
0x8f: {  	_ = 	snop  }
0x90: {  	s2 =	sld [smem:$0x3FC8]  }
0x91: {  	s18 =	sld [smem:$0x3FD0];
	(tm) =	ssettm $0x1  }
0x92: {  	s4 =	sld [smem:$0x3FFB];
	_ =	sdelay $0x3  }
0x93: {  	_ =	strace s4  }
0x94: {  	s4 =	sld [smem:$0x3FFC];
	_ =	sdelay $0x3  }
0x95: {  	_ =	strace s4  }
0x96: {  	s4 =	sld [smem:$0x3FFD];
	_ =	sdelay $0x3  }
0x97: {  	_ =	strace s4  }
0x98: {  	_ =	strace $0x8FFFFFFF  }
0x99: {  	s19 =	sld [smem:$0x3FDB];
	_ =	sdelay $0x1  }
0x9a: {  	s5 =	simm.s32 $_scs_section_size  }
0x9b: {  	s6 =	simm.s32 $_size__tile_overlayer_lowered;
	s7 =	simm.s32 $_tile_overlayer_lowered  }
0x9c: {  	s22 =	simm.s32 $0x1BFF;
	s21 =	sshll.u32 s7, $0x1;
	s4 =	sadd.s32 s5, s19  }
0x9d: {  	s8 =	simm.s32 $0x0;
	s20 =	sshll.u32 s6, $0x1;
	s6 =	sadd.s32 s21, s4  }
0x9e: {  	[timem:s8], [sflag:s22] =	dma.local [hbm:s6], s20  }
0x9f: {  	_ =	swait.ge [sflag:s22], s20  }
0xa0: {  	s5 =	ssub.s32 $0x0, s20;
	[sflag:s22] =	ssyncset.done $0x0  }
0xa1: {  	[sflag:s22] =	ssyncadd.s32 s5;
	_ =	sdelay $0x1  }
0xa2: {  	s23 =	simm.s32 $0x1B8B  }
0xa3: {  	_ =	swait.ge [sflag:s23], $0x1  }
0xa4: {  	[sflag:s23] =	ssyncset.done $0x0  }
0xa5: {  	s25 =	simm.s32 $0x1B8E;
	s24 =	sld [smem:$0x3FFE];
	[sflag:s23] =	ssyncadd.s32 $0xFFFFFFFF  }
0xa6: {  	s26 =	simm.s32 $execute0_lowered;
	[smem:$0x3FD2] =	sst s25  }
0xa7: {  	s6 =	sshll.u32 s26, $0x1;
	_ =	strace $0x80000046;
	[dreg:$0x1] =	wrdreg $0xFFFFFFFF  }
0xa8: {  	s28 =	simm.s32 $_size_execute0_lowered;
	s4 =	sadd.s32 s4, s6;
	[dreg:$0x0] =	wrdreg $0x0  }
0xa9: {  	s6 =	sshll.u32 s28, $0x1;
	[dreg:$0x2] =	wrdreg s4  }
0xaa: {  	[dreg:$0x3] =	wrdreg s6  }
0xab: {  	[dreg:$0x4] =	wrdreg $0xC0  }
0xac: {  	_ =	task [dreg:s8], $0x5FFFF  }
0xad: {  	[dreg:$0x1] =	wrdreg $0xFFFFFFFF  }
0xae: {  	[dreg:$0x0] =	wrdreg $0x60  }
0xaf: {  	[dreg:$0x2] =	wrdreg s2  }
0xb0: {  	[dreg:$0x3] =	wrdreg s24  }
0xb1: {  	[dreg:$0x4] =	wrdreg s18  }
0xb2: {  	[dreg:$0x5] =	wrdreg $0x9  }
0xb3: {  	_ =	task.clear_ibuf [dreg:s8], $0x6FFFF;
	_ =	strace $0x90000046  }
0xb4: {  	s29 =	simm.s32 $0x9;
	_ =	strace $0x80000048  }
0xb5: {  	_ =	swait.ge [sflag:s29], $0x1  }
0xb6: {  	[sflag:s29] =	ssyncadd.s32 $0xFFFFFFFF  }
0xb7: {  	_ =	strace $0x90000048  }
0xb8: {  	_ =	sfence  }
0xb9: {  	s30 =	sld [smem:$0x0];
	_ =	sdelay $0x2  }
0xba: {  	s31 =	sshll.u32 s1, $0xD;
	s1 =	sshrl.u32 s1, $0x2  }
0xbb: {  	s3 =	sand.u32 $0x4000, s31;
	s1 =	sadd.s32 s1, s30  }
0xbc: {  	s0 =	sor.u32 s3, s0;
	s1 =	sshll.u32 s1, $0x11  }
0xbd: {  	s0 =	sor.u32 s1, s0  }
0xbe: {  	s0 =	sadd.s32 $0x8F2B, s0  }
0xbf: {  	[sflag:s0] =	ssyncadd.remote.s32 $0x1  }
0xc0: {  	_ =	sfence.sel $0xFFFF  }
0xc1: {  	[dreg:$0x0] =	wrdreg $0xFFFFFFFF;
	(pc) =	sbr.abs _section_cstart, $3  }
0xc2: {  	[dreg:$0x1] =	wrdreg $0xFFFFFFFF  }
0xc3: {  	_ =	task.clear_ibuf [dreg:s8], $0x2FFFF;
	_ =	strace $0x9FFFFFFF  }
0xc4: {  	(tm) =	ssettm $0x7FFFFFFF  }
0xc5: {  	_ =	shalt  }
tec
execute0_lowered:
.L_overlay_start_1:
0x0: {  	(tag) =	ssettag $0x1  }
0x1: {  	s8 =	rddreg [dreg:$0x0]  }
0x2: {  	s0 =	rddreg [dreg:$0x1];
	s4 =	simm.s32 $0x0;
	s1 =	srdreg.scid  }
0x3: {  	s6 =	stileid.u32;
	s31 =	simm.s32 $0x1;
	s29 =	simm.s32 $0x15000  }
0x4: {  	v0 =	vimm.s32 $0x2380;
	vm0 =	vcmask $0x300;
	[smem:$0x7FF] =	sst s4;
	s1 =	sand.u32 $0x1, s1;
	s3 =	sshll.u32 s6, $0x1  }
0x5: {  	vm1 =	vcmask $0x704;
	v1 =	vimm.s32 $0x6380;
	vm2 =	vcmask $0xB08;
	s5 =	sadd.s32 $0x400, s0;
	s7 =	sadd.s32 $0x600, s0;
	s9 =	sadd.s32 $0x610, s0  }
0x6: {  	vm4 =	vcmask $0xF0C;
	s10 =	sadd.s32 $0x620, s0;
	s11 =	sadd.s32 $0x630, s0;
	s12 =	sadd.s32 $0x640, s0;
	v0 =	vsel vm0, $0x0, v0;
	v1 =	vsel vm0, $0x4000, v1  }
0x7: {  	vm5 =	vcmask $0x1310;
	s13 =	sadd.s32 $0x650, s0;
	s14 =	sadd.s32 $0x660, s0;
	s15 =	sadd.s32 $0x670, s0;
	v0 =	vsel vm1, $0x80, v0;
	v1 =	vsel vm1, $0x4080, v1  }
0x8: {  	vm6 =	vcmask $0x1714;
	s16 =	sadd.s32 $0x680, s0;
	s17 =	sadd.s32 $0x690, s0;
	s18 =	sadd.s32 $0x6A0, s0;
	v0 =	vsel vm2, $0x100, v0;
	v1 =	vsel vm2, $0x4100, v1  }
0x9: {  	vm7 =	vcmask $0x1B18;
	s19 =	sadd.s32 $0x6B0, s0;
	s20 =	sadd.s32 $0x6C0, s0;
	s21 =	sadd.s32 $0x6D0, s0;
	v0 =	vsel vm4, $0x180, v0;
	v1 =	vsel vm4, $0x4180, v1  }
0xa: {  	vm8 =	vcmask $0x1F1C;
	s22 =	sadd.s32 $0x6E0, s0;
	s24 =	sadd.s32 $0x480, s0;
	s25 =	sadd.s32 $0x500, s0;
	v0 =	vsel vm5, $0x200, v0;
	v1 =	vsel vm5, $0x4200, v1  }
0xb: {  	vm9 =	vcmask $0x2320;
	p0 =	sgt.u32 s6, $0x7;
	_ =	strace $0x80000047;
	[dreg:$0x4] =	wrdreg s5;
	v2 =	vsel vm6, $0x280, v0;
	v3 =	vsel vm6, $0x4280, v1  }
0xc: {  	vm10 =	vcmask $0x2724;
	s6 =	simm.s32 $0x0;
	s2 =	ssub.s32 $0x2, s1;
	[dreg:$0x8] =	wrdreg s24;
	v2 =	vsel vm7, $0x300, v2;
	v3 =	vsel vm7, $0x4300, v3  }
0xd: {  	vm11 =	vcmask $0x2B28;
	s3 =	sor.u32 s1, s3;
	[dreg:$0x9] =	wrdreg s25;
	s30 =	sshrl.u32 s2, $0x1;
	v2 =	vsel vm8, $0x380, v2;
	v3 =	vsel vm8, $0x4380, v3  }
0xe: {  	vm12 =	vcmask $0x2F2C;
	s23 =	sshll.u32 s3, $0xA;
	p1 =	sne.s32 s3, $0x10;
	s26 =	sor.u32 $0x40, s3;
	v2 =	vsel vm9, $0x2000, v2;
	v3 =	vsel vm9, $0x6000, v3  }
0xf: {  	vm13 =	vcmask $0x3330;
	[dreg:$0x5] =	wrdreg s3;
	s28 =	sor.u32 $0x3C0, s3;
	s5 =	ssub.s32 s2, s30;
	v2 =	vsel vm10, $0x2080, v2;
	v3 =	vsel vm10, $0x6080, v3  }
.Ltmp0:
0x10: {  	vm14 =	vcmask $0x3734;
	s2 =	sadd.s32 s8, s23;
	[dreg:$0xb] =	wrdreg s26;
	v2 =	vsel vm11, $0x2100, v2;
	v3 =	vsel vm11, $0x6100, v3;
	(pc) =	sbr.rel .LBB2_1-.Ltmp0, $4  }
0x11: {  	vm15 =	vcmask $0x3B38;
	s23 =	sadd.s32 $0x6F0, s0;
	s0 =	sadd.s32 $0x580, s0;
	[dreg:$0x6] =	wrdreg s2;
	v2 =	vsel vm12, $0x2180, v2;
	v3 =	vsel vm12, $0x6180, v3  }
0x12: {  	v4 =	vimm.s32 $0x1E;
	s30 =	sadd.s32 $0xF4000, s8;
	s8 =	simm.s32 $0xC000;
	[dreg:$0xa] =	wrdreg s0;
	v2 =	vsel vm13, $0x2200, v2;
	v3 =	vsel vm13, $0x6200, v3  }
0x13: {  	s1 =	smax.u32 s5, $0x1;
	[dreg:$0xc] =	wrdreg s30;
	s2 =	simm.s32 $0x4000;
	v0 =	vmov s28;
	v2 =	vsel vm14, $0x2280, v2;
	v3 =	vsel vm14, $0x6280, v3  }
0x14: {  	s5 =	simm.s32 $0x14800;
	[dreg:$0x7] =	wrdreg s1;
	v1 =	vimm.s32 $0x0;
	s1 =	simm.s32 $0x14000;
	v2 =	vsel vm15, $0x2300, v2;
	v3 =	vsel vm15, $0x6300, v3  }
.LBB2_63:
0x15: {  	[sflag:s31] =	ssyncadd.s32 $0xFFFFFF80;
	s6 =	rddreg [dreg:$0xd]  }
.LBB2_64:
0x16: {  	s6 =	sadd.s32 $0x1, s6;
	s0 =	rddreg [dreg:$0x7]  }
0x17: {  	p2 =	sne.s32 s6, s0  }
.Ltmp1:
0x18: {  	_ = 	snop;
	(pc) =	sbr.rel @!p2 .LBB2_65-.Ltmp1, $1  }
0x19: {  	_ =	sdelay $0x3  }
.LBB2_1:
0x1a: {  	[dreg:$0xd] =	wrdreg s6  }
0x1b: {  	s0 =	rddreg [dreg:$0x2];
	s25 =	simm.s32 $0x4  }
0x1c: {  	[tilespmem:s4], [sflag:$0x4] =	stream.linear.gather [hbm4b:s0+s4], $0x4000, $0x38;
	[tilespmem:$0x17100] =	vst v63  }
0x1d: {  	_ =	swait.ge [sflag:s25], $0x4000  }
0x1e: {  	[sflag:s25] =	ssyncset.done $0x0  }
0x1f: {  	[sflag:s25] =	ssyncadd.s32 $0xFFFFC000  }
0x20: {  	[tilespmem:$0x15000] =	vst v1  }
.Ltmp2:
0x21: {  	[tilespmem:$0x15010] =	vst v1;
	(pc) =	sbr.rel .LBB2_2-.Ltmp2, $4  }
0x22: {  	s3 =	simm.s32 $0x2000;
	[tilespmem:$0x15080] =	vst v1  }
0x23: {  	s28 =	simm.s32 $0x7A1400;
	s30 =	simm.s32 $0x0;
	s26 =	rddreg [dreg:$0x6];
	[tilespmem:$0x15090] =	vst v1  }
0x24: {  	[tilespmem:s2], [sflag:$0x2] =	stream.strided.gather [hbm4b:s26+s3], $0x8000, s28, s3, $0x38;
	[tilespmem:$0x17100] =	vst v63  }
0x25: {  	s0 =	simm.s32 $0x0;
	s3 =	simm.s32 $0x40;
	s26 =	simm.s32 $0x0  }
.LBB2_35:
0x26: {  	s25 =	simm.s32 $0x15100  }
.LBB2_41:
0x27: {  	s0 =	sadd.s32 @p3 $0x80, s25;
	s6 =	simm.s32 $0x15100  }
0x28: {  	s6 =	smov.u32 @p3 s0  }
0x29: {  	s0 =	sand.u32 @p2 $0x1FFFFFF0, s28;
	[tilespmem:s6+$0x0] =	vst @p2 v7  }
0x2a: {  	s0 =	sadd.s32 @p2 s7, s0;
	[tilespmem:s6+$0x10] =	vst @p2 v8  }
0x2b: {  	[hbm4b:s0+s4] =	stream.linear.scatter @p2 [tilespmem:s6], [sflag:$0x1], $0x80, $0x38;
	[tilespmem:$0x17100] =	vst v63  }
0x2c: {  	v7 =	vld.idx.msk [tilespmem:v6+s1+$0x0], $0xffff;
	_ =	sdelay $0x4  }
0x2d: {  	(v2sf) =	vpush v7, $0x0;
	_ =	sdelay $0x8  }
0x2e: {  	v6 =	vld.idx.msk [tilespmem:v6+s5+$0x0], $0xffff;
	_ =	sdelay $0x4  }
0x2f: {  	(v2sf) =	vpush v6, $0x0  }
0x30: {  	s25 =	spop (v2sf)  }
0x31: {  	s0 =	sand.u32 $0x3FF, s25  }
0x32: {  	v6 =	vmov s0  }
0x33: {  	v7 =	vshll.u32 v6, $0x3  }
0x34: {  	v6 =	vand.u32 $0x7F, v6;
	v7 =	vand.u32 $0x1C00, v7  }
0x35: {  	v6 =	vor.u32 v6, v7  }
0x36: {  	v7 =	vor.u32 v2, v6  }
0x37: {  	v6 =	vor.u32 v3, v6;
	_ =	sdelay $0x3  }
0x38: {  	v7 =	vld.idx.msk [tilespmem:v7+s8+$0x0], $0xffff  }
0x39: {  	v6 =	vld.idx.msk [tilespmem:v6+s8+$0x0], $0xffff;
	_ =	sdelay $0x1  }
0x3a: {  	s6 =	sadd.s32 @p2 $0x80, s6;
	s28 =	spop (v2sf)  }
0x3b: {  	s24 =	smov.u32 @p2 s6;
	s0 =	sshll.u32 s28, $0x4  }
0x3c: {  	s0 =	sand.u32 $0x1FFFFFF0, s0;
	[tilespmem:s24+$0x0] =	vst v7  }
0x3d: {  	s0 =	sadd.s32 s7, s0;
	[tilespmem:s24+$0x10] =	vst v6  }
0x3e: {  	[hbm4b:s0+s4] =	stream.linear.scatter [tilespmem:s24], [sflag:$0x1], $0x80, $0x38;
	[tilespmem:$0x17100] =	vst v63  }
.LBB2_42:
0x3f: {  	_ =	sdelay $0x3  }
0x40: {  	v6 =	vld.idx.msk [tilespmem:v5+s29+$0x0], $0xffff;
	s0 =	simm.s32 $0x15080  }
0x41: {  	v5 =	vld.idx.msk [tilespmem:v5+s0+$0x0], $0xffff;
	_ =	sdelay $0x3  }
0x42: {  	(v2sf) =	vpush v6, $0x0  }
0x43: {  	(v2sf) =	vpush v5, $0x0;
	_ =	sdelay $0xa  }
0x44: {  	s26 =	sadd.s32 $0x1, s26  }
0x45: {  	p3 =	sne.s32 s26, $0xF  }
.Ltmp3:
0x46: {  	_ = 	snop;
	(pc) =	sbr.rel @!p3 .LBB2_43-.Ltmp3, $4  }
0x47: {  	s0 =	spop (v2sf)  }
0x48: {  	s6 =	spop (v2sf)  }
0x49: {  	p2 =	seq.s32 s6, $0x0  }
0x4a: {  	s30 =	sadd.s32 $0x80, s30;
	s3 =	sadd.s32 $0x80, s3;
	s0 =	simm.s32 @!p2 $0x0  }
.LBB2_2:
0x4b: {  	s6 =	sshllo.u32 s26, $0x1;
	s24 =	rddreg [dreg:$0x5]  }
0x4c: {  	[dreg:$0xf] =	wrdreg s6;
	s6 =	sshll.u32 s6, $0x5  }
0x4d: {  	s25 =	rddreg [dreg:$0x0];
	s6 =	sor.u32 s24, s6  }
0x4e: {  	s28 =	simm.s32 $0x2000;
	[dreg:$0xe] =	wrdreg s6;
	s6 =	sshll.u32 s6, $0xA  }
0x4f: {  	p2 =	slt.s32 s0, $0x1;
	s6 =	sadd.s32 s25, s6;
	s25 =	simm.s32 $0x7A1400  }
0x50: {  	[tilespmem:s8], [sflag:$0x3] =	stream.strided.gather [hbm4b:s6+s28], $0x8000, s25, s28, $0x38;
	[tilespmem:$0x17100] =	vst v63  }
.Ltmp4:
0x51: {  	_ = 	snop;
	(pc) =	sbr.rel @p2 .LBB2_6-.Ltmp4, $4  }
0x52: {  	s28 =	simm.s32 $0x2  }
0x53: {  	_ =	swait.ge [sflag:s28], $0x8000  }
0x54: {  	[sflag:s28] =	ssyncset.done $0x0  }
0x55: {  	[sflag:s28] =	ssyncadd.s32 $0xFFFF8000  }
0x56: {  	p2 =	sne.s32 s0, $0x1  }
.Ltmp5:
0x57: {  	_ = 	snop;
	(pc) =	sbr.rel @!p2 .LBB2_5-.Ltmp5, $3  }
0x58: {  	_ =	sdelay $0x1  }
0x59: {  	_ =	swait.ge [sflag:s31], $0x80  }
0x5a: {  	s0 =	sadd.s32 $0xFFFFFFFF, s0;
	[sflag:s31] =	ssyncset.done $0x0  }
.LBB2_4:
0x5b: {  	p2 =	sne.s32 s0, $0x1;
	s0 =	sadd.s32 $0xFFFFFFFF, s0;
	[sflag:s31] =	ssyncadd.s32 $0xFFFFFF80  }
.Ltmp6:
0x5c: {  	(pc) =	sbr.rel @p2 .LBB2_4-.Ltmp6, $3  }
0x5d: {  	_ =	sdelay $0x1  }
0x5e: {  	_ =	swait.ge [sflag:s31], $0x80  }
0x5f: {  	[sflag:s31] =	ssyncset.done $0x0  }
.LBB2_5:
0x60: {  	[sflag:s31] =	ssyncadd.s32 $0xFFFFFF80  }
.LBB2_6:
0x61: {  	s0 =	sshll.u32 s26, $0x1  }
0x62: {  	v5 =	vmov s0  }
0x63: {  	v5 =	vand.u32 $0xFFFFFFFE, v5  }
0x64: {  	v5 =	vbroadcast v5, $0x0;
	_ =	sdelay $0x5  }
0x65: {  	s28 =	simm.s32 $0x15080;
	v6 =	vld.idx.msk [tilespmem:v5+s29+$0x0], $0xffff  }
0x66: {  	v7 =	vld.idx.msk [tilespmem:v5+s28+$0x0], $0xffff;
	_ =	sdelay $0x3  }
0x67: {  	(v2sf) =	vpush v6, $0x0  }
0x68: {  	(v2sf) =	vpush v7, $0x0;
	_ =	sdelay $0xd  }
0x69: {  	s0 =	spop (v2sf)  }
0x6a: {  	s6 =	spop (v2sf)  }
0x6b: {  	p2 =	seq.s32 s6, $0x0  }
.Ltmp7:
0x6c: {  	_ = 	snop;
	(pc) =	sbr.rel @p2 .LBB2_13-.Ltmp7, $2  }
0x6d: {  	_ =	sdelay $0x2  }
0x6e: {  	s29 =	sshll.u32 s26, $0x6  }
.Ltmp8:
0x6f: {  	(pc) =	sbr.rel .LBB2_8-.Ltmp8, $4  }
0x70: {  	_ = 	snop  }
0x71: {  	s0 =	rddreg [dreg:$0x5]  }
0x72: {  	s0 =	sor.u32 s0, s29  }
0x73: {  	s24 =	simm.s32 $0x0;
	s6 =	simm.s32 $0x15880;
	v6 =	vmov s0  }
.LBB2_11:
0x74: {  	[sflag:s31] =	ssyncadd.s32 $0xFFFFFF80  }
.LBB2_12:
0x75: {  	s24 =	sadd.s32 $0x1, s24  }
0x76: {  	p2 =	sne.s32 s24, $0x400  }
.Ltmp9:
0x77: {  	_ = 	snop;
	(pc) =	sbr.rel @!p2 .LBB2_22-.Ltmp9, $1  }
0x78: {  	_ =	sdelay $0x3  }
.LBB2_8:
0x79: {  	s0 =	sshll.u32 s24, $0x4  }
0x7a: {  	s0 =	sand.u32 $0x3FFFFFF0, s0  }
0x7b: {  	v7 =	vld [tilespmem:s0+$0x0];
	_ =	sdelay $0x4  }
0x7c: {  	v8 =	vshrl.u32 v7, $0xA  }
0x7d: {  	vm0 =	veq.s32 v8, v6  }
0x7e: {  	v8 =	vmpcnt.ones.xlane vm0;
	_ =	sdelay $0x1  }
0x7f: {  	(v2sf) =	vpush v8, $0x0;
	_ =	sdelay $0xe  }
0x80: {  	s25 =	spop (v2sf)  }
0x81: {  	p2 =	slt.s32 s25, $0x1  }
.Ltmp10:
0x82: {  	_ = 	snop;
	(pc) =	sbr.rel @p2 .LBB2_12-.Ltmp10, $1  }
0x83: {  	_ =	sdelay $0x3  }
0x84: {  	v8 =	vsel vm0, $0x1, v1  }
0x85: {  	(v2sf) =	vpush v8, $0x0;
	_ =	sdelay $0xe  }
0x86: {  	s0 =	spop (v2sf)  }
0x87: {  	p2 =	seq.s32 s0, $0x0  }
0x88: {  	(v2sf) =	vpush @!p2 v7, $0x0;
	_ =	sdelay $0xe  }
0x89: {  	s0 =	spop @!p2 (v2sf)  }
0x8a: {  	s0 =	sand.u32 @!p2 $0x3FF, s0  }
0x8b: {  	v9 =	vmov @!p2 s0  }
0x8c: {  	v10 =	vshll.u32 @!p2 v9, $0x3  }
0x8d: {  	(v2sf) =	vpush v8, $0x1;
	v9 =	vand.u32 @!p2 $0x7F, v9;
	v10 =	vand.u32 @!p2 $0x1C00, v10  }
0x8e: {  	v9 =	vor.u32 @!p2 v9, v10  }
0x8f: {  	v10 =	vor.u32 @!p2 v2, v9  }
0x90: {  	v9 =	vor.u32 @!p2 v3, v9;
	_ =	sdelay $0x3  }
0x91: {  	v10 =	vld.idx.msk @!p2 [tilespmem:v10+s2+$0x0], $0xffff  }
0x92: {  	v9 =	vld.idx.msk @!p2 [tilespmem:v9+s2+$0x0], $0xffff;
	_ =	sdelay $0x3  }
0x93: {  	s0 =	sshll.u32 @!p2 s24, $0x8;
	[tilespmem:$0x15100] =	vst @!p2 v10  }
0x94: {  	s28 =	simm.s32 @!p2 $0x15100;
	s0 =	sadd.s32 @!p2 s7, s0;
	[tilespmem:$0x15110] =	vst @!p2 v9  }
0x95: {  	[hbm4b:s0+s4] =	stream.linear.scatter @!p2 [tilespmem:s28], [sflag:$0x1], $0x80, $0x38;
	[tilespmem:$0x17100] =	vst v63  }
0x96: {  	s28 =	spop (v2sf)  }
0x97: {  	p2 =	seq.s32 s28, $0x0  }
0x98: {  	(v2sf) =	vpush @!p2 v7, $0x1;
	_ =	sdelay $0xe  }
0x99: {  	s0 =	spop @!p2 (v2sf)  }
0x9a: {  	s0 =	sand.u32 @!p2 $0x3FF, s0  }
0x9b: {  	v9 =	vmov @!p2 s0  }
0x9c: {  	v10 =	vshll.u32 @!p2 v9, $0x3  }
0x9d: {  	(v2sf) =	vpush v8, $0x2;
	v9 =	vand.u32 @!p2 $0x7F, v9;
	v10 =	vand.u32 @!p2 $0x1C00, v10  }
0x9e: {  	v9 =	vor.u32 @!p2 v9, v10  }
0x9f: {  	v10 =	vor.u32 @!p2 v2, v9  }
0xa0: {  	v9 =	vor.u32 @!p2 v3, v9;
	_ =	sdelay $0x3  }
0xa1: {  	v10 =	vld.idx.msk @!p2 [tilespmem:v10+s2+$0x0], $0xffff  }
0xa2: {  	v9 =	vld.idx.msk @!p2 [tilespmem:v9+s2+$0x0], $0xffff;
	_ =	sdelay $0x3  }
0xa3: {  	s0 =	sshll.u32 @!p2 s24, $0x8;
	[tilespmem:$0x15180] =	vst @!p2 v10  }
0xa4: {  	s28 =	simm.s32 @!p2 $0x15180;
	s0 =	sadd.s32 @!p2 s0, s9;
	[tilespmem:$0x15190] =	vst @!p2 v9  }
0xa5: {  	[hbm4b:s0+s4] =	stream.linear.scatter @!p2 [tilespmem:s28], [sflag:$0x1], $0x80, $0x38;
	[tilespmem:$0x17100] =	vst v63  }
0xa6: {  	s28 =	spop (v2sf)  }
0xa7: {  	p2 =	seq.s32 s28, $0x0  }
0xa8: {  	(v2sf) =	vpush @!p2 v7, $0x2;
	_ =	sdelay $0xe  }
0xa9: {  	s0 =	spop @!p2 (v2sf)  }
0xaa: {  	s0 =	sand.u32 @!p2 $0x3FF, s0  }
0xab: {  	v9 =	vmov @!p2 s0  }
0xac: {  	v10 =	vshll.u32 @!p2 v9, $0x3  }
0xad: {  	(v2sf) =	vpush v8, $0x3;
	v9 =	vand.u32 @!p2 $0x7F, v9;
	v10 =	vand.u32 @!p2 $0x1C00, v10  }
0xae: {  	v9 =	vor.u32 @!p2 v9, v10  }
0xaf: {  	v10 =	vor.u32 @!p2 v2, v9  }
0xb0: {  	v9 =	vor.u32 @!p2 v3, v9;
	_ =	sdelay $0x3  }
0xb1: {  	v10 =	vld.idx.msk @!p2 [tilespmem:v10+s2+$0x0], $0xffff  }
0xb2: {  	v9 =	vld.idx.msk @!p2 [tilespmem:v9+s2+$0x0], $0xffff;
	_ =	sdelay $0x3  }
0xb3: {  	s0 =	sshll.u32 @!p2 s24, $0x8;
	[tilespmem:$0x15200] =	vst @!p2 v10  }
0xb4: {  	s28 =	simm.s32 @!p2 $0x15200;
	s0 =	sadd.s32 @!p2 s0, s10;
	[tilespmem:$0x15210] =	vst @!p2 v9  }
0xb5: {  	[hbm4b:s0+s4] =	stream.linear.scatter @!p2 [tilespmem:s28], [sflag:$0x1], $0x80, $0x38;
	[tilespmem:$0x17100] =	vst v63  }
0xb6: {  	s28 =	spop (v2sf)  }
0xb7: {  	p2 =	seq.s32 s28, $0x0  }
0xb8: {  	(v2sf) =	vpush @!p2 v7, $0x3;
	_ =	sdelay $0xe  }
0xb9: {  	s0 =	spop @!p2 (v2sf)  }
0xba: {  	s0 =	sand.u32 @!p2 $0x3FF, s0  }
0xbb: {  	v9 =	vmov @!p2 s0  }
0xbc: {  	v10 =	vshll.u32 @!p2 v9, $0x3  }
0xbd: {  	(v2sf) =	vpush v8, $0x4;
	v9 =	vand.u32 @!p2 $0x7F, v9;
	v10 =	vand.u32 @!p2 $0x1C00, v10  }
0xbe: {  	v9 =	vor.u32 @!p2 v9, v10  }
0xbf: {  	v10 =	vor.u32 @!p2 v2, v9  }
0xc0: {  	v9 =	vor.u32 @!p2 v3, v9;
	_ =	sdelay $0x3  }
0xc1: {  	v10 =	vld.idx.msk @!p2 [tilespmem:v10+s2+$0x0], $0xffff  }
0xc2: {  	v9 =	vld.idx.msk @!p2 [tilespmem:v9+s2+$0x0], $0xffff;
	_ =	sdelay $0x3  }
0xc3: {  	s0 =	sshll.u32 @!p2 s24, $0x8;
	[tilespmem:$0x15280] =	vst @!p2 v10  }
0xc4: {  	s28 =	simm.s32 @!p2 $0x15280;
	s0 =	sadd.s32 @!p2 s0, s11;
	[tilespmem:$0x15290] =	vst @!p2 v9  }
0xc5: {  	[hbm4b:s0+s4] =	stream.linear.scatter @!p2 [tilespmem:s28], [sflag:$0x1], $0x80, $0x38;
	[tilespmem:$0x17100] =	vst v63  }
0xc6: {  	s28 =	spop (v2sf)  }
0xc7: {  	p2 =	seq.s32 s28, $0x0  }
0xc8: {  	(v2sf) =	vpush @!p2 v7, $0x4;
	_ =	sdelay $0xe  }
0xc9: {  	s0 =	spop @!p2 (v2sf)  }
0xca: {  	s0 =	sand.u32 @!p2 $0x3FF, s0  }
0xcb: {  	v9 =	vmov @!p2 s0  }
0xcc: {  	v10 =	vshll.u32 @!p2 v9, $0x3  }
0xcd: {  	(v2sf) =	vpush v8, $0x5;
	v9 =	vand.u32 @!p2 $0x7F, v9;
	v10 =	vand.u32 @!p2 $0x1C00, v10  }
0xce: {  	v9 =	vor.u32 @!p2 v9, v10  }
0xcf: {  	v10 =	vor.u32 @!p2 v2, v9  }
0xd0: {  	v9 =	vor.u32 @!p2 v3, v9;
	_ =	sdelay $0x3  }
0xd1: {  	v10 =	vld.idx.msk @!p2 [tilespmem:v10+s2+$0x0], $0xffff  }
0xd2: {  	v9 =	vld.idx.msk @!p2 [tilespmem:v9+s2+$0x0], $0xffff;
	_ =	sdelay $0x3  }
0xd3: {  	s0 =	sshll.u32 @!p2 s24, $0x8;
	[tilespmem:$0x15300] =	vst @!p2 v10  }
0xd4: {  	s28 =	simm.s32 @!p2 $0x15300;
	s0 =	sadd.s32 @!p2 s0, s12;
	[tilespmem:$0x15310] =	vst @!p2 v9  }
0xd5: {  	[hbm4b:s0+s4] =	stream.linear.scatter @!p2 [tilespmem:s28], [sflag:$0x1], $0x80, $0x38;
	[tilespmem:$0x17100] =	vst v63  }
0xd6: {  	s28 =	spop (v2sf)  }
0xd7: {  	p2 =	seq.s32 s28, $0x0  }
0xd8: {  	(v2sf) =	vpush @!p2 v7, $0x5;
	_ =	sdelay $0xe  }
0xd9: {  	s0 =	spop @!p2 (v2sf)  }
0xda: {  	s0 =	sand.u32 @!p2 $0x3FF, s0  }
0xdb: {  	v9 =	vmov @!p2 s0  }
0xdc: {  	v10 =	vshll.u32 @!p2 v9, $0x3  }
0xdd: {  	(v2sf) =	vpush v8, $0x6;
	v9 =	vand.u32 @!p2 $0x7F, v9;
	v10 =	vand.u32 @!p2 $0x1C00, v10  }
0xde: {  	v9 =	vor.u32 @!p2 v9, v10  }
0xdf: {  	v10 =	vor.u32 @!p2 v2, v9  }
0xe0: {  	v9 =	vor.u32 @!p2 v3, v9;
	_ =	sdelay $0x3  }
0xe1: {  	v10 =	vld.idx.msk @!p2 [tilespmem:v10+s2+$0x0], $0xffff  }
0xe2: {  	v9 =	vld.idx.msk @!p2 [tilespmem:v9+s2+$0x0], $0xffff;
	_ =	sdelay $0x3  }
0xe3: {  	s0 =	sshll.u32 @!p2 s24, $0x8;
	[tilespmem:$0x15380] =	vst @!p2 v10  }
0xe4: {  	s28 =	simm.s32 @!p2 $0x15380;
	s0 =	sadd.s32 @!p2 s0, s13;
	[tilespmem:$0x15390] =	vst @!p2 v9  }
0xe5: {  	[hbm4b:s0+s4] =	stream.linear.scatter @!p2 [tilespmem:s28], [sflag:$0x1], $0x80, $0x38;
	[tilespmem:$0x17100] =	vst v63  }
0xe6: {  	s28 =	spop (v2sf)  }
0xe7: {  	p2 =	seq.s32 s28, $0x0  }
0xe8: {  	(v2sf) =	vpush @!p2 v7, $0x6;
	_ =	sdelay $0xe  }
0xe9: {  	s0 =	spop @!p2 (v2sf)  }
0xea: {  	s0 =	sand.u32 @!p2 $0x3FF, s0  }
0xeb: {  	v9 =	vmov @!p2 s0  }
0xec: {  	v10 =	vshll.u32 @!p2 v9, $0x3  }
0xed: {  	(v2sf) =	vpush v8, $0x7;
	v9 =	vand.u32 @!p2 $0x7F, v9;
	v10 =	vand.u32 @!p2 $0x1C00, v10  }
0xee: {  	v9 =	vor.u32 @!p2 v9, v10  }
0xef: {  	v10 =	vor.u32 @!p2 v2, v9  }
0xf0: {  	v9 =	vor.u32 @!p2 v3, v9;
	_ =	sdelay $0x3  }
0xf1: {  	v10 =	vld.idx.msk @!p2 [tilespmem:v10+s2+$0x0], $0xffff  }
0xf2: {  	v9 =	vld.idx.msk @!p2 [tilespmem:v9+s2+$0x0], $0xffff;
	_ =	sdelay $0x3  }
0xf3: {  	s0 =	sshll.u32 @!p2 s24, $0x8;
	[tilespmem:$0x15400] =	vst @!p2 v10  }
0xf4: {  	s28 =	simm.s32 @!p2 $0x15400;
	s0 =	sadd.s32 @!p2 s0, s14;
	[tilespmem:$0x15410] =	vst @!p2 v9  }
0xf5: {  	[hbm4b:s0+s4] =	stream.linear.scatter @!p2 [tilespmem:s28], [sflag:$0x1], $0x80, $0x38;
	[tilespmem:$0x17100] =	vst v63  }
0xf6: {  	s28 =	spop (v2sf)  }
0xf7: {  	p2 =	seq.s32 s28, $0x0  }
0xf8: {  	(v2sf) =	vpush @!p2 v7, $0x7;
	_ =	sdelay $0xe  }
0xf9: {  	s0 =	spop @!p2 (v2sf)  }
0xfa: {  	s0 =	sand.u32 @!p2 $0x3FF, s0  }
0xfb: {  	v9 =	vmov @!p2 s0  }
0xfc: {  	v10 =	vshll.u32 @!p2 v9, $0x3  }
0xfd: {  	(v2sf) =	vpush v8, $0x8;
	v9 =	vand.u32 @!p2 $0x7F, v9;
	v10 =	vand.u32 @!p2 $0x1C00, v10  }
0xfe: {  	v9 =	vor.u32 @!p2 v9, v10  }
0xff: {  	v10 =	vor.u32 @!p2 v2, v9  }
0x100: {  	v9 =	vor.u32 @!p2 v3, v9;
	_ =	sdelay $0x3  }
0x101: {  	v10 =	vld.idx.msk @!p2 [tilespmem:v10+s2+$0x0], $0xffff  }
0x102: {  	v9 =	vld.idx.msk @!p2 [tilespmem:v9+s2+$0x0], $0xffff;
	_ =	sdelay $0x3  }
0x103: {  	s0 =	sshll.u32 @!p2 s24, $0x8;
	[tilespmem:$0x15480] =	vst @!p2 v10  }
0x104: {  	s28 =	simm.s32 @!p2 $0x15480;
	s0 =	sadd.s32 @!p2 s0, s15;
	[tilespmem:$0x15490] =	vst @!p2 v9  }
0x105: {  	[hbm4b:s0+s4] =	stream.linear.scatter @!p2 [tilespmem:s28], [sflag:$0x1], $0x80, $0x38;
	[tilespmem:$0x17100] =	vst v63  }
0x106: {  	s28 =	spop (v2sf)  }
0x107: {  	p2 =	seq.s32 s28, $0x0  }
0x108: {  	(v2sf) =	vpush @!p2 v7, $0x8;
	_ =	sdelay $0xe  }
0x109: {  	s0 =	spop @!p2 (v2sf)  }
0x10a: {  	s0 =	sand.u32 @!p2 $0x3FF, s0  }
0x10b: {  	v9 =	vmov @!p2 s0  }
0x10c: {  	v10 =	vshll.u32 @!p2 v9, $0x3  }
0x10d: {  	(v2sf) =	vpush v8, $0x9;
	v9 =	vand.u32 @!p2 $0x7F, v9;
	v10 =	vand.u32 @!p2 $0x1C00, v10  }
0x10e: {  	v9 =	vor.u32 @!p2 v9, v10  }
0x10f: {  	v10 =	vor.u32 @!p2 v2, v9  }
0x110: {  	v9 =	vor.u32 @!p2 v3, v9;
	_ =	sdelay $0x3  }
0x111: {  	v10 =	vld.idx.msk @!p2 [tilespmem:v10+s2+$0x0], $0xffff  }
0x112: {  	v9 =	vld.idx.msk @!p2 [tilespmem:v9+s2+$0x0], $0xffff;
	_ =	sdelay $0x3  }
0x113: {  	s0 =	sshll.u32 @!p2 s24, $0x8;
	[tilespmem:$0x15500] =	vst @!p2 v10  }
0x114: {  	s28 =	simm.s32 @!p2 $0x15500;
	s0 =	sadd.s32 @!p2 s0, s16;
	[tilespmem:$0x15510] =	vst @!p2 v9  }
0x115: {  	[hbm4b:s0+s4] =	stream.linear.scatter @!p2 [tilespmem:s28], [sflag:$0x1], $0x80, $0x38;
	[tilespmem:$0x17100] =	vst v63  }
0x116: {  	s28 =	spop (v2sf)  }
0x117: {  	p2 =	seq.s32 s28, $0x0  }
0x118: {  	(v2sf) =	vpush @!p2 v7, $0x9;
	_ =	sdelay $0xe  }
0x119: {  	s0 =	spop @!p2 (v2sf)  }
0x11a: {  	s0 =	sand.u32 @!p2 $0x3FF, s0  }
0x11b: {  	v9 =	vmov @!p2 s0  }
0x11c: {  	v10 =	vshll.u32 @!p2 v9, $0x3  }
0x11d: {  	(v2sf) =	vpush v8, $0xA;
	v9 =	vand.u32 @!p2 $0x7F, v9;
	v10 =	vand.u32 @!p2 $0x1C00, v10  }
0x11e: {  	v9 =	vor.u32 @!p2 v9, v10  }
0x11f: {  	v10 =	vor.u32 @!p2 v2, v9  }
0x120: {  	v9 =	vor.u32 @!p2 v3, v9;
	_ =	sdelay $0x3  }
0x121: {  	v10 =	vld.idx.msk @!p2 [tilespmem:v10+s2+$0x0], $0xffff  }
0x122: {  	v9 =	vld.idx.msk @!p2 [tilespmem:v9+s2+$0x0], $0xffff;
	_ =	sdelay $0x3  }
0x123: {  	s0 =	sshll.u32 @!p2 s24, $0x8;
	[tilespmem:$0x15580] =	vst @!p2 v10  }
0x124: {  	s28 =	simm.s32 @!p2 $0x15580;
	s0 =	sadd.s32 @!p2 s0, s17;
	[tilespmem:$0x15590] =	vst @!p2 v9  }
0x125: {  	[hbm4b:s0+s4] =	stream.linear.scatter @!p2 [tilespmem:s28], [sflag:$0x1], $0x80, $0x38;
	[tilespmem:$0x17100] =	vst v63  }
0x126: {  	s28 =	spop (v2sf)  }
0x127: {  	p2 =	seq.s32 s28, $0x0  }
0x128: {  	(v2sf) =	vpush @!p2 v7, $0xA;
	_ =	sdelay $0xe  }
0x129: {  	s0 =	spop @!p2 (v2sf)  }
0x12a: {  	s0 =	sand.u32 @!p2 $0x3FF, s0  }
0x12b: {  	v9 =	vmov @!p2 s0  }
0x12c: {  	v10 =	vshll.u32 @!p2 v9, $0x3  }
0x12d: {  	(v2sf) =	vpush v8, $0xB;
	v9 =	vand.u32 @!p2 $0x7F, v9;
	v10 =	vand.u32 @!p2 $0x1C00, v10  }
0x12e: {  	v9 =	vor.u32 @!p2 v9, v10  }
0x12f: {  	v10 =	vor.u32 @!p2 v2, v9  }
0x130: {  	v9 =	vor.u32 @!p2 v3, v9;
	_ =	sdelay $0x3  }
0x131: {  	v10 =	vld.idx.msk @!p2 [tilespmem:v10+s2+$0x0], $0xffff  }
0x132: {  	v9 =	vld.idx.msk @!p2 [tilespmem:v9+s2+$0x0], $0xffff;
	_ =	sdelay $0x3  }
0x133: {  	s0 =	sshll.u32 @!p2 s24, $0x8;
	[tilespmem:$0x15600] =	vst @!p2 v10  }
0x134: {  	s28 =	simm.s32 @!p2 $0x15600;
	s0 =	sadd.s32 @!p2 s0, s18;
	[tilespmem:$0x15610] =	vst @!p2 v9  }
0x135: {  	[hbm4b:s0+s4] =	stream.linear.scatter @!p2 [tilespmem:s28], [sflag:$0x1], $0x80, $0x38;
	[tilespmem:$0x17100] =	vst v63  }
0x136: {  	s28 =	spop (v2sf)  }
0x137: {  	p2 =	seq.s32 s28, $0x0  }
0x138: {  	(v2sf) =	vpush @!p2 v7, $0xB;
	_ =	sdelay $0xe  }
0x139: {  	s0 =	spop @!p2 (v2sf)  }
0x13a: {  	s0 =	sand.u32 @!p2 $0x3FF, s0  }
0x13b: {  	v9 =	vmov @!p2 s0  }
0x13c: {  	v10 =	vshll.u32 @!p2 v9, $0x3  }
0x13d: {  	(v2sf) =	vpush v8, $0xC;
	v9 =	vand.u32 @!p2 $0x7F, v9;
	v10 =	vand.u32 @!p2 $0x1C00, v10  }
0x13e: {  	v9 =	vor.u32 @!p2 v9, v10  }
0x13f: {  	v10 =	vor.u32 @!p2 v2, v9  }
0x140: {  	v9 =	vor.u32 @!p2 v3, v9;
	_ =	sdelay $0x3  }
0x141: {  	v10 =	vld.idx.msk @!p2 [tilespmem:v10+s2+$0x0], $0xffff  }
0x142: {  	v9 =	vld.idx.msk @!p2 [tilespmem:v9+s2+$0x0], $0xffff;
	_ =	sdelay $0x3  }
0x143: {  	s0 =	sshll.u32 @!p2 s24, $0x8;
	[tilespmem:$0x15680] =	vst @!p2 v10  }
0x144: {  	s28 =	simm.s32 @!p2 $0x15680;
	s0 =	sadd.s32 @!p2 s0, s19;
	[tilespmem:$0x15690] =	vst @!p2 v9  }
0x145: {  	[hbm4b:s0+s4] =	stream.linear.scatter @!p2 [tilespmem:s28], [sflag:$0x1], $0x80, $0x38;
	[tilespmem:$0x17100] =	vst v63  }
0x146: {  	s28 =	spop (v2sf)  }
0x147: {  	p2 =	seq.s32 s28, $0x0  }
0x148: {  	(v2sf) =	vpush @!p2 v7, $0xC;
	_ =	sdelay $0xe  }
0x149: {  	s0 =	spop @!p2 (v2sf)  }
0x14a: {  	s0 =	sand.u32 @!p2 $0x3FF, s0  }
0x14b: {  	v9 =	vmov @!p2 s0  }
0x14c: {  	v10 =	vshll.u32 @!p2 v9, $0x3  }
0x14d: {  	(v2sf) =	vpush v8, $0xD;
	v9 =	vand.u32 @!p2 $0x7F, v9;
	v10 =	vand.u32 @!p2 $0x1C00, v10  }
0x14e: {  	v9 =	vor.u32 @!p2 v9, v10  }
0x14f: {  	v10 =	vor.u32 @!p2 v2, v9  }
0x150: {  	v9 =	vor.u32 @!p2 v3, v9;
	_ =	sdelay $0x3  }
0x151: {  	v10 =	vld.idx.msk @!p2 [tilespmem:v10+s2+$0x0], $0xffff  }
0x152: {  	v9 =	vld.idx.msk @!p2 [tilespmem:v9+s2+$0x0], $0xffff;
	_ =	sdelay $0x3  }
0x153: {  	s0 =	sshll.u32 @!p2 s24, $0x8;
	[tilespmem:$0x15700] =	vst @!p2 v10  }
0x154: {  	s28 =	simm.s32 @!p2 $0x15700;
	s0 =	sadd.s32 @!p2 s0, s20;
	[tilespmem:$0x15710] =	vst @!p2 v9  }
0x155: {  	[hbm4b:s0+s4] =	stream.linear.scatter @!p2 [tilespmem:s28], [sflag:$0x1], $0x80, $0x38;
	[tilespmem:$0x17100] =	vst v63  }
0x156: {  	s28 =	spop (v2sf)  }
0x157: {  	p2 =	seq.s32 s28, $0x0  }
0x158: {  	(v2sf) =	vpush @!p2 v7, $0xD;
	_ =	sdelay $0xe  }
0x159: {  	s0 =	spop @!p2 (v2sf)  }
0x15a: {  	s0 =	sand.u32 @!p2 $0x3FF, s0  }
0x15b: {  	v9 =	vmov @!p2 s0  }
0x15c: {  	v10 =	vshll.u32 @!p2 v9, $0x3  }
0x15d: {  	(v2sf) =	vpush v8, $0xE;
	v9 =	vand.u32 @!p2 $0x7F, v9;
	v10 =	vand.u32 @!p2 $0x1C00, v10  }
0x15e: {  	v9 =	vor.u32 @!p2 v9, v10  }
0x15f: {  	v10 =	vor.u32 @!p2 v2, v9  }
0x160: {  	v9 =	vor.u32 @!p2 v3, v9;
	_ =	sdelay $0x3  }
0x161: {  	v10 =	vld.idx.msk @!p2 [tilespmem:v10+s2+$0x0], $0xffff  }
0x162: {  	v9 =	vld.idx.msk @!p2 [tilespmem:v9+s2+$0x0], $0xffff;
	_ =	sdelay $0x3  }
0x163: {  	s0 =	sshll.u32 @!p2 s24, $0x8;
	[tilespmem:$0x15780] =	vst @!p2 v10  }
0x164: {  	s28 =	simm.s32 @!p2 $0x15780;
	s0 =	sadd.s32 @!p2 s0, s21;
	[tilespmem:$0x15790] =	vst @!p2 v9  }
0x165: {  	[hbm4b:s0+s4] =	stream.linear.scatter @!p2 [tilespmem:s28], [sflag:$0x1], $0x80, $0x38;
	[tilespmem:$0x17100] =	vst v63  }
0x166: {  	s28 =	spop (v2sf)  }
0x167: {  	p2 =	seq.s32 s28, $0x0  }
0x168: {  	(v2sf) =	vpush @!p2 v7, $0xE;
	_ =	sdelay $0xe  }
0x169: {  	s0 =	spop @!p2 (v2sf)  }
0x16a: {  	s0 =	sand.u32 @!p2 $0x3FF, s0  }
0x16b: {  	v9 =	vmov @!p2 s0  }
0x16c: {  	v10 =	vshll.u32 @!p2 v9, $0x3  }
0x16d: {  	(v2sf) =	vpush v8, $0xF;
	v9 =	vand.u32 @!p2 $0x7F, v9;
	v10 =	vand.u32 @!p2 $0x1C00, v10  }
0x16e: {  	v9 =	vor.u32 @!p2 v9, v10  }
0x16f: {  	v10 =	vor.u32 @!p2 v2, v9  }
0x170: {  	v9 =	vor.u32 @!p2 v3, v9;
	_ =	sdelay $0x3  }
0x171: {  	v10 =	vld.idx.msk @!p2 [tilespmem:v10+s2+$0x0], $0xffff  }
0x172: {  	v9 =	vld.idx.msk @!p2 [tilespmem:v9+s2+$0x0], $0xffff;
	_ =	sdelay $0x3  }
0x173: {  	s0 =	sshll.u32 @!p2 s24, $0x8;
	[tilespmem:$0x15800] =	vst @!p2 v10  }
0x174: {  	s28 =	simm.s32 @!p2 $0x15800;
	s0 =	sadd.s32 @!p2 s0, s22;
	[tilespmem:$0x15810] =	vst @!p2 v9  }
0x175: {  	[hbm4b:s0+s4] =	stream.linear.scatter @!p2 [tilespmem:s28], [sflag:$0x1], $0x80, $0x38;
	[tilespmem:$0x17100] =	vst v63  }
0x176: {  	s28 =	spop (v2sf)  }
0x177: {  	p2 =	seq.s32 s28, $0x0  }
0x178: {  	(v2sf) =	vpush @!p2 v7, $0xF;
	_ =	sdelay $0xe  }
0x179: {  	s0 =	spop @!p2 (v2sf)  }
0x17a: {  	s0 =	sand.u32 @!p2 $0x3FF, s0  }
0x17b: {  	v7 =	vmov @!p2 s0  }
0x17c: {  	v8 =	vshll.u32 @!p2 v7, $0x3  }
0x17d: {  	v7 =	vand.u32 @!p2 $0x7F, v7;
	v8 =	vand.u32 @!p2 $0x1C00, v8  }
0x17e: {  	v7 =	vor.u32 @!p2 v7, v8  }
0x17f: {  	v8 =	vor.u32 @!p2 v2, v7  }
0x180: {  	v7 =	vor.u32 @!p2 v3, v7;
	_ =	sdelay $0x3  }
0x181: {  	v8 =	vld.idx.msk @!p2 [tilespmem:v8+s2+$0x0], $0xffff  }
0x182: {  	v7 =	vld.idx.msk @!p2 [tilespmem:v7+s2+$0x0], $0xffff;
	_ =	sdelay $0x3  }
0x183: {  	s0 =	sshll.u32 @!p2 s24, $0x8;
	[tilespmem:$0x15880] =	vst @!p2 v8  }
0x184: {  	s0 =	sadd.s32 @!p2 s0, s23;
	[tilespmem:$0x15890] =	vst @!p2 v7  }
0x185: {  	[hbm4b:s0+s4] =	stream.linear.scatter @!p2 [tilespmem:s6], [sflag:$0x1], $0x80, $0x38;
	[tilespmem:$0x17100] =	vst v63  }
0x186: {  	p2 =	sne.s32 s25, $0x1  }
.Ltmp11:
0x187: {  	_ = 	snop;
	(pc) =	sbr.rel @!p2 .LBB2_11-.Ltmp11, $3  }
0x188: {  	_ =	sdelay $0x1  }
0x189: {  	_ =	swait.ge [sflag:s31], $0x80  }
0x18a: {  	s0 =	sadd.s32 $0xFFFFFFFF, s25;
	[sflag:s31] =	ssyncset.done $0x0  }
.LBB2_10:
0x18b: {  	p2 =	sne.s32 s0, $0x1;
	s0 =	sadd.s32 $0xFFFFFFFF, s0;
	[sflag:s31] =	ssyncadd.s32 $0xFFFFFF80  }
.Ltmp12:
0x18c: {  	(pc) =	sbr.rel @p2 .LBB2_10-.Ltmp12, $3  }
0x18d: {  	_ =	sdelay $0x1  }
0x18e: {  	_ =	swait.ge [sflag:s31], $0x80  }
0x18f: {  	[sflag:s31] =	ssyncset.done $0x0  }
.Ltmp13:
0x190: {  	_ = 	snop;
	(pc) =	sbr.rel .LBB2_11-.Ltmp13, $1  }
0x191: {  	_ =	sdelay $0x3  }
.LBB2_13:
0x192: {  	p2 =	slt.s32 s0, $0x1  }
.Ltmp14:
0x193: {  	_ = 	snop;
	(pc) =	sbr.rel @p2 .LBB2_22-.Ltmp14, $2  }
0x194: {  	_ =	sdelay $0x2  }
0x195: {  	s24 =	simm.s32 $0x15100  }
0x196: {  	p4 =	seq.s32 s0, $0x1  }
.Ltmp15:
0x197: {  	_ = 	snop;
	(pc) =	sbr.rel @p4 .LBB2_15-.Ltmp15, $2  }
0x198: {  	_ =	sdelay $0x2  }
0x199: {  	v6 =	vmov s30;
	s6 =	sadd.s32 $0xFFFFFFFF, s0;
	p2 =	por $0x0, $0x0;
	p3 =	por $0x0, $0x0  }
0x19a: {  	_ =	sdelay $0x3  }
0x19b: {  	v7 =	vld.idx.msk [tilespmem:v6+s1+$0x0], $0xffff;
	_ =	sdelay $0x4  }
0x19c: {  	(v2sf) =	vpush v7, $0x0;
	_ =	sdelay $0x5  }
0x19d: {  	v6 =	vld.idx.msk [tilespmem:v6+s5+$0x0], $0xffff;
	_ =	sdelay $0x4  }
0x19e: {  	(v2sf) =	vpush v6, $0x0;
	_ =	sdelay $0x3  }
0x19f: {  	s0 =	spop (v2sf)  }
0x1a0: {  	s0 =	sand.u32 $0x3FF, s0  }
0x1a1: {  	v6 =	vmov s0  }
0x1a2: {  	v7 =	vshll.u32 v6, $0x3  }
0x1a3: {  	v6 =	vand.u32 $0x7F, v6;
	v7 =	vand.u32 $0x1C00, v7  }
0x1a4: {  	v6 =	vor.u32 v6, v7  }
0x1a5: {  	v7 =	vor.u32 v2, v6  }
0x1a6: {  	p4 =	seq.s32 s6, $0x1;
	v6 =	vor.u32 v3, v6  }
.Ltmp16:
0x1a7: {  	_ = 	snop;
	(pc) =	sbr.rel @p4 .LBB2_17-.Ltmp16, $3  }
0x1a8: {  	_ =	sdelay $0x1  }
0x1a9: {  	s28 =	spop (v2sf);
	s0 =	sadd.s32 $0x1, s30;
	v7 =	vld.idx.msk [tilespmem:v7+s2+$0x0], $0xffff  }
0x1aa: {  	s25 =	sadd.s32 $0xFFFFFFFF, s6;
	p2 =	por $0x1, $0x1;
	s28 =	sshll.u32 s28, $0x4;
	v8 =	vld.idx.msk [tilespmem:v6+s2+$0x0], $0xffff;
	v6 =	vmov s0  }
0x1ab: {  	_ =	sdelay $0x2  }
0x1ac: {  	s6 =	sand.u32 $0x1FFFFFF0, s28;
	[tilespmem:s24+$0x0] =	vst v7  }
0x1ad: {  	s6 =	sadd.s32 s7, s6;
	[tilespmem:s24+$0x10] =	vst v8  }
0x1ae: {  	[hbm4b:s6+s4] =	stream.linear.scatter [tilespmem:s24], [sflag:$0x1], $0x80, $0x38;
	[tilespmem:$0x17100] =	vst v63  }
0x1af: {  	v7 =	vld.idx.msk [tilespmem:v6+s1+$0x0], $0xffff;
	_ =	sdelay $0x4  }
0x1b0: {  	(v2sf) =	vpush v7, $0x0;
	_ =	sdelay $0x7  }
0x1b1: {  	v6 =	vld.idx.msk [tilespmem:v6+s5+$0x0], $0xffff;
	_ =	sdelay $0x4  }
0x1b2: {  	(v2sf) =	vpush v6, $0x0;
	_ =	sdelay $0x1  }
0x1b3: {  	s6 =	spop (v2sf)  }
0x1b4: {  	s6 =	sand.u32 $0x3FF, s6  }
0x1b5: {  	v6 =	vmov s6  }
0x1b6: {  	v7 =	vshll.u32 v6, $0x3  }
0x1b7: {  	v6 =	vand.u32 $0x7F, v6;
	v7 =	vand.u32 $0x1C00, v7  }
0x1b8: {  	v6 =	vor.u32 v6, v7  }
0x1b9: {  	v7 =	vor.u32 v2, v6  }
0x1ba: {  	v6 =	vor.u32 v3, v6;
	_ =	sdelay $0x1  }
0x1bb: {  	p4 =	seq.s32 s25, $0x1  }
.Ltmp17:
0x1bc: {  	_ = 	snop;
	(pc) =	sbr.rel @p4 .LBB2_19-.Ltmp17, $4  }
0x1bd: {  	v7 =	vld.idx.msk [tilespmem:v7+s2+$0x0], $0xffff  }
0x1be: {  	s6 =	sadd.s32 $0x1, s0;
	v8 =	vld.idx.msk [tilespmem:v6+s2+$0x0], $0xffff  }
0x1bf: {  	p3 =	por $0x1, $0x1;
	s28 =	spop (v2sf);
	v6 =	vmov s6  }
0x1c0: {  	s0 =	sadd.s32 $0xFFFFFFFF, s25;
	s28 =	sshll.u32 s28, $0x4;
	s25 =	simm.s32 $0x15100  }
.LBB2_20:
0x1c1: {  	p4 =	seq.s32 s0, $0x1;
	s28 =	sand.u32 $0x1FFFFFF0, s28;
	s25 =	sadd.s32 $0x80, s25  }
0x1c2: {  	[tilespmem:s25+$0x0] =	vst v7;
	s28 =	sadd.s32 s7, s28  }
0x1c3: {  	[tilespmem:s25+$0x10] =	vst v8;
	[hbm4b:s28+s4] =	stream.linear.scatter [tilespmem:s25], [sflag:$0x1], $0x80, $0x38  }
0x1c4: {  	v7 =	vld.idx.msk [tilespmem:v6+s1+$0x0], $0xffff;
	_ =	sdelay $0x5  }
0x1c5: {  	(v2sf) =	vpush v7, $0x0;
	_ =	sdelay $0x7  }
0x1c6: {  	v6 =	vld.idx.msk [tilespmem:v6+s5+$0x0], $0xffff;
	_ =	sdelay $0x5  }
0x1c7: {  	(v2sf) =	vpush v6, $0x0  }
0x1c8: {  	s28 =	spop (v2sf)  }
0x1c9: {  	s28 =	sand.u32 $0x3FF, s28  }
0x1ca: {  	v6 =	vmov s28  }
0x1cb: {  	v7 =	vshll.u32 v6, $0x3  }
0x1cc: {  	v6 =	vand.u32 $0x7F, v6;
	v7 =	vand.u32 $0x1C00, v7  }
0x1cd: {  	v6 =	vor.u32 v6, v7  }
0x1ce: {  	v7 =	vor.u32 v2, v6  }
0x1cf: {  	v6 =	vor.u32 v3, v6;
	_ =	sdelay $0x3  }
.Ltmp18:
0x1d0: {  	v7 =	vld.idx.msk [tilespmem:v7+s2+$0x0], $0xffff;
	(pc) =	sbr.rel @!p4 .LBB2_20-.Ltmp18, $4  }
0x1d1: {  	v8 =	vld.idx.msk [tilespmem:v6+s2+$0x0], $0xffff  }
0x1d2: {  	s6 =	sadd.s32 $0x1, s6  }
0x1d3: {  	v6 =	vmov s6;
	s28 =	spop (v2sf)  }
0x1d4: {  	s0 =	sadd.s32 $0xFFFFFFFF, s0;
	s28 =	sshll.u32 s28, $0x4  }
.LBB2_21:
0x1d5: {  	s0 =	sadd.s32 @p3 $0x80, s25;
	s6 =	simm.s32 $0x15100  }
0x1d6: {  	s6 =	smov.u32 @p3 s0  }
0x1d7: {  	s0 =	sand.u32 @p2 $0x1FFFFFF0, s28;
	[tilespmem:s6+$0x0] =	vst @p2 v7  }
0x1d8: {  	s0 =	sadd.s32 @p2 s7, s0;
	[tilespmem:s6+$0x10] =	vst @p2 v8  }
0x1d9: {  	[hbm4b:s0+s4] =	stream.linear.scatter @p2 [tilespmem:s6], [sflag:$0x1], $0x80, $0x38;
	[tilespmem:$0x17100] =	vst v63  }
0x1da: {  	v7 =	vld.idx.msk [tilespmem:v6+s1+$0x0], $0xffff;
	_ =	sdelay $0x4  }
0x1db: {  	(v2sf) =	vpush v7, $0x0;
	_ =	sdelay $0x8  }
0x1dc: {  	v6 =	vld.idx.msk [tilespmem:v6+s5+$0x0], $0xffff;
	_ =	sdelay $0x4  }
0x1dd: {  	(v2sf) =	vpush v6, $0x0  }
0x1de: {  	s25 =	spop (v2sf)  }
0x1df: {  	s0 =	sand.u32 $0x3FF, s25  }
0x1e0: {  	v6 =	vmov s0  }
0x1e1: {  	v7 =	vshll.u32 v6, $0x3  }
0x1e2: {  	v6 =	vand.u32 $0x7F, v6;
	v7 =	vand.u32 $0x1C00, v7  }
0x1e3: {  	v6 =	vor.u32 v6, v7  }
0x1e4: {  	v7 =	vor.u32 v2, v6  }
0x1e5: {  	v6 =	vor.u32 v3, v6;
	_ =	sdelay $0x3  }
0x1e6: {  	v7 =	vld.idx.msk [tilespmem:v7+s2+$0x0], $0xffff  }
0x1e7: {  	v6 =	vld.idx.msk [tilespmem:v6+s2+$0x0], $0xffff;
	_ =	sdelay $0x1  }
0x1e8: {  	s6 =	sadd.s32 @p2 $0x80, s6;
	s28 =	spop (v2sf)  }
0x1e9: {  	s24 =	smov.u32 @p2 s6;
	s0 =	sshll.u32 s28, $0x4  }
0x1ea: {  	s0 =	sand.u32 $0x1FFFFFF0, s0;
	[tilespmem:s24+$0x0] =	vst v7  }
0x1eb: {  	s0 =	sadd.s32 s7, s0;
	[tilespmem:s24+$0x10] =	vst v6  }
0x1ec: {  	[hbm4b:s0+s4] =	stream.linear.scatter [tilespmem:s24], [sflag:$0x1], $0x80, $0x38;
	[tilespmem:$0x17100] =	vst v63  }
.LBB2_22:
0x1ed: {  	s0 =	rddreg [dreg:$0xb]  }
0x1ee: {  	s0 =	sadd.s32 s0, s29  }
0x1ef: {  	p2 =	sgt.u32 s0, $0x3CF  }
0x1f0: {  	p3 =	sne.s32 @p2 s0, $0x3D0  }
0x1f1: {  	p3 =	por p3, !p2  }
0x1f2: {  	s29 =	rddreg [dreg:$0xc];
	s6 =	simm.s32 @!p3 $0x0;
	s24 =	simm.s32 @!p3 $0x4000  }
0x1f3: {  	[tilespmem:s24], [sflag:$0x2] =	stream.linear.gather @!p3 [hbm4b:s29+s6], $0x1000, $0x38;
	[tilespmem:$0x17100] =	vst v63  }
0x1f4: {  	s25 =	simm.s32 @!p3 $0x6000;
	s24 =	sadd.s32 @!p3 $0xF4280, s29  }
0x1f5: {  	[tilespmem:s25], [sflag:$0x2] =	stream.linear.gather @!p3 [hbm4b:s24+s6], $0x1000, $0x38;
	[tilespmem:$0x17100] =	vst v63  }
0x1f6: {  	s24 =	sadd.s32 @!p3 $0x1E8500, s29;
	s25 =	simm.s32 @!p3 $0x8000  }
0x1f7: {  	[tilespmem:s25], [sflag:$0x2] =	stream.linear.gather @!p3 [hbm4b:s24+s6], $0x1000, $0x38;
	[tilespmem:$0x17100] =	vst v63  }
0x1f8: {  	s24 =	sadd.s32 @!p3 $0x2DC780, s29;
	s25 =	simm.s32 @!p3 $0xA000  }
0x1f9: {  	[tilespmem:s25], [sflag:$0x2] =	stream.linear.gather @!p3 [hbm4b:s24+s6], $0x1000, $0x38;
	[tilespmem:$0x17100] =	vst v63  }
0x1fa: {  	s24 =	simm.s32 @!p3 $0x5000;
	s25 =	rddreg [dreg:$0x4]  }
0x1fb: {  	[tilespmem:s24], [sflag:$0x2] =	stream.linear.gather @!p3 [hbm4b:s25+s6], $0x400, $0x38;
	[tilespmem:$0x17100] =	vst v63  }
0x1fc: {  	s24 =	simm.s32 @!p3 $0x7000;
	s25 =	rddreg [dreg:$0x8]  }
0x1fd: {  	[tilespmem:s24], [sflag:$0x2] =	stream.linear.gather @!p3 [hbm4b:s25+s6], $0x400, $0x38;
	[tilespmem:$0x17100] =	vst v63  }
0x1fe: {  	s24 =	simm.s32 @!p3 $0x9000;
	s25 =	rddreg [dreg:$0x9]  }
0x1ff: {  	[tilespmem:s24], [sflag:$0x2] =	stream.linear.gather @!p3 [hbm4b:s25+s6], $0x400, $0x38;
	[tilespmem:$0x17100] =	vst v63  }
0x200: {  	s24 =	simm.s32 @!p3 $0xB000;
	s25 =	rddreg [dreg:$0xa]  }
0x201: {  	[tilespmem:s24], [sflag:$0x2] =	stream.linear.gather @!p3 [hbm4b:s25+s6], $0x400, $0x38;
	[tilespmem:$0x17100] =	vst v63  }
0x202: {  	s0 =	sshll.u32 @!p2 s0, $0xA;
	s6 =	rddreg [dreg:$0x0];
	s24 =	simm.s32 @!p2 $0x7A1400  }
0x203: {  	s25 =	simm.s32 @!p2 $0x4000;
	s0 =	sadd.s32 @!p2 s6, s0;
	s6 =	simm.s32 @!p2 $0x2000  }
0x204: {  	[tilespmem:s25], [sflag:$0x2] =	stream.strided.gather @!p2 [hbm4b:s0+s6], $0x8000, s24, s6, $0x38;
	[tilespmem:$0x17100] =	vst v63  }
0x205: {  	s24 =	simm.s32 $0x3  }
0x206: {  	_ =	swait.ge [sflag:s24], $0x8000  }
0x207: {  	[sflag:s24] =	ssyncset.done $0x0  }
0x208: {  	s29 =	simm.s32 $0x15000;
	[sflag:s24] =	ssyncadd.s32 $0xFFFF8000  }
0x209: {  	s25 =	simm.s32 $0x15080;
	v6 =	vld.idx.msk [tilespmem:v5+s29+$0x0], $0xffff  }
0x20a: {  	v5 =	vld.idx.msk [tilespmem:v5+s25+$0x0], $0xffff;
	_ =	sdelay $0x3  }
0x20b: {  	(v2sf) =	vpush v6, $0x0  }
0x20c: {  	(v2sf) =	vpush v5, $0x0;
	_ =	sdelay $0xd  }
0x20d: {  	s0 =	spop (v2sf)  }
0x20e: {  	s28 =	spop (v2sf)  }
0x20f: {  	p2 =	sne.s32 s28, $0x0  }
0x210: {  	p3 =	slt.s32 @!p2 s0, $0x1  }
0x211: {  	p2 =	por p2, p3  }
.Ltmp19:
0x212: {  	_ = 	snop;
	(pc) =	sbr.rel @p2 .LBB2_26-.Ltmp19, $2  }
0x213: {  	_ =	sdelay $0x2  }
0x214: {  	s6 =	simm.s32 $0x0  }
0x215: {  	s6 =	sadd.s32 $0x1, s6  }
0x216: {  	p2 =	sgt.s32 s0, s6  }
.Ltmp20:
0x217: {  	_ = 	snop;
	(pc) =	sbr.rel @!p2 .LBB2_25-.Ltmp20, $3  }
0x218: {  	_ =	sdelay $0x1  }
0x219: {  	_ =	swait.ge [sflag:s31], $0x80  }
0x21a: {  	[sflag:s31] =	ssyncset.done $0x0  }
.LBB2_24:
0x21b: {  	s6 =	sadd.s32 $0x1, s6  }
0x21c: {  	[sflag:s31] =	ssyncadd.s32 $0xFFFFFF80;
	p2 =	sgt.s32 s0, s6  }
.Ltmp21:
0x21d: {  	(pc) =	sbr.rel @p2 .LBB2_24-.Ltmp21, $3  }
0x21e: {  	_ =	sdelay $0x1  }
0x21f: {  	_ =	swait.ge [sflag:s31], $0x80  }
0x220: {  	[sflag:s31] =	ssyncset.done $0x0  }
.LBB2_25:
0x221: {  	[sflag:s31] =	ssyncadd.s32 $0xFFFFFF80  }
.LBB2_26:
0x222: {  	s0 =	rddreg [dreg:$0xf]  }
0x223: {  	v5 =	vmov s0;
	_ =	sdelay $0x4  }
0x224: {  	s28 =	simm.s32 $0x15080;
	v6 =	vld.idx.msk [tilespmem:v5+s29+$0x0], $0xffff  }
0x225: {  	v7 =	vld.idx.msk [tilespmem:v5+s28+$0x0], $0xffff;
	_ =	sdelay $0x3  }
0x226: {  	(v2sf) =	vpush v6, $0x0  }
0x227: {  	(v2sf) =	vpush v7, $0x0;
	_ =	sdelay $0xd  }
0x228: {  	s0 =	spop (v2sf)  }
0x229: {  	s6 =	spop (v2sf)  }
0x22a: {  	p2 =	seq.s32 s6, $0x0  }
.Ltmp22:
0x22b: {  	_ = 	snop;
	(pc) =	sbr.rel @p2 .LBB2_33-.Ltmp22, $1  }
0x22c: {  	_ =	sdelay $0x3  }
.Ltmp23:
0x22d: {  	(pc) =	sbr.rel .LBB2_28-.Ltmp23, $3  }
0x22e: {  	_ =	sdelay $0x1  }
0x22f: {  	s0 =	rddreg [dreg:$0xe]  }
0x230: {  	s24 =	simm.s32 $0x0;
	s6 =	simm.s32 $0x15880;
	v6 =	vmov s0  }
.LBB2_31:
0x231: {  	[sflag:s31] =	ssyncadd.s32 $0xFFFFFF80  }
.LBB2_32:
0x232: {  	s24 =	sadd.s32 $0x1, s24  }
0x233: {  	p2 =	sne.s32 s24, $0x400  }
.Ltmp24:
0x234: {  	_ = 	snop;
	(pc) =	sbr.rel @!p2 .LBB2_42-.Ltmp24, $1  }
0x235: {  	_ =	sdelay $0x3  }
.LBB2_28:
0x236: {  	s0 =	sshll.u32 s24, $0x4  }
0x237: {  	s0 =	sand.u32 $0x3FFFFFF0, s0  }
0x238: {  	v7 =	vld [tilespmem:s0+$0x0];
	_ =	sdelay $0x4  }
0x239: {  	v8 =	vshrl.u32 v7, $0xA  }
0x23a: {  	vm0 =	veq.s32 v8, v6  }
0x23b: {  	v8 =	vmpcnt.ones.xlane vm0;
	_ =	sdelay $0x1  }
0x23c: {  	(v2sf) =	vpush v8, $0x0;
	_ =	sdelay $0xe  }
0x23d: {  	s25 =	spop (v2sf)  }
0x23e: {  	p2 =	slt.s32 s25, $0x1  }
.Ltmp25:
0x23f: {  	_ = 	snop;
	(pc) =	sbr.rel @p2 .LBB2_32-.Ltmp25, $1  }
0x240: {  	_ =	sdelay $0x3  }
0x241: {  	v8 =	vsel vm0, $0x1, v1  }
0x242: {  	(v2sf) =	vpush v8, $0x0;
	_ =	sdelay $0xe  }
0x243: {  	s0 =	spop (v2sf)  }
0x244: {  	p2 =	seq.s32 s0, $0x0  }
0x245: {  	(v2sf) =	vpush @!p2 v7, $0x0;
	_ =	sdelay $0xe  }
0x246: {  	s0 =	spop @!p2 (v2sf)  }
0x247: {  	s0 =	sand.u32 @!p2 $0x3FF, s0  }
0x248: {  	v9 =	vmov @!p2 s0  }
0x249: {  	v10 =	vshll.u32 @!p2 v9, $0x3  }
0x24a: {  	(v2sf) =	vpush v8, $0x1;
	v9 =	vand.u32 @!p2 $0x7F, v9;
	v10 =	vand.u32 @!p2 $0x1C00, v10  }
0x24b: {  	v9 =	vor.u32 @!p2 v9, v10  }
0x24c: {  	v10 =	vor.u32 @!p2 v2, v9  }
0x24d: {  	v9 =	vor.u32 @!p2 v3, v9;
	_ =	sdelay $0x3  }
0x24e: {  	v10 =	vld.idx.msk @!p2 [tilespmem:v10+s8+$0x0], $0xffff  }
0x24f: {  	v9 =	vld.idx.msk @!p2 [tilespmem:v9+s8+$0x0], $0xffff;
	_ =	sdelay $0x3  }
0x250: {  	s0 =	sshll.u32 @!p2 s24, $0x8;
	[tilespmem:$0x15100] =	vst @!p2 v10  }
0x251: {  	s28 =	simm.s32 @!p2 $0x15100;
	s0 =	sadd.s32 @!p2 s7, s0;
	[tilespmem:$0x15110] =	vst @!p2 v9  }
0x252: {  	[hbm4b:s0+s4] =	stream.linear.scatter @!p2 [tilespmem:s28], [sflag:$0x1], $0x80, $0x38;
	[tilespmem:$0x17100] =	vst v63  }
0x253: {  	s28 =	spop (v2sf)  }
0x254: {  	p2 =	seq.s32 s28, $0x0  }
0x255: {  	(v2sf) =	vpush @!p2 v7, $0x1;
	_ =	sdelay $0xe  }
0x256: {  	s0 =	spop @!p2 (v2sf)  }
0x257: {  	s0 =	sand.u32 @!p2 $0x3FF, s0  }
0x258: {  	v9 =	vmov @!p2 s0  }
0x259: {  	v10 =	vshll.u32 @!p2 v9, $0x3  }
0x25a: {  	(v2sf) =	vpush v8, $0x2;
	v9 =	vand.u32 @!p2 $0x7F, v9;
	v10 =	vand.u32 @!p2 $0x1C00, v10  }
0x25b: {  	v9 =	vor.u32 @!p2 v9, v10  }
0x25c: {  	v10 =	vor.u32 @!p2 v2, v9  }
0x25d: {  	v9 =	vor.u32 @!p2 v3, v9;
	_ =	sdelay $0x3  }
0x25e: {  	v10 =	vld.idx.msk @!p2 [tilespmem:v10+s8+$0x0], $0xffff  }
0x25f: {  	v9 =	vld.idx.msk @!p2 [tilespmem:v9+s8+$0x0], $0xffff;
	_ =	sdelay $0x3  }
0x260: {  	s0 =	sshll.u32 @!p2 s24, $0x8;
	[tilespmem:$0x15180] =	vst @!p2 v10  }
0x261: {  	s28 =	simm.s32 @!p2 $0x15180;
	s0 =	sadd.s32 @!p2 s0, s9;
	[tilespmem:$0x15190] =	vst @!p2 v9  }
0x262: {  	[hbm4b:s0+s4] =	stream.linear.scatter @!p2 [tilespmem:s28], [sflag:$0x1], $0x80, $0x38;
	[tilespmem:$0x17100] =	vst v63  }
0x263: {  	s28 =	spop (v2sf)  }
0x264: {  	p2 =	seq.s32 s28, $0x0  }
0x265: {  	(v2sf) =	vpush @!p2 v7, $0x2;
	_ =	sdelay $0xe  }
0x266: {  	s0 =	spop @!p2 (v2sf)  }
0x267: {  	s0 =	sand.u32 @!p2 $0x3FF, s0  }
0x268: {  	v9 =	vmov @!p2 s0  }
0x269: {  	v10 =	vshll.u32 @!p2 v9, $0x3  }
0x26a: {  	(v2sf) =	vpush v8, $0x3;
	v9 =	vand.u32 @!p2 $0x7F, v9;
	v10 =	vand.u32 @!p2 $0x1C00, v10  }
0x26b: {  	v9 =	vor.u32 @!p2 v9, v10  }
0x26c: {  	v10 =	vor.u32 @!p2 v2, v9  }
0x26d: {  	v9 =	vor.u32 @!p2 v3, v9;
	_ =	sdelay $0x3  }
0x26e: {  	v10 =	vld.idx.msk @!p2 [tilespmem:v10+s8+$0x0], $0xffff  }
0x26f: {  	v9 =	vld.idx.msk @!p2 [tilespmem:v9+s8+$0x0], $0xffff;
	_ =	sdelay $0x3  }
0x270: {  	s0 =	sshll.u32 @!p2 s24, $0x8;
	[tilespmem:$0x15200] =	vst @!p2 v10  }
0x271: {  	s28 =	simm.s32 @!p2 $0x15200;
	s0 =	sadd.s32 @!p2 s0, s10;
	[tilespmem:$0x15210] =	vst @!p2 v9  }
0x272: {  	[hbm4b:s0+s4] =	stream.linear.scatter @!p2 [tilespmem:s28], [sflag:$0x1], $0x80, $0x38;
	[tilespmem:$0x17100] =	vst v63  }
0x273: {  	s28 =	spop (v2sf)  }
0x274: {  	p2 =	seq.s32 s28, $0x0  }
0x275: {  	(v2sf) =	vpush @!p2 v7, $0x3;
	_ =	sdelay $0xe  }
0x276: {  	s0 =	spop @!p2 (v2sf)  }
0x277: {  	s0 =	sand.u32 @!p2 $0x3FF, s0  }
0x278: {  	v9 =	vmov @!p2 s0  }
0x279: {  	v10 =	vshll.u32 @!p2 v9, $0x3  }
0x27a: {  	(v2sf) =	vpush v8, $0x4;
	v9 =	vand.u32 @!p2 $0x7F, v9;
	v10 =	vand.u32 @!p2 $0x1C00, v10  }
0x27b: {  	v9 =	vor.u32 @!p2 v9, v10  }
0x27c: {  	v10 =	vor.u32 @!p2 v2, v9  }
0x27d: {  	v9 =	vor.u32 @!p2 v3, v9;
	_ =	sdelay $0x3  }
0x27e: {  	v10 =	vld.idx.msk @!p2 [tilespmem:v10+s8+$0x0], $0xffff  }
0x27f: {  	v9 =	vld.idx.msk @!p2 [tilespmem:v9+s8+$0x0], $0xffff;
	_ =	sdelay $0x3  }
0x280: {  	s0 =	sshll.u32 @!p2 s24, $0x8;
	[tilespmem:$0x15280] =	vst @!p2 v10  }
0x281: {  	s28 =	simm.s32 @!p2 $0x15280;
	s0 =	sadd.s32 @!p2 s0, s11;
	[tilespmem:$0x15290] =	vst @!p2 v9  }
0x282: {  	[hbm4b:s0+s4] =	stream.linear.scatter @!p2 [tilespmem:s28], [sflag:$0x1], $0x80, $0x38;
	[tilespmem:$0x17100] =	vst v63  }
0x283: {  	s28 =	spop (v2sf)  }
0x284: {  	p2 =	seq.s32 s28, $0x0  }
0x285: {  	(v2sf) =	vpush @!p2 v7, $0x4;
	_ =	sdelay $0xe  }
0x286: {  	s0 =	spop @!p2 (v2sf)  }
0x287: {  	s0 =	sand.u32 @!p2 $0x3FF, s0  }
0x288: {  	v9 =	vmov @!p2 s0  }
0x289: {  	v10 =	vshll.u32 @!p2 v9, $0x3  }
0x28a: {  	(v2sf) =	vpush v8, $0x5;
	v9 =	vand.u32 @!p2 $0x7F, v9;
	v10 =	vand.u32 @!p2 $0x1C00, v10  }
0x28b: {  	v9 =	vor.u32 @!p2 v9, v10  }
0x28c: {  	v10 =	vor.u32 @!p2 v2, v9  }
0x28d: {  	v9 =	vor.u32 @!p2 v3, v9;
	_ =	sdelay $0x3  }
0x28e: {  	v10 =	vld.idx.msk @!p2 [tilespmem:v10+s8+$0x0], $0xffff  }
0x28f: {  	v9 =	vld.idx.msk @!p2 [tilespmem:v9+s8+$0x0], $0xffff;
	_ =	sdelay $0x3  }
0x290: {  	s0 =	sshll.u32 @!p2 s24, $0x8;
	[tilespmem:$0x15300] =	vst @!p2 v10  }
0x291: {  	s28 =	simm.s32 @!p2 $0x15300;
	s0 =	sadd.s32 @!p2 s0, s12;
	[tilespmem:$0x15310] =	vst @!p2 v9  }
0x292: {  	[hbm4b:s0+s4] =	stream.linear.scatter @!p2 [tilespmem:s28], [sflag:$0x1], $0x80, $0x38;
	[tilespmem:$0x17100] =	vst v63  }
0x293: {  	s28 =	spop (v2sf)  }
0x294: {  	p2 =	seq.s32 s28, $0x0  }
0x295: {  	(v2sf) =	vpush @!p2 v7, $0x5;
	_ =	sdelay $0xe  }
0x296: {  	s0 =	spop @!p2 (v2sf)  }
0x297: {  	s0 =	sand.u32 @!p2 $0x3FF, s0  }
0x298: {  	v9 =	vmov @!p2 s0  }
0x299: {  	v10 =	vshll.u32 @!p2 v9, $0x3  }
0x29a: {  	(v2sf) =	vpush v8, $0x6;
	v9 =	vand.u32 @!p2 $0x7F, v9;
	v10 =	vand.u32 @!p2 $0x1C00, v10  }
0x29b: {  	v9 =	vor.u32 @!p2 v9, v10  }
0x29c: {  	v10 =	vor.u32 @!p2 v2, v9  }
0x29d: {  	v9 =	vor.u32 @!p2 v3, v9;
	_ =	sdelay $0x3  }
0x29e: {  	v10 =	vld.idx.msk @!p2 [tilespmem:v10+s8+$0x0], $0xffff  }
0x29f: {  	v9 =	vld.idx.msk @!p2 [tilespmem:v9+s8+$0x0], $0xffff;
	_ =	sdelay $0x3  }
0x2a0: {  	s0 =	sshll.u32 @!p2 s24, $0x8;
	[tilespmem:$0x15380] =	vst @!p2 v10  }
0x2a1: {  	s28 =	simm.s32 @!p2 $0x15380;
	s0 =	sadd.s32 @!p2 s0, s13;
	[tilespmem:$0x15390] =	vst @!p2 v9  }
0x2a2: {  	[hbm4b:s0+s4] =	stream.linear.scatter @!p2 [tilespmem:s28], [sflag:$0x1], $0x80, $0x38;
	[tilespmem:$0x17100] =	vst v63  }
0x2a3: {  	s28 =	spop (v2sf)  }
0x2a4: {  	p2 =	seq.s32 s28, $0x0  }
0x2a5: {  	(v2sf) =	vpush @!p2 v7, $0x6;
	_ =	sdelay $0xe  }
0x2a6: {  	s0 =	spop @!p2 (v2sf)  }
0x2a7: {  	s0 =	sand.u32 @!p2 $0x3FF, s0  }
0x2a8: {  	v9 =	vmov @!p2 s0  }
0x2a9: {  	v10 =	vshll.u32 @!p2 v9, $0x3  }
0x2aa: {  	(v2sf) =	vpush v8, $0x7;
	v9 =	vand.u32 @!p2 $0x7F, v9;
	v10 =	vand.u32 @!p2 $0x1C00, v10  }
0x2ab: {  	v9 =	vor.u32 @!p2 v9, v10  }
0x2ac: {  	v10 =	vor.u32 @!p2 v2, v9  }
0x2ad: {  	v9 =	vor.u32 @!p2 v3, v9;
	_ =	sdelay $0x3  }
0x2ae: {  	v10 =	vld.idx.msk @!p2 [tilespmem:v10+s8+$0x0], $0xffff  }
0x2af: {  	v9 =	vld.idx.msk @!p2 [tilespmem:v9+s8+$0x0], $0xffff;
	_ =	sdelay $0x3  }
0x2b0: {  	s0 =	sshll.u32 @!p2 s24, $0x8;
	[tilespmem:$0x15400] =	vst @!p2 v10  }
0x2b1: {  	s28 =	simm.s32 @!p2 $0x15400;
	s0 =	sadd.s32 @!p2 s0, s14;
	[tilespmem:$0x15410] =	vst @!p2 v9  }
0x2b2: {  	[hbm4b:s0+s4] =	stream.linear.scatter @!p2 [tilespmem:s28], [sflag:$0x1], $0x80, $0x38;
	[tilespmem:$0x17100] =	vst v63  }
0x2b3: {  	s28 =	spop (v2sf)  }
0x2b4: {  	p2 =	seq.s32 s28, $0x0  }
0x2b5: {  	(v2sf) =	vpush @!p2 v7, $0x7;
	_ =	sdelay $0xe  }
0x2b6: {  	s0 =	spop @!p2 (v2sf)  }
0x2b7: {  	s0 =	sand.u32 @!p2 $0x3FF, s0  }
0x2b8: {  	v9 =	vmov @!p2 s0  }
0x2b9: {  	v10 =	vshll.u32 @!p2 v9, $0x3  }
0x2ba: {  	(v2sf) =	vpush v8, $0x8;
	v9 =	vand.u32 @!p2 $0x7F, v9;
	v10 =	vand.u32 @!p2 $0x1C00, v10  }
0x2bb: {  	v9 =	vor.u32 @!p2 v9, v10  }
0x2bc: {  	v10 =	vor.u32 @!p2 v2, v9  }
0x2bd: {  	v9 =	vor.u32 @!p2 v3, v9;
	_ =	sdelay $0x3  }
0x2be: {  	v10 =	vld.idx.msk @!p2 [tilespmem:v10+s8+$0x0], $0xffff  }
0x2bf: {  	v9 =	vld.idx.msk @!p2 [tilespmem:v9+s8+$0x0], $0xffff;
	_ =	sdelay $0x3  }
0x2c0: {  	s0 =	sshll.u32 @!p2 s24, $0x8;
	[tilespmem:$0x15480] =	vst @!p2 v10  }
0x2c1: {  	s28 =	simm.s32 @!p2 $0x15480;
	s0 =	sadd.s32 @!p2 s0, s15;
	[tilespmem:$0x15490] =	vst @!p2 v9  }
0x2c2: {  	[hbm4b:s0+s4] =	stream.linear.scatter @!p2 [tilespmem:s28], [sflag:$0x1], $0x80, $0x38;
	[tilespmem:$0x17100] =	vst v63  }
0x2c3: {  	s28 =	spop (v2sf)  }
0x2c4: {  	p2 =	seq.s32 s28, $0x0  }
0x2c5: {  	(v2sf) =	vpush @!p2 v7, $0x8;
	_ =	sdelay $0xe  }
0x2c6: {  	s0 =	spop @!p2 (v2sf)  }
0x2c7: {  	s0 =	sand.u32 @!p2 $0x3FF, s0  }
0x2c8: {  	v9 =	vmov @!p2 s0  }
0x2c9: {  	v10 =	vshll.u32 @!p2 v9, $0x3  }
0x2ca: {  	(v2sf) =	vpush v8, $0x9;
	v9 =	vand.u32 @!p2 $0x7F, v9;
	v10 =	vand.u32 @!p2 $0x1C00, v10  }
0x2cb: {  	v9 =	vor.u32 @!p2 v9, v10  }
0x2cc: {  	v10 =	vor.u32 @!p2 v2, v9  }
0x2cd: {  	v9 =	vor.u32 @!p2 v3, v9;
	_ =	sdelay $0x3  }
0x2ce: {  	v10 =	vld.idx.msk @!p2 [tilespmem:v10+s8+$0x0], $0xffff  }
0x2cf: {  	v9 =	vld.idx.msk @!p2 [tilespmem:v9+s8+$0x0], $0xffff;
	_ =	sdelay $0x3  }
0x2d0: {  	s0 =	sshll.u32 @!p2 s24, $0x8;
	[tilespmem:$0x15500] =	vst @!p2 v10  }
0x2d1: {  	s28 =	simm.s32 @!p2 $0x15500;
	s0 =	sadd.s32 @!p2 s0, s16;
	[tilespmem:$0x15510] =	vst @!p2 v9  }
0x2d2: {  	[hbm4b:s0+s4] =	stream.linear.scatter @!p2 [tilespmem:s28], [sflag:$0x1], $0x80, $0x38;
	[tilespmem:$0x17100] =	vst v63  }
0x2d3: {  	s28 =	spop (v2sf)  }
0x2d4: {  	p2 =	seq.s32 s28, $0x0  }
0x2d5: {  	(v2sf) =	vpush @!p2 v7, $0x9;
	_ =	sdelay $0xe  }
0x2d6: {  	s0 =	spop @!p2 (v2sf)  }
0x2d7: {  	s0 =	sand.u32 @!p2 $0x3FF, s0  }
0x2d8: {  	v9 =	vmov @!p2 s0  }
0x2d9: {  	v10 =	vshll.u32 @!p2 v9, $0x3  }
0x2da: {  	(v2sf) =	vpush v8, $0xA;
	v9 =	vand.u32 @!p2 $0x7F, v9;
	v10 =	vand.u32 @!p2 $0x1C00, v10  }
0x2db: {  	v9 =	vor.u32 @!p2 v9, v10  }
0x2dc: {  	v10 =	vor.u32 @!p2 v2, v9  }
0x2dd: {  	v9 =	vor.u32 @!p2 v3, v9;
	_ =	sdelay $0x3  }
0x2de: {  	v10 =	vld.idx.msk @!p2 [tilespmem:v10+s8+$0x0], $0xffff  }
0x2df: {  	v9 =	vld.idx.msk @!p2 [tilespmem:v9+s8+$0x0], $0xffff;
	_ =	sdelay $0x3  }
0x2e0: {  	s0 =	sshll.u32 @!p2 s24, $0x8;
	[tilespmem:$0x15580] =	vst @!p2 v10  }
0x2e1: {  	s28 =	simm.s32 @!p2 $0x15580;
	s0 =	sadd.s32 @!p2 s0, s17;
	[tilespmem:$0x15590] =	vst @!p2 v9  }
0x2e2: {  	[hbm4b:s0+s4] =	stream.linear.scatter @!p2 [tilespmem:s28], [sflag:$0x1], $0x80, $0x38;
	[tilespmem:$0x17100] =	vst v63  }
0x2e3: {  	s28 =	spop (v2sf)  }
0x2e4: {  	p2 =	seq.s32 s28, $0x0  }
0x2e5: {  	(v2sf) =	vpush @!p2 v7, $0xA;
	_ =	sdelay $0xe  }
0x2e6: {  	s0 =	spop @!p2 (v2sf)  }
0x2e7: {  	s0 =	sand.u32 @!p2 $0x3FF, s0  }
0x2e8: {  	v9 =	vmov @!p2 s0  }
0x2e9: {  	v10 =	vshll.u32 @!p2 v9, $0x3  }
0x2ea: {  	(v2sf) =	vpush v8, $0xB;
	v9 =	vand.u32 @!p2 $0x7F, v9;
	v10 =	vand.u32 @!p2 $0x1C00, v10  }
0x2eb: {  	v9 =	vor.u32 @!p2 v9, v10  }
0x2ec: {  	v10 =	vor.u32 @!p2 v2, v9  }
0x2ed: {  	v9 =	vor.u32 @!p2 v3, v9;
	_ =	sdelay $0x3  }
0x2ee: {  	v10 =	vld.idx.msk @!p2 [tilespmem:v10+s8+$0x0], $0xffff  }
0x2ef: {  	v9 =	vld.idx.msk @!p2 [tilespmem:v9+s8+$0x0], $0xffff;
	_ =	sdelay $0x3  }
0x2f0: {  	s0 =	sshll.u32 @!p2 s24, $0x8;
	[tilespmem:$0x15600] =	vst @!p2 v10  }
0x2f1: {  	s28 =	simm.s32 @!p2 $0x15600;
	s0 =	sadd.s32 @!p2 s0, s18;
	[tilespmem:$0x15610] =	vst @!p2 v9  }
0x2f2: {  	[hbm4b:s0+s4] =	stream.linear.scatter @!p2 [tilespmem:s28], [sflag:$0x1], $0x80, $0x38;
	[tilespmem:$0x17100] =	vst v63  }
0x2f3: {  	s28 =	spop (v2sf)  }
0x2f4: {  	p2 =	seq.s32 s28, $0x0  }
0x2f5: {  	(v2sf) =	vpush @!p2 v7, $0xB;
	_ =	sdelay $0xe  }
0x2f6: {  	s0 =	spop @!p2 (v2sf)  }
0x2f7: {  	s0 =	sand.u32 @!p2 $0x3FF, s0  }
0x2f8: {  	v9 =	vmov @!p2 s0  }
0x2f9: {  	v10 =	vshll.u32 @!p2 v9, $0x3  }
0x2fa: {  	(v2sf) =	vpush v8, $0xC;
	v9 =	vand.u32 @!p2 $0x7F, v9;
	v10 =	vand.u32 @!p2 $0x1C00, v10  }
0x2fb: {  	v9 =	vor.u32 @!p2 v9, v10  }
0x2fc: {  	v10 =	vor.u32 @!p2 v2, v9  }
0x2fd: {  	v9 =	vor.u32 @!p2 v3, v9;
	_ =	sdelay $0x3  }
0x2fe: {  	v10 =	vld.idx.msk @!p2 [tilespmem:v10+s8+$0x0], $0xffff  }
0x2ff: {  	v9 =	vld.idx.msk @!p2 [tilespmem:v9+s8+$0x0], $0xffff;
	_ =	sdelay $0x3  }
0x300: {  	s0 =	sshll.u32 @!p2 s24, $0x8;
	[tilespmem:$0x15680] =	vst @!p2 v10  }
0x301: {  	s28 =	simm.s32 @!p2 $0x15680;
	s0 =	sadd.s32 @!p2 s0, s19;
	[tilespmem:$0x15690] =	vst @!p2 v9  }
0x302: {  	[hbm4b:s0+s4] =	stream.linear.scatter @!p2 [tilespmem:s28], [sflag:$0x1], $0x80, $0x38;
	[tilespmem:$0x17100] =	vst v63  }
0x303: {  	s28 =	spop (v2sf)  }
0x304: {  	p2 =	seq.s32 s28, $0x0  }
0x305: {  	(v2sf) =	vpush @!p2 v7, $0xC;
	_ =	sdelay $0xe  }
0x306: {  	s0 =	spop @!p2 (v2sf)  }
0x307: {  	s0 =	sand.u32 @!p2 $0x3FF, s0  }
0x308: {  	v9 =	vmov @!p2 s0  }
0x309: {  	v10 =	vshll.u32 @!p2 v9, $0x3  }
0x30a: {  	(v2sf) =	vpush v8, $0xD;
	v9 =	vand.u32 @!p2 $0x7F, v9;
	v10 =	vand.u32 @!p2 $0x1C00, v10  }
0x30b: {  	v9 =	vor.u32 @!p2 v9, v10  }
0x30c: {  	v10 =	vor.u32 @!p2 v2, v9  }
0x30d: {  	v9 =	vor.u32 @!p2 v3, v9;
	_ =	sdelay $0x3  }
0x30e: {  	v10 =	vld.idx.msk @!p2 [tilespmem:v10+s8+$0x0], $0xffff  }
0x30f: {  	v9 =	vld.idx.msk @!p2 [tilespmem:v9+s8+$0x0], $0xffff;
	_ =	sdelay $0x3  }
0x310: {  	s0 =	sshll.u32 @!p2 s24, $0x8;
	[tilespmem:$0x15700] =	vst @!p2 v10  }
0x311: {  	s28 =	simm.s32 @!p2 $0x15700;
	s0 =	sadd.s32 @!p2 s0, s20;
	[tilespmem:$0x15710] =	vst @!p2 v9  }
0x312: {  	[hbm4b:s0+s4] =	stream.linear.scatter @!p2 [tilespmem:s28], [sflag:$0x1], $0x80, $0x38;
	[tilespmem:$0x17100] =	vst v63  }
0x313: {  	s28 =	spop (v2sf)  }
0x314: {  	p2 =	seq.s32 s28, $0x0  }
0x315: {  	(v2sf) =	vpush @!p2 v7, $0xD;
	_ =	sdelay $0xe  }
0x316: {  	s0 =	spop @!p2 (v2sf)  }
0x317: {  	s0 =	sand.u32 @!p2 $0x3FF, s0  }
0x318: {  	v9 =	vmov @!p2 s0  }
0x319: {  	v10 =	vshll.u32 @!p2 v9, $0x3  }
0x31a: {  	(v2sf) =	vpush v8, $0xE;
	v9 =	vand.u32 @!p2 $0x7F, v9;
	v10 =	vand.u32 @!p2 $0x1C00, v10  }
0x31b: {  	v9 =	vor.u32 @!p2 v9, v10  }
0x31c: {  	v10 =	vor.u32 @!p2 v2, v9  }
0x31d: {  	v9 =	vor.u32 @!p2 v3, v9;
	_ =	sdelay $0x3  }
0x31e: {  	v10 =	vld.idx.msk @!p2 [tilespmem:v10+s8+$0x0], $0xffff  }
0x31f: {  	v9 =	vld.idx.msk @!p2 [tilespmem:v9+s8+$0x0], $0xffff;
	_ =	sdelay $0x3  }
0x320: {  	s0 =	sshll.u32 @!p2 s24, $0x8;
	[tilespmem:$0x15780] =	vst @!p2 v10  }
0x321: {  	s28 =	simm.s32 @!p2 $0x15780;
	s0 =	sadd.s32 @!p2 s0, s21;
	[tilespmem:$0x15790] =	vst @!p2 v9  }
0x322: {  	[hbm4b:s0+s4] =	stream.linear.scatter @!p2 [tilespmem:s28], [sflag:$0x1], $0x80, $0x38;
	[tilespmem:$0x17100] =	vst v63  }
0x323: {  	s28 =	spop (v2sf)  }
0x324: {  	p2 =	seq.s32 s28, $0x0  }
0x325: {  	(v2sf) =	vpush @!p2 v7, $0xE;
	_ =	sdelay $0xe  }
0x326: {  	s0 =	spop @!p2 (v2sf)  }
0x327: {  	s0 =	sand.u32 @!p2 $0x3FF, s0  }
0x328: {  	v9 =	vmov @!p2 s0  }
0x329: {  	v10 =	vshll.u32 @!p2 v9, $0x3  }
0x32a: {  	(v2sf) =	vpush v8, $0xF;
	v9 =	vand.u32 @!p2 $0x7F, v9;
	v10 =	vand.u32 @!p2 $0x1C00, v10  }
0x32b: {  	v9 =	vor.u32 @!p2 v9, v10  }
0x32c: {  	v10 =	vor.u32 @!p2 v2, v9  }
0x32d: {  	v9 =	vor.u32 @!p2 v3, v9;
	_ =	sdelay $0x3  }
0x32e: {  	v10 =	vld.idx.msk @!p2 [tilespmem:v10+s8+$0x0], $0xffff  }
0x32f: {  	v9 =	vld.idx.msk @!p2 [tilespmem:v9+s8+$0x0], $0xffff;
	_ =	sdelay $0x3  }
0x330: {  	s0 =	sshll.u32 @!p2 s24, $0x8;
	[tilespmem:$0x15800] =	vst @!p2 v10  }
0x331: {  	s28 =	simm.s32 @!p2 $0x15800;
	s0 =	sadd.s32 @!p2 s0, s22;
	[tilespmem:$0x15810] =	vst @!p2 v9  }
0x332: {  	[hbm4b:s0+s4] =	stream.linear.scatter @!p2 [tilespmem:s28], [sflag:$0x1], $0x80, $0x38;
	[tilespmem:$0x17100] =	vst v63  }
0x333: {  	s28 =	spop (v2sf)  }
0x334: {  	p2 =	seq.s32 s28, $0x0  }
0x335: {  	(v2sf) =	vpush @!p2 v7, $0xF;
	_ =	sdelay $0xe  }
0x336: {  	s0 =	spop @!p2 (v2sf)  }
0x337: {  	s0 =	sand.u32 @!p2 $0x3FF, s0  }
0x338: {  	v7 =	vmov @!p2 s0  }
0x339: {  	v8 =	vshll.u32 @!p2 v7, $0x3  }
0x33a: {  	v7 =	vand.u32 @!p2 $0x7F, v7;
	v8 =	vand.u32 @!p2 $0x1C00, v8  }
0x33b: {  	v7 =	vor.u32 @!p2 v7, v8  }
0x33c: {  	v8 =	vor.u32 @!p2 v2, v7  }
0x33d: {  	v7 =	vor.u32 @!p2 v3, v7;
	_ =	sdelay $0x3  }
0x33e: {  	v8 =	vld.idx.msk @!p2 [tilespmem:v8+s8+$0x0], $0xffff  }
0x33f: {  	v7 =	vld.idx.msk @!p2 [tilespmem:v7+s8+$0x0], $0xffff;
	_ =	sdelay $0x3  }
0x340: {  	s0 =	sshll.u32 @!p2 s24, $0x8;
	[tilespmem:$0x15880] =	vst @!p2 v8  }
0x341: {  	s0 =	sadd.s32 @!p2 s0, s23;
	[tilespmem:$0x15890] =	vst @!p2 v7  }
0x342: {  	[hbm4b:s0+s4] =	stream.linear.scatter @!p2 [tilespmem:s6], [sflag:$0x1], $0x80, $0x38;
	[tilespmem:$0x17100] =	vst v63  }
0x343: {  	p2 =	sne.s32 s25, $0x1  }
.Ltmp26:
0x344: {  	_ = 	snop;
	(pc) =	sbr.rel @!p2 .LBB2_31-.Ltmp26, $3  }
0x345: {  	_ =	sdelay $0x1  }
0x346: {  	_ =	swait.ge [sflag:s31], $0x80  }
0x347: {  	s0 =	sadd.s32 $0xFFFFFFFF, s25;
	[sflag:s31] =	ssyncset.done $0x0  }
.LBB2_30:
0x348: {  	p2 =	sne.s32 s0, $0x1;
	s0 =	sadd.s32 $0xFFFFFFFF, s0;
	[sflag:s31] =	ssyncadd.s32 $0xFFFFFF80  }
.Ltmp27:
0x349: {  	(pc) =	sbr.rel @p2 .LBB2_30-.Ltmp27, $3  }
0x34a: {  	_ =	sdelay $0x1  }
0x34b: {  	_ =	swait.ge [sflag:s31], $0x80  }
0x34c: {  	[sflag:s31] =	ssyncset.done $0x0  }
.Ltmp28:
0x34d: {  	_ = 	snop;
	(pc) =	sbr.rel .LBB2_31-.Ltmp28, $1  }
0x34e: {  	_ =	sdelay $0x3  }
.LBB2_33:
0x34f: {  	p2 =	slt.s32 s0, $0x1  }
.Ltmp29:
0x350: {  	_ = 	snop;
	(pc) =	sbr.rel @p2 .LBB2_42-.Ltmp29, $2  }
0x351: {  	_ =	sdelay $0x2  }
0x352: {  	s24 =	simm.s32 $0x15100  }
0x353: {  	p4 =	seq.s32 s0, $0x1  }
.Ltmp30:
0x354: {  	_ = 	snop;
	(pc) =	sbr.rel @p4 .LBB2_35-.Ltmp30, $2  }
0x355: {  	_ =	sdelay $0x2  }
0x356: {  	v6 =	vmov s3;
	s6 =	sadd.s32 $0xFFFFFFFF, s0;
	p2 =	por $0x0, $0x0;
	p3 =	por $0x0, $0x0  }
0x357: {  	_ =	sdelay $0x3  }
0x358: {  	v7 =	vld.idx.msk [tilespmem:v6+s1+$0x0], $0xffff;
	_ =	sdelay $0x4  }
0x359: {  	(v2sf) =	vpush v7, $0x0;
	_ =	sdelay $0x6  }
0x35a: {  	v6 =	vld.idx.msk [tilespmem:v6+s5+$0x0], $0xffff;
	_ =	sdelay $0x4  }
0x35b: {  	(v2sf) =	vpush v6, $0x0;
	_ =	sdelay $0x2  }
0x35c: {  	s0 =	spop (v2sf)  }
0x35d: {  	s0 =	sand.u32 $0x3FF, s0  }
0x35e: {  	v6 =	vmov s0  }
0x35f: {  	v7 =	vshll.u32 v6, $0x3  }
0x360: {  	v6 =	vand.u32 $0x7F, v6;
	v7 =	vand.u32 $0x1C00, v7  }
0x361: {  	v6 =	vor.u32 v6, v7  }
0x362: {  	v7 =	vor.u32 v2, v6  }
0x363: {  	v6 =	vor.u32 v3, v6  }
0x364: {  	p4 =	seq.s32 s6, $0x1  }
.Ltmp31:
0x365: {  	_ = 	snop;
	(pc) =	sbr.rel @p4 .LBB2_37-.Ltmp31, $4  }
0x366: {  	_ = 	snop  }
0x367: {  	v7 =	vld.idx.msk [tilespmem:v7+s8+$0x0], $0xffff  }
0x368: {  	s28 =	spop (v2sf);
	s0 =	sadd.s32 $0x1, s3;
	v8 =	vld.idx.msk [tilespmem:v6+s8+$0x0], $0xffff  }
0x369: {  	s25 =	sadd.s32 $0xFFFFFFFF, s6;
	p2 =	por $0x1, $0x1;
	s28 =	sshll.u32 s28, $0x4;
	v6 =	vmov s0  }
0x36a: {  	_ =	sdelay $0x1  }
0x36b: {  	s6 =	sand.u32 $0x1FFFFFF0, s28;
	[tilespmem:s24+$0x0] =	vst v7  }
0x36c: {  	s6 =	sadd.s32 s7, s6;
	[tilespmem:s24+$0x10] =	vst v8  }
0x36d: {  	[hbm4b:s6+s4] =	stream.linear.scatter [tilespmem:s24], [sflag:$0x1], $0x80, $0x38;
	[tilespmem:$0x17100] =	vst v63  }
0x36e: {  	v7 =	vld.idx.msk [tilespmem:v6+s1+$0x0], $0xffff;
	_ =	sdelay $0x4  }
0x36f: {  	(v2sf) =	vpush v7, $0x0;
	_ =	sdelay $0x7  }
0x370: {  	v6 =	vld.idx.msk [tilespmem:v6+s5+$0x0], $0xffff;
	_ =	sdelay $0x4  }
0x371: {  	(v2sf) =	vpush v6, $0x0;
	_ =	sdelay $0x1  }
0x372: {  	s6 =	spop (v2sf)  }
0x373: {  	s6 =	sand.u32 $0x3FF, s6  }
0x374: {  	v6 =	vmov s6  }
0x375: {  	v7 =	vshll.u32 v6, $0x3  }
0x376: {  	v6 =	vand.u32 $0x7F, v6;
	v7 =	vand.u32 $0x1C00, v7  }
0x377: {  	v6 =	vor.u32 v6, v7  }
0x378: {  	v7 =	vor.u32 v2, v6  }
0x379: {  	v6 =	vor.u32 v3, v6;
	_ =	sdelay $0x1  }
0x37a: {  	p4 =	seq.s32 s25, $0x1  }
.Ltmp32:
0x37b: {  	_ = 	snop;
	(pc) =	sbr.rel @p4 .LBB2_39-.Ltmp32, $4  }
0x37c: {  	v7 =	vld.idx.msk [tilespmem:v7+s8+$0x0], $0xffff  }
0x37d: {  	s6 =	sadd.s32 $0x1, s0;
	v8 =	vld.idx.msk [tilespmem:v6+s8+$0x0], $0xffff  }
0x37e: {  	p3 =	por $0x1, $0x1;
	s28 =	spop (v2sf);
	v6 =	vmov s6  }
0x37f: {  	s0 =	sadd.s32 $0xFFFFFFFF, s25;
	s28 =	sshll.u32 s28, $0x4;
	s25 =	simm.s32 $0x15100  }
.LBB2_40:
0x380: {  	p4 =	seq.s32 s0, $0x1;
	s28 =	sand.u32 $0x1FFFFFF0, s28;
	s25 =	sadd.s32 $0x80, s25  }
0x381: {  	[tilespmem:s25+$0x0] =	vst v7;
	s28 =	sadd.s32 s7, s28  }
0x382: {  	[tilespmem:s25+$0x10] =	vst v8;
	[hbm4b:s28+s4] =	stream.linear.scatter [tilespmem:s25], [sflag:$0x1], $0x80, $0x38  }
0x383: {  	v7 =	vld.idx.msk [tilespmem:v6+s1+$0x0], $0xffff;
	_ =	sdelay $0x5  }
0x384: {  	(v2sf) =	vpush v7, $0x0;
	_ =	sdelay $0x7  }
0x385: {  	v6 =	vld.idx.msk [tilespmem:v6+s5+$0x0], $0xffff;
	_ =	sdelay $0x5  }
0x386: {  	(v2sf) =	vpush v6, $0x0  }
0x387: {  	s28 =	spop (v2sf)  }
0x388: {  	s28 =	sand.u32 $0x3FF, s28  }
0x389: {  	v6 =	vmov s28  }
0x38a: {  	v7 =	vshll.u32 v6, $0x3  }
0x38b: {  	v6 =	vand.u32 $0x7F, v6;
	v7 =	vand.u32 $0x1C00, v7  }
0x38c: {  	v6 =	vor.u32 v6, v7  }
0x38d: {  	v7 =	vor.u32 v2, v6  }
0x38e: {  	v6 =	vor.u32 v3, v6;
	_ =	sdelay $0x3  }
.Ltmp33:
0x38f: {  	v7 =	vld.idx.msk [tilespmem:v7+s8+$0x0], $0xffff;
	(pc) =	sbr.rel @!p4 .LBB2_40-.Ltmp33, $4  }
0x390: {  	v8 =	vld.idx.msk [tilespmem:v6+s8+$0x0], $0xffff  }
0x391: {  	s6 =	sadd.s32 $0x1, s6  }
0x392: {  	v6 =	vmov s6;
	s28 =	spop (v2sf)  }
0x393: {  	s0 =	sadd.s32 $0xFFFFFFFF, s0;
	s28 =	sshll.u32 s28, $0x4  }
.Ltmp34:
0x394: {  	_ = 	snop;
	(pc) =	sbr.rel .LBB2_41-.Ltmp34, $1  }
0x395: {  	_ =	sdelay $0x3  }
.LBB2_15:
.Ltmp35:
0x396: {  	(pc) =	sbr.rel .LBB2_21-.Ltmp35, $2  }
0x397: {  	_ =	sdelay $0x2  }
0x398: {  	s25 =	simm.s32 $0x15100  }
.LBB2_17:
.Ltmp36:
0x399: {  	(pc) =	sbr.rel .LBB2_21-.Ltmp36, $2  }
0x39a: {  	_ =	sdelay $0x2  }
0x39b: {  	s25 =	simm.s32 $0x15100  }
.LBB2_37:
.Ltmp37:
0x39c: {  	(pc) =	sbr.rel .LBB2_41-.Ltmp37, $2  }
0x39d: {  	_ =	sdelay $0x2  }
0x39e: {  	s25 =	simm.s32 $0x15100  }
.LBB2_19:
.Ltmp38:
0x39f: {  	(pc) =	sbr.rel .LBB2_21-.Ltmp38, $2  }
0x3a0: {  	_ =	sdelay $0x2  }
0x3a1: {  	s25 =	simm.s32 $0x15100  }
.LBB2_39:
.Ltmp39:
0x3a2: {  	(pc) =	sbr.rel .LBB2_41-.Ltmp39, $2  }
0x3a3: {  	_ =	sdelay $0x2  }
0x3a4: {  	s25 =	simm.s32 $0x15100  }
.LBB2_43:
0x3a5: {  	s3 =	simm.s32 @!p0 $0x2  }
0x3a6: {  	_ =	swait.ge @!p0 [sflag:s3], $0x8000  }
0x3a7: {  	[sflag:s3] =	ssyncset.done @!p0 $0x0  }
0x3a8: {  	[sflag:s3] =	ssyncadd.s32 @!p0 $0xFFFF8000;
	s3 =	simm.s32 @!p1 $0x2  }
0x3a9: {  	p2 =	slt.s32 s0, $0x1;
	_ =	swait.ge @!p1 [sflag:s3], $0x4000  }
.Ltmp40:
0x3aa: {  	[sflag:s3] =	ssyncset.done @!p1 $0x0;
	(pc) =	sbr.rel @p2 .LBB2_47-.Ltmp40, $4  }
0x3ab: {  	[sflag:s3] =	ssyncadd.s32 @!p1 $0xFFFFC000  }
0x3ac: {  	_ =	swait.ge @!p1 [sflag:s3], $0x1000  }
0x3ad: {  	[sflag:s3] =	ssyncset.done @!p1 $0x0  }
0x3ae: {  	s6 =	simm.s32 $0x15880;
	[sflag:s3] =	ssyncadd.s32 @!p1 $0xFFFFF000  }
0x3af: {  	p2 =	sne.s32 s0, $0x1  }
.Ltmp41:
0x3b0: {  	_ = 	snop;
	(pc) =	sbr.rel @!p2 .LBB2_46-.Ltmp41, $3  }
0x3b1: {  	_ =	sdelay $0x1  }
0x3b2: {  	_ =	swait.ge [sflag:s31], $0x80  }
0x3b3: {  	s0 =	sadd.s32 $0xFFFFFFFF, s0;
	[sflag:s31] =	ssyncset.done $0x0  }
.LBB2_45:
0x3b4: {  	p2 =	sne.s32 s0, $0x1;
	s0 =	sadd.s32 $0xFFFFFFFF, s0;
	[sflag:s31] =	ssyncadd.s32 $0xFFFFFF80  }
.Ltmp42:
0x3b5: {  	(pc) =	sbr.rel @p2 .LBB2_45-.Ltmp42, $3  }
0x3b6: {  	_ =	sdelay $0x1  }
0x3b7: {  	_ =	swait.ge [sflag:s31], $0x80  }
0x3b8: {  	[sflag:s31] =	ssyncset.done $0x0  }
.LBB2_46:
0x3b9: {  	[sflag:s31] =	ssyncadd.s32 $0xFFFFFF80  }
.LBB2_47:
0x3ba: {  	_ =	sdelay $0x3  }
0x3bb: {  	v5 =	vld.idx.msk [tilespmem:v4+s29+$0x0], $0xffff;
	s0 =	simm.s32 $0x15080  }
0x3bc: {  	v6 =	vld.idx.msk [tilespmem:v4+s0+$0x0], $0xffff;
	_ =	sdelay $0x3  }
0x3bd: {  	(v2sf) =	vpush v5, $0x0  }
0x3be: {  	(v2sf) =	vpush v6, $0x0;
	_ =	sdelay $0xd  }
0x3bf: {  	s24 =	spop (v2sf)  }
0x3c0: {  	s30 =	spop (v2sf)  }
0x3c1: {  	p2 =	sne.s32 s30, $0x0  }
.Ltmp43:
0x3c2: {  	_ = 	snop;
	(pc) =	sbr.rel @p2 .LBB2_55-.Ltmp43, $2  }
0x3c3: {  	_ =	sdelay $0x2  }
0x3c4: {  	s3 =	simm.s32 $0x0  }
0x3c5: {  	p2 =	slt.s32 s24, $0x1  }
.Ltmp44:
0x3c6: {  	_ = 	snop;
	(pc) =	sbr.rel @p2 .LBB2_60-.Ltmp44, $1  }
0x3c7: {  	_ =	sdelay $0x3  }
0x3c8: {  	s0 =	simm.s32 $0x780  }
0x3c9: {  	v5 =	vmov s0;
	_ =	sdelay $0x4  }
0x3ca: {  	v6 =	vld.idx.msk [tilespmem:v5+s1+$0x0], $0xffff;
	_ =	sdelay $0x4  }
0x3cb: {  	(v2sf) =	vpush v6, $0x0;
	_ =	sdelay $0xe  }
0x3cc: {  	s30 =	spop (v2sf)  }
0x3cd: {  	s0 =	sand.u32 $0x3FF, s30  }
0x3ce: {  	v6 =	vmov s0  }
0x3cf: {  	v7 =	vshll.u32 v6, $0x3  }
0x3d0: {  	v6 =	vand.u32 $0x7F, v6;
	v7 =	vand.u32 $0x1C00, v7  }
0x3d1: {  	v6 =	vor.u32 v6, v7  }
0x3d2: {  	v7 =	vor.u32 v2, v6  }
0x3d3: {  	p3 =	seq.s32 s24, $0x1;
	v8 =	vld.idx.msk [tilespmem:v5+s5+$0x0], $0xffff;
	v6 =	vor.u32 v3, v6  }
.Ltmp45:
0x3d4: {  	_ = 	snop;
	(pc) =	sbr.rel @p3 .LBB2_50-.Ltmp45, $3  }
0x3d5: {  	_ =	sdelay $0x1  }
0x3d6: {  	v5 =	vld.idx.msk [tilespmem:v7+s2+$0x0], $0xffff  }
0x3d7: {  	s3 =	simm.s32 $0x15100;
	p2 =	por $0x0, $0x0;
	(v2sf) =	vpush v8, $0x0;
	v6 =	vld.idx.msk [tilespmem:v6+s2+$0x0], $0xffff  }
0x3d8: {  	_ =	sdelay $0xc  }
0x3d9: {  	s0 =	simm.s32 $0x781  }
0x3da: {  	v7 =	vmov s0;
	s28 =	spop (v2sf)  }
0x3db: {  	s0 =	sshll.u32 s28, $0x4  }
0x3dc: {  	[tilespmem:s3+$0x0] =	vst v5;
	s0 =	sand.u32 $0x1FFFFFF0, s0  }
0x3dd: {  	[tilespmem:s3+$0x10] =	vst v6;
	s0 =	sadd.s32 s7, s0  }
0x3de: {  	[hbm4b:s0+s4] =	stream.linear.scatter [tilespmem:s3], [sflag:$0x1], $0x80, $0x38;
	[tilespmem:$0x17100] =	vst v63  }
0x3df: {  	v5 =	vld.idx.msk [tilespmem:v7+s1+$0x0], $0xffff;
	_ =	sdelay $0x4  }
0x3e0: {  	(v2sf) =	vpush v5, $0x0;
	_ =	sdelay $0x9  }
0x3e1: {  	v7 =	vld.idx.msk [tilespmem:v7+s5+$0x0], $0xffff;
	_ =	sdelay $0x4  }
0x3e2: {  	s30 =	spop (v2sf);
	(v2sf) =	vpush v7, $0x0;
	_ =	sdelay $0x1  }
0x3e3: {  	s0 =	sand.u32 $0x3FF, s30  }
0x3e4: {  	v5 =	vmov s0  }
0x3e5: {  	v6 =	vshll.u32 v5, $0x3  }
0x3e6: {  	v5 =	vand.u32 $0x7F, v5;
	v6 =	vand.u32 $0x1C00, v6  }
0x3e7: {  	v5 =	vor.u32 v5, v6  }
0x3e8: {  	v6 =	vor.u32 v2, v5  }
0x3e9: {  	p3 =	seq.s32 s24, $0x2;
	v8 =	vor.u32 v3, v5  }
.Ltmp46:
0x3ea: {  	_ = 	snop;
	(pc) =	sbr.rel @p3 .LBB2_52-.Ltmp46, $3  }
0x3eb: {  	_ =	sdelay $0x1  }
0x3ec: {  	v5 =	vld.idx.msk [tilespmem:v6+s2+$0x0], $0xffff  }
0x3ed: {  	p2 =	por $0x1, $0x1;
	s6 =	simm.s32 $0x15100;
	s0 =	simm.s32 $0x2;
	v6 =	vld.idx.msk [tilespmem:v8+s2+$0x0], $0xffff  }
.LBB2_53:
0x3ee: {  	s25 =	sadd.s32 $0x780, s0  }
0x3ef: {  	s0 =	sadd.s32 $0x1, s0;
	v7 =	vmov s25;
	s25 =	spop (v2sf)  }
0x3f0: {  	p3 =	seq.s32 s24, s0;
	s25 =	sshll.u32 s25, $0x4  }
0x3f1: {  	s6 =	sadd.s32 $0x80, s6;
	s25 =	sand.u32 $0x1FFFFFF0, s25  }
0x3f2: {  	[tilespmem:s6+$0x0] =	vst v5;
	s25 =	sadd.s32 s7, s25  }
0x3f3: {  	[tilespmem:s6+$0x10] =	vst v6;
	[hbm4b:s25+s4] =	stream.linear.scatter [tilespmem:s6], [sflag:$0x1], $0x80, $0x38  }
0x3f4: {  	v5 =	vld.idx.msk [tilespmem:v7+s1+$0x0], $0xffff;
	_ =	sdelay $0x5  }
0x3f5: {  	(v2sf) =	vpush v5, $0x0;
	_ =	sdelay $0x7  }
0x3f6: {  	v5 =	vld.idx.msk [tilespmem:v7+s5+$0x0], $0xffff;
	_ =	sdelay $0x5  }
0x3f7: {  	(v2sf) =	vpush v5, $0x0  }
0x3f8: {  	s25 =	spop (v2sf)  }
0x3f9: {  	s25 =	sand.u32 $0x3FF, s25  }
0x3fa: {  	v5 =	vmov s25  }
0x3fb: {  	v6 =	vshll.u32 v5, $0x3  }
0x3fc: {  	v5 =	vand.u32 $0x7F, v5;
	v6 =	vand.u32 $0x1C00, v6  }
0x3fd: {  	v5 =	vor.u32 v5, v6  }
0x3fe: {  	v6 =	vor.u32 v2, v5  }
0x3ff: {  	v7 =	vor.u32 v3, v5  }
.Ltmp47:
0x400: {  	(pc) =	sbr.rel @!p3 .LBB2_53-.Ltmp47, $3  }
0x401: {  	_ =	sdelay $0x1  }
0x402: {  	v5 =	vld.idx.msk [tilespmem:v6+s2+$0x0], $0xffff  }
0x403: {  	v6 =	vld.idx.msk [tilespmem:v7+s2+$0x0], $0xffff  }
.LBB2_54:
0x404: {  	_ = 	snop  }
0x405: {  	s6 =	sadd.s32 @p2 $0x80, s6;
	s0 =	spop (v2sf)  }
0x406: {  	s3 =	smov.u32 @p2 s6;
	s0 =	sshll.u32 s0, $0x4  }
0x407: {  	s0 =	sand.u32 $0x1FFFFFF0, s0;
	[tilespmem:s3+$0x0] =	vst v5  }
0x408: {  	s0 =	sadd.s32 s7, s0;
	[tilespmem:s3+$0x10] =	vst v6  }
0x409: {  	[hbm4b:s0+s4] =	stream.linear.scatter [tilespmem:s3], [sflag:$0x1], $0x80, $0x38;
	[tilespmem:$0x17100] =	vst v63  }
.LBB2_60:
0x40a: {  	_ =	sdelay $0x3  }
0x40b: {  	v5 =	vld.idx.msk [tilespmem:v4+s29+$0x0], $0xffff;
	s0 =	simm.s32 $0x15080  }
0x40c: {  	v6 =	vld.idx.msk [tilespmem:v4+s0+$0x0], $0xffff;
	_ =	sdelay $0x3  }
0x40d: {  	(v2sf) =	vpush v5, $0x0  }
0x40e: {  	(v2sf) =	vpush v6, $0x0;
	_ =	sdelay $0xd  }
0x40f: {  	s0 =	spop (v2sf)  }
0x410: {  	s3 =	spop (v2sf)  }
0x411: {  	p2 =	sne.s32 s3, $0x0  }
0x412: {  	p3 =	slt.s32 @!p2 s0, $0x1  }
0x413: {  	p2 =	por p2, p3  }
.Ltmp48:
0x414: {  	_ = 	snop;
	(pc) =	sbr.rel @p2 .LBB2_64-.Ltmp48, $2  }
0x415: {  	_ =	sdelay $0x2  }
0x416: {  	s6 =	rddreg [dreg:$0xd];
	s3 =	simm.s32 $0x0  }
0x417: {  	s3 =	sadd.s32 $0x1, s3  }
0x418: {  	p2 =	sgt.s32 s0, s3  }
.Ltmp49:
0x419: {  	_ = 	snop;
	(pc) =	sbr.rel @!p2 .LBB2_63-.Ltmp49, $3  }
0x41a: {  	_ =	sdelay $0x1  }
0x41b: {  	_ =	swait.ge [sflag:s31], $0x80  }
0x41c: {  	[sflag:s31] =	ssyncset.done $0x0  }
.LBB2_62:
0x41d: {  	s3 =	sadd.s32 $0x1, s3  }
0x41e: {  	[sflag:s31] =	ssyncadd.s32 $0xFFFFFF80;
	p2 =	sgt.s32 s0, s3  }
.Ltmp50:
0x41f: {  	(pc) =	sbr.rel @p2 .LBB2_62-.Ltmp50, $3  }
0x420: {  	_ =	sdelay $0x1  }
0x421: {  	_ =	swait.ge [sflag:s31], $0x80  }
0x422: {  	[sflag:s31] =	ssyncset.done $0x0  }
.Ltmp51:
0x423: {  	_ = 	snop;
	(pc) =	sbr.rel .LBB2_63-.Ltmp51, $1  }
0x424: {  	_ =	sdelay $0x3  }
.LBB2_58:
0x425: {  	[sflag:s31] =	ssyncadd.s32 $0xFFFFFF80  }
.LBB2_59:
0x426: {  	s3 =	sadd.s32 $0x1, s3  }
0x427: {  	p2 =	sne.s32 s3, $0x400  }
.Ltmp52:
0x428: {  	_ = 	snop;
	(pc) =	sbr.rel @!p2 .LBB2_60-.Ltmp52, $1  }
0x429: {  	_ =	sdelay $0x3  }
.LBB2_55:
0x42a: {  	s0 =	sshll.u32 s3, $0x4  }
0x42b: {  	s0 =	sand.u32 $0x3FFFFFF0, s0  }
0x42c: {  	v5 =	vld [tilespmem:s0+$0x0];
	_ =	sdelay $0x4  }
0x42d: {  	v6 =	vshrl.u32 v5, $0xA  }
0x42e: {  	vm0 =	veq.s32 v6, v0  }
0x42f: {  	v6 =	vmpcnt.ones.xlane vm0;
	_ =	sdelay $0x1  }
0x430: {  	(v2sf) =	vpush v6, $0x0;
	_ =	sdelay $0xe  }
0x431: {  	s24 =	spop (v2sf)  }
0x432: {  	p2 =	slt.s32 s24, $0x1  }
.Ltmp53:
0x433: {  	_ = 	snop;
	(pc) =	sbr.rel @p2 .LBB2_59-.Ltmp53, $1  }
0x434: {  	_ =	sdelay $0x3  }
0x435: {  	v6 =	vsel vm0, $0x1, v1  }
0x436: {  	(v2sf) =	vpush v6, $0x0;
	_ =	sdelay $0xe  }
0x437: {  	s0 =	spop (v2sf)  }
0x438: {  	p2 =	seq.s32 s0, $0x0  }
0x439: {  	(v2sf) =	vpush @!p2 v5, $0x0;
	_ =	sdelay $0xe  }
0x43a: {  	s0 =	spop @!p2 (v2sf)  }
0x43b: {  	s0 =	sand.u32 @!p2 $0x3FF, s0  }
0x43c: {  	(v2sf) =	vpush v6, $0x1;
	v7 =	vmov @!p2 s0  }
0x43d: {  	v8 =	vshll.u32 @!p2 v7, $0x3  }
0x43e: {  	v7 =	vand.u32 @!p2 $0x7F, v7;
	v8 =	vand.u32 @!p2 $0x1C00, v8  }
0x43f: {  	v7 =	vor.u32 @!p2 v7, v8  }
0x440: {  	v8 =	vor.u32 @!p2 v2, v7  }
0x441: {  	v7 =	vor.u32 @!p2 v3, v7;
	_ =	sdelay $0x3  }
0x442: {  	v8 =	vld.idx.msk @!p2 [tilespmem:v8+s2+$0x0], $0xffff  }
0x443: {  	v7 =	vld.idx.msk @!p2 [tilespmem:v7+s2+$0x0], $0xffff;
	_ =	sdelay $0x3  }
0x444: {  	s0 =	sshll.u32 @!p2 s3, $0x8;
	[tilespmem:$0x15100] =	vst @!p2 v8  }
0x445: {  	s25 =	simm.s32 @!p2 $0x15100;
	s0 =	sadd.s32 @!p2 s7, s0;
	s26 =	spop (v2sf);
	[tilespmem:$0x15110] =	vst @!p2 v7  }
0x446: {  	[hbm4b:s0+s4] =	stream.linear.scatter @!p2 [tilespmem:s25], [sflag:$0x1], $0x80, $0x38;
	[tilespmem:$0x17100] =	vst v63  }
0x447: {  	p2 =	seq.s32 s26, $0x0  }
0x448: {  	(v2sf) =	vpush @!p2 v5, $0x1;
	_ =	sdelay $0xe  }
0x449: {  	s0 =	spop @!p2 (v2sf)  }
0x44a: {  	s0 =	sand.u32 @!p2 $0x3FF, s0  }
0x44b: {  	(v2sf) =	vpush v6, $0x2;
	v7 =	vmov @!p2 s0  }
0x44c: {  	v8 =	vshll.u32 @!p2 v7, $0x3  }
0x44d: {  	v7 =	vand.u32 @!p2 $0x7F, v7;
	v8 =	vand.u32 @!p2 $0x1C00, v8  }
0x44e: {  	v7 =	vor.u32 @!p2 v7, v8  }
0x44f: {  	v8 =	vor.u32 @!p2 v2, v7  }
0x450: {  	v7 =	vor.u32 @!p2 v3, v7;
	_ =	sdelay $0x3  }
0x451: {  	v8 =	vld.idx.msk @!p2 [tilespmem:v8+s2+$0x0], $0xffff  }
0x452: {  	v7 =	vld.idx.msk @!p2 [tilespmem:v7+s2+$0x0], $0xffff;
	_ =	sdelay $0x3  }
0x453: {  	s0 =	sshll.u32 @!p2 s3, $0x8;
	[tilespmem:$0x15180] =	vst @!p2 v8  }
0x454: {  	s25 =	simm.s32 @!p2 $0x15180;
	s0 =	sadd.s32 @!p2 s0, s9;
	s28 =	spop (v2sf);
	[tilespmem:$0x15190] =	vst @!p2 v7  }
0x455: {  	[hbm4b:s0+s4] =	stream.linear.scatter @!p2 [tilespmem:s25], [sflag:$0x1], $0x80, $0x38;
	[tilespmem:$0x17100] =	vst v63  }
0x456: {  	p2 =	seq.s32 s28, $0x0  }
0x457: {  	(v2sf) =	vpush @!p2 v5, $0x2;
	_ =	sdelay $0xe  }
0x458: {  	s0 =	spop @!p2 (v2sf)  }
0x459: {  	s0 =	sand.u32 @!p2 $0x3FF, s0  }
0x45a: {  	(v2sf) =	vpush v6, $0x3;
	v7 =	vmov @!p2 s0  }
0x45b: {  	v8 =	vshll.u32 @!p2 v7, $0x3  }
0x45c: {  	v7 =	vand.u32 @!p2 $0x7F, v7;
	v8 =	vand.u32 @!p2 $0x1C00, v8  }
0x45d: {  	v7 =	vor.u32 @!p2 v7, v8  }
0x45e: {  	v8 =	vor.u32 @!p2 v2, v7  }
0x45f: {  	v7 =	vor.u32 @!p2 v3, v7;
	_ =	sdelay $0x3  }
0x460: {  	v8 =	vld.idx.msk @!p2 [tilespmem:v8+s2+$0x0], $0xffff  }
0x461: {  	v7 =	vld.idx.msk @!p2 [tilespmem:v7+s2+$0x0], $0xffff;
	_ =	sdelay $0x3  }
0x462: {  	s0 =	sshll.u32 @!p2 s3, $0x8;
	[tilespmem:$0x15200] =	vst @!p2 v8  }
0x463: {  	s25 =	simm.s32 @!p2 $0x15200;
	s0 =	sadd.s32 @!p2 s0, s10;
	s30 =	spop (v2sf);
	[tilespmem:$0x15210] =	vst @!p2 v7  }
0x464: {  	[hbm4b:s0+s4] =	stream.linear.scatter @!p2 [tilespmem:s25], [sflag:$0x1], $0x80, $0x38;
	[tilespmem:$0x17100] =	vst v63  }
0x465: {  	p2 =	seq.s32 s30, $0x0  }
0x466: {  	(v2sf) =	vpush @!p2 v5, $0x3;
	_ =	sdelay $0xe  }
0x467: {  	s0 =	spop @!p2 (v2sf)  }
0x468: {  	s0 =	sand.u32 @!p2 $0x3FF, s0  }
0x469: {  	v7 =	vmov @!p2 s0  }
0x46a: {  	v8 =	vshll.u32 @!p2 v7, $0x3  }
0x46b: {  	(v2sf) =	vpush v6, $0x4;
	v7 =	vand.u32 @!p2 $0x7F, v7;
	v8 =	vand.u32 @!p2 $0x1C00, v8  }
0x46c: {  	v7 =	vor.u32 @!p2 v7, v8  }
0x46d: {  	v8 =	vor.u32 @!p2 v2, v7  }
0x46e: {  	v7 =	vor.u32 @!p2 v3, v7;
	_ =	sdelay $0x3  }
0x46f: {  	v8 =	vld.idx.msk @!p2 [tilespmem:v8+s2+$0x0], $0xffff  }
0x470: {  	v7 =	vld.idx.msk @!p2 [tilespmem:v7+s2+$0x0], $0xffff;
	_ =	sdelay $0x3  }
0x471: {  	s0 =	sshll.u32 @!p2 s3, $0x8;
	[tilespmem:$0x15280] =	vst @!p2 v8  }
0x472: {  	s25 =	simm.s32 @!p2 $0x15280;
	s0 =	sadd.s32 @!p2 s0, s11;
	[tilespmem:$0x15290] =	vst @!p2 v7  }
0x473: {  	[hbm4b:s0+s4] =	stream.linear.scatter @!p2 [tilespmem:s25], [sflag:$0x1], $0x80, $0x38;
	[tilespmem:$0x17100] =	vst v63  }
0x474: {  	s25 =	spop (v2sf)  }
0x475: {  	p2 =	seq.s32 s25, $0x0  }
0x476: {  	(v2sf) =	vpush @!p2 v5, $0x4;
	_ =	sdelay $0xe  }
0x477: {  	s0 =	spop @!p2 (v2sf)  }
0x478: {  	s0 =	sand.u32 @!p2 $0x3FF, s0  }
0x479: {  	(v2sf) =	vpush v6, $0x5;
	v7 =	vmov @!p2 s0  }
0x47a: {  	v8 =	vshll.u32 @!p2 v7, $0x3  }
0x47b: {  	v7 =	vand.u32 @!p2 $0x7F, v7;
	v8 =	vand.u32 @!p2 $0x1C00, v8  }
0x47c: {  	v7 =	vor.u32 @!p2 v7, v8  }
0x47d: {  	v8 =	vor.u32 @!p2 v2, v7  }
0x47e: {  	v7 =	vor.u32 @!p2 v3, v7;
	_ =	sdelay $0x3  }
0x47f: {  	v8 =	vld.idx.msk @!p2 [tilespmem:v8+s2+$0x0], $0xffff  }
0x480: {  	v7 =	vld.idx.msk @!p2 [tilespmem:v7+s2+$0x0], $0xffff;
	_ =	sdelay $0x3  }
0x481: {  	s0 =	sshll.u32 @!p2 s3, $0x8;
	[tilespmem:$0x15300] =	vst @!p2 v8  }
0x482: {  	s25 =	simm.s32 @!p2 $0x15300;
	s0 =	sadd.s32 @!p2 s0, s12;
	s26 =	spop (v2sf);
	[tilespmem:$0x15310] =	vst @!p2 v7  }
0x483: {  	[hbm4b:s0+s4] =	stream.linear.scatter @!p2 [tilespmem:s25], [sflag:$0x1], $0x80, $0x38;
	[tilespmem:$0x17100] =	vst v63  }
0x484: {  	p2 =	seq.s32 s26, $0x0  }
0x485: {  	(v2sf) =	vpush @!p2 v5, $0x5;
	_ =	sdelay $0xe  }
0x486: {  	s0 =	spop @!p2 (v2sf)  }
0x487: {  	s0 =	sand.u32 @!p2 $0x3FF, s0  }
0x488: {  	(v2sf) =	vpush v6, $0x6;
	v7 =	vmov @!p2 s0  }
0x489: {  	v8 =	vshll.u32 @!p2 v7, $0x3  }
0x48a: {  	v7 =	vand.u32 @!p2 $0x7F, v7;
	v8 =	vand.u32 @!p2 $0x1C00, v8  }
0x48b: {  	v7 =	vor.u32 @!p2 v7, v8  }
0x48c: {  	v8 =	vor.u32 @!p2 v2, v7  }
0x48d: {  	v7 =	vor.u32 @!p2 v3, v7;
	_ =	sdelay $0x3  }
0x48e: {  	v8 =	vld.idx.msk @!p2 [tilespmem:v8+s2+$0x0], $0xffff  }
0x48f: {  	v7 =	vld.idx.msk @!p2 [tilespmem:v7+s2+$0x0], $0xffff;
	_ =	sdelay $0x3  }
0x490: {  	s0 =	sshll.u32 @!p2 s3, $0x8;
	[tilespmem:$0x15380] =	vst @!p2 v8  }
0x491: {  	s25 =	simm.s32 @!p2 $0x15380;
	s0 =	sadd.s32 @!p2 s0, s13;
	s28 =	spop (v2sf);
	[tilespmem:$0x15390] =	vst @!p2 v7  }
0x492: {  	[hbm4b:s0+s4] =	stream.linear.scatter @!p2 [tilespmem:s25], [sflag:$0x1], $0x80, $0x38;
	[tilespmem:$0x17100] =	vst v63  }
0x493: {  	p2 =	seq.s32 s28, $0x0  }
0x494: {  	(v2sf) =	vpush @!p2 v5, $0x6;
	_ =	sdelay $0xe  }
0x495: {  	s0 =	spop @!p2 (v2sf)  }
0x496: {  	s0 =	sand.u32 @!p2 $0x3FF, s0  }
0x497: {  	(v2sf) =	vpush v6, $0x7;
	v7 =	vmov @!p2 s0  }
0x498: {  	v8 =	vshll.u32 @!p2 v7, $0x3  }
0x499: {  	v7 =	vand.u32 @!p2 $0x7F, v7;
	v8 =	vand.u32 @!p2 $0x1C00, v8  }
0x49a: {  	v7 =	vor.u32 @!p2 v7, v8  }
0x49b: {  	v8 =	vor.u32 @!p2 v2, v7  }
0x49c: {  	v7 =	vor.u32 @!p2 v3, v7;
	_ =	sdelay $0x3  }
0x49d: {  	v8 =	vld.idx.msk @!p2 [tilespmem:v8+s2+$0x0], $0xffff  }
0x49e: {  	v7 =	vld.idx.msk @!p2 [tilespmem:v7+s2+$0x0], $0xffff;
	_ =	sdelay $0x3  }
0x49f: {  	s0 =	sshll.u32 @!p2 s3, $0x8;
	[tilespmem:$0x15400] =	vst @!p2 v8  }
0x4a0: {  	s25 =	simm.s32 @!p2 $0x15400;
	s0 =	sadd.s32 @!p2 s0, s14;
	s30 =	spop (v2sf);
	[tilespmem:$0x15410] =	vst @!p2 v7  }
0x4a1: {  	[hbm4b:s0+s4] =	stream.linear.scatter @!p2 [tilespmem:s25], [sflag:$0x1], $0x80, $0x38;
	[tilespmem:$0x17100] =	vst v63  }
0x4a2: {  	p2 =	seq.s32 s30, $0x0  }
0x4a3: {  	(v2sf) =	vpush @!p2 v5, $0x7;
	_ =	sdelay $0xe  }
0x4a4: {  	s0 =	spop @!p2 (v2sf)  }
0x4a5: {  	s0 =	sand.u32 @!p2 $0x3FF, s0  }
0x4a6: {  	v7 =	vmov @!p2 s0  }
0x4a7: {  	v8 =	vshll.u32 @!p2 v7, $0x3  }
0x4a8: {  	(v2sf) =	vpush v6, $0x8;
	v7 =	vand.u32 @!p2 $0x7F, v7;
	v8 =	vand.u32 @!p2 $0x1C00, v8  }
0x4a9: {  	v7 =	vor.u32 @!p2 v7, v8  }
0x4aa: {  	v8 =	vor.u32 @!p2 v2, v7  }
0x4ab: {  	v7 =	vor.u32 @!p2 v3, v7;
	_ =	sdelay $0x3  }
0x4ac: {  	v8 =	vld.idx.msk @!p2 [tilespmem:v8+s2+$0x0], $0xffff  }
0x4ad: {  	v7 =	vld.idx.msk @!p2 [tilespmem:v7+s2+$0x0], $0xffff;
	_ =	sdelay $0x3  }
0x4ae: {  	s0 =	sshll.u32 @!p2 s3, $0x8;
	[tilespmem:$0x15480] =	vst @!p2 v8  }
0x4af: {  	s25 =	simm.s32 @!p2 $0x15480;
	s0 =	sadd.s32 @!p2 s0, s15;
	[tilespmem:$0x15490] =	vst @!p2 v7  }
0x4b0: {  	[hbm4b:s0+s4] =	stream.linear.scatter @!p2 [tilespmem:s25], [sflag:$0x1], $0x80, $0x38;
	[tilespmem:$0x17100] =	vst v63  }
0x4b1: {  	s25 =	spop (v2sf)  }
0x4b2: {  	p2 =	seq.s32 s25, $0x0  }
0x4b3: {  	(v2sf) =	vpush @!p2 v5, $0x8;
	_ =	sdelay $0xe  }
0x4b4: {  	s0 =	spop @!p2 (v2sf)  }
0x4b5: {  	s0 =	sand.u32 @!p2 $0x3FF, s0  }
0x4b6: {  	(v2sf) =	vpush v6, $0x9;
	v7 =	vmov @!p2 s0  }
0x4b7: {  	v8 =	vshll.u32 @!p2 v7, $0x3  }
0x4b8: {  	v7 =	vand.u32 @!p2 $0x7F, v7;
	v8 =	vand.u32 @!p2 $0x1C00, v8  }
0x4b9: {  	v7 =	vor.u32 @!p2 v7, v8  }
0x4ba: {  	v8 =	vor.u32 @!p2 v2, v7  }
0x4bb: {  	v7 =	vor.u32 @!p2 v3, v7;
	_ =	sdelay $0x3  }
0x4bc: {  	v8 =	vld.idx.msk @!p2 [tilespmem:v8+s2+$0x0], $0xffff  }
0x4bd: {  	v7 =	vld.idx.msk @!p2 [tilespmem:v7+s2+$0x0], $0xffff;
	_ =	sdelay $0x3  }
0x4be: {  	s0 =	sshll.u32 @!p2 s3, $0x8;
	[tilespmem:$0x15500] =	vst @!p2 v8  }
0x4bf: {  	s25 =	simm.s32 @!p2 $0x15500;
	s0 =	sadd.s32 @!p2 s0, s16;
	s26 =	spop (v2sf);
	[tilespmem:$0x15510] =	vst @!p2 v7  }
0x4c0: {  	[hbm4b:s0+s4] =	stream.linear.scatter @!p2 [tilespmem:s25], [sflag:$0x1], $0x80, $0x38;
	[tilespmem:$0x17100] =	vst v63  }
0x4c1: {  	p2 =	seq.s32 s26, $0x0  }
0x4c2: {  	(v2sf) =	vpush @!p2 v5, $0x9;
	_ =	sdelay $0xe  }
0x4c3: {  	s0 =	spop @!p2 (v2sf)  }
0x4c4: {  	s0 =	sand.u32 @!p2 $0x3FF, s0  }
0x4c5: {  	(v2sf) =	vpush v6, $0xA;
	v7 =	vmov @!p2 s0  }
0x4c6: {  	v8 =	vshll.u32 @!p2 v7, $0x3  }
0x4c7: {  	v7 =	vand.u32 @!p2 $0x7F, v7;
	v8 =	vand.u32 @!p2 $0x1C00, v8  }
0x4c8: {  	v7 =	vor.u32 @!p2 v7, v8  }
0x4c9: {  	v8 =	vor.u32 @!p2 v2, v7  }
0x4ca: {  	v7 =	vor.u32 @!p2 v3, v7;
	_ =	sdelay $0x3  }
0x4cb: {  	v8 =	vld.idx.msk @!p2 [tilespmem:v8+s2+$0x0], $0xffff  }
0x4cc: {  	v7 =	vld.idx.msk @!p2 [tilespmem:v7+s2+$0x0], $0xffff;
	_ =	sdelay $0x3  }
0x4cd: {  	s0 =	sshll.u32 @!p2 s3, $0x8;
	[tilespmem:$0x15580] =	vst @!p2 v8  }
0x4ce: {  	s25 =	simm.s32 @!p2 $0x15580;
	s0 =	sadd.s32 @!p2 s0, s17;
	s28 =	spop (v2sf);
	[tilespmem:$0x15590] =	vst @!p2 v7  }
0x4cf: {  	[hbm4b:s0+s4] =	stream.linear.scatter @!p2 [tilespmem:s25], [sflag:$0x1], $0x80, $0x38;
	[tilespmem:$0x17100] =	vst v63  }
0x4d0: {  	p2 =	seq.s32 s28, $0x0  }
0x4d1: {  	(v2sf) =	vpush @!p2 v5, $0xA;
	_ =	sdelay $0xe  }
0x4d2: {  	s0 =	spop @!p2 (v2sf)  }
0x4d3: {  	s0 =	sand.u32 @!p2 $0x3FF, s0  }
0x4d4: {  	(v2sf) =	vpush v6, $0xB;
	v7 =	vmov @!p2 s0  }
0x4d5: {  	v8 =	vshll.u32 @!p2 v7, $0x3  }
0x4d6: {  	v7 =	vand.u32 @!p2 $0x7F, v7;
	v8 =	vand.u32 @!p2 $0x1C00, v8  }
0x4d7: {  	v7 =	vor.u32 @!p2 v7, v8  }
0x4d8: {  	v8 =	vor.u32 @!p2 v2, v7  }
0x4d9: {  	v7 =	vor.u32 @!p2 v3, v7;
	_ =	sdelay $0x3  }
0x4da: {  	v8 =	vld.idx.msk @!p2 [tilespmem:v8+s2+$0x0], $0xffff  }
0x4db: {  	v7 =	vld.idx.msk @!p2 [tilespmem:v7+s2+$0x0], $0xffff;
	_ =	sdelay $0x3  }
0x4dc: {  	s0 =	sshll.u32 @!p2 s3, $0x8;
	[tilespmem:$0x15600] =	vst @!p2 v8  }
0x4dd: {  	s25 =	simm.s32 @!p2 $0x15600;
	s0 =	sadd.s32 @!p2 s0, s18;
	s30 =	spop (v2sf);
	[tilespmem:$0x15610] =	vst @!p2 v7  }
0x4de: {  	[hbm4b:s0+s4] =	stream.linear.scatter @!p2 [tilespmem:s25], [sflag:$0x1], $0x80, $0x38;
	[tilespmem:$0x17100] =	vst v63  }
0x4df: {  	p2 =	seq.s32 s30, $0x0  }
0x4e0: {  	(v2sf) =	vpush @!p2 v5, $0xB;
	_ =	sdelay $0xe  }
0x4e1: {  	s0 =	spop @!p2 (v2sf)  }
0x4e2: {  	s0 =	sand.u32 @!p2 $0x3FF, s0  }
0x4e3: {  	v7 =	vmov @!p2 s0  }
0x4e4: {  	v8 =	vshll.u32 @!p2 v7, $0x3  }
0x4e5: {  	(v2sf) =	vpush v6, $0xC;
	v7 =	vand.u32 @!p2 $0x7F, v7;
	v8 =	vand.u32 @!p2 $0x1C00, v8  }
0x4e6: {  	v7 =	vor.u32 @!p2 v7, v8  }
0x4e7: {  	v8 =	vor.u32 @!p2 v2, v7  }
0x4e8: {  	v7 =	vor.u32 @!p2 v3, v7;
	_ =	sdelay $0x3  }
0x4e9: {  	v8 =	vld.idx.msk @!p2 [tilespmem:v8+s2+$0x0], $0xffff  }
0x4ea: {  	v7 =	vld.idx.msk @!p2 [tilespmem:v7+s2+$0x0], $0xffff;
	_ =	sdelay $0x3  }
0x4eb: {  	s0 =	sshll.u32 @!p2 s3, $0x8;
	[tilespmem:$0x15680] =	vst @!p2 v8  }
0x4ec: {  	s25 =	simm.s32 @!p2 $0x15680;
	s0 =	sadd.s32 @!p2 s0, s19;
	[tilespmem:$0x15690] =	vst @!p2 v7  }
0x4ed: {  	[hbm4b:s0+s4] =	stream.linear.scatter @!p2 [tilespmem:s25], [sflag:$0x1], $0x80, $0x38;
	[tilespmem:$0x17100] =	vst v63  }
0x4ee: {  	s25 =	spop (v2sf)  }
0x4ef: {  	p2 =	seq.s32 s25, $0x0  }
0x4f0: {  	(v2sf) =	vpush @!p2 v5, $0xC;
	_ =	sdelay $0xe  }
0x4f1: {  	s0 =	spop @!p2 (v2sf)  }
0x4f2: {  	s0 =	sand.u32 @!p2 $0x3FF, s0  }
0x4f3: {  	(v2sf) =	vpush v6, $0xD;
	v7 =	vmov @!p2 s0  }
0x4f4: {  	v8 =	vshll.u32 @!p2 v7, $0x3  }
0x4f5: {  	v7 =	vand.u32 @!p2 $0x7F, v7;
	v8 =	vand.u32 @!p2 $0x1C00, v8  }
0x4f6: {  	v7 =	vor.u32 @!p2 v7, v8  }
0x4f7: {  	v8 =	vor.u32 @!p2 v2, v7  }
0x4f8: {  	v7 =	vor.u32 @!p2 v3, v7;
	_ =	sdelay $0x3  }
0x4f9: {  	v8 =	vld.idx.msk @!p2 [tilespmem:v8+s2+$0x0], $0xffff  }
0x4fa: {  	v7 =	vld.idx.msk @!p2 [tilespmem:v7+s2+$0x0], $0xffff;
	_ =	sdelay $0x3  }
0x4fb: {  	s0 =	sshll.u32 @!p2 s3, $0x8;
	[tilespmem:$0x15700] =	vst @!p2 v8  }
0x4fc: {  	s25 =	simm.s32 @!p2 $0x15700;
	s0 =	sadd.s32 @!p2 s0, s20;
	s26 =	spop (v2sf);
	[tilespmem:$0x15710] =	vst @!p2 v7  }
0x4fd: {  	[hbm4b:s0+s4] =	stream.linear.scatter @!p2 [tilespmem:s25], [sflag:$0x1], $0x80, $0x38;
	[tilespmem:$0x17100] =	vst v63  }
0x4fe: {  	p2 =	seq.s32 s26, $0x0  }
0x4ff: {  	(v2sf) =	vpush @!p2 v5, $0xD;
	_ =	sdelay $0xe  }
0x500: {  	s0 =	spop @!p2 (v2sf)  }
0x501: {  	s0 =	sand.u32 @!p2 $0x3FF, s0  }
0x502: {  	(v2sf) =	vpush v6, $0xE;
	v7 =	vmov @!p2 s0  }
0x503: {  	v8 =	vshll.u32 @!p2 v7, $0x3  }
0x504: {  	v7 =	vand.u32 @!p2 $0x7F, v7;
	v8 =	vand.u32 @!p2 $0x1C00, v8  }
0x505: {  	v7 =	vor.u32 @!p2 v7, v8  }
0x506: {  	v8 =	vor.u32 @!p2 v2, v7  }
0x507: {  	v7 =	vor.u32 @!p2 v3, v7;
	_ =	sdelay $0x3  }
0x508: {  	v8 =	vld.idx.msk @!p2 [tilespmem:v8+s2+$0x0], $0xffff  }
0x509: {  	v7 =	vld.idx.msk @!p2 [tilespmem:v7+s2+$0x0], $0xffff;
	_ =	sdelay $0x3  }
0x50a: {  	s0 =	sshll.u32 @!p2 s3, $0x8;
	[tilespmem:$0x15780] =	vst @!p2 v8  }
0x50b: {  	s25 =	simm.s32 @!p2 $0x15780;
	s0 =	sadd.s32 @!p2 s0, s21;
	s28 =	spop (v2sf);
	[tilespmem:$0x15790] =	vst @!p2 v7  }
0x50c: {  	[hbm4b:s0+s4] =	stream.linear.scatter @!p2 [tilespmem:s25], [sflag:$0x1], $0x80, $0x38;
	[tilespmem:$0x17100] =	vst v63  }
0x50d: {  	p2 =	seq.s32 s28, $0x0  }
0x50e: {  	(v2sf) =	vpush @!p2 v5, $0xE;
	_ =	sdelay $0xe  }
0x50f: {  	s0 =	spop @!p2 (v2sf)  }
0x510: {  	s0 =	sand.u32 @!p2 $0x3FF, s0  }
0x511: {  	(v2sf) =	vpush v6, $0xF;
	v7 =	vmov @!p2 s0  }
0x512: {  	v8 =	vshll.u32 @!p2 v7, $0x3  }
0x513: {  	v7 =	vand.u32 @!p2 $0x7F, v7;
	v8 =	vand.u32 @!p2 $0x1C00, v8  }
0x514: {  	v7 =	vor.u32 @!p2 v7, v8  }
0x515: {  	v8 =	vor.u32 @!p2 v2, v7  }
0x516: {  	v7 =	vor.u32 @!p2 v3, v7;
	_ =	sdelay $0x3  }
0x517: {  	v8 =	vld.idx.msk @!p2 [tilespmem:v8+s2+$0x0], $0xffff  }
0x518: {  	v7 =	vld.idx.msk @!p2 [tilespmem:v7+s2+$0x0], $0xffff;
	_ =	sdelay $0x3  }
0x519: {  	s0 =	sshll.u32 @!p2 s3, $0x8;
	[tilespmem:$0x15800] =	vst @!p2 v8  }
0x51a: {  	s25 =	simm.s32 @!p2 $0x15800;
	s0 =	sadd.s32 @!p2 s0, s22;
	s30 =	spop (v2sf);
	[tilespmem:$0x15810] =	vst @!p2 v7  }
0x51b: {  	[hbm4b:s0+s4] =	stream.linear.scatter @!p2 [tilespmem:s25], [sflag:$0x1], $0x80, $0x38;
	[tilespmem:$0x17100] =	vst v63  }
0x51c: {  	p2 =	seq.s32 s30, $0x0  }
0x51d: {  	(v2sf) =	vpush @!p2 v5, $0xF;
	_ =	sdelay $0xe  }
0x51e: {  	s0 =	spop @!p2 (v2sf)  }
0x51f: {  	s0 =	sand.u32 @!p2 $0x3FF, s0  }
0x520: {  	v5 =	vmov @!p2 s0  }
0x521: {  	v6 =	vshll.u32 @!p2 v5, $0x3  }
0x522: {  	v5 =	vand.u32 @!p2 $0x7F, v5;
	v6 =	vand.u32 @!p2 $0x1C00, v6  }
0x523: {  	v5 =	vor.u32 @!p2 v5, v6  }
0x524: {  	v6 =	vor.u32 @!p2 v2, v5  }
0x525: {  	v5 =	vor.u32 @!p2 v3, v5;
	_ =	sdelay $0x3  }
0x526: {  	v6 =	vld.idx.msk @!p2 [tilespmem:v6+s2+$0x0], $0xffff  }
0x527: {  	v5 =	vld.idx.msk @!p2 [tilespmem:v5+s2+$0x0], $0xffff;
	_ =	sdelay $0x3  }
0x528: {  	s0 =	sshll.u32 @!p2 s3, $0x8;
	[tilespmem:$0x15880] =	vst @!p2 v6  }
0x529: {  	s0 =	sadd.s32 @!p2 s0, s23;
	[tilespmem:$0x15890] =	vst @!p2 v5  }
0x52a: {  	[hbm4b:s0+s4] =	stream.linear.scatter @!p2 [tilespmem:s6], [sflag:$0x1], $0x80, $0x38;
	[tilespmem:$0x17100] =	vst v63  }
0x52b: {  	p2 =	sne.s32 s24, $0x1  }
.Ltmp54:
0x52c: {  	_ = 	snop;
	(pc) =	sbr.rel @!p2 .LBB2_58-.Ltmp54, $3  }
0x52d: {  	_ =	sdelay $0x1  }
0x52e: {  	_ =	swait.ge [sflag:s31], $0x80  }
0x52f: {  	s0 =	sadd.s32 $0xFFFFFFFF, s24;
	[sflag:s31] =	ssyncset.done $0x0  }
.LBB2_57:
0x530: {  	p2 =	sne.s32 s0, $0x1;
	s0 =	sadd.s32 $0xFFFFFFFF, s0;
	[sflag:s31] =	ssyncadd.s32 $0xFFFFFF80  }
.Ltmp55:
0x531: {  	(pc) =	sbr.rel @p2 .LBB2_57-.Ltmp55, $3  }
0x532: {  	_ =	sdelay $0x1  }
0x533: {  	_ =	swait.ge [sflag:s31], $0x80  }
0x534: {  	[sflag:s31] =	ssyncset.done $0x0  }
.Ltmp56:
0x535: {  	_ = 	snop;
	(pc) =	sbr.rel .LBB2_58-.Ltmp56, $1  }
0x536: {  	_ =	sdelay $0x3  }
.LBB2_50:
.Ltmp57:
0x537: {  	(pc) =	sbr.rel .LBB2_54-.Ltmp57, $2  }
0x538: {  	_ =	sdelay $0x2  }
0x539: {  	s6 =	simm.s32 $0x15100  }
.LBB2_52:
.Ltmp58:
0x53a: {  	(pc) =	sbr.rel .LBB2_54-.Ltmp58, $2  }
0x53b: {  	_ =	sdelay $0x2  }
0x53c: {  	s6 =	simm.s32 $0x15100  }
.LBB2_65:
0x53d: {  	_ =	sfence.sel $0x180000  }
0x53e: {  	[bflag:$0x0] =	sbarrier.arrive $0xFFFF  }
0x53f: {  	_ =	strace $0x90000047  }
0x540: {  	s0 =	stileid.u32;
	[bflag:$0x2] =	sbarrier.arrive $0xFFFF  }
0x541: {  	p0 =	sne.s32 s0, $0x0;
	s0 =	rddreg [dreg:$0x3]  }
0x542: {  	s0 =	sadd.s32 @!p0 $0x100000, s0  }
0x543: {  	[sflag:s0] =	ssyncadd.tile.s32 @!p0 $0x1;
	_ =	shalt  }
.Lfunc_end2:
_tile_overlayer_lowered:
.L_overlay_start_2:
0x544: {  	(tag) =	ssettag $0x2  }
0x545: {  	s0 =	rddreg [dreg:$0x0];
	s2 =	stileid.u32  }
0x546: {  	s1 =	rddreg [dreg:$0x1];
	p0 =	sne.s32 s2, $0x0  }
0x547: {  	s3 =	rddreg [dreg:$0x2];
	[bflag:$0x3] =	sbarrier.arrive $0xFFFF;
	s2 =	simm.s32 @!p0 $0x1C04  }
0x548: {  	[timem:s3], [sflag:s2] =	dma.local @!p0 [hbm:s0], s1  }
0x549: {  	s0 =	simm.s32 @!p0 $0x4  }
0x54a: {  	_ =	swait.ge @!p0 [sflag:s0], s1  }
0x54b: {  	s1 =	ssub.s32 @!p0 $0x0, s1;
	[sflag:s0] =	ssyncset.done @!p0 $0x0  }
0x54c: {  	[sflag:s0] =	ssyncadd.s32 @!p0 s1  }
0x54d: {  	[bflag:$0x3] =	sbarrier.arrive $0xFFFF  }
0x54e: {  	_ =	shalt  }

</sc_bundles>
